<compile_context>
chip_gen: v7x
topology: tpu7x:2x2x1
jax: 0.10.2.dev20260603
libtpu: 0.0.44.dev20260713+nightly
codegen_flags: <defaults>
</compile_context>

<pallas_src>
import jax
import jax.numpy as jnp
from jax import lax
from jax.experimental import pallas as pl
from jax.experimental.pallas import tpu as pltpu
from jax.experimental.pallas import tpu_sc as plsc

N = 10000
D = 256
DH = 128
NC = 2
NS = 16
CH = 128
L = 16

E = 160000
CHUNKS = -(-E // (NS * CH))
E_PAD = CHUNKS * NS * CH
N_PAD = 10240
ROWS_PER_TILE = N_PAD // NS



_RB = 400
_NB = N // _RB


def _mm_split_body(x_ref, w1_ref, w3_ref, h_ref, s_ref):
    xb = x_ref[...]
    h_ref[0] = jnp.dot(xb, w1_ref[...], preferred_element_type=jnp.float32)
    s_ref[0] = jnp.dot(xb, w3_ref[...], preferred_element_type=jnp.float32)


def _tc_layer0(x, W1, W3):
    return pl.pallas_call(
        _mm_split_body,
        grid=(_NB, NC),
        in_specs=[
            pl.BlockSpec((_RB, D), lambda r, c: (r, 0)),
            pl.BlockSpec((D, DH), lambda r, c: (0, c)),
            pl.BlockSpec((D, DH), lambda r, c: (0, c)),
        ],
        out_specs=[
            pl.BlockSpec((1, _RB, DH), lambda r, c: (c, r, 0)),
            pl.BlockSpec((1, _RB, DH), lambda r, c: (c, r, 0)),
        ],
        out_shape=[
            jax.ShapeDtypeStruct((NC, N_PAD, DH), jnp.float32),
            jax.ShapeDtypeStruct((NC, N_PAD, DH), jnp.float32),
        ],
    )(x, W1, W3)


def _relu_mm_body(a_ref, w2_ref, h_ref):
    l1 = jnp.concatenate([jax.nn.relu(a_ref[0]), jax.nn.relu(a_ref[1])], axis=-1)
    h_ref[0] = jnp.dot(l1, w2_ref[...], preferred_element_type=jnp.float32)


def _tc_layer1(a1, W2):
    return pl.pallas_call(
        _relu_mm_body,
        grid=(_NB, NC),
        in_specs=[
            pl.BlockSpec((NC, _RB, DH), lambda r, c: (0, r, 0)),
            pl.BlockSpec((D, DH), lambda r, c: (0, c)),
        ],
        out_specs=pl.BlockSpec((1, _RB, DH), lambda r, c: (c, r, 0)),
        out_shape=jax.ShapeDtypeStruct((NC, N_PAD, DH), jnp.float32),
    )(a1, W2)


def _skip_relu_body(a_ref, s_ref, o_ref):
    o_ref[...] = jax.nn.relu(a_ref[0] + s_ref[0])


def _tc_final(a2, s):
    return pl.pallas_call(
        _skip_relu_body,
        grid=(_NB, NC),
        in_specs=[
            pl.BlockSpec((1, _RB, DH), lambda r, c: (c, r, 0)),
            pl.BlockSpec((1, _RB, DH), lambda r, c: (c, r, 0)),
        ],
        out_specs=pl.BlockSpec((_RB, DH), lambda r, c: (r, c)),
        out_shape=jax.ShapeDtypeStruct((N, D), jnp.float32),
    )(a2, s)



def _spmm_body(tab_ref, src_ref, dst_ref, w_ref, out_ref,
               acc, idx_s, idx_d, w_v, rows, sem):
    c = lax.axis_index("c")
    s = lax.axis_index("s")

    def _zero_row(r, _):
        for j in range(DH // L):
            rows[r, pl.ds(j * L, L)] = jnp.zeros((L,), jnp.float32)
        return 0
    lax.fori_loop(0, CH, _zero_row, 0)
    base = s * ROWS_PER_TILE
    for k in range(ROWS_PER_TILE // CH):
        pltpu.sync_copy(rows, acc.at[pl.ds(base + k * CH, CH)])

    pltpu.sync_copy(src_ref.at[s], idx_s)
    pltpu.sync_copy(dst_ref.at[s], idx_d)
    pltpu.sync_copy(w_ref.at[s], w_v)

    plsc.subcore_barrier()

    def _chunk(g, _):
        pltpu.async_copy(tab_ref.at[c].at[idx_s.at[g]], rows, sem).wait()

        def _group(i, _):
            wv = w_v[g, pl.ds(i * L, L)]
            for l in range(L):
                wb = lax.gather(
                    wv, jnp.full((L, 1), l, jnp.int32),
                    dimension_numbers=lax.GatherDimensionNumbers(
                        offset_dims=(), collapsed_slice_dims=(0,),
                        start_index_map=(0,)),
                    slice_sizes=(1,),
                    mode=lax.GatherScatterMode.PROMISE_IN_BOUNDS)
                e = i * L + l
                for j in range(DH // L):
                    sl = pl.ds(j * L, L)
                    rows[e, sl] = rows[e, sl] * wb
            return 0
        lax.fori_loop(0, CH // L, _group, 0)

        pltpu.sync_copy(rows, acc.at[idx_d.at[g]], add=True)
        return 0

    lax.fori_loop(0, CHUNKS, _chunk, 0)

    plsc.subcore_barrier()

    pltpu.sync_copy(acc.at[pl.ds(base, ROWS_PER_TILE)],
                    out_ref.at[c].at[pl.ds(base, ROWS_PER_TILE)])


_spmm_sc = pl.kernel(
    _spmm_body,
    out_type=jax.ShapeDtypeStruct((NC, N_PAD, DH), jnp.float32),
    mesh=plsc.VectorSubcoreMesh(core_axis_name="c", subcore_axis_name="s",
                                num_cores=NC, num_subcores=NS),
    scratch_types=[
        pltpu.VMEM_SHARED((N_PAD, DH), jnp.float32),
        pltpu.VMEM((CHUNKS, CH), jnp.int32),
        pltpu.VMEM((CHUNKS, CH), jnp.int32),
        pltpu.VMEM((CHUNKS, CH), jnp.float32),
        pltpu.VMEM((CH, DH), jnp.float32),
        pltpu.SemaphoreType.DMA,
    ],
)



def kernel(x, edge_index, edge_weight, W1, W2, W3):
    src = edge_index[0].astype(jnp.int32)
    dst = edge_index[1].astype(jnp.int32)
    w = edge_weight.astype(jnp.float32)

    pad = E_PAD - E
    src = jnp.pad(src, (0, pad)).reshape(NS, CHUNKS, CH)
    dst = jnp.pad(dst, (0, pad)).reshape(NS, CHUNKS, CH)
    w = jnp.pad(w, (0, pad)).reshape(NS, CHUNKS, CH)

    h1, s = _tc_layer0(x, W1, W3)
    a1 = _spmm_sc(h1, src, dst, w)
    h2 = _tc_layer1(a1, W2)
    a2 = _spmm_sc(h2, src, dst, w)
    return _tc_final(a2, s)

# --- scband reference (transcript-rebuilt; emitter-appended) ---
"""Pipeline reference for scband-sp-skip-gcn-57019985821918 (READ-ONLY COPY).

The authoritative reference and input builder live on the scoring server;
editing this copy changes nothing except your own understanding.
"""

import jax, jax.numpy as jnp
import numpy as np

N_NODES = 10000
N_EDGES = 160000
D_IN = 256
D_H1 = 256
D_H2 = 256


def setup_inputs(seed: int = 0) -> dict:
    key = jax.random.key(seed)
    k_x, k_ei, k_ew, k_w1, k_w2, k_w3 = jax.random.split(key, 6)
    x = jax.random.normal(k_x, (N_NODES, D_IN), dtype=jnp.float32)
    edge_index = jax.random.randint(k_ei, (2, N_EDGES), 0, N_NODES, dtype=jnp.int64)
    edge_weight = jax.random.uniform(k_ew, (N_EDGES,), dtype=jnp.float32)
    s1 = 1.0 / np.sqrt(D_IN)
    s2 = 1.0 / np.sqrt(D_H1)
    W1 = jax.random.normal(k_w1, (D_IN, D_H1), dtype=jnp.float32) * s1
    W2 = jax.random.normal(k_w2, (D_H1, D_H2), dtype=jnp.float32) * s2
    W3 = jax.random.normal(k_w3, (D_IN, D_H2), dtype=jnp.float32) * s1
    return {"x": x, "edge_index": edge_index, "edge_weight": edge_weight,
            "W1": W1, "W2": W2, "W3": W3}


def _spmm(edge_index, edge_weight, feats, n_nodes):
    # Ahat @ feats  where Ahat is sparse COO (edge_index, edge_weight)
    src = edge_index[0]
    dst = edge_index[1]
    gathered = feats[src] * edge_weight[:, None]
    return jax.ops.segment_sum(gathered, dst, num_segments=n_nodes)


def reference(x, edge_index, edge_weight, W1, W2, W3):
    # l1 = act(Ahat @ (x @ W1))
    l1 = jax.nn.relu(_spmm(edge_index, edge_weight, x @ W1, N_NODES))
    # l2 = act(Ahat @ (l1 @ W2) + x @ W3)   (skip connection)
    l2 = jax.nn.relu(_spmm(edge_index, edge_weight, l1 @ W2, N_NODES) + x @ W3)
    return l2

if __name__ == "__main__":
    import jax
    _d = setup_inputs()
    print(jax.jit(kernel)(*tuple(_d.values())))

</pallas_src>

<mosaic_0001>
#map = affine_map<(d0, d1) -> (0, 0, 0)>
module attributes {stable_mosaic.version = 14 : i64} {
  func.func @_spmm_body(%arg0: i32, %arg1: i32, %arg2: memref<2x10240x128xf32, #tpu.memory_space<hbm>>, %arg3: memref<16x79x128xi32, #tpu.memory_space<hbm>>, %arg4: memref<16x79x128xi32, #tpu.memory_space<hbm>>, %arg5: memref<16x79x128xf32, #tpu.memory_space<hbm>>, %arg6: memref<2x10240x128xf32, #tpu.memory_space<hbm>>, %arg7: memref<10240x128xf32, #tpu.memory_space<vmem_shared>>, %arg8: memref<79x128xi32, #tpu.memory_space<vmem>>, %arg9: memref<79x128xi32, #tpu.memory_space<vmem>>, %arg10: memref<79x128xf32, #tpu.memory_space<vmem>>, %arg11: memref<128x128xf32, #tpu.memory_space<vmem>>, %arg12: memref<!tpu.dma_semaphore, #tpu.memory_space<semaphore_mem>>) attributes {dimension_semantics = [#tpu.dimension_semantics<core_parallel>, #tpu.dimension_semantics<subcore_parallel>], iteration_bounds = array<i64: 2, 16>, scalar_prefetch = 0 : i64, scratch_operands = 6 : i64, tpu.core_type = #tpu.core_type<sc_vector_subcore>, window_params = [{transform_indices = #map}, {transform_indices = #map}, {transform_indices = #map}, {transform_indices = #map}, {transform_indices = #map}]} {
    %scan3A = arith.constant 0 : i32
    %scan3A_0 = arith.constant 0 : i32
    %scan3A_1 = arith.constant 128 : i32
    %scan3A_2 = arith.addi %scan3A_0, %scan3A_1 : i32
    %scan3A_3 = arith.constant 1 : i32
    %scan3A_4 = scf.for %scan3A_24 = %scan3A_0 to %scan3A_2 step %scan3A_3 iter_args(%scan3A_25 = %scan3A) -> (i32)  : i32 {
      %broadcast_in_dim3A = arith.constant 0.000000e+00 : f32
      %broadcast_in_dim3A_26 = vector.broadcast %broadcast_in_dim3A : f32 to vector<16xf32>
      %swap3A = arith.index_cast %scan3A_24 : i32 to index
      %swap3A_27 = arith.constant 0 : index
      %swap3A_28 = tpu.vector_load %arg11[%swap3A, %swap3A_27] {strides = array<i32>} : memref<128x128xf32, #tpu.memory_space<vmem>>, vector<1x16xf32>,
      %swap3A_29 = vector.shape_cast %swap3A_28 : vector<1x16xf32> to vector<16xf32>
      %swap3A_30 = vector.shape_cast %broadcast_in_dim3A_26 : vector<16xf32> to vector<1x16xf32>
      tpu.vector_store %arg11[%swap3A, %swap3A_27], %swap3A_30 {strides = array<i32>} : memref<128x128xf32, #tpu.memory_space<vmem>>, vector<1x16xf32>,
      %broadcast_in_dim3A_31 = arith.constant 0.000000e+00 : f32
      %broadcast_in_dim3A_32 = vector.broadcast %broadcast_in_dim3A_31 : f32 to vector<16xf32>
      %swap3A_33 = arith.index_cast %scan3A_24 : i32 to index
      %swap3A_34 = arith.constant 16 : index
      %swap3A_35 = tpu.vector_load %arg11[%swap3A_33, %swap3A_34] {strides = array<i32>} : memref<128x128xf32, #tpu.memory_space<vmem>>, vector<1x16xf32>,
      %swap3A_36 = vector.shape_cast %swap3A_35 : vector<1x16xf32> to vector<16xf32>
      %swap3A_37 = vector.shape_cast %broadcast_in_dim3A_32 : vector<16xf32> to vector<1x16xf32>
      tpu.vector_store %arg11[%swap3A_33, %swap3A_34], %swap3A_37 {strides = array<i32>} : memref<128x128xf32, #tpu.memory_space<vmem>>, vector<1x16xf32>,
      %broadcast_in_dim3A_38 = arith.constant 0.000000e+00 : f32
      %broadcast_in_dim3A_39 = vector.broadcast %broadcast_in_dim3A_38 : f32 to vector<16xf32>
      %swap3A_40 = arith.index_cast %scan3A_24 : i32 to index
      %swap3A_41 = arith.constant 32 : index
      %swap3A_42 = tpu.vector_load %arg11[%swap3A_40, %swap3A_41] {strides = array<i32>} : memref<128x128xf32, #tpu.memory_space<vmem>>, vector<1x16xf32>,
      %swap3A_43 = vector.shape_cast %swap3A_42 : vector<1x16xf32> to vector<16xf32>
      %swap3A_44 = vector.shape_cast %broadcast_in_dim3A_39 : vector<16xf32> to vector<1x16xf32>
      tpu.vector_store %arg11[%swap3A_40, %swap3A_41], %swap3A_44 {strides = array<i32>} : memref<128x128xf32, #tpu.memory_space<vmem>>, vector<1x16xf32>,
      %broadcast_in_dim3A_45 = arith.constant 0.000000e+00 : f32
      %broadcast_in_dim3A_46 = vector.broadcast %broadcast_in_dim3A_45 : f32 to vector<16xf32>
      %swap3A_47 = arith.index_cast %scan3A_24 : i32 to index
      %swap3A_48 = arith.constant 48 : index
      %swap3A_49 = tpu.vector_load %arg11[%swap3A_47, %swap3A_48] {strides = array<i32>} : memref<128x128xf32, #tpu.memory_space<vmem>>, vector<1x16xf32>,
      %swap3A_50 = vector.shape_cast %swap3A_49 : vector<1x16xf32> to vector<16xf32>
      %swap3A_51 = vector.shape_cast %broadcast_in_dim3A_46 : vector<16xf32> to vector<1x16xf32>
      tpu.vector_store %arg11[%swap3A_47, %swap3A_48], %swap3A_51 {strides = array<i32>} : memref<128x128xf32, #tpu.memory_space<vmem>>, vector<1x16xf32>,
      %broadcast_in_dim3A_52 = arith.constant 0.000000e+00 : f32
      %broadcast_in_dim3A_53 = vector.broadcast %broadcast_in_dim3A_52 : f32 to vector<16xf32>
      %swap3A_54 = arith.index_cast %scan3A_24 : i32 to index
      %swap3A_55 = arith.constant 64 : index
      %swap3A_56 = tpu.vector_load %arg11[%swap3A_54, %swap3A_55] {strides = array<i32>} : memref<128x128xf32, #tpu.memory_space<vmem>>, vector<1x16xf32>,
      %swap3A_57 = vector.shape_cast %swap3A_56 : vector<1x16xf32> to vector<16xf32>
      %swap3A_58 = vector.shape_cast %broadcast_in_dim3A_53 : vector<16xf32> to vector<1x16xf32>
      tpu.vector_store %arg11[%swap3A_54, %swap3A_55], %swap3A_58 {strides = array<i32>} : memref<128x128xf32, #tpu.memory_space<vmem>>, vector<1x16xf32>,
      %broadcast_in_dim3A_59 = arith.constant 0.000000e+00 : f32
      %broadcast_in_dim3A_60 = vector.broadcast %broadcast_in_dim3A_59 : f32 to vector<16xf32>
      %swap3A_61 = arith.index_cast %scan3A_24 : i32 to index
      %swap3A_62 = arith.constant 80 : index
      %swap3A_63 = tpu.vector_load %arg11[%swap3A_61, %swap3A_62] {strides = array<i32>} : memref<128x128xf32, #tpu.memory_space<vmem>>, vector<1x16xf32>,
      %swap3A_64 = vector.shape_cast %swap3A_63 : vector<1x16xf32> to vector<16xf32>
      %swap3A_65 = vector.shape_cast %broadcast_in_dim3A_60 : vector<16xf32> to vector<1x16xf32>
      tpu.vector_store %arg11[%swap3A_61, %swap3A_62], %swap3A_65 {strides = array<i32>} : memref<128x128xf32, #tpu.memory_space<vmem>>, vector<1x16xf32>,
      %broadcast_in_dim3A_66 = arith.constant 0.000000e+00 : f32
      %broadcast_in_dim3A_67 = vector.broadcast %broadcast_in_dim3A_66 : f32 to vector<16xf32>
      %swap3A_68 = arith.index_cast %scan3A_24 : i32 to index
      %swap3A_69 = arith.constant 96 : index
      %swap3A_70 = tpu.vector_load %arg11[%swap3A_68, %swap3A_69] {strides = array<i32>} : memref<128x128xf32, #tpu.memory_space<vmem>>, vector<1x16xf32>,
      %swap3A_71 = vector.shape_cast %swap3A_70 : vector<1x16xf32> to vector<16xf32>
      %swap3A_72 = vector.shape_cast %broadcast_in_dim3A_67 : vector<16xf32> to vector<1x16xf32>
      tpu.vector_store %arg11[%swap3A_68, %swap3A_69], %swap3A_72 {strides = array<i32>} : memref<128x128xf32, #tpu.memory_space<vmem>>, vector<1x16xf32>,
      %broadcast_in_dim3A_73 = arith.constant 0.000000e+00 : f32
      %broadcast_in_dim3A_74 = vector.broadcast %broadcast_in_dim3A_73 : f32 to vector<16xf32>
      %swap3A_75 = arith.index_cast %scan3A_24 : i32 to index
      %swap3A_76 = arith.constant 112 : index
      %swap3A_77 = tpu.vector_load %arg11[%swap3A_75, %swap3A_76] {strides = array<i32>} : memref<128x128xf32, #tpu.memory_space<vmem>>, vector<1x16xf32>,
      %swap3A_78 = vector.shape_cast %swap3A_77 : vector<1x16xf32> to vector<16xf32>
      %swap3A_79 = vector.shape_cast %broadcast_in_dim3A_74 : vector<16xf32> to vector<1x16xf32>
      tpu.vector_store %arg11[%swap3A_75, %swap3A_76], %swap3A_79 {strides = array<i32>} : memref<128x128xf32, #tpu.memory_space<vmem>>, vector<1x16xf32>,
      %scan3A_80 = arith.constant 0 : i32
      scf.yield %scan3A_80 : i32
    }
    %scan3A_5 = arith.constant 128 : i32
    %mul3A = arith.constant 640 : i32
    %mul3A_6 = arith.muli %arg1, %mul3A : i32
    %add3A = arith.constant 0 : i32
    %add3A_7 = arith.addi %mul3A_6, %add3A : i32
    "tpu.region"() ({
      %run_scoped3A = tpu.sem_alloc : memref<!tpu.dma_semaphore, #tpu.memory_space<semaphore_mem>>
      %dma_start3A = arith.constant 0 : i32
      %dma_start3A_24 = tpu.memref_slice %arg7[%add3A_7, %dma_start3A] : memref<10240x128xf32, #tpu.memory_space<vmem_shared>> -> memref<128x128xf32, #tpu.memory_space<vmem_shared>>
      %dma_start3A_25 = arith.constant 0 : i32
      %dma_start3A_26 = tpu.memref_slice %arg7[%add3A_7, %dma_start3A_25] : memref<10240x128xf32, #tpu.memory_space<vmem_shared>> -> memref<128x128xf32, #tpu.memory_space<vmem_shared>>
      tpu.enqueue_dma source(%arg11 : memref<128x128xf32, #tpu.memory_space<vmem>>) target(%dma_start3A_26 : memref<128x128xf32, #tpu.memory_space<vmem_shared>>) target_semaphore(%run_scoped3A : memref<!tpu.dma_semaphore, #tpu.memory_space<semaphore_mem>>)
      %dma_wait3A = arith.constant 0 : i32
      %dma_wait3A_27 = tpu.memref_slice %arg7[%add3A_7, %dma_wait3A] : memref<10240x128xf32, #tpu.memory_space<vmem_shared>> -> memref<128x128xf32, #tpu.memory_space<vmem_shared>>
      %dma_wait3A_28 = arith.constant 0 : i32
      %dma_wait3A_29 = tpu.memref_slice %arg7[%add3A_7, %dma_wait3A_28] : memref<10240x128xf32, #tpu.memory_space<vmem_shared>> -> memref<128x128xf32, #tpu.memory_space<vmem_shared>>
      tpu.wait_dma2 semaphore(%run_scoped3A : memref<!tpu.dma_semaphore, #tpu.memory_space<semaphore_mem>>) src(%arg11 : memref<128x128xf32, #tpu.memory_space<vmem>>) dst(%dma_wait3A_29 : memref<128x128xf32, #tpu.memory_space<vmem_shared>>)
      tpu.yield
    }) : () -> ()
    %add3A_8 = arith.constant 128 : i32
    %add3A_9 = arith.addi %mul3A_6, %add3A_8 : i32
    "tpu.region"() ({
      %run_scoped3A = tpu.sem_alloc : memref<!tpu.dma_semaphore, #tpu.memory_space<semaphore_mem>>
      %dma_start3A = arith.constant 0 : i32
      %dma_start3A_24 = tpu.memref_slice %arg7[%add3A_9, %dma_start3A] : memref<10240x128xf32, #tpu.memory_space<vmem_shared>> -> memref<128x128xf32, #tpu.memory_space<vmem_shared>>
      %dma_start3A_25 = arith.constant 0 : i32
      %dma_start3A_26 = tpu.memref_slice %arg7[%add3A_9, %dma_start3A_25] : memref<10240x128xf32, #tpu.memory_space<vmem_shared>> -> memref<128x128xf32, #tpu.memory_space<vmem_shared>>
      tpu.enqueue_dma source(%arg11 : memref<128x128xf32, #tpu.memory_space<vmem>>) target(%dma_start3A_26 : memref<128x128xf32, #tpu.memory_space<vmem_shared>>) target_semaphore(%run_scoped3A : memref<!tpu.dma_semaphore, #tpu.memory_space<semaphore_mem>>)
      %dma_wait3A = arith.constant 0 : i32
      %dma_wait3A_27 = tpu.memref_slice %arg7[%add3A_9, %dma_wait3A] : memref<10240x128xf32, #tpu.memory_space<vmem_shared>> -> memref<128x128xf32, #tpu.memory_space<vmem_shared>>
      %dma_wait3A_28 = arith.constant 0 : i32
      %dma_wait3A_29 = tpu.memref_slice %arg7[%add3A_9, %dma_wait3A_28] : memref<10240x128xf32, #tpu.memory_space<vmem_shared>> -> memref<128x128xf32, #tpu.memory_space<vmem_shared>>
      tpu.wait_dma2 semaphore(%run_scoped3A : memref<!tpu.dma_semaphore, #tpu.memory_space<semaphore_mem>>) src(%arg11 : memref<128x128xf32, #tpu.memory_space<vmem>>) dst(%dma_wait3A_29 : memref<128x128xf32, #tpu.memory_space<vmem_shared>>)
      tpu.yield
    }) : () -> ()
    %add3A_10 = arith.constant 256 : i32
    %add3A_11 = arith.addi %mul3A_6, %add3A_10 : i32
    "tpu.region"() ({
      %run_scoped3A = tpu.sem_alloc : memref<!tpu.dma_semaphore, #tpu.memory_space<semaphore_mem>>
      %dma_start3A = arith.constant 0 : i32
      %dma_start3A_24 = tpu.memref_slice %arg7[%add3A_11, %dma_start3A] : memref<10240x128xf32, #tpu.memory_space<vmem_shared>> -> memref<128x128xf32, #tpu.memory_space<vmem_shared>>
      %dma_start3A_25 = arith.constant 0 : i32
      %dma_start3A_26 = tpu.memref_slice %arg7[%add3A_11, %dma_start3A_25] : memref<10240x128xf32, #tpu.memory_space<vmem_shared>> -> memref<128x128xf32, #tpu.memory_space<vmem_shared>>
      tpu.enqueue_dma source(%arg11 : memref<128x128xf32, #tpu.memory_space<vmem>>) target(%dma_start3A_26 : memref<128x128xf32, #tpu.memory_space<vmem_shared>>) target_semaphore(%run_scoped3A : memref<!tpu.dma_semaphore, #tpu.memory_space<semaphore_mem>>)
      %dma_wait3A = arith.constant 0 : i32
      %dma_wait3A_27 = tpu.memref_slice %arg7[%add3A_11, %dma_wait3A] : memref<10240x128xf32, #tpu.memory_space<vmem_shared>> -> memref<128x128xf32, #tpu.memory_space<vmem_shared>>
      %dma_wait3A_28 = arith.constant 0 : i32
      %dma_wait3A_29 = tpu.memref_slice %arg7[%add3A_11, %dma_wait3A_28] : memref<10240x128xf32, #tpu.memory_space<vmem_shared>> -> memref<128x128xf32, #tpu.memory_space<vmem_shared>>
      tpu.wait_dma2 semaphore(%run_scoped3A : memref<!tpu.dma_semaphore, #tpu.memory_space<semaphore_mem>>) src(%arg11 : memref<128x128xf32, #tpu.memory_space<vmem>>) dst(%dma_wait3A_29 : memref<128x128xf32, #tpu.memory_space<vmem_shared>>)
      tpu.yield
    }) : () -> ()
    %add3A_12 = arith.constant 384 : i32
    %add3A_13 = arith.addi %mul3A_6, %add3A_12 : i32
    "tpu.region"() ({
      %run_scoped3A = tpu.sem_alloc : memref<!tpu.dma_semaphore, #tpu.memory_space<semaphore_mem>>
      %dma_start3A = arith.constant 0 : i32
      %dma_start3A_24 = tpu.memref_slice %arg7[%add3A_13, %dma_start3A] : memref<10240x128xf32, #tpu.memory_space<vmem_shared>> -> memref<128x128xf32, #tpu.memory_space<vmem_shared>>
      %dma_start3A_25 = arith.constant 0 : i32
      %dma_start3A_26 = tpu.memref_slice %arg7[%add3A_13, %dma_start3A_25] : memref<10240x128xf32, #tpu.memory_space<vmem_shared>> -> memref<128x128xf32, #tpu.memory_space<vmem_shared>>
      tpu.enqueue_dma source(%arg11 : memref<128x128xf32, #tpu.memory_space<vmem>>) target(%dma_start3A_26 : memref<128x128xf32, #tpu.memory_space<vmem_shared>>) target_semaphore(%run_scoped3A : memref<!tpu.dma_semaphore, #tpu.memory_space<semaphore_mem>>)
      %dma_wait3A = arith.constant 0 : i32
      %dma_wait3A_27 = tpu.memref_slice %arg7[%add3A_13, %dma_wait3A] : memref<10240x128xf32, #tpu.memory_space<vmem_shared>> -> memref<128x128xf32, #tpu.memory_space<vmem_shared>>
      %dma_wait3A_28 = arith.constant 0 : i32
      %dma_wait3A_29 = tpu.memref_slice %arg7[%add3A_13, %dma_wait3A_28] : memref<10240x128xf32, #tpu.memory_space<vmem_shared>> -> memref<128x128xf32, #tpu.memory_space<vmem_shared>>
      tpu.wait_dma2 semaphore(%run_scoped3A : memref<!tpu.dma_semaphore, #tpu.memory_space<semaphore_mem>>) src(%arg11 : memref<128x128xf32, #tpu.memory_space<vmem>>) dst(%dma_wait3A_29 : memref<128x128xf32, #tpu.memory_space<vmem_shared>>)
      tpu.yield
    }) : () -> ()
    %add3A_14 = arith.constant 512 : i32
    %add3A_15 = arith.addi %mul3A_6, %add3A_14 : i32
    "tpu.region"() ({
      %run_scoped3A = tpu.sem_alloc : memref<!tpu.dma_semaphore, #tpu.memory_space<semaphore_mem>>
      %dma_start3A = arith.constant 0 : i32
      %dma_start3A_24 = tpu.memref_slice %arg7[%add3A_15, %dma_start3A] : memref<10240x128xf32, #tpu.memory_space<vmem_shared>> -> memref<128x128xf32, #tpu.memory_space<vmem_shared>>
      %dma_start3A_25 = arith.constant 0 : i32
      %dma_start3A_26 = tpu.memref_slice %arg7[%add3A_15, %dma_start3A_25] : memref<10240x128xf32, #tpu.memory_space<vmem_shared>> -> memref<128x128xf32, #tpu.memory_space<vmem_shared>>
      tpu.enqueue_dma source(%arg11 : memref<128x128xf32, #tpu.memory_space<vmem>>) target(%dma_start3A_26 : memref<128x128xf32, #tpu.memory_space<vmem_shared>>) target_semaphore(%run_scoped3A : memref<!tpu.dma_semaphore, #tpu.memory_space<semaphore_mem>>)
      %dma_wait3A = arith.constant 0 : i32
      %dma_wait3A_27 = tpu.memref_slice %arg7[%add3A_15, %dma_wait3A] : memref<10240x128xf32, #tpu.memory_space<vmem_shared>> -> memref<128x128xf32, #tpu.memory_space<vmem_shared>>
      %dma_wait3A_28 = arith.constant 0 : i32
      %dma_wait3A_29 = tpu.memref_slice %arg7[%add3A_15, %dma_wait3A_28] : memref<10240x128xf32, #tpu.memory_space<vmem_shared>> -> memref<128x128xf32, #tpu.memory_space<vmem_shared>>
      tpu.wait_dma2 semaphore(%run_scoped3A : memref<!tpu.dma_semaphore, #tpu.memory_space<semaphore_mem>>) src(%arg11 : memref<128x128xf32, #tpu.memory_space<vmem>>) dst(%dma_wait3A_29 : memref<128x128xf32, #tpu.memory_space<vmem_shared>>)
      tpu.yield
    }) : () -> ()
    "tpu.region"() ({
      %run_scoped3A = tpu.sem_alloc : memref<!tpu.dma_semaphore, #tpu.memory_space<semaphore_mem>>
      %dma_start3A = arith.constant 0 : i32
      %dma_start3A_24 = arith.constant 0 : i32
      %dma_start3A_25 = tpu.memref_slice %arg3[%arg1, %dma_start3A, %dma_start3A_24] : memref<16x79x128xi32, #tpu.memory_space<hbm>> -> memref<1x79x128xi32, #tpu.memory_space<hbm>>
      %dma_start3A_26 = tpu.memref_squeeze %dma_start3A_25 : memref<1x79x128xi32, #tpu.memory_space<hbm>> -> memref<79x128xi32, #tpu.memory_space<hbm>>
      %dma_start3A_27 = arith.constant 0 : i32
      %dma_start3A_28 = arith.constant 0 : i32
      %dma_start3A_29 = tpu.memref_slice %arg3[%arg1, %dma_start3A_27, %dma_start3A_28] : memref<16x79x128xi32, #tpu.memory_space<hbm>> -> memref<1x79x128xi32, #tpu.memory_space<hbm>>
      %dma_start3A_30 = tpu.memref_squeeze %dma_start3A_29 : memref<1x79x128xi32, #tpu.memory_space<hbm>> -> memref<79x128xi32, #tpu.memory_space<hbm>>
      tpu.enqueue_dma source(%dma_start3A_30 : memref<79x128xi32, #tpu.memory_space<hbm>>) target(%arg8 : memref<79x128xi32, #tpu.memory_space<vmem>>) target_semaphore(%run_scoped3A : memref<!tpu.dma_semaphore, #tpu.memory_space<semaphore_mem>>)
      %dma_wait3A = arith.constant 0 : i32
      %dma_wait3A_31 = arith.constant 0 : i32
      %dma_wait3A_32 = tpu.memref_slice %arg3[%arg1, %dma_wait3A, %dma_wait3A_31] : memref<16x79x128xi32, #tpu.memory_space<hbm>> -> memref<1x79x128xi32, #tpu.memory_space<hbm>>
      %dma_wait3A_33 = tpu.memref_squeeze %dma_wait3A_32 : memref<1x79x128xi32, #tpu.memory_space<hbm>> -> memref<79x128xi32, #tpu.memory_space<hbm>>
      %dma_wait3A_34 = arith.constant 0 : i32
      %dma_wait3A_35 = arith.constant 0 : i32
      %dma_wait3A_36 = tpu.memref_slice %arg3[%arg1, %dma_wait3A_34, %dma_wait3A_35] : memref<16x79x128xi32, #tpu.memory_space<hbm>> -> memref<1x79x128xi32, #tpu.memory_space<hbm>>
      %dma_wait3A_37 = tpu.memref_squeeze %dma_wait3A_36 : memref<1x79x128xi32, #tpu.memory_space<hbm>> -> memref<79x128xi32, #tpu.memory_space<hbm>>
      tpu.wait_dma2 semaphore(%run_scoped3A : memref<!tpu.dma_semaphore, #tpu.memory_space<semaphore_mem>>) src(%dma_wait3A_37 : memref<79x128xi32, #tpu.memory_space<hbm>>) dst(%arg8 : memref<79x128xi32, #tpu.memory_space<vmem>>)
      tpu.yield
    }) : () -> ()
    "tpu.region"() ({
      %run_scoped3A = tpu.sem_alloc : memref<!tpu.dma_semaphore, #tpu.memory_space<semaphore_mem>>
      %dma_start3A = arith.constant 0 : i32
      %dma_start3A_24 = arith.constant 0 : i32
      %dma_start3A_25 = tpu.memref_slice %arg4[%arg1, %dma_start3A, %dma_start3A_24] : memref<16x79x128xi32, #tpu.memory_space<hbm>> -> memref<1x79x128xi32, #tpu.memory_space<hbm>>
      %dma_start3A_26 = tpu.memref_squeeze %dma_start3A_25 : memref<1x79x128xi32, #tpu.memory_space<hbm>> -> memref<79x128xi32, #tpu.memory_space<hbm>>
      %dma_start3A_27 = arith.constant 0 : i32
      %dma_start3A_28 = arith.constant 0 : i32
      %dma_start3A_29 = tpu.memref_slice %arg4[%arg1, %dma_start3A_27, %dma_start3A_28] : memref<16x79x128xi32, #tpu.memory_space<hbm>> -> memref<1x79x128xi32, #tpu.memory_space<hbm>>
      %dma_start3A_30 = tpu.memref_squeeze %dma_start3A_29 : memref<1x79x128xi32, #tpu.memory_space<hbm>> -> memref<79x128xi32, #tpu.memory_space<hbm>>
      tpu.enqueue_dma source(%dma_start3A_30 : memref<79x128xi32, #tpu.memory_space<hbm>>) target(%arg9 : memref<79x128xi32, #tpu.memory_space<vmem>>) target_semaphore(%run_scoped3A : memref<!tpu.dma_semaphore, #tpu.memory_space<semaphore_mem>>)
      %dma_wait3A = arith.constant 0 : i32
      %dma_wait3A_31 = arith.constant 0 : i32
      %dma_wait3A_32 = tpu.memref_slice %arg4[%arg1, %dma_wait3A, %dma_wait3A_31] : memref<16x79x128xi32, #tpu.memory_space<hbm>> -> memref<1x79x128xi32, #tpu.memory_space<hbm>>
      %dma_wait3A_33 = tpu.memref_squeeze %dma_wait3A_32 : memref<1x79x128xi32, #tpu.memory_space<hbm>> -> memref<79x128xi32, #tpu.memory_space<hbm>>
      %dma_wait3A_34 = arith.constant 0 : i32
      %dma_wait3A_35 = arith.constant 0 : i32
      %dma_wait3A_36 = tpu.memref_slice %arg4[%arg1, %dma_wait3A_34, %dma_wait3A_35] : memref<16x79x128xi32, #tpu.memory_space<hbm>> -> memref<1x79x128xi32, #tpu.memory_space<hbm>>
      %dma_wait3A_37 = tpu.memref_squeeze %dma_wait3A_36 : memref<1x79x128xi32, #tpu.memory_space<hbm>> -> memref<79x128xi32, #tpu.memory_space<hbm>>
      tpu.wait_dma2 semaphore(%run_scoped3A : memref<!tpu.dma_semaphore, #tpu.memory_space<semaphore_mem>>) src(%dma_wait3A_37 : memref<79x128xi32, #tpu.memory_space<hbm>>) dst(%arg9 : memref<79x128xi32, #tpu.memory_space<vmem>>)
      tpu.yield
    }) : () -> ()
    "tpu.region"() ({
      %run_scoped3A = tpu.sem_alloc : memref<!tpu.dma_semaphore, #tpu.memory_space<semaphore_mem>>
      %dma_start3A = arith.constant 0 : i32
      %dma_start3A_24 = arith.constant 0 : i32
      %dma_start3A_25 = tpu.memref_slice %arg5[%arg1, %dma_start3A, %dma_start3A_24] : memref<16x79x128xf32, #tpu.memory_space<hbm>> -> memref<1x79x128xf32, #tpu.memory_space<hbm>>
      %dma_start3A_26 = tpu.memref_squeeze %dma_start3A_25 : memref<1x79x128xf32, #tpu.memory_space<hbm>> -> memref<79x128xf32, #tpu.memory_space<hbm>>
      %dma_start3A_27 = arith.constant 0 : i32
      %dma_start3A_28 = arith.constant 0 : i32
      %dma_start3A_29 = tpu.memref_slice %arg5[%arg1, %dma_start3A_27, %dma_start3A_28] : memref<16x79x128xf32, #tpu.memory_space<hbm>> -> memref<1x79x128xf32, #tpu.memory_space<hbm>>
      %dma_start3A_30 = tpu.memref_squeeze %dma_start3A_29 : memref<1x79x128xf32, #tpu.memory_space<hbm>> -> memref<79x128xf32, #tpu.memory_space<hbm>>
      tpu.enqueue_dma source(%dma_start3A_30 : memref<79x128xf32, #tpu.memory_space<hbm>>) target(%arg10 : memref<79x128xf32, #tpu.memory_space<vmem>>) target_semaphore(%run_scoped3A : memref<!tpu.dma_semaphore, #tpu.memory_space<semaphore_mem>>)
      %dma_wait3A = arith.constant 0 : i32
      %dma_wait3A_31 = arith.constant 0 : i32
      %dma_wait3A_32 = tpu.memref_slice %arg5[%arg1, %dma_wait3A, %dma_wait3A_31] : memref<16x79x128xf32, #tpu.memory_space<hbm>> -> memref<1x79x128xf32, #tpu.memory_space<hbm>>
      %dma_wait3A_33 = tpu.memref_squeeze %dma_wait3A_32 : memref<1x79x128xf32, #tpu.memory_space<hbm>> -> memref<79x128xf32, #tpu.memory_space<hbm>>
      %dma_wait3A_34 = arith.constant 0 : i32
      %dma_wait3A_35 = arith.constant 0 : i32
      %dma_wait3A_36 = tpu.memref_slice %arg5[%arg1, %dma_wait3A_34, %dma_wait3A_35] : memref<16x79x128xf32, #tpu.memory_space<hbm>> -> memref<1x79x128xf32, #tpu.memory_space<hbm>>
      %dma_wait3A_37 = tpu.memref_squeeze %dma_wait3A_36 : memref<1x79x128xf32, #tpu.memory_space<hbm>> -> memref<79x128xf32, #tpu.memory_space<hbm>>
      tpu.wait_dma2 semaphore(%run_scoped3A : memref<!tpu.dma_semaphore, #tpu.memory_space<semaphore_mem>>) src(%dma_wait3A_37 : memref<79x128xf32, #tpu.memory_space<hbm>>) dst(%arg10 : memref<79x128xf32, #tpu.memory_space<vmem>>)
      tpu.yield
    }) : () -> ()
    %barrier3A = arith.constant 0 : index
    tpu.barrier barrier_id(%barrier3A)
    %scan3A_16 = arith.constant 0 : i32
    %scan3A_17 = arith.constant 0 : i32
    %scan3A_18 = arith.constant 79 : i32
    %scan3A_19 = arith.addi %scan3A_17, %scan3A_18 : i32
    %scan3A_20 = arith.constant 1 : i32
    %scan3A_21 = scf.for %scan3A_24 = %scan3A_17 to %scan3A_19 step %scan3A_20 iter_args(%scan3A_25 = %scan3A_16) -> (i32)  : i32 {
      %dma_start3A = arith.constant 0 : i32
      %dma_start3A_26 = tpu.memref_slice %arg8[%scan3A_24, %dma_start3A] : memref<79x128xi32, #tpu.memory_space<vmem>> -> memref<1x128xi32, #tpu.memory_space<vmem>>
      %dma_start3A_27 = tpu.memref_squeeze %dma_start3A_26 : memref<1x128xi32, #tpu.memory_space<vmem>> -> memref<128xi32, #tpu.memory_space<vmem>>
      %dma_start3A_28 = arith.constant 0 : i32
      %dma_start3A_29 = arith.constant 0 : i32
      %dma_start3A_30 = tpu.memref_slice %arg2[%arg0, %dma_start3A_28, %dma_start3A_29] : memref<2x10240x128xf32, #tpu.memory_space<hbm>> -> memref<1x10240x128xf32, #tpu.memory_space<hbm>>
      %dma_start3A_31 = tpu.memref_squeeze %dma_start3A_30 : memref<1x10240x128xf32, #tpu.memory_space<hbm>> -> memref<10240x128xf32, #tpu.memory_space<hbm>>
      %dma_start3A_32 = arith.constant 0 : i32
      %dma_start3A_33 = arith.constant 0 : i32
      %dma_start3A_34 = tpu.memref_slice %dma_start3A_31[%dma_start3A_32, %dma_start3A_33] : memref<10240x128xf32, #tpu.memory_space<hbm>> -> memref<10240x128xf32, #tpu.memory_space<hbm>>
      tpu.enqueue_indirect_dma source(%dma_start3A_34 : memref<10240x128xf32, #tpu.memory_space<hbm>>) target(%arg11 : memref<128x128xf32, #tpu.memory_space<vmem>>) offsets(%dma_start3A_27 : memref<128xi32, #tpu.memory_space<vmem>>) semaphore(%arg12 : memref<!tpu.dma_semaphore, #tpu.memory_space<semaphore_mem>>)
      %dma_wait3A = arith.constant 0 : i32
      %dma_wait3A_35 = tpu.memref_slice %arg8[%scan3A_24, %dma_wait3A] : memref<79x128xi32, #tpu.memory_space<vmem>> -> memref<1x128xi32, #tpu.memory_space<vmem>>
      %dma_wait3A_36 = tpu.memref_squeeze %dma_wait3A_35 : memref<1x128xi32, #tpu.memory_space<vmem>> -> memref<128xi32, #tpu.memory_space<vmem>>
      %dma_wait3A_37 = arith.constant 0 : i32
      %dma_wait3A_38 = arith.constant 0 : i32
      %dma_wait3A_39 = tpu.memref_slice %arg2[%arg0, %dma_wait3A_37, %dma_wait3A_38] : memref<2x10240x128xf32, #tpu.memory_space<hbm>> -> memref<1x10240x128xf32, #tpu.memory_space<hbm>>
      %dma_wait3A_40 = tpu.memref_squeeze %dma_wait3A_39 : memref<1x10240x128xf32, #tpu.memory_space<hbm>> -> memref<10240x128xf32, #tpu.memory_space<hbm>>
      %dma_wait3A_41 = arith.constant 0 : i32
      %dma_wait3A_42 = arith.constant 0 : i32
      %dma_wait3A_43 = tpu.memref_slice %dma_wait3A_40[%dma_wait3A_41, %dma_wait3A_42] : memref<10240x128xf32, #tpu.memory_space<hbm>> -> memref<10240x128xf32, #tpu.memory_space<hbm>>
      tpu.wait_indirect_dma semaphore(%arg12 : memref<!tpu.dma_semaphore, #tpu.memory_space<semaphore_mem>>) src(%dma_wait3A_43 : memref<10240x128xf32, #tpu.memory_space<hbm>>) dst(%arg11 : memref<128x128xf32, #tpu.memory_space<vmem>>)
      %scan3A_44 = arith.constant 0 : i32
      %scan3A_45 = arith.constant 0 : i32
      %scan3A_46 = arith.constant 8 : i32
      %scan3A_47 = arith.addi %scan3A_45, %scan3A_46 : i32
      %scan3A_48 = arith.constant 1 : i32
      %scan3A_49 = scf.for %scan3A_52 = %scan3A_45 to %scan3A_47 step %scan3A_48 iter_args(%scan3A_53 = %scan3A_44) -> (i32)  : i32 {
        %mul3A_54 = arith.constant 16 : i32
        %mul3A_55 = arith.muli %scan3A_52, %mul3A_54 : i32
        %get3A = arith.index_cast %scan3A_24 : i32 to index
        %get3A_56 = arith.index_cast %mul3A_55 : i32 to index
        %get3A_57 = tpu.vector_load %arg10[%get3A, %get3A_56] {strides = array<i32>} : memref<79x128xf32, #tpu.memory_space<vmem>>, vector<1x16xf32>,
        %get3A_58 = vector.shape_cast %get3A_57 : vector<1x16xf32> to vector<16xf32>
        %broadcast_in_dim3A = arith.constant 0 : i32
        %broadcast_in_dim3A_59 = vector.broadcast %broadcast_in_dim3A : i32 to vector<16x1xi32>
        %gather3A = vector.shape_cast %broadcast_in_dim3A_59 : vector<16x1xi32> to vector<16xi32>
        %gather3A_60 = tpu.dynamic_gather %get3A_58[%gather3A] in [0] : vector<16xf32>, vector<16xi32> -> vector<16xf32>
        %mul3A_61 = arith.constant 16 : i32
        %mul3A_62 = arith.muli %scan3A_52, %mul3A_61 : i32
        %add3A_63 = arith.constant 0 : i32
        %add3A_64 = arith.addi %mul3A_62, %add3A_63 : i32
        %get3A_65 = arith.index_cast %add3A_64 : i32 to index
        %get3A_66 = arith.constant 0 : index
        %get3A_67 = tpu.vector_load %arg11[%get3A_65, %get3A_66] {strides = array<i32>} : memref<128x128xf32, #tpu.memory_space<vmem>>, vector<1x16xf32>,
        %get3A_68 = vector.shape_cast %get3A_67 : vector<1x16xf32> to vector<16xf32>
        %mul3A_69 = arith.mulf %get3A_68, %gather3A_60 : vector<16xf32>
        %swap3A = arith.index_cast %add3A_64 : i32 to index
        %swap3A_70 = arith.constant 0 : index
        %swap3A_71 = tpu.vector_load %arg11[%swap3A, %swap3A_70] {strides = array<i32>} : memref<128x128xf32, #tpu.memory_space<vmem>>, vector<1x16xf32>,
        %swap3A_72 = vector.shape_cast %swap3A_71 : vector<1x16xf32> to vector<16xf32>
        %swap3A_73 = vector.shape_cast %mul3A_69 : vector<16xf32> to vector<1x16xf32>
        tpu.vector_store %arg11[%swap3A, %swap3A_70], %swap3A_73 {strides = array<i32>} : memref<128x128xf32, #tpu.memory_space<vmem>>, vector<1x16xf32>,
        %get3A_74 = arith.index_cast %add3A_64 : i32 to index
        %get3A_75 = arith.constant 16 : index
        %get3A_76 = tpu.vector_load %arg11[%get3A_74, %get3A_75] {strides = array<i32>} : memref<128x128xf32, #tpu.memory_space<vmem>>, vector<1x16xf32>,
        %get3A_77 = vector.shape_cast %get3A_76 : vector<1x16xf32> to vector<16xf32>
        %mul3A_78 = arith.mulf %get3A_77, %gather3A_60 : vector<16xf32>
        %swap3A_79 = arith.index_cast %add3A_64 : i32 to index
        %swap3A_80 = arith.constant 16 : index
        %swap3A_81 = tpu.vector_load %arg11[%swap3A_79, %swap3A_80] {strides = array<i32>} : memref<128x128xf32, #tpu.memory_space<vmem>>, vector<1x16xf32>,
        %swap3A_82 = vector.shape_cast %swap3A_81 : vector<1x16xf32> to vector<16xf32>
        %swap3A_83 = vector.shape_cast %mul3A_78 : vector<16xf32> to vector<1x16xf32>
        tpu.vector_store %arg11[%swap3A_79, %swap3A_80], %swap3A_83 {strides = array<i32>} : memref<128x128xf32, #tpu.memory_space<vmem>>, vector<1x16xf32>,
        %get3A_84 = arith.index_cast %add3A_64 : i32 to index
        %get3A_85 = arith.constant 32 : index
        %get3A_86 = tpu.vector_load %arg11[%get3A_84, %get3A_85] {strides = array<i32>} : memref<128x128xf32, #tpu.memory_space<vmem>>, vector<1x16xf32>,
        %get3A_87 = vector.shape_cast %get3A_86 : vector<1x16xf32> to vector<16xf32>
        %mul3A_88 = arith.mulf %get3A_87, %gather3A_60 : vector<16xf32>
        %swap3A_89 = arith.index_cast %add3A_64 : i32 to index
        %swap3A_90 = arith.constant 32 : index
        %swap3A_91 = tpu.vector_load %arg11[%swap3A_89, %swap3A_90] {strides = array<i32>} : memref<128x128xf32, #tpu.memory_space<vmem>>, vector<1x16xf32>,
        %swap3A_92 = vector.shape_cast %swap3A_91 : vector<1x16xf32> to vector<16xf32>
        %swap3A_93 = vector.shape_cast %mul3A_88 : vector<16xf32> to vector<1x16xf32>
        tpu.vector_store %arg11[%swap3A_89, %swap3A_90], %swap3A_93 {strides = array<i32>} : memref<128x128xf32, #tpu.memory_space<vmem>>, vector<1x16xf32>,
        %get3A_94 = arith.index_cast %add3A_64 : i32 to index
        %get3A_95 = arith.constant 48 : index
        %get3A_96 = tpu.vector_load %arg11[%get3A_94, %get3A_95] {strides = array<i32>} : memref<128x128xf32, #tpu.memory_space<vmem>>, vector<1x16xf32>,
        %get3A_97 = vector.shape_cast %get3A_96 : vector<1x16xf32> to vector<16xf32>
        %mul3A_98 = arith.mulf %get3A_97, %gather3A_60 : vector<16xf32>
        %swap3A_99 = arith.index_cast %add3A_64 : i32 to index
        %swap3A_100 = arith.constant 48 : index
        %swap3A_101 = tpu.vector_load %arg11[%swap3A_99, %swap3A_100] {strides = array<i32>} : memref<128x128xf32, #tpu.memory_space<vmem>>, vector<1x16xf32>,
        %swap3A_102 = vector.shape_cast %swap3A_101 : vector<1x16xf32> to vector<16xf32>
        %swap3A_103 = vector.shape_cast %mul3A_98 : vector<16xf32> to vector<1x16xf32>
        tpu.vector_store %arg11[%swap3A_99, %swap3A_100], %swap3A_103 {strides = array<i32>} : memref<128x128xf32, #tpu.memory_space<vmem>>, vector<1x16xf32>,
        %get3A_104 = arith.index_cast %add3A_64 : i32 to index
        %get3A_105 = arith.constant 64 : index
        %get3A_106 = tpu.vector_load %arg11[%get3A_104, %get3A_105] {strides = array<i32>} : memref<128x128xf32, #tpu.memory_space<vmem>>, vector<1x16xf32>,
        %get3A_107 = vector.shape_cast %get3A_106 : vector<1x16xf32> to vector<16xf32>
        %mul3A_108 = arith.mulf %get3A_107, %gather3A_60 : vector<16xf32>
        %swap3A_109 = arith.index_cast %add3A_64 : i32 to index
        %swap3A_110 = arith.constant 64 : index
        %swap3A_111 = tpu.vector_load %arg11[%swap3A_109, %swap3A_110] {strides = array<i32>} : memref<128x128xf32, #tpu.memory_space<vmem>>, vector<1x16xf32>,
        %swap3A_112 = vector.shape_cast %swap3A_111 : vector<1x16xf32> to vector<16xf32>
        %swap3A_113 = vector.shape_cast %mul3A_108 : vector<16xf32> to vector<1x16xf32>
        tpu.vector_store %arg11[%swap3A_109, %swap3A_110], %swap3A_113 {strides = array<i32>} : memref<128x128xf32, #tpu.memory_space<vmem>>, vector<1x16xf32>,
        %get3A_114 = arith.index_cast %add3A_64 : i32 to index
        %get3A_115 = arith.constant 80 : index
        %get3A_116 = tpu.vector_load %arg11[%get3A_114, %get3A_115] {strides = array<i32>} : memref<128x128xf32, #tpu.memory_space<vmem>>, vector<1x16xf32>,
        %get3A_117 = vector.shape_cast %get3A_116 : vector<1x16xf32> to vector<16xf32>
        %mul3A_118 = arith.mulf %get3A_117, %gather3A_60 : vector<16xf32>
        %swap3A_119 = arith.index_cast %add3A_64 : i32 to index
        %swap3A_120 = arith.constant 80 : index
        %swap3A_121 = tpu.vector_load %arg11[%swap3A_119, %swap3A_120] {strides = array<i32>} : memref<128x128xf32, #tpu.memory_space<vmem>>, vector<1x16xf32>,
        %swap3A_122 = vector.shape_cast %swap3A_121 : vector<1x16xf32> to vector<16xf32>
        %swap3A_123 = vector.shape_cast %mul3A_118 : vector<16xf32> to vector<1x16xf32>
        tpu.vector_store %arg11[%swap3A_119, %swap3A_120], %swap3A_123 {strides = array<i32>} : memref<128x128xf32, #tpu.memory_space<vmem>>, vector<1x16xf32>,
        %get3A_124 = arith.index_cast %add3A_64 : i32 to index
        %get3A_125 = arith.constant 96 : index
        %get3A_126 = tpu.vector_load %arg11[%get3A_124, %get3A_125] {strides = array<i32>} : memref<128x128xf32, #tpu.memory_space<vmem>>, vector<1x16xf32>,
        %get3A_127 = vector.shape_cast %get3A_126 : vector<1x16xf32> to vector<16xf32>
        %mul3A_128 = arith.mulf %get3A_127, %gather3A_60 : vector<16xf32>
        %swap3A_129 = arith.index_cast %add3A_64 : i32 to index
        %swap3A_130 = arith.constant 96 : index
        %swap3A_131 = tpu.vector_load %arg11[%swap3A_129, %swap3A_130] {strides = array<i32>} : memref<128x128xf32, #tpu.memory_space<vmem>>, vector<1x16xf32>,
        %swap3A_132 = vector.shape_cast %swap3A_131 : vector<1x16xf32> to vector<16xf32>
        %swap3A_133 = vector.shape_cast %mul3A_128 : vector<16xf32> to vector<1x16xf32>
        tpu.vector_store %arg11[%swap3A_129, %swap3A_130], %swap3A_133 {strides = array<i32>} : memref<128x128xf32, #tpu.memory_space<vmem>>, vector<1x16xf32>,
        %get3A_134 = arith.index_cast %add3A_64 : i32 to index
        %get3A_135 = arith.constant 112 : index
        %get3A_136 = tpu.vector_load %arg11[%get3A_134, %get3A_135] {strides = array<i32>} : memref<128x128xf32, #tpu.memory_space<vmem>>, vector<1x16xf32>,
        %get3A_137 = vector.shape_cast %get3A_136 : vector<1x16xf32> to vector<16xf32>
        %mul3A_138 = arith.mulf %get3A_137, %gather3A_60 : vector<16xf32>
        %swap3A_139 = arith.index_cast %add3A_64 : i32 to index
        %swap3A_140 = arith.constant 112 : index
        %swap3A_141 = tpu.vector_load %arg11[%swap3A_139, %swap3A_140] {strides = array<i32>} : memref<128x128xf32, #tpu.memory_space<vmem>>, vector<1x16xf32>,
        %swap3A_142 = vector.shape_cast %swap3A_141 : vector<1x16xf32> to vector<16xf32>
        %swap3A_143 = vector.shape_cast %mul3A_138 : vector<16xf32> to vector<1x16xf32>
        tpu.vector_store %arg11[%swap3A_139, %swap3A_140], %swap3A_143 {strides = array<i32>} : memref<128x128xf32, #tpu.memory_space<vmem>>, vector<1x16xf32>,
        %broadcast_in_dim3A_144 = arith.constant 1 : i32
        %broadcast_in_dim3A_145 = vector.broadcast %broadcast_in_dim3A_144 : i32 to vector<16x1xi32>
        %gather3A_146 = vector.shape_cast %broadcast_in_dim3A_145 : vector<16x1xi32> to vector<16xi32>
        %gather3A_147 = tpu.dynamic_gather %get3A_58[%gather3A_146] in [0] : vector<16xf32>, vector<16xi32> -> vector<16xf32>
        %mul3A_148 = arith.constant 16 : i32
        %mul3A_149 = arith.muli %scan3A_52, %mul3A_148 : i32
        %add3A_150 = arith.constant 1 : i32
        %add3A_151 = arith.addi %mul3A_149, %add3A_150 : i32
        %get3A_152 = arith.index_cast %add3A_151 : i32 to index
        %get3A_153 = arith.constant 0 : index
        %get3A_154 = tpu.vector_load %arg11[%get3A_152, %get3A_153] {strides = array<i32>} : memref<128x128xf32, #tpu.memory_space<vmem>>, vector<1x16xf32>,
        %get3A_155 = vector.shape_cast %get3A_154 : vector<1x16xf32> to vector<16xf32>
        %mul3A_156 = arith.mulf %get3A_155, %gather3A_147 : vector<16xf32>
        %swap3A_157 = arith.index_cast %add3A_151 : i32 to index
        %swap3A_158 = arith.constant 0 : index
        %swap3A_159 = tpu.vector_load %arg11[%swap3A_157, %swap3A_158] {strides = array<i32>} : memref<128x128xf32, #tpu.memory_space<vmem>>, vector<1x16xf32>,
        %swap3A_160 = vector.shape_cast %swap3A_159 : vector<1x16xf32> to vector<16xf32>
        %swap3A_161 = vector.shape_cast %mul3A_156 : vector<16xf32> to vector<1x16xf32>
        tpu.vector_store %arg11[%swap3A_157, %swap3A_158], %swap3A_161 {strides = array<i32>} : memref<128x128xf32, #tpu.memory_space<vmem>>, vector<1x16xf32>,
        %get3A_162 = arith.index_cast %add3A_151 : i32 to index
        %get3A_163 = arith.constant 16 : index
        %get3A_164 = tpu.vector_load %arg11[%get3A_162, %get3A_163] {strides = array<i32>} : memref<128x128xf32, #tpu.memory_space<vmem>>, vector<1x16xf32>,
        %get3A_165 = vector.shape_cast %get3A_164 : vector<1x16xf32> to vector<16xf32>
        %mul3A_166 = arith.mulf %get3A_165, %gather3A_147 : vector<16xf32>
        %swap3A_167 = arith.index_cast %add3A_151 : i32 to index
        %swap3A_168 = arith.constant 16 : index
        %swap3A_169 = tpu.vector_load %arg11[%swap3A_167, %swap3A_168] {strides = array<i32>} : memref<128x128xf32, #tpu.memory_space<vmem>>, vector<1x16xf32>,
        %swap3A_170 = vector.shape_cast %swap3A_169 : vector<1x16xf32> to vector<16xf32>
        %swap3A_171 = vector.shape_cast %mul3A_166 : vector<16xf32> to vector<1x16xf32>
        tpu.vector_store %arg11[%swap3A_167, %swap3A_168], %swap3A_171 {strides = array<i32>} : memref<128x128xf32, #tpu.memory_space<vmem>>, vector<1x16xf32>,
        %get3A_172 = arith.index_cast %add3A_151 : i32 to index
        %get3A_173 = arith.constant 32 : index
        %get3A_174 = tpu.vector_load %arg11[%get3A_172, %get3A_173] {strides = array<i32>} : memref<128x128xf32, #tpu.memory_space<vmem>>, vector<1x16xf32>,
        %get3A_175 = vector.shape_cast %get3A_174 : vector<1x16xf32> to vector<16xf32>
        %mul3A_176 = arith.mulf %get3A_175, %gather3A_147 : vector<16xf32>
        %swap3A_177 = arith.index_cast %add3A_151 : i32 to index
        %swap3A_178 = arith.constant 32 : index
        %swap3A_179 = tpu.vector_load %arg11[%swap3A_177, %swap3A_178] {strides = array<i32>} : memref<128x128xf32, #tpu.memory_space<vmem>>, vector<1x16xf32>,
        %swap3A_180 = vector.shape_cast %swap3A_179 : vector<1x16xf32> to vector<16xf32>
        %swap3A_181 = vector.shape_cast %mul3A_176 : vector<16xf32> to vector<1x16xf32>
        tpu.vector_store %arg11[%swap3A_177, %swap3A_178], %swap3A_181 {strides = array<i32>} : memref<128x128xf32, #tpu.memory_space<vmem>>, vector<1x16xf32>,
        %get3A_182 = arith.index_cast %add3A_151 : i32 to index
        %get3A_183 = arith.constant 48 : index
        %get3A_184 = tpu.vector_load %arg11[%get3A_182, %get3A_183] {strides = array<i32>} : memref<128x128xf32, #tpu.memory_space<vmem>>, vector<1x16xf32>,
        %get3A_185 = vector.shape_cast %get3A_184 : vector<1x16xf32> to vector<16xf32>
        %mul3A_186 = arith.mulf %get3A_185, %gather3A_147 : vector<16xf32>
        %swap3A_187 = arith.index_cast %add3A_151 : i32 to index
        %swap3A_188 = arith.constant 48 : index
        %swap3A_189 = tpu.vector_load %arg11[%swap3A_187, %swap3A_188] {strides = array<i32>} : memref<128x128xf32, #tpu.memory_space<vmem>>, vector<1x16xf32>,
        %swap3A_190 = vector.shape_cast %swap3A_189 : vector<1x16xf32> to vector<16xf32>
        %swap3A_191 = vector.shape_cast %mul3A_186 : vector<16xf32> to vector<1x16xf32>
        tpu.vector_store %arg11[%swap3A_187, %swap3A_188], %swap3A_191 {strides = array<i32>} : memref<128x128xf32, #tpu.memory_space<vmem>>, vector<1x16xf32>,
        %get3A_192 = arith.index_cast %add3A_151 : i32 to index
        %get3A_193 = arith.constant 64 : index
        %get3A_194 = tpu.vector_load %arg11[%get3A_192, %get3A_193] {strides = array<i32>} : memref<128x128xf32, #tpu.memory_space<vmem>>, vector<1x16xf32>,
        %get3A_195 = vector.shape_cast %get3A_194 : vector<1x16xf32> to vector<16xf32>
        %mul3A_196 = arith.mulf %get3A_195, %gather3A_147 : vector<16xf32>
        %swap3A_197 = arith.index_cast %add3A_151 : i32 to index
        %swap3A_198 = arith.constant 64 : index
        %swap3A_199 = tpu.vector_load %arg11[%swap3A_197, %swap3A_198] {strides = array<i32>} : memref<128x128xf32, #tpu.memory_space<vmem>>, vector<1x16xf32>,
        %swap3A_200 = vector.shape_cast %swap3A_199 : vector<1x16xf32> to vector<16xf32>
        %swap3A_201 = vector.shape_cast %mul3A_196 : vector<16xf32> to vector<1x16xf32>
        tpu.vector_store %arg11[%swap3A_197, %swap3A_198], %swap3A_201 {strides = array<i32>} : memref<128x128xf32, #tpu.memory_space<vmem>>, vector<1x16xf32>,
        %get3A_202 = arith.index_cast %add3A_151 : i32 to index
        %get3A_203 = arith.constant 80 : index
        %get3A_204 = tpu.vector_load %arg11[%get3A_202, %get3A_203] {strides = array<i32>} : memref<128x128xf32, #tpu.memory_space<vmem>>, vector<1x16xf32>,
        %get3A_205 = vector.shape_cast %get3A_204 : vector<1x16xf32> to vector<16xf32>
        %mul3A_206 = arith.mulf %get3A_205, %gather3A_147 : vector<16xf32>
        %swap3A_207 = arith.index_cast %add3A_151 : i32 to index
        %swap3A_208 = arith.constant 80 : index
        %swap3A_209 = tpu.vector_load %arg11[%swap3A_207, %swap3A_208] {strides = array<i32>} : memref<128x128xf32, #tpu.memory_space<vmem>>, vector<1x16xf32>,
        %swap3A_210 = vector.shape_cast %swap3A_209 : vector<1x16xf32> to vector<16xf32>
        %swap3A_211 = vector.shape_cast %mul3A_206 : vector<16xf32> to vector<1x16xf32>
        tpu.vector_store %arg11[%swap3A_207, %swap3A_208], %swap3A_211 {strides = array<i32>} : memref<128x128xf32, #tpu.memory_space<vmem>>, vector<1x16xf32>,
        %get3A_212 = arith.index_cast %add3A_151 : i32 to index
        %get3A_213 = arith.constant 96 : index
        %get3A_214 = tpu.vector_load %arg11[%get3A_212, %get3A_213] {strides = array<i32>} : memref<128x128xf32, #tpu.memory_space<vmem>>, vector<1x16xf32>,
        %get3A_215 = vector.shape_cast %get3A_214 : vector<1x16xf32> to vector<16xf32>
        %mul3A_216 = arith.mulf %get3A_215, %gather3A_147 : vector<16xf32>
        %swap3A_217 = arith.index_cast %add3A_151 : i32 to index
        %swap3A_218 = arith.constant 96 : index
        %swap3A_219 = tpu.vector_load %arg11[%swap3A_217, %swap3A_218] {strides = array<i32>} : memref<128x128xf32, #tpu.memory_space<vmem>>, vector<1x16xf32>,
        %swap3A_220 = vector.shape_cast %swap3A_219 : vector<1x16xf32> to vector<16xf32>
        %swap3A_221 = vector.shape_cast %mul3A_216 : vector<16xf32> to vector<1x16xf32>
        tpu.vector_store %arg11[%swap3A_217, %swap3A_218], %swap3A_221 {strides = array<i32>} : memref<128x128xf32, #tpu.memory_space<vmem>>, vector<1x16xf32>,
        %get3A_222 = arith.index_cast %add3A_151 : i32 to index
        %get3A_223 = arith.constant 112 : index
        %get3A_224 = tpu.vector_load %arg11[%get3A_222, %get3A_223] {strides = array<i32>} : memref<128x128xf32, #tpu.memory_space<vmem>>, vector<1x16xf32>,
        %get3A_225 = vector.shape_cast %get3A_224 : vector<1x16xf32> to vector<16xf32>
        %mul3A_226 = arith.mulf %get3A_225, %gather3A_147 : vector<16xf32>
        %swap3A_227 = arith.index_cast %add3A_151 : i32 to index
        %swap3A_228 = arith.constant 112 : index
        %swap3A_229 = tpu.vector_load %arg11[%swap3A_227, %swap3A_228] {strides = array<i32>} : memref<128x128xf32, #tpu.memory_space<vmem>>, vector<1x16xf32>,
        %swap3A_230 = vector.shape_cast %swap3A_229 : vector<1x16xf32> to vector<16xf32>
        %swap3A_231 = vector.shape_cast %mul3A_226 : vector<16xf32> to vector<1x16xf32>
        tpu.vector_store %arg11[%swap3A_227, %swap3A_228], %swap3A_231 {strides = array<i32>} : memref<128x128xf32, #tpu.memory_space<vmem>>, vector<1x16xf32>,
        %broadcast_in_dim3A_232 = arith.constant 2 : i32
        %broadcast_in_dim3A_233 = vector.broadcast %broadcast_in_dim3A_232 : i32 to vector<16x1xi32>
        %gather3A_234 = vector.shape_cast %broadcast_in_dim3A_233 : vector<16x1xi32> to vector<16xi32>
        %gather3A_235 = tpu.dynamic_gather %get3A_58[%gather3A_234] in [0] : vector<16xf32>, vector<16xi32> -> vector<16xf32>
        %mul3A_236 = arith.constant 16 : i32
        %mul3A_237 = arith.muli %scan3A_52, %mul3A_236 : i32
        %add3A_238 = arith.constant 2 : i32
        %add3A_239 = arith.addi %mul3A_237, %add3A_238 : i32
        %get3A_240 = arith.index_cast %add3A_239 : i32 to index
        %get3A_241 = arith.constant 0 : index
        %get3A_242 = tpu.vector_load %arg11[%get3A_240, %get3A_241] {strides = array<i32>} : memref<128x128xf32, #tpu.memory_space<vmem>>, vector<1x16xf32>,
        %get3A_243 = vector.shape_cast %get3A_242 : vector<1x16xf32> to vector<16xf32>
        %mul3A_244 = arith.mulf %get3A_243, %gather3A_235 : vector<16xf32>
        %swap3A_245 = arith.index_cast %add3A_239 : i32 to index
        %swap3A_246 = arith.constant 0 : index
        %swap3A_247 = tpu.vector_load %arg11[%swap3A_245, %swap3A_246] {strides = array<i32>} : memref<128x128xf32, #tpu.memory_space<vmem>>, vector<1x16xf32>,
        %swap3A_248 = vector.shape_cast %swap3A_247 : vector<1x16xf32> to vector<16xf32>
        %swap3A_249 = vector.shape_cast %mul3A_244 : vector<16xf32> to vector<1x16xf32>
        tpu.vector_store %arg11[%swap3A_245, %swap3A_246], %swap3A_249 {strides = array<i32>} : memref<128x128xf32, #tpu.memory_space<vmem>>, vector<1x16xf32>,
        %get3A_250 = arith.index_cast %add3A_239 : i32 to index
        %get3A_251 = arith.constant 16 : index
        %get3A_252 = tpu.vector_load %arg11[%get3A_250, %get3A_251] {strides = array<i32>} : memref<128x128xf32, #tpu.memory_space<vmem>>, vector<1x16xf32>,
        %get3A_253 = vector.shape_cast %get3A_252 : vector<1x16xf32> to vector<16xf32>
        %mul3A_254 = arith.mulf %get3A_253, %gather3A_235 : vector<16xf32>
        %swap3A_255 = arith.index_cast %add3A_239 : i32 to index
        %swap3A_256 = arith.constant 16 : index
        %swap3A_257 = tpu.vector_load %arg11[%swap3A_255, %swap3A_256] {strides = array<i32>} : memref<128x128xf32, #tpu.memory_space<vmem>>, vector<1x16xf32>,
        %swap3A_258 = vector.shape_cast %swap3A_257 : vector<1x16xf32> to vector<16xf32>
        %swap3A_259 = vector.shape_cast %mul3A_254 : vector<16xf32> to vector<1x16xf32>
        tpu.vector_store %arg11[%swap3A_255, %swap3A_256], %swap3A_259 {strides = array<i32>} : memref<128x128xf32, #tpu.memory_space<vmem>>, vector<1x16xf32>,
        %get3A_260 = arith.index_cast %add3A_239 : i32 to index
        %get3A_261 = arith.constant 32 : index
        %get3A_262 = tpu.vector_load %arg11[%get3A_260, %get3A_261] {strides = array<i32>} : memref<128x128xf32, #tpu.memory_space<vmem>>, vector<1x16xf32>,
        %get3A_263 = vector.shape_cast %get3A_262 : vector<1x16xf32> to vector<16xf32>
        %mul3A_264 = arith.mulf %get3A_263, %gather3A_235 : vector<16xf32>
        %swap3A_265 = arith.index_cast %add3A_239 : i32 to index
        %swap3A_266 = arith.constant 32 : index
        %swap3A_267 = tpu.vector_load %arg11[%swap3A_265, %swap3A_266] {strides = array<i32>} : memref<128x128xf32, #tpu.memory_space<vmem>>, vector<1x16xf32>,
        %swap3A_268 = vector.shape_cast %swap3A_267 : vector<1x16xf32> to vector<16xf32>
        %swap3A_269 = vector.shape_cast %mul3A_264 : vector<16xf32> to vector<1x16xf32>
        tpu.vector_store %arg11[%swap3A_265, %swap3A_266], %swap3A_269 {strides = array<i32>} : memref<128x128xf32, #tpu.memory_space<vmem>>, vector<1x16xf32>,
        %get3A_270 = arith.index_cast %add3A_239 : i32 to index
        %get3A_271 = arith.constant 48 : index
        %get3A_272 = tpu.vector_load %arg11[%get3A_270, %get3A_271] {strides = array<i32>} : memref<128x128xf32, #tpu.memory_space<vmem>>, vector<1x16xf32>,
        %get3A_273 = vector.shape_cast %get3A_272 : vector<1x16xf32> to vector<16xf32>
        %mul3A_274 = arith.mulf %get3A_273, %gather3A_235 : vector<16xf32>
        %swap3A_275 = arith.index_cast %add3A_239 : i32 to index
        %swap3A_276 = arith.constant 48 : index
        %swap3A_277 = tpu.vector_load %arg11[%swap3A_275, %swap3A_276] {strides = array<i32>} : memref<128x128xf32, #tpu.memory_space<vmem>>, vector<1x16xf32>,
        %swap3A_278 = vector.shape_cast %swap3A_277 : vector<1x16xf32> to vector<16xf32>
        %swap3A_279 = vector.shape_cast %mul3A_274 : vector<16xf32> to vector<1x16xf32>
        tpu.vector_store %arg11[%swap3A_275, %swap3A_276], %swap3A_279 {strides = array<i32>} : memref<128x128xf32, #tpu.memory_space<vmem>>, vector<1x16xf32>,
        %get3A_280 = arith.index_cast %add3A_239 : i32 to index
        %get3A_281 = arith.constant 64 : index
        %get3A_282 = tpu.vector_load %arg11[%get3A_280, %get3A_281] {strides = array<i32>} : memref<128x128xf32, #tpu.memory_space<vmem>>, vector<1x16xf32>,
        %get3A_283 = vector.shape_cast %get3A_282 : vector<1x16xf32> to vector<16xf32>
        %mul3A_284 = arith.mulf %get3A_283, %gather3A_235 : vector<16xf32>
        %swap3A_285 = arith.index_cast %add3A_239 : i32 to index
        %swap3A_286 = arith.constant 64 : index
        %swap3A_287 = tpu.vector_load %arg11[%swap3A_285, %swap3A_286] {strides = array<i32>} : memref<128x128xf32, #tpu.memory_space<vmem>>, vector<1x16xf32>,
        %swap3A_288 = vector.shape_cast %swap3A_287 : vector<1x16xf32> to vector<16xf32>
        %swap3A_289 = vector.shape_cast %mul3A_284 : vector<16xf32> to vector<1x16xf32>
        tpu.vector_store %arg11[%swap3A_285, %swap3A_286], %swap3A_289 {strides = array<i32>} : memref<128x128xf32, #tpu.memory_space<vmem>>, vector<1x16xf32>,
        %get3A_290 = arith.index_cast %add3A_239 : i32 to index
        %get3A_291 = arith.constant 80 : index
        %get3A_292 = tpu.vector_load %arg11[%get3A_290, %get3A_291] {strides = array<i32>} : memref<128x128xf32, #tpu.memory_space<vmem>>, vector<1x16xf32>,
        %get3A_293 = vector.shape_cast %get3A_292 : vector<1x16xf32> to vector<16xf32>
        %mul3A_294 = arith.mulf %get3A_293, %gather3A_235 : vector<16xf32>
        %swap3A_295 = arith.index_cast %add3A_239 : i32 to index
        %swap3A_296 = arith.constant 80 : index
        %swap3A_297 = tpu.vector_load %arg11[%swap3A_295, %swap3A_296] {strides = array<i32>} : memref<128x128xf32, #tpu.memory_space<vmem>>, vector<1x16xf32>,
        %swap3A_298 = vector.shape_cast %swap3A_297 : vector<1x16xf32> to vector<16xf32>
        %swap3A_299 = vector.shape_cast %mul3A_294 : vector<16xf32> to vector<1x16xf32>
        tpu.vector_store %arg11[%swap3A_295, %swap3A_296], %swap3A_299 {strides = array<i32>} : memref<128x128xf32, #tpu.memory_space<vmem>>, vector<1x16xf32>,
        %get3A_300 = arith.index_cast %add3A_239 : i32 to index
        %get3A_301 = arith.constant 96 : index
        %get3A_302 = tpu.vector_load %arg11[%get3A_300, %get3A_301] {strides = array<i32>} : memref<128x128xf32, #tpu.memory_space<vmem>>, vector<1x16xf32>,
        %get3A_303 = vector.shape_cast %get3A_302 : vector<1x16xf32> to vector<16xf32>
        %mul3A_304 = arith.mulf %get3A_303, %gather3A_235 : vector<16xf32>
        %swap3A_305 = arith.index_cast %add3A_239 : i32 to index
        %swap3A_306 = arith.constant 96 : index
        %swap3A_307 = tpu.vector_load %arg11[%swap3A_305, %swap3A_306] {strides = array<i32>} : memref<128x128xf32, #tpu.memory_space<vmem>>, vector<1x16xf32>,
        %swap3A_308 = vector.shape_cast %swap3A_307 : vector<1x16xf32> to vector<16xf32>
        %swap3A_309 = vector.shape_cast %mul3A_304 : vector<16xf32> to vector<1x16xf32>
        tpu.vector_store %arg11[%swap3A_305, %swap3A_306], %swap3A_309 {strides = array<i32>} : memref<128x128xf32, #tpu.memory_space<vmem>>, vector<1x16xf32>,
        %get3A_310 = arith.index_cast %add3A_239 : i32 to index
        %get3A_311 = arith.constant 112 : index
        %get3A_312 = tpu.vector_load %arg11[%get3A_310, %get3A_311] {strides = array<i32>} : memref<128x128xf32, #tpu.memory_space<vmem>>, vector<1x16xf32>,
        %get3A_313 = vector.shape_cast %get3A_312 : vector<1x16xf32> to vector<16xf32>
        %mul3A_314 = arith.mulf %get3A_313, %gather3A_235 : vector<16xf32>
        %swap3A_315 = arith.index_cast %add3A_239 : i32 to index
        %swap3A_316 = arith.constant 112 : index
        %swap3A_317 = tpu.vector_load %arg11[%swap3A_315, %swap3A_316] {strides = array<i32>} : memref<128x128xf32, #tpu.memory_space<vmem>>, vector<1x16xf32>,
        %swap3A_318 = vector.shape_cast %swap3A_317 : vector<1x16xf32> to vector<16xf32>
        %swap3A_319 = vector.shape_cast %mul3A_314 : vector<16xf32> to vector<1x16xf32>
        tpu.vector_store %arg11[%swap3A_315, %swap3A_316], %swap3A_319 {strides = array<i32>} : memref<128x128xf32, #tpu.memory_space<vmem>>, vector<1x16xf32>,
        %broadcast_in_dim3A_320 = arith.constant 3 : i32
        %broadcast_in_dim3A_321 = vector.broadcast %broadcast_in_dim3A_320 : i32 to vector<16x1xi32>
        %gather3A_322 = vector.shape_cast %broadcast_in_dim3A_321 : vector<16x1xi32> to vector<16xi32>
        %gather3A_323 = tpu.dynamic_gather %get3A_58[%gather3A_322] in [0] : vector<16xf32>, vector<16xi32> -> vector<16xf32>
        %mul3A_324 = arith.constant 16 : i32
        %mul3A_325 = arith.muli %scan3A_52, %mul3A_324 : i32
        %add3A_326 = arith.constant 3 : i32
        %add3A_327 = arith.addi %mul3A_325, %add3A_326 : i32
        %get3A_328 = arith.index_cast %add3A_327 : i32 to index
        %get3A_329 = arith.constant 0 : index
        %get3A_330 = tpu.vector_load %arg11[%get3A_328, %get3A_329] {strides = array<i32>} : memref<128x128xf32, #tpu.memory_space<vmem>>, vector<1x16xf32>,
        %get3A_331 = vector.shape_cast %get3A_330 : vector<1x16xf32> to vector<16xf32>
        %mul3A_332 = arith.mulf %get3A_331, %gather3A_323 : vector<16xf32>
        %swap3A_333 = arith.index_cast %add3A_327 : i32 to index
        %swap3A_334 = arith.constant 0 : index
        %swap3A_335 = tpu.vector_load %arg11[%swap3A_333, %swap3A_334] {strides = array<i32>} : memref<128x128xf32, #tpu.memory_space<vmem>>, vector<1x16xf32>,
        %swap3A_336 = vector.shape_cast %swap3A_335 : vector<1x16xf32> to vector<16xf32>
        %swap3A_337 = vector.shape_cast %mul3A_332 : vector<16xf32> to vector<1x16xf32>
        tpu.vector_store %arg11[%swap3A_333, %swap3A_334], %swap3A_337 {strides = array<i32>} : memref<128x128xf32, #tpu.memory_space<vmem>>, vector<1x16xf32>,
        %get3A_338 = arith.index_cast %add3A_327 : i32 to index
        %get3A_339 = arith.constant 16 : index
        %get3A_340 = tpu.vector_load %arg11[%get3A_338, %get3A_339] {strides = array<i32>} : memref<128x128xf32, #tpu.memory_space<vmem>>, vector<1x16xf32>,
        %get3A_341 = vector.shape_cast %get3A_340 : vector<1x16xf32> to vector<16xf32>
        %mul3A_342 = arith.mulf %get3A_341, %gather3A_323 : vector<16xf32>
        %swap3A_343 = arith.index_cast %add3A_327 : i32 to index
        %swap3A_344 = arith.constant 16 : index
        %swap3A_345 = tpu.vector_load %arg11[%swap3A_343, %swap3A_344] {strides = array<i32>} : memref<128x128xf32, #tpu.memory_space<vmem>>, vector<1x16xf32>,
        %swap3A_346 = vector.shape_cast %swap3A_345 : vector<1x16xf32> to vector<16xf32>
        %swap3A_347 = vector.shape_cast %mul3A_342 : vector<16xf32> to vector<1x16xf32>
        tpu.vector_store %arg11[%swap3A_343, %swap3A_344], %swap3A_347 {strides = array<i32>} : memref<128x128xf32, #tpu.memory_space<vmem>>, vector<1x16xf32>,
        %get3A_348 = arith.index_cast %add3A_327 : i32 to index
        %get3A_349 = arith.constant 32 : index
        %get3A_350 = tpu.vector_load %arg11[%get3A_348, %get3A_349] {strides = array<i32>} : memref<128x128xf32, #tpu.memory_space<vmem>>, vector<1x16xf32>,
        %get3A_351 = vector.shape_cast %get3A_350 : vector<1x16xf32> to vector<16xf32>
        %mul3A_352 = arith.mulf %get3A_351, %gather3A_323 : vector<16xf32>
        %swap3A_353 = arith.index_cast %add3A_327 : i32 to index
        %swap3A_354 = arith.constant 32 : index
        %swap3A_355 = tpu.vector_load %arg11[%swap3A_353, %swap3A_354] {strides = array<i32>} : memref<128x128xf32, #tpu.memory_space<vmem>>, vector<1x16xf32>,
        %swap3A_356 = vector.shape_cast %swap3A_355 : vector<1x16xf32> to vector<16xf32>
        %swap3A_357 = vector.shape_cast %mul3A_352 : vector<16xf32> to vector<1x16xf32>
        tpu.vector_store %arg11[%swap3A_353, %swap3A_354], %swap3A_357 {strides = array<i32>} : memref<128x128xf32, #tpu.memory_space<vmem>>, vector<1x16xf32>,
        %get3A_358 = arith.index_cast %add3A_327 : i32 to index
        %get3A_359 = arith.constant 48 : index
        %get3A_360 = tpu.vector_load %arg11[%get3A_358, %get3A_359] {strides = array<i32>} : memref<128x128xf32, #tpu.memory_space<vmem>>, vector<1x16xf32>,
        %get3A_361 = vector.shape_cast %get3A_360 : vector<1x16xf32> to vector<16xf32>
        %mul3A_362 = arith.mulf %get3A_361, %gather3A_323 : vector<16xf32>
        %swap3A_363 = arith.index_cast %add3A_327 : i32 to index
        %swap3A_364 = arith.constant 48 : index
        %swap3A_365 = tpu.vector_load %arg11[%swap3A_363, %swap3A_364] {strides = array<i32>} : memref<128x128xf32, #tpu.memory_space<vmem>>, vector<1x16xf32>,
        %swap3A_366 = vector.shape_cast %swap3A_365 : vector<1x16xf32> to vector<16xf32>
        %swap3A_367 = vector.shape_cast %mul3A_362 : vector<16xf32> to vector<1x16xf32>
        tpu.vector_store %arg11[%swap3A_363, %swap3A_364], %swap3A_367 {strides = array<i32>} : memref<128x128xf32, #tpu.memory_space<vmem>>, vector<1x16xf32>,
        %get3A_368 = arith.index_cast %add3A_327 : i32 to index
        %get3A_369 = arith.constant 64 : index
        %get3A_370 = tpu.vector_load %arg11[%get3A_368, %get3A_369] {strides = array<i32>} : memref<128x128xf32, #tpu.memory_space<vmem>>, vector<1x16xf32>,
        %get3A_371 = vector.shape_cast %get3A_370 : vector<1x16xf32> to vector<16xf32>
        %mul3A_372 = arith.mulf %get3A_371, %gather3A_323 : vector<16xf32>
        %swap3A_373 = arith.index_cast %add3A_327 : i32 to index
        %swap3A_374 = arith.constant 64 : index
        %swap3A_375 = tpu.vector_load %arg11[%swap3A_373, %swap3A_374] {strides = array<i32>} : memref<128x128xf32, #tpu.memory_space<vmem>>, vector<1x16xf32>,
        %swap3A_376 = vector.shape_cast %swap3A_375 : vector<1x16xf32> to vector<16xf32>
        %swap3A_377 = vector.shape_cast %mul3A_372 : vector<16xf32> to vector<1x16xf32>
        tpu.vector_store %arg11[%swap3A_373, %swap3A_374], %swap3A_377 {strides = array<i32>} : memref<128x128xf32, #tpu.memory_space<vmem>>, vector<1x16xf32>,
        %get3A_378 = arith.index_cast %add3A_327 : i32 to index
        %get3A_379 = arith.constant 80 : index
        %get3A_380 = tpu.vector_load %arg11[%get3A_378, %get3A_379] {strides = array<i32>} : memref<128x128xf32, #tpu.memory_space<vmem>>, vector<1x16xf32>,
        %get3A_381 = vector.shape_cast %get3A_380 : vector<1x16xf32> to vector<16xf32>
        %mul3A_382 = arith.mulf %get3A_381, %gather3A_323 : vector<16xf32>
        %swap3A_383 = arith.index_cast %add3A_327 : i32 to index
        %swap3A_384 = arith.constant 80 : index
        %swap3A_385 = tpu.vector_load %arg11[%swap3A_383, %swap3A_384] {strides = array<i32>} : memref<128x128xf32, #tpu.memory_space<vmem>>, vector<1x16xf32>,
        %swap3A_386 = vector.shape_cast %swap3A_385 : vector<1x16xf32> to vector<16xf32>
        %swap3A_387 = vector.shape_cast %mul3A_382 : vector<16xf32> to vector<1x16xf32>
        tpu.vector_store %arg11[%swap3A_383, %swap3A_384], %swap3A_387 {strides = array<i32>} : memref<128x128xf32, #tpu.memory_space<vmem>>, vector<1x16xf32>,
        %get3A_388 = arith.index_cast %add3A_327 : i32 to index
        %get3A_389 = arith.constant 96 : index
        %get3A_390 = tpu.vector_load %arg11[%get3A_388, %get3A_389] {strides = array<i32>} : memref<128x128xf32, #tpu.memory_space<vmem>>, vector<1x16xf32>,
        %get3A_391 = vector.shape_cast %get3A_390 : vector<1x16xf32> to vector<16xf32>
        %mul3A_392 = arith.mulf %get3A_391, %gather3A_323 : vector<16xf32>
        %swap3A_393 = arith.index_cast %add3A_327 : i32 to index
        %swap3A_394 = arith.constant 96 : index
        %swap3A_395 = tpu.vector_load %arg11[%swap3A_393, %swap3A_394] {strides = array<i32>} : memref<128x128xf32, #tpu.memory_space<vmem>>, vector<1x16xf32>,
        %swap3A_396 = vector.shape_cast %swap3A_395 : vector<1x16xf32> to vector<16xf32>
        %swap3A_397 = vector.shape_cast %mul3A_392 : vector<16xf32> to vector<1x16xf32>
        tpu.vector_store %arg11[%swap3A_393, %swap3A_394], %swap3A_397 {strides = array<i32>} : memref<128x128xf32, #tpu.memory_space<vmem>>, vector<1x16xf32>,
        %get3A_398 = arith.index_cast %add3A_327 : i32 to index
        %get3A_399 = arith.constant 112 : index
        %get3A_400 = tpu.vector_load %arg11[%get3A_398, %get3A_399] {strides = array<i32>} : memref<128x128xf32, #tpu.memory_space<vmem>>, vector<1x16xf32>,
        %get3A_401 = vector.shape_cast %get3A_400 : vector<1x16xf32> to vector<16xf32>
        %mul3A_402 = arith.mulf %get3A_401, %gather3A_323 : vector<16xf32>
        %swap3A_403 = arith.index_cast %add3A_327 : i32 to index
        %swap3A_404 = arith.constant 112 : index
        %swap3A_405 = tpu.vector_load %arg11[%swap3A_403, %swap3A_404] {strides = array<i32>} : memref<128x128xf32, #tpu.memory_space<vmem>>, vector<1x16xf32>,
        %swap3A_406 = vector.shape_cast %swap3A_405 : vector<1x16xf32> to vector<16xf32>
        %swap3A_407 = vector.shape_cast %mul3A_402 : vector<16xf32> to vector<1x16xf32>
        tpu.vector_store %arg11[%swap3A_403, %swap3A_404], %swap3A_407 {strides = array<i32>} : memref<128x128xf32, #tpu.memory_space<vmem>>, vector<1x16xf32>,
        %broadcast_in_dim3A_408 = arith.constant 4 : i32
        %broadcast_in_dim3A_409 = vector.broadcast %broadcast_in_dim3A_408 : i32 to vector<16x1xi32>
        %gather3A_410 = vector.shape_cast %broadcast_in_dim3A_409 : vector<16x1xi32> to vector<16xi32>
        %gather3A_411 = tpu.dynamic_gather %get3A_58[%gather3A_410] in [0] : vector<16xf32>, vector<16xi32> -> vector<16xf32>
        %mul3A_412 = arith.constant 16 : i32
        %mul3A_413 = arith.muli %scan3A_52, %mul3A_412 : i32
        %add3A_414 = arith.constant 4 : i32
        %add3A_415 = arith.addi %mul3A_413, %add3A_414 : i32
        %get3A_416 = arith.index_cast %add3A_415 : i32 to index
        %get3A_417 = arith.constant 0 : index
        %get3A_418 = tpu.vector_load %arg11[%get3A_416, %get3A_417] {strides = array<i32>} : memref<128x128xf32, #tpu.memory_space<vmem>>, vector<1x16xf32>,
        %get3A_419 = vector.shape_cast %get3A_418 : vector<1x16xf32> to vector<16xf32>
        %mul3A_420 = arith.mulf %get3A_419, %gather3A_411 : vector<16xf32>
        %swap3A_421 = arith.index_cast %add3A_415 : i32 to index
        %swap3A_422 = arith.constant 0 : index
        %swap3A_423 = tpu.vector_load %arg11[%swap3A_421, %swap3A_422] {strides = array<i32>} : memref<128x128xf32, #tpu.memory_space<vmem>>, vector<1x16xf32>,
        %swap3A_424 = vector.shape_cast %swap3A_423 : vector<1x16xf32> to vector<16xf32>
        %swap3A_425 = vector.shape_cast %mul3A_420 : vector<16xf32> to vector<1x16xf32>
        tpu.vector_store %arg11[%swap3A_421, %swap3A_422], %swap3A_425 {strides = array<i32>} : memref<128x128xf32, #tpu.memory_space<vmem>>, vector<1x16xf32>,
        %get3A_426 = arith.index_cast %add3A_415 : i32 to index
        %get3A_427 = arith.constant 16 : index
        %get3A_428 = tpu.vector_load %arg11[%get3A_426, %get3A_427] {strides = array<i32>} : memref<128x128xf32, #tpu.memory_space<vmem>>, vector<1x16xf32>,
        %get3A_429 = vector.shape_cast %get3A_428 : vector<1x16xf32> to vector<16xf32>
        %mul3A_430 = arith.mulf %get3A_429, %gather3A_411 : vector<16xf32>
        %swap3A_431 = arith.index_cast %add3A_415 : i32 to index
        %swap3A_432 = arith.constant 16 : index
        %swap3A_433 = tpu.vector_load %arg11[%swap3A_431, %swap3A_432] {strides = array<i32>} : memref<128x128xf32, #tpu.memory_space<vmem>>, vector<1x16xf32>,
        %swap3A_434 = vector.shape_cast %swap3A_433 : vector<1x16xf32> to vector<16xf32>
        %swap3A_435 = vector.shape_cast %mul3A_430 : vector<16xf32> to vector<1x16xf32>
        tpu.vector_store %arg11[%swap3A_431, %swap3A_432], %swap3A_435 {strides = array<i32>} : memref<128x128xf32, #tpu.memory_space<vmem>>, vector<1x16xf32>,
        %get3A_436 = arith.index_cast %add3A_415 : i32 to index
        %get3A_437 = arith.constant 32 : index
        %get3A_438 = tpu.vector_load %arg11[%get3A_436, %get3A_437] {strides = array<i32>} : memref<128x128xf32, #tpu.memory_space<vmem>>, vector<1x16xf32>,
        %get3A_439 = vector.shape_cast %get3A_438 : vector<1x16xf32> to vector<16xf32>
        %mul3A_440 = arith.mulf %get3A_439, %gather3A_411 : vector<16xf32>
        %swap3A_441 = arith.index_cast %add3A_415 : i32 to index
        %swap3A_442 = arith.constant 32 : index
        %swap3A_443 = tpu.vector_load %arg11[%swap3A_441, %swap3A_442] {strides = array<i32>} : memref<128x128xf32, #tpu.memory_space<vmem>>, vector<1x16xf32>,
        %swap3A_444 = vector.shape_cast %swap3A_443 : vector<1x16xf32> to vector<16xf32>
        %swap3A_445 = vector.shape_cast %mul3A_440 : vector<16xf32> to vector<1x16xf32>
        tpu.vector_store %arg11[%swap3A_441, %swap3A_442], %swap3A_445 {strides = array<i32>} : memref<128x128xf32, #tpu.memory_space<vmem>>, vector<1x16xf32>,
        %get3A_446 = arith.index_cast %add3A_415 : i32 to index
        %get3A_447 = arith.constant 48 : index
        %get3A_448 = tpu.vector_load %arg11[%get3A_446, %get3A_447] {strides = array<i32>} : memref<128x128xf32, #tpu.memory_space<vmem>>, vector<1x16xf32>,
        %get3A_449 = vector.shape_cast %get3A_448 : vector<1x16xf32> to vector<16xf32>
        %mul3A_450 = arith.mulf %get3A_449, %gather3A_411 : vector<16xf32>
        %swap3A_451 = arith.index_cast %add3A_415 : i32 to index
        %swap3A_452 = arith.constant 48 : index
        %swap3A_453 = tpu.vector_load %arg11[%swap3A_451, %swap3A_452] {strides = array<i32>} : memref<128x128xf32, #tpu.memory_space<vmem>>, vector<1x16xf32>,
        %swap3A_454 = vector.shape_cast %swap3A_453 : vector<1x16xf32> to vector<16xf32>
        %swap3A_455 = vector.shape_cast %mul3A_450 : vector<16xf32> to vector<1x16xf32>
        tpu.vector_store %arg11[%swap3A_451, %swap3A_452], %swap3A_455 {strides = array<i32>} : memref<128x128xf32, #tpu.memory_space<vmem>>, vector<1x16xf32>,
        %get3A_456 = arith.index_cast %add3A_415 : i32 to index
        %get3A_457 = arith.constant 64 : index
        %get3A_458 = tpu.vector_load %arg11[%get3A_456, %get3A_457] {strides = array<i32>} : memref<128x128xf32, #tpu.memory_space<vmem>>, vector<1x16xf32>,
        %get3A_459 = vector.shape_cast %get3A_458 : vector<1x16xf32> to vector<16xf32>
        %mul3A_460 = arith.mulf %get3A_459, %gather3A_411 : vector<16xf32>
        %swap3A_461 = arith.index_cast %add3A_415 : i32 to index
        %swap3A_462 = arith.constant 64 : index
        %swap3A_463 = tpu.vector_load %arg11[%swap3A_461, %swap3A_462] {strides = array<i32>} : memref<128x128xf32, #tpu.memory_space<vmem>>, vector<1x16xf32>,
        %swap3A_464 = vector.shape_cast %swap3A_463 : vector<1x16xf32> to vector<16xf32>
        %swap3A_465 = vector.shape_cast %mul3A_460 : vector<16xf32> to vector<1x16xf32>
        tpu.vector_store %arg11[%swap3A_461, %swap3A_462], %swap3A_465 {strides = array<i32>} : memref<128x128xf32, #tpu.memory_space<vmem>>, vector<1x16xf32>,
        %get3A_466 = arith.index_cast %add3A_415 : i32 to index
        %get3A_467 = arith.constant 80 : index
        %get3A_468 = tpu.vector_load %arg11[%get3A_466, %get3A_467] {strides = array<i32>} : memref<128x128xf32, #tpu.memory_space<vmem>>, vector<1x16xf32>,
        %get3A_469 = vector.shape_cast %get3A_468 : vector<1x16xf32> to vector<16xf32>
        %mul3A_470 = arith.mulf %get3A_469, %gather3A_411 : vector<16xf32>
        %swap3A_471 = arith.index_cast %add3A_415 : i32 to index
        %swap3A_472 = arith.constant 80 : index
        %swap3A_473 = tpu.vector_load %arg11[%swap3A_471, %swap3A_472] {strides = array<i32>} : memref<128x128xf32, #tpu.memory_space<vmem>>, vector<1x16xf32>,
        %swap3A_474 = vector.shape_cast %swap3A_473 : vector<1x16xf32> to vector<16xf32>
        %swap3A_475 = vector.shape_cast %mul3A_470 : vector<16xf32> to vector<1x16xf32>
        tpu.vector_store %arg11[%swap3A_471, %swap3A_472], %swap3A_475 {strides = array<i32>} : memref<128x128xf32, #tpu.memory_space<vmem>>, vector<1x16xf32>,
        %get3A_476 = arith.index_cast %add3A_415 : i32 to index
        %get3A_477 = arith.constant 96 : index
        %get3A_478 = tpu.vector_load %arg11[%get3A_476, %get3A_477] {strides = array<i32>} : memref<128x128xf32, #tpu.memory_space<vmem>>, vector<1x16xf32>,
        %get3A_479 = vector.shape_cast %get3A_478 : vector<1x16xf32> to vector<16xf32>
        %mul3A_480 = arith.mulf %get3A_479, %gather3A_411 : vector<16xf32>
        %swap3A_481 = arith.index_cast %add3A_415 : i32 to index
        %swap3A_482 = arith.constant 96 : index
        %swap3A_483 = tpu.vector_load %arg11[%swap3A_481, %swap3A_482] {strides = array<i32>} : memref<128x128xf32, #tpu.memory_space<vmem>>, vector<1x16xf32>,
        %swap3A_484 = vector.shape_cast %swap3A_483 : vector<1x16xf32> to vector<16xf32>
        %swap3A_485 = vector.shape_cast %mul3A_480 : vector<16xf32> to vector<1x16xf32>
        tpu.vector_store %arg11[%swap3A_481, %swap3A_482], %swap3A_485 {strides = array<i32>} : memref<128x128xf32, #tpu.memory_space<vmem>>, vector<1x16xf32>,
        %get3A_486 = arith.index_cast %add3A_415 : i32 to index
        %get3A_487 = arith.constant 112 : index
        %get3A_488 = tpu.vector_load %arg11[%get3A_486, %get3A_487] {strides = array<i32>} : memref<128x128xf32, #tpu.memory_space<vmem>>, vector<1x16xf32>,
        %get3A_489 = vector.shape_cast %get3A_488 : vector<1x16xf32> to vector<16xf32>
        %mul3A_490 = arith.mulf %get3A_489, %gather3A_411 : vector<16xf32>
        %swap3A_491 = arith.index_cast %add3A_415 : i32 to index
        %swap3A_492 = arith.constant 112 : index
        %swap3A_493 = tpu.vector_load %arg11[%swap3A_491, %swap3A_492] {strides = array<i32>} : memref<128x128xf32, #tpu.memory_space<vmem>>, vector<1x16xf32>,
        %swap3A_494 = vector.shape_cast %swap3A_493 : vector<1x16xf32> to vector<16xf32>
        %swap3A_495 = vector.shape_cast %mul3A_490 : vector<16xf32> to vector<1x16xf32>
        tpu.vector_store %arg11[%swap3A_491, %swap3A_492], %swap3A_495 {strides = array<i32>} : memref<128x128xf32, #tpu.memory_space<vmem>>, vector<1x16xf32>,
        %broadcast_in_dim3A_496 = arith.constant 5 : i32
        %broadcast_in_dim3A_497 = vector.broadcast %broadcast_in_dim3A_496 : i32 to vector<16x1xi32>
        %gather3A_498 = vector.shape_cast %broadcast_in_dim3A_497 : vector<16x1xi32> to vector<16xi32>
        %gather3A_499 = tpu.dynamic_gather %get3A_58[%gather3A_498] in [0] : vector<16xf32>, vector<16xi32> -> vector<16xf32>
        %mul3A_500 = arith.constant 16 : i32
        %mul3A_501 = arith.muli %scan3A_52, %mul3A_500 : i32
        %add3A_502 = arith.constant 5 : i32
        %add3A_503 = arith.addi %mul3A_501, %add3A_502 : i32
        %get3A_504 = arith.index_cast %add3A_503 : i32 to index
        %get3A_505 = arith.constant 0 : index
        %get3A_506 = tpu.vector_load %arg11[%get3A_504, %get3A_505] {strides = array<i32>} : memref<128x128xf32, #tpu.memory_space<vmem>>, vector<1x16xf32>,
        %get3A_507 = vector.shape_cast %get3A_506 : vector<1x16xf32> to vector<16xf32>
        %mul3A_508 = arith.mulf %get3A_507, %gather3A_499 : vector<16xf32>
        %swap3A_509 = arith.index_cast %add3A_503 : i32 to index
        %swap3A_510 = arith.constant 0 : index
        %swap3A_511 = tpu.vector_load %arg11[%swap3A_509, %swap3A_510] {strides = array<i32>} : memref<128x128xf32, #tpu.memory_space<vmem>>, vector<1x16xf32>,
        %swap3A_512 = vector.shape_cast %swap3A_511 : vector<1x16xf32> to vector<16xf32>
        %swap3A_513 = vector.shape_cast %mul3A_508 : vector<16xf32> to vector<1x16xf32>
        tpu.vector_store %arg11[%swap3A_509, %swap3A_510], %swap3A_513 {strides = array<i32>} : memref<128x128xf32, #tpu.memory_space<vmem>>, vector<1x16xf32>,
        %get3A_514 = arith.index_cast %add3A_503 : i32 to index
        %get3A_515 = arith.constant 16 : index
        %get3A_516 = tpu.vector_load %arg11[%get3A_514, %get3A_515] {strides = array<i32>} : memref<128x128xf32, #tpu.memory_space<vmem>>, vector<1x16xf32>,
        %get3A_517 = vector.shape_cast %get3A_516 : vector<1x16xf32> to vector<16xf32>
        %mul3A_518 = arith.mulf %get3A_517, %gather3A_499 : vector<16xf32>
        %swap3A_519 = arith.index_cast %add3A_503 : i32 to index
        %swap3A_520 = arith.constant 16 : index
        %swap3A_521 = tpu.vector_load %arg11[%swap3A_519, %swap3A_520] {strides = array<i32>} : memref<128x128xf32, #tpu.memory_space<vmem>>, vector<1x16xf32>,
        %swap3A_522 = vector.shape_cast %swap3A_521 : vector<1x16xf32> to vector<16xf32>
        %swap3A_523 = vector.shape_cast %mul3A_518 : vector<16xf32> to vector<1x16xf32>
        tpu.vector_store %arg11[%swap3A_519, %swap3A_520], %swap3A_523 {strides = array<i32>} : memref<128x128xf32, #tpu.memory_space<vmem>>, vector<1x16xf32>,
        %get3A_524 = arith.index_cast %add3A_503 : i32 to index
        %get3A_525 = arith.constant 32 : index
        %get3A_526 = tpu.vector_load %arg11[%get3A_524, %get3A_525] {strides = array<i32>} : memref<128x128xf32, #tpu.memory_space<vmem>>, vector<1x16xf32>,
        %get3A_527 = vector.shape_cast %get3A_526 : vector<1x16xf32> to vector<16xf32>
        %mul3A_528 = arith.mulf %get3A_527, %gather3A_499 : vector<16xf32>
        %swap3A_529 = arith.index_cast %add3A_503 : i32 to index
        %swap3A_530 = arith.constant 32 : index
        %swap3A_531 = tpu.vector_load %arg11[%swap3A_529, %swap3A_530] {strides = array<i32>} : memref<128x128xf32, #tpu.memory_space<vmem>>, vector<1x16xf32>,
        %swap3A_532 = vector.shape_cast %swap3A_531 : vector<1x16xf32> to vector<16xf32>
        %swap3A_533 = vector.shape_cast %mul3A_528 : vector<16xf32> to vector<1x16xf32>
        tpu.vector_store %arg11[%swap3A_529, %swap3A_530], %swap3A_533 {strides = array<i32>} : memref<128x128xf32, #tpu.memory_space<vmem>>, vector<1x16xf32>,
        %get3A_534 = arith.index_cast %add3A_503 : i32 to index
        %get3A_535 = arith.constant 48 : index
        %get3A_536 = tpu.vector_load %arg11[%get3A_534, %get3A_535] {strides = array<i32>} : memref<128x128xf32, #tpu.memory_space<vmem>>, vector<1x16xf32>,
        %get3A_537 = vector.shape_cast %get3A_536 : vector<1x16xf32> to vector<16xf32>
        %mul3A_538 = arith.mulf %get3A_537, %gather3A_499 : vector<16xf32>
        %swap3A_539 = arith.index_cast %add3A_503 : i32 to index
        %swap3A_540 = arith.constant 48 : index
        %swap3A_541 = tpu.vector_load %arg11[%swap3A_539, %swap3A_540] {strides = array<i32>} : memref<128x128xf32, #tpu.memory_space<vmem>>, vector<1x16xf32>,
        %swap3A_542 = vector.shape_cast %swap3A_541 : vector<1x16xf32> to vector<16xf32>
        %swap3A_543 = vector.shape_cast %mul3A_538 : vector<16xf32> to vector<1x16xf32>
        tpu.vector_store %arg11[%swap3A_539, %swap3A_540], %swap3A_543 {strides = array<i32>} : memref<128x128xf32, #tpu.memory_space<vmem>>, vector<1x16xf32>,
        %get3A_544 = arith.index_cast %add3A_503 : i32 to index
        %get3A_545 = arith.constant 64 : index
        %get3A_546 = tpu.vector_load %arg11[%get3A_544, %get3A_545] {strides = array<i32>} : memref<128x128xf32, #tpu.memory_space<vmem>>, vector<1x16xf32>,
        %get3A_547 = vector.shape_cast %get3A_546 : vector<1x16xf32> to vector<16xf32>
        %mul3A_548 = arith.mulf %get3A_547, %gather3A_499 : vector<16xf32>
        %swap3A_549 = arith.index_cast %add3A_503 : i32 to index
        %swap3A_550 = arith.constant 64 : index
        %swap3A_551 = tpu.vector_load %arg11[%swap3A_549, %swap3A_550] {strides = array<i32>} : memref<128x128xf32, #tpu.memory_space<vmem>>, vector<1x16xf32>,
        %swap3A_552 = vector.shape_cast %swap3A_551 : vector<1x16xf32> to vector<16xf32>
        %swap3A_553 = vector.shape_cast %mul3A_548 : vector<16xf32> to vector<1x16xf32>
        tpu.vector_store %arg11[%swap3A_549, %swap3A_550], %swap3A_553 {strides = array<i32>} : memref<128x128xf32, #tpu.memory_space<vmem>>, vector<1x16xf32>,
        %get3A_554 = arith.index_cast %add3A_503 : i32 to index
        %get3A_555 = arith.constant 80 : index
        %get3A_556 = tpu.vector_load %arg11[%get3A_554, %get3A_555] {strides = array<i32>} : memref<128x128xf32, #tpu.memory_space<vmem>>, vector<1x16xf32>,
        %get3A_557 = vector.shape_cast %get3A_556 : vector<1x16xf32> to vector<16xf32>
        %mul3A_558 = arith.mulf %get3A_557, %gather3A_499 : vector<16xf32>
        %swap3A_559 = arith.index_cast %add3A_503 : i32 to index
        %swap3A_560 = arith.constant 80 : index
        %swap3A_561 = tpu.vector_load %arg11[%swap3A_559, %swap3A_560] {strides = array<i32>} : memref<128x128xf32, #tpu.memory_space<vmem>>, vector<1x16xf32>,
        %swap3A_562 = vector.shape_cast %swap3A_561 : vector<1x16xf32> to vector<16xf32>
        %swap3A_563 = vector.shape_cast %mul3A_558 : vector<16xf32> to vector<1x16xf32>
        tpu.vector_store %arg11[%swap3A_559, %swap3A_560], %swap3A_563 {strides = array<i32>} : memref<128x128xf32, #tpu.memory_space<vmem>>, vector<1x16xf32>,
        %get3A_564 = arith.index_cast %add3A_503 : i32 to index
        %get3A_565 = arith.constant 96 : index
        %get3A_566 = tpu.vector_load %arg11[%get3A_564, %get3A_565] {strides = array<i32>} : memref<128x128xf32, #tpu.memory_space<vmem>>, vector<1x16xf32>,
        %get3A_567 = vector.shape_cast %get3A_566 : vector<1x16xf32> to vector<16xf32>
        %mul3A_568 = arith.mulf %get3A_567, %gather3A_499 : vector<16xf32>
        %swap3A_569 = arith.index_cast %add3A_503 : i32 to index
        %swap3A_570 = arith.constant 96 : index
        %swap3A_571 = tpu.vector_load %arg11[%swap3A_569, %swap3A_570] {strides = array<i32>} : memref<128x128xf32, #tpu.memory_space<vmem>>, vector<1x16xf32>,
        %swap3A_572 = vector.shape_cast %swap3A_571 : vector<1x16xf32> to vector<16xf32>
        %swap3A_573 = vector.shape_cast %mul3A_568 : vector<16xf32> to vector<1x16xf32>
        tpu.vector_store %arg11[%swap3A_569, %swap3A_570], %swap3A_573 {strides = array<i32>} : memref<128x128xf32, #tpu.memory_space<vmem>>, vector<1x16xf32>,
        %get3A_574 = arith.index_cast %add3A_503 : i32 to index
        %get3A_575 = arith.constant 112 : index
        %get3A_576 = tpu.vector_load %arg11[%get3A_574, %get3A_575] {strides = array<i32>} : memref<128x128xf32, #tpu.memory_space<vmem>>, vector<1x16xf32>,
        %get3A_577 = vector.shape_cast %get3A_576 : vector<1x16xf32> to vector<16xf32>
        %mul3A_578 = arith.mulf %get3A_577, %gather3A_499 : vector<16xf32>
        %swap3A_579 = arith.index_cast %add3A_503 : i32 to index
        %swap3A_580 = arith.constant 112 : index
        %swap3A_581 = tpu.vector_load %arg11[%swap3A_579, %swap3A_580] {strides = array<i32>} : memref<128x128xf32, #tpu.memory_space<vmem>>, vector<1x16xf32>,
        %swap3A_582 = vector.shape_cast %swap3A_581 : vector<1x16xf32> to vector<16xf32>
        %swap3A_583 = vector.shape_cast %mul3A_578 : vector<16xf32> to vector<1x16xf32>
        tpu.vector_store %arg11[%swap3A_579, %swap3A_580], %swap3A_583 {strides = array<i32>} : memref<128x128xf32, #tpu.memory_space<vmem>>, vector<1x16xf32>,
        %broadcast_in_dim3A_584 = arith.constant 6 : i32
        %broadcast_in_dim3A_585 = vector.broadcast %broadcast_in_dim3A_584 : i32 to vector<16x1xi32>
        %gather3A_586 = vector.shape_cast %broadcast_in_dim3A_585 : vector<16x1xi32> to vector<16xi32>
        %gather3A_587 = tpu.dynamic_gather %get3A_58[%gather3A_586] in [0] : vector<16xf32>, vector<16xi32> -> vector<16xf32>
        %mul3A_588 = arith.constant 16 : i32
        %mul3A_589 = arith.muli %scan3A_52, %mul3A_588 : i32
        %add3A_590 = arith.constant 6 : i32
        %add3A_591 = arith.addi %mul3A_589, %add3A_590 : i32
        %get3A_592 = arith.index_cast %add3A_591 : i32 to index
        %get3A_593 = arith.constant 0 : index
        %get3A_594 = tpu.vector_load %arg11[%get3A_592, %get3A_593] {strides = array<i32>} : memref<128x128xf32, #tpu.memory_space<vmem>>, vector<1x16xf32>,
        %get3A_595 = vector.shape_cast %get3A_594 : vector<1x16xf32> to vector<16xf32>
        %mul3A_596 = arith.mulf %get3A_595, %gather3A_587 : vector<16xf32>
        %swap3A_597 = arith.index_cast %add3A_591 : i32 to index
        %swap3A_598 = arith.constant 0 : index
        %swap3A_599 = tpu.vector_load %arg11[%swap3A_597, %swap3A_598] {strides = array<i32>} : memref<128x128xf32, #tpu.memory_space<vmem>>, vector<1x16xf32>,
        %swap3A_600 = vector.shape_cast %swap3A_599 : vector<1x16xf32> to vector<16xf32>
        %swap3A_601 = vector.shape_cast %mul3A_596 : vector<16xf32> to vector<1x16xf32>
        tpu.vector_store %arg11[%swap3A_597, %swap3A_598], %swap3A_601 {strides = array<i32>} : memref<128x128xf32, #tpu.memory_space<vmem>>, vector<1x16xf32>,
        %get3A_602 = arith.index_cast %add3A_591 : i32 to index
        %get3A_603 = arith.constant 16 : index
        %get3A_604 = tpu.vector_load %arg11[%get3A_602, %get3A_603] {strides = array<i32>} : memref<128x128xf32, #tpu.memory_space<vmem>>, vector<1x16xf32>,
        %get3A_605 = vector.shape_cast %get3A_604 : vector<1x16xf32> to vector<16xf32>
        %mul3A_606 = arith.mulf %get3A_605, %gather3A_587 : vector<16xf32>
        %swap3A_607 = arith.index_cast %add3A_591 : i32 to index
        %swap3A_608 = arith.constant 16 : index
        %swap3A_609 = tpu.vector_load %arg11[%swap3A_607, %swap3A_608] {strides = array<i32>} : memref<128x128xf32, #tpu.memory_space<vmem>>, vector<1x16xf32>,
        %swap3A_610 = vector.shape_cast %swap3A_609 : vector<1x16xf32> to vector<16xf32>
        %swap3A_611 = vector.shape_cast %mul3A_606 : vector<16xf32> to vector<1x16xf32>
        tpu.vector_store %arg11[%swap3A_607, %swap3A_608], %swap3A_611 {strides = array<i32>} : memref<128x128xf32, #tpu.memory_space<vmem>>, vector<1x16xf32>,
        %get3A_612 = arith.index_cast %add3A_591 : i32 to index
        %get3A_613 = arith.constant 32 : index
        %get3A_614 = tpu.vector_load %arg11[%get3A_612, %get3A_613] {strides = array<i32>} : memref<128x128xf32, #tpu.memory_space<vmem>>, vector<1x16xf32>,
        %get3A_615 = vector.shape_cast %get3A_614 : vector<1x16xf32> to vector<16xf32>
        %mul3A_616 = arith.mulf %get3A_615, %gather3A_587 : vector<16xf32>
        %swap3A_617 = arith.index_cast %add3A_591 : i32 to index
        %swap3A_618 = arith.constant 32 : index
        %swap3A_619 = tpu.vector_load %arg11[%swap3A_617, %swap3A_618] {strides = array<i32>} : memref<128x128xf32, #tpu.memory_space<vmem>>, vector<1x16xf32>,
        %swap3A_620 = vector.shape_cast %swap3A_619 : vector<1x16xf32> to vector<16xf32>
        %swap3A_621 = vector.shape_cast %mul3A_616 : vector<16xf32> to vector<1x16xf32>
        tpu.vector_store %arg11[%swap3A_617, %swap3A_618], %swap3A_621 {strides = array<i32>} : memref<128x128xf32, #tpu.memory_space<vmem>>, vector<1x16xf32>,
        %get3A_622 = arith.index_cast %add3A_591 : i32 to index
        %get3A_623 = arith.constant 48 : index
        %get3A_624 = tpu.vector_load %arg11[%get3A_622, %get3A_623] {strides = array<i32>} : memref<128x128xf32, #tpu.memory_space<vmem>>, vector<1x16xf32>,
        %get3A_625 = vector.shape_cast %get3A_624 : vector<1x16xf32> to vector<16xf32>
        %mul3A_626 = arith.mulf %get3A_625, %gather3A_587 : vector<16xf32>
        %swap3A_627 = arith.index_cast %add3A_591 : i32 to index
        %swap3A_628 = arith.constant 48 : index
        %swap3A_629 = tpu.vector_load %arg11[%swap3A_627, %swap3A_628] {strides = array<i32>} : memref<128x128xf32, #tpu.memory_space<vmem>>, vector<1x16xf32>,
        %swap3A_630 = vector.shape_cast %swap3A_629 : vector<1x16xf32> to vector<16xf32>
        %swap3A_631 = vector.shape_cast %mul3A_626 : vector<16xf32> to vector<1x16xf32>
        tpu.vector_store %arg11[%swap3A_627, %swap3A_628], %swap3A_631 {strides = array<i32>} : memref<128x128xf32, #tpu.memory_space<vmem>>, vector<1x16xf32>,
        %get3A_632 = arith.index_cast %add3A_591 : i32 to index
        %get3A_633 = arith.constant 64 : index
        %get3A_634 = tpu.vector_load %arg11[%get3A_632, %get3A_633] {strides = array<i32>} : memref<128x128xf32, #tpu.memory_space<vmem>>, vector<1x16xf32>,
        %get3A_635 = vector.shape_cast %get3A_634 : vector<1x16xf32> to vector<16xf32>
        %mul3A_636 = arith.mulf %get3A_635, %gather3A_587 : vector<16xf32>
        %swap3A_637 = arith.index_cast %add3A_591 : i32 to index
        %swap3A_638 = arith.constant 64 : index
        %swap3A_639 = tpu.vector_load %arg11[%swap3A_637, %swap3A_638] {strides = array<i32>} : memref<128x128xf32, #tpu.memory_space<vmem>>, vector<1x16xf32>,
        %swap3A_640 = vector.shape_cast %swap3A_639 : vector<1x16xf32> to vector<16xf32>
        %swap3A_641 = vector.shape_cast %mul3A_636 : vector<16xf32> to vector<1x16xf32>
        tpu.vector_store %arg11[%swap3A_637, %swap3A_638], %swap3A_641 {strides = array<i32>} : memref<128x128xf32, #tpu.memory_space<vmem>>, vector<1x16xf32>,
        %get3A_642 = arith.index_cast %add3A_591 : i32 to index
        %get3A_643 = arith.constant 80 : index
        %get3A_644 = tpu.vector_load %arg11[%get3A_642, %get3A_643] {strides = array<i32>} : memref<128x128xf32, #tpu.memory_space<vmem>>, vector<1x16xf32>,
        %get3A_645 = vector.shape_cast %get3A_644 : vector<1x16xf32> to vector<16xf32>
        %mul3A_646 = arith.mulf %get3A_645, %gather3A_587 : vector<16xf32>
        %swap3A_647 = arith.index_cast %add3A_591 : i32 to index
        %swap3A_648 = arith.constant 80 : index
        %swap3A_649 = tpu.vector_load %arg11[%swap3A_647, %swap3A_648] {strides = array<i32>} : memref<128x128xf32, #tpu.memory_space<vmem>>, vector<1x16xf32>,
        %swap3A_650 = vector.shape_cast %swap3A_649 : vector<1x16xf32> to vector<16xf32>
        %swap3A_651 = vector.shape_cast %mul3A_646 : vector<16xf32> to vector<1x16xf32>
        tpu.vector_store %arg11[%swap3A_647, %swap3A_648], %swap3A_651 {strides = array<i32>} : memref<128x128xf32, #tpu.memory_space<vmem>>, vector<1x16xf32>,
        %get3A_652 = arith.index_cast %add3A_591 : i32 to index
        %get3A_653 = arith.constant 96 : index
        %get3A_654 = tpu.vector_load %arg11[%get3A_652, %get3A_653] {strides = array<i32>} : memref<128x128xf32, #tpu.memory_space<vmem>>, vector<1x16xf32>,
        %get3A_655 = vector.shape_cast %get3A_654 : vector<1x16xf32> to vector<16xf32>
        %mul3A_656 = arith.mulf %get3A_655, %gather3A_587 : vector<16xf32>
        %swap3A_657 = arith.index_cast %add3A_591 : i32 to index
        %swap3A_658 = arith.constant 96 : index
        %swap3A_659 = tpu.vector_load %arg11[%swap3A_657, %swap3A_658] {strides = array<i32>} : memref<128x128xf32, #tpu.memory_space<vmem>>, vector<1x16xf32>,
        %swap3A_660 = vector.shape_cast %swap3A_659 : vector<1x16xf32> to vector<16xf32>
        %swap3A_661 = vector.shape_cast %mul3A_656 : vector<16xf32> to vector<1x16xf32>
        tpu.vector_store %arg11[%swap3A_657, %swap3A_658], %swap3A_661 {strides = array<i32>} : memref<128x128xf32, #tpu.memory_space<vmem>>, vector<1x16xf32>,
        %get3A_662 = arith.index_cast %add3A_591 : i32 to index
        %get3A_663 = arith.constant 112 : index
        %get3A_664 = tpu.vector_load %arg11[%get3A_662, %get3A_663] {strides = array<i32>} : memref<128x128xf32, #tpu.memory_space<vmem>>, vector<1x16xf32>,
        %get3A_665 = vector.shape_cast %get3A_664 : vector<1x16xf32> to vector<16xf32>
        %mul3A_666 = arith.mulf %get3A_665, %gather3A_587 : vector<16xf32>
        %swap3A_667 = arith.index_cast %add3A_591 : i32 to index
        %swap3A_668 = arith.constant 112 : index
        %swap3A_669 = tpu.vector_load %arg11[%swap3A_667, %swap3A_668] {strides = array<i32>} : memref<128x128xf32, #tpu.memory_space<vmem>>, vector<1x16xf32>,
        %swap3A_670 = vector.shape_cast %swap3A_669 : vector<1x16xf32> to vector<16xf32>
        %swap3A_671 = vector.shape_cast %mul3A_666 : vector<16xf32> to vector<1x16xf32>
        tpu.vector_store %arg11[%swap3A_667, %swap3A_668], %swap3A_671 {strides = array<i32>} : memref<128x128xf32, #tpu.memory_space<vmem>>, vector<1x16xf32>,
        %broadcast_in_dim3A_672 = arith.constant 7 : i32
        %broadcast_in_dim3A_673 = vector.broadcast %broadcast_in_dim3A_672 : i32 to vector<16x1xi32>
        %gather3A_674 = vector.shape_cast %broadcast_in_dim3A_673 : vector<16x1xi32> to vector<16xi32>
        %gather3A_675 = tpu.dynamic_gather %get3A_58[%gather3A_674] in [0] : vector<16xf32>, vector<16xi32> -> vector<16xf32>
        %mul3A_676 = arith.constant 16 : i32
        %mul3A_677 = arith.muli %scan3A_52, %mul3A_676 : i32
        %add3A_678 = arith.constant 7 : i32
        %add3A_679 = arith.addi %mul3A_677, %add3A_678 : i32
        %get3A_680 = arith.index_cast %add3A_679 : i32 to index
        %get3A_681 = arith.constant 0 : index
        %get3A_682 = tpu.vector_load %arg11[%get3A_680, %get3A_681] {strides = array<i32>} : memref<128x128xf32, #tpu.memory_space<vmem>>, vector<1x16xf32>,
        %get3A_683 = vector.shape_cast %get3A_682 : vector<1x16xf32> to vector<16xf32>
        %mul3A_684 = arith.mulf %get3A_683, %gather3A_675 : vector<16xf32>
        %swap3A_685 = arith.index_cast %add3A_679 : i32 to index
        %swap3A_686 = arith.constant 0 : index
        %swap3A_687 = tpu.vector_load %arg11[%swap3A_685, %swap3A_686] {strides = array<i32>} : memref<128x128xf32, #tpu.memory_space<vmem>>, vector<1x16xf32>,
        %swap3A_688 = vector.shape_cast %swap3A_687 : vector<1x16xf32> to vector<16xf32>
        %swap3A_689 = vector.shape_cast %mul3A_684 : vector<16xf32> to vector<1x16xf32>
        tpu.vector_store %arg11[%swap3A_685, %swap3A_686], %swap3A_689 {strides = array<i32>} : memref<128x128xf32, #tpu.memory_space<vmem>>, vector<1x16xf32>,
        %get3A_690 = arith.index_cast %add3A_679 : i32 to index
        %get3A_691 = arith.constant 16 : index
        %get3A_692 = tpu.vector_load %arg11[%get3A_690, %get3A_691] {strides = array<i32>} : memref<128x128xf32, #tpu.memory_space<vmem>>, vector<1x16xf32>,
        %get3A_693 = vector.shape_cast %get3A_692 : vector<1x16xf32> to vector<16xf32>
        %mul3A_694 = arith.mulf %get3A_693, %gather3A_675 : vector<16xf32>
        %swap3A_695 = arith.index_cast %add3A_679 : i32 to index
        %swap3A_696 = arith.constant 16 : index
        %swap3A_697 = tpu.vector_load %arg11[%swap3A_695, %swap3A_696] {strides = array<i32>} : memref<128x128xf32, #tpu.memory_space<vmem>>, vector<1x16xf32>,
        %swap3A_698 = vector.shape_cast %swap3A_697 : vector<1x16xf32> to vector<16xf32>
        %swap3A_699 = vector.shape_cast %mul3A_694 : vector<16xf32> to vector<1x16xf32>
        tpu.vector_store %arg11[%swap3A_695, %swap3A_696], %swap3A_699 {strides = array<i32>} : memref<128x128xf32, #tpu.memory_space<vmem>>, vector<1x16xf32>,
        %get3A_700 = arith.index_cast %add3A_679 : i32 to index
        %get3A_701 = arith.constant 32 : index
        %get3A_702 = tpu.vector_load %arg11[%get3A_700, %get3A_701] {strides = array<i32>} : memref<128x128xf32, #tpu.memory_space<vmem>>, vector<1x16xf32>,
        %get3A_703 = vector.shape_cast %get3A_702 : vector<1x16xf32> to vector<16xf32>
        %mul3A_704 = arith.mulf %get3A_703, %gather3A_675 : vector<16xf32>
        %swap3A_705 = arith.index_cast %add3A_679 : i32 to index
        %swap3A_706 = arith.constant 32 : index
        %swap3A_707 = tpu.vector_load %arg11[%swap3A_705, %swap3A_706] {strides = array<i32>} : memref<128x128xf32, #tpu.memory_space<vmem>>, vector<1x16xf32>,
        %swap3A_708 = vector.shape_cast %swap3A_707 : vector<1x16xf32> to vector<16xf32>
        %swap3A_709 = vector.shape_cast %mul3A_704 : vector<16xf32> to vector<1x16xf32>
        tpu.vector_store %arg11[%swap3A_705, %swap3A_706], %swap3A_709 {strides = array<i32>} : memref<128x128xf32, #tpu.memory_space<vmem>>, vector<1x16xf32>,
        %get3A_710 = arith.index_cast %add3A_679 : i32 to index
        %get3A_711 = arith.constant 48 : index
        %get3A_712 = tpu.vector_load %arg11[%get3A_710, %get3A_711] {strides = array<i32>} : memref<128x128xf32, #tpu.memory_space<vmem>>, vector<1x16xf32>,
        %get3A_713 = vector.shape_cast %get3A_712 : vector<1x16xf32> to vector<16xf32>
        %mul3A_714 = arith.mulf %get3A_713, %gather3A_675 : vector<16xf32>
        %swap3A_715 = arith.index_cast %add3A_679 : i32 to index
        %swap3A_716 = arith.constant 48 : index
        %swap3A_717 = tpu.vector_load %arg11[%swap3A_715, %swap3A_716] {strides = array<i32>} : memref<128x128xf32, #tpu.memory_space<vmem>>, vector<1x16xf32>,
        %swap3A_718 = vector.shape_cast %swap3A_717 : vector<1x16xf32> to vector<16xf32>
        %swap3A_719 = vector.shape_cast %mul3A_714 : vector<16xf32> to vector<1x16xf32>
        tpu.vector_store %arg11[%swap3A_715, %swap3A_716], %swap3A_719 {strides = array<i32>} : memref<128x128xf32, #tpu.memory_space<vmem>>, vector<1x16xf32>,
        %get3A_720 = arith.index_cast %add3A_679 : i32 to index
        %get3A_721 = arith.constant 64 : index
        %get3A_722 = tpu.vector_load %arg11[%get3A_720, %get3A_721] {strides = array<i32>} : memref<128x128xf32, #tpu.memory_space<vmem>>, vector<1x16xf32>,
        %get3A_723 = vector.shape_cast %get3A_722 : vector<1x16xf32> to vector<16xf32>
        %mul3A_724 = arith.mulf %get3A_723, %gather3A_675 : vector<16xf32>
        %swap3A_725 = arith.index_cast %add3A_679 : i32 to index
        %swap3A_726 = arith.constant 64 : index
        %swap3A_727 = tpu.vector_load %arg11[%swap3A_725, %swap3A_726] {strides = array<i32>} : memref<128x128xf32, #tpu.memory_space<vmem>>, vector<1x16xf32>,
        %swap3A_728 = vector.shape_cast %swap3A_727 : vector<1x16xf32> to vector<16xf32>
        %swap3A_729 = vector.shape_cast %mul3A_724 : vector<16xf32> to vector<1x16xf32>
        tpu.vector_store %arg11[%swap3A_725, %swap3A_726], %swap3A_729 {strides = array<i32>} : memref<128x128xf32, #tpu.memory_space<vmem>>, vector<1x16xf32>,
        %get3A_730 = arith.index_cast %add3A_679 : i32 to index
        %get3A_731 = arith.constant 80 : index
        %get3A_732 = tpu.vector_load %arg11[%get3A_730, %get3A_731] {strides = array<i32>} : memref<128x128xf32, #tpu.memory_space<vmem>>, vector<1x16xf32>,
        %get3A_733 = vector.shape_cast %get3A_732 : vector<1x16xf32> to vector<16xf32>
        %mul3A_734 = arith.mulf %get3A_733, %gather3A_675 : vector<16xf32>
        %swap3A_735 = arith.index_cast %add3A_679 : i32 to index
        %swap3A_736 = arith.constant 80 : index
        %swap3A_737 = tpu.vector_load %arg11[%swap3A_735, %swap3A_736] {strides = array<i32>} : memref<128x128xf32, #tpu.memory_space<vmem>>, vector<1x16xf32>,
        %swap3A_738 = vector.shape_cast %swap3A_737 : vector<1x16xf32> to vector<16xf32>
        %swap3A_739 = vector.shape_cast %mul3A_734 : vector<16xf32> to vector<1x16xf32>
        tpu.vector_store %arg11[%swap3A_735, %swap3A_736], %swap3A_739 {strides = array<i32>} : memref<128x128xf32, #tpu.memory_space<vmem>>, vector<1x16xf32>,
        %get3A_740 = arith.index_cast %add3A_679 : i32 to index
        %get3A_741 = arith.constant 96 : index
        %get3A_742 = tpu.vector_load %arg11[%get3A_740, %get3A_741] {strides = array<i32>} : memref<128x128xf32, #tpu.memory_space<vmem>>, vector<1x16xf32>,
        %get3A_743 = vector.shape_cast %get3A_742 : vector<1x16xf32> to vector<16xf32>
        %mul3A_744 = arith.mulf %get3A_743, %gather3A_675 : vector<16xf32>
        %swap3A_745 = arith.index_cast %add3A_679 : i32 to index
        %swap3A_746 = arith.constant 96 : index
        %swap3A_747 = tpu.vector_load %arg11[%swap3A_745, %swap3A_746] {strides = array<i32>} : memref<128x128xf32, #tpu.memory_space<vmem>>, vector<1x16xf32>,
        %swap3A_748 = vector.shape_cast %swap3A_747 : vector<1x16xf32> to vector<16xf32>
        %swap3A_749 = vector.shape_cast %mul3A_744 : vector<16xf32> to vector<1x16xf32>
        tpu.vector_store %arg11[%swap3A_745, %swap3A_746], %swap3A_749 {strides = array<i32>} : memref<128x128xf32, #tpu.memory_space<vmem>>, vector<1x16xf32>,
        %get3A_750 = arith.index_cast %add3A_679 : i32 to index
        %get3A_751 = arith.constant 112 : index
        %get3A_752 = tpu.vector_load %arg11[%get3A_750, %get3A_751] {strides = array<i32>} : memref<128x128xf32, #tpu.memory_space<vmem>>, vector<1x16xf32>,
        %get3A_753 = vector.shape_cast %get3A_752 : vector<1x16xf32> to vector<16xf32>
        %mul3A_754 = arith.mulf %get3A_753, %gather3A_675 : vector<16xf32>
        %swap3A_755 = arith.index_cast %add3A_679 : i32 to index
        %swap3A_756 = arith.constant 112 : index
        %swap3A_757 = tpu.vector_load %arg11[%swap3A_755, %swap3A_756] {strides = array<i32>} : memref<128x128xf32, #tpu.memory_space<vmem>>, vector<1x16xf32>,
        %swap3A_758 = vector.shape_cast %swap3A_757 : vector<1x16xf32> to vector<16xf32>
        %swap3A_759 = vector.shape_cast %mul3A_754 : vector<16xf32> to vector<1x16xf32>
        tpu.vector_store %arg11[%swap3A_755, %swap3A_756], %swap3A_759 {strides = array<i32>} : memref<128x128xf32, #tpu.memory_space<vmem>>, vector<1x16xf32>,
        %broadcast_in_dim3A_760 = arith.constant 8 : i32
        %broadcast_in_dim3A_761 = vector.broadcast %broadcast_in_dim3A_760 : i32 to vector<16x1xi32>
        %gather3A_762 = vector.shape_cast %broadcast_in_dim3A_761 : vector<16x1xi32> to vector<16xi32>
        %gather3A_763 = tpu.dynamic_gather %get3A_58[%gather3A_762] in [0] : vector<16xf32>, vector<16xi32> -> vector<16xf32>
        %mul3A_764 = arith.constant 16 : i32
        %mul3A_765 = arith.muli %scan3A_52, %mul3A_764 : i32
        %add3A_766 = arith.constant 8 : i32
        %add3A_767 = arith.addi %mul3A_765, %add3A_766 : i32
        %get3A_768 = arith.index_cast %add3A_767 : i32 to index
        %get3A_769 = arith.constant 0 : index
        %get3A_770 = tpu.vector_load %arg11[%get3A_768, %get3A_769] {strides = array<i32>} : memref<128x128xf32, #tpu.memory_space<vmem>>, vector<1x16xf32>,
        %get3A_771 = vector.shape_cast %get3A_770 : vector<1x16xf32> to vector<16xf32>
        %mul3A_772 = arith.mulf %get3A_771, %gather3A_763 : vector<16xf32>
        %swap3A_773 = arith.index_cast %add3A_767 : i32 to index
        %swap3A_774 = arith.constant 0 : index
        %swap3A_775 = tpu.vector_load %arg11[%swap3A_773, %swap3A_774] {strides = array<i32>} : memref<128x128xf32, #tpu.memory_space<vmem>>, vector<1x16xf32>,
        %swap3A_776 = vector.shape_cast %swap3A_775 : vector<1x16xf32> to vector<16xf32>
        %swap3A_777 = vector.shape_cast %mul3A_772 : vector<16xf32> to vector<1x16xf32>
        tpu.vector_store %arg11[%swap3A_773, %swap3A_774], %swap3A_777 {strides = array<i32>} : memref<128x128xf32, #tpu.memory_space<vmem>>, vector<1x16xf32>,
        %get3A_778 = arith.index_cast %add3A_767 : i32 to index
        %get3A_779 = arith.constant 16 : index
        %get3A_780 = tpu.vector_load %arg11[%get3A_778, %get3A_779] {strides = array<i32>} : memref<128x128xf32, #tpu.memory_space<vmem>>, vector<1x16xf32>,
        %get3A_781 = vector.shape_cast %get3A_780 : vector<1x16xf32> to vector<16xf32>
        %mul3A_782 = arith.mulf %get3A_781, %gather3A_763 : vector<16xf32>
        %swap3A_783 = arith.index_cast %add3A_767 : i32 to index
        %swap3A_784 = arith.constant 16 : index
        %swap3A_785 = tpu.vector_load %arg11[%swap3A_783, %swap3A_784] {strides = array<i32>} : memref<128x128xf32, #tpu.memory_space<vmem>>, vector<1x16xf32>,
        %swap3A_786 = vector.shape_cast %swap3A_785 : vector<1x16xf32> to vector<16xf32>
        %swap3A_787 = vector.shape_cast %mul3A_782 : vector<16xf32> to vector<1x16xf32>
        tpu.vector_store %arg11[%swap3A_783, %swap3A_784], %swap3A_787 {strides = array<i32>} : memref<128x128xf32, #tpu.memory_space<vmem>>, vector<1x16xf32>,
        %get3A_788 = arith.index_cast %add3A_767 : i32 to index
        %get3A_789 = arith.constant 32 : index
        %get3A_790 = tpu.vector_load %arg11[%get3A_788, %get3A_789] {strides = array<i32>} : memref<128x128xf32, #tpu.memory_space<vmem>>, vector<1x16xf32>,
        %get3A_791 = vector.shape_cast %get3A_790 : vector<1x16xf32> to vector<16xf32>
        %mul3A_792 = arith.mulf %get3A_791, %gather3A_763 : vector<16xf32>
        %swap3A_793 = arith.index_cast %add3A_767 : i32 to index
        %swap3A_794 = arith.constant 32 : index
        %swap3A_795 = tpu.vector_load %arg11[%swap3A_793, %swap3A_794] {strides = array<i32>} : memref<128x128xf32, #tpu.memory_space<vmem>>, vector<1x16xf32>,
        %swap3A_796 = vector.shape_cast %swap3A_795 : vector<1x16xf32> to vector<16xf32>
        %swap3A_797 = vector.shape_cast %mul3A_792 : vector<16xf32> to vector<1x16xf32>
        tpu.vector_store %arg11[%swap3A_793, %swap3A_794], %swap3A_797 {strides = array<i32>} : memref<128x128xf32, #tpu.memory_space<vmem>>, vector<1x16xf32>,
        %get3A_798 = arith.index_cast %add3A_767 : i32 to index
        %get3A_799 = arith.constant 48 : index
        %get3A_800 = tpu.vector_load %arg11[%get3A_798, %get3A_799] {strides = array<i32>} : memref<128x128xf32, #tpu.memory_space<vmem>>, vector<1x16xf32>,
        %get3A_801 = vector.shape_cast %get3A_800 : vector<1x16xf32> to vector<16xf32>
        %mul3A_802 = arith.mulf %get3A_801, %gather3A_763 : vector<16xf32>
        %swap3A_803 = arith.index_cast %add3A_767 : i32 to index
        %swap3A_804 = arith.constant 48 : index
        %swap3A_805 = tpu.vector_load %arg11[%swap3A_803, %swap3A_804] {strides = array<i32>} : memref<128x128xf32, #tpu.memory_space<vmem>>, vector<1x16xf32>,
        %swap3A_806 = vector.shape_cast %swap3A_805 : vector<1x16xf32> to vector<16xf32>
        %swap3A_807 = vector.shape_cast %mul3A_802 : vector<16xf32> to vector<1x16xf32>
        tpu.vector_store %arg11[%swap3A_803, %swap3A_804], %swap3A_807 {strides = array<i32>} : memref<128x128xf32, #tpu.memory_space<vmem>>, vector<1x16xf32>,
        %get3A_808 = arith.index_cast %add3A_767 : i32 to index
        %get3A_809 = arith.constant 64 : index
        %get3A_810 = tpu.vector_load %arg11[%get3A_808, %get3A_809] {strides = array<i32>} : memref<128x128xf32, #tpu.memory_space<vmem>>, vector<1x16xf32>,
        %get3A_811 = vector.shape_cast %get3A_810 : vector<1x16xf32> to vector<16xf32>
        %mul3A_812 = arith.mulf %get3A_811, %gather3A_763 : vector<16xf32>
        %swap3A_813 = arith.index_cast %add3A_767 : i32 to index
        %swap3A_814 = arith.constant 64 : index
        %swap3A_815 = tpu.vector_load %arg11[%swap3A_813, %swap3A_814] {strides = array<i32>} : memref<128x128xf32, #tpu.memory_space<vmem>>, vector<1x16xf32>,
        %swap3A_816 = vector.shape_cast %swap3A_815 : vector<1x16xf32> to vector<16xf32>
        %swap3A_817 = vector.shape_cast %mul3A_812 : vector<16xf32> to vector<1x16xf32>
        tpu.vector_store %arg11[%swap3A_813, %swap3A_814], %swap3A_817 {strides = array<i32>} : memref<128x128xf32, #tpu.memory_space<vmem>>, vector<1x16xf32>,
        %get3A_818 = arith.index_cast %add3A_767 : i32 to index
        %get3A_819 = arith.constant 80 : index
        %get3A_820 = tpu.vector_load %arg11[%get3A_818, %get3A_819] {strides = array<i32>} : memref<128x128xf32, #tpu.memory_space<vmem>>, vector<1x16xf32>,
        %get3A_821 = vector.shape_cast %get3A_820 : vector<1x16xf32> to vector<16xf32>
        %mul3A_822 = arith.mulf %get3A_821, %gather3A_763 : vector<16xf32>
        %swap3A_823 = arith.index_cast %add3A_767 : i32 to index
        %swap3A_824 = arith.constant 80 : index
        %swap3A_825 = tpu.vector_load %arg11[%swap3A_823, %swap3A_824] {strides = array<i32>} : memref<128x128xf32, #tpu.memory_space<vmem>>, vector<1x16xf32>,
        %swap3A_826 = vector.shape_cast %swap3A_825 : vector<1x16xf32> to vector<16xf32>
        %swap3A_827 = vector.shape_cast %mul3A_822 : vector<16xf32> to vector<1x16xf32>
        tpu.vector_store %arg11[%swap3A_823, %swap3A_824], %swap3A_827 {strides = array<i32>} : memref<128x128xf32, #tpu.memory_space<vmem>>, vector<1x16xf32>,
        %get3A_828 = arith.index_cast %add3A_767 : i32 to index
        %get3A_829 = arith.constant 96 : index
        %get3A_830 = tpu.vector_load %arg11[%get3A_828, %get3A_829] {strides = array<i32>} : memref<128x128xf32, #tpu.memory_space<vmem>>, vector<1x16xf32>,
        %get3A_831 = vector.shape_cast %get3A_830 : vector<1x16xf32> to vector<16xf32>
        %mul3A_832 = arith.mulf %get3A_831, %gather3A_763 : vector<16xf32>
        %swap3A_833 = arith.index_cast %add3A_767 : i32 to index
        %swap3A_834 = arith.constant 96 : index
        %swap3A_835 = tpu.vector_load %arg11[%swap3A_833, %swap3A_834] {strides = array<i32>} : memref<128x128xf32, #tpu.memory_space<vmem>>, vector<1x16xf32>,
        %swap3A_836 = vector.shape_cast %swap3A_835 : vector<1x16xf32> to vector<16xf32>
        %swap3A_837 = vector.shape_cast %mul3A_832 : vector<16xf32> to vector<1x16xf32>
        tpu.vector_store %arg11[%swap3A_833, %swap3A_834], %swap3A_837 {strides = array<i32>} : memref<128x128xf32, #tpu.memory_space<vmem>>, vector<1x16xf32>,
        %get3A_838 = arith.index_cast %add3A_767 : i32 to index
        %get3A_839 = arith.constant 112 : index
        %get3A_840 = tpu.vector_load %arg11[%get3A_838, %get3A_839] {strides = array<i32>} : memref<128x128xf32, #tpu.memory_space<vmem>>, vector<1x16xf32>,
        %get3A_841 = vector.shape_cast %get3A_840 : vector<1x16xf32> to vector<16xf32>
        %mul3A_842 = arith.mulf %get3A_841, %gather3A_763 : vector<16xf32>
        %swap3A_843 = arith.index_cast %add3A_767 : i32 to index
        %swap3A_844 = arith.constant 112 : index
        %swap3A_845 = tpu.vector_load %arg11[%swap3A_843, %swap3A_844] {strides = array<i32>} : memref<128x128xf32, #tpu.memory_space<vmem>>, vector<1x16xf32>,
        %swap3A_846 = vector.shape_cast %swap3A_845 : vector<1x16xf32> to vector<16xf32>
        %swap3A_847 = vector.shape_cast %mul3A_842 : vector<16xf32> to vector<1x16xf32>
        tpu.vector_store %arg11[%swap3A_843, %swap3A_844], %swap3A_847 {strides = array<i32>} : memref<128x128xf32, #tpu.memory_space<vmem>>, vector<1x16xf32>,
        %broadcast_in_dim3A_848 = arith.constant 9 : i32
        %broadcast_in_dim3A_849 = vector.broadcast %broadcast_in_dim3A_848 : i32 to vector<16x1xi32>
        %gather3A_850 = vector.shape_cast %broadcast_in_dim3A_849 : vector<16x1xi32> to vector<16xi32>
        %gather3A_851 = tpu.dynamic_gather %get3A_58[%gather3A_850] in [0] : vector<16xf32>, vector<16xi32> -> vector<16xf32>
        %mul3A_852 = arith.constant 16 : i32
        %mul3A_853 = arith.muli %scan3A_52, %mul3A_852 : i32
        %add3A_854 = arith.constant 9 : i32
        %add3A_855 = arith.addi %mul3A_853, %add3A_854 : i32
        %get3A_856 = arith.index_cast %add3A_855 : i32 to index
        %get3A_857 = arith.constant 0 : index
        %get3A_858 = tpu.vector_load %arg11[%get3A_856, %get3A_857] {strides = array<i32>} : memref<128x128xf32, #tpu.memory_space<vmem>>, vector<1x16xf32>,
        %get3A_859 = vector.shape_cast %get3A_858 : vector<1x16xf32> to vector<16xf32>
        %mul3A_860 = arith.mulf %get3A_859, %gather3A_851 : vector<16xf32>
        %swap3A_861 = arith.index_cast %add3A_855 : i32 to index
        %swap3A_862 = arith.constant 0 : index
        %swap3A_863 = tpu.vector_load %arg11[%swap3A_861, %swap3A_862] {strides = array<i32>} : memref<128x128xf32, #tpu.memory_space<vmem>>, vector<1x16xf32>,
        %swap3A_864 = vector.shape_cast %swap3A_863 : vector<1x16xf32> to vector<16xf32>
        %swap3A_865 = vector.shape_cast %mul3A_860 : vector<16xf32> to vector<1x16xf32>
        tpu.vector_store %arg11[%swap3A_861, %swap3A_862], %swap3A_865 {strides = array<i32>} : memref<128x128xf32, #tpu.memory_space<vmem>>, vector<1x16xf32>,
        %get3A_866 = arith.index_cast %add3A_855 : i32 to index
        %get3A_867 = arith.constant 16 : index
        %get3A_868 = tpu.vector_load %arg11[%get3A_866, %get3A_867] {strides = array<i32>} : memref<128x128xf32, #tpu.memory_space<vmem>>, vector<1x16xf32>,
        %get3A_869 = vector.shape_cast %get3A_868 : vector<1x16xf32> to vector<16xf32>
        %mul3A_870 = arith.mulf %get3A_869, %gather3A_851 : vector<16xf32>
        %swap3A_871 = arith.index_cast %add3A_855 : i32 to index
        %swap3A_872 = arith.constant 16 : index
        %swap3A_873 = tpu.vector_load %arg11[%swap3A_871, %swap3A_872] {strides = array<i32>} : memref<128x128xf32, #tpu.memory_space<vmem>>, vector<1x16xf32>,
        %swap3A_874 = vector.shape_cast %swap3A_873 : vector<1x16xf32> to vector<16xf32>
        %swap3A_875 = vector.shape_cast %mul3A_870 : vector<16xf32> to vector<1x16xf32>
        tpu.vector_store %arg11[%swap3A_871, %swap3A_872], %swap3A_875 {strides = array<i32>} : memref<128x128xf32, #tpu.memory_space<vmem>>, vector<1x16xf32>,
        %get3A_876 = arith.index_cast %add3A_855 : i32 to index
        %get3A_877 = arith.constant 32 : index
        %get3A_878 = tpu.vector_load %arg11[%get3A_876, %get3A_877] {strides = array<i32>} : memref<128x128xf32, #tpu.memory_space<vmem>>, vector<1x16xf32>,
        %get3A_879 = vector.shape_cast %get3A_878 : vector<1x16xf32> to vector<16xf32>
        %mul3A_880 = arith.mulf %get3A_879, %gather3A_851 : vector<16xf32>
        %swap3A_881 = arith.index_cast %add3A_855 : i32 to index
        %swap3A_882 = arith.constant 32 : index
        %swap3A_883 = tpu.vector_load %arg11[%swap3A_881, %swap3A_882] {strides = array<i32>} : memref<128x128xf32, #tpu.memory_space<vmem>>, vector<1x16xf32>,
        %swap3A_884 = vector.shape_cast %swap3A_883 : vector<1x16xf32> to vector<16xf32>
        %swap3A_885 = vector.shape_cast %mul3A_880 : vector<16xf32> to vector<1x16xf32>
        tpu.vector_store %arg11[%swap3A_881, %swap3A_882], %swap3A_885 {strides = array<i32>} : memref<128x128xf32, #tpu.memory_space<vmem>>, vector<1x16xf32>,
        %get3A_886 = arith.index_cast %add3A_855 : i32 to index
        %get3A_887 = arith.constant 48 : index
        %get3A_888 = tpu.vector_load %arg11[%get3A_886, %get3A_887] {strides = array<i32>} : memref<128x128xf32, #tpu.memory_space<vmem>>, vector<1x16xf32>,
        %get3A_889 = vector.shape_cast %get3A_888 : vector<1x16xf32> to vector<16xf32>
        %mul3A_890 = arith.mulf %get3A_889, %gather3A_851 : vector<16xf32>
        %swap3A_891 = arith.index_cast %add3A_855 : i32 to index
        %swap3A_892 = arith.constant 48 : index
        %swap3A_893 = tpu.vector_load %arg11[%swap3A_891, %swap3A_892] {strides = array<i32>} : memref<128x128xf32, #tpu.memory_space<vmem>>, vector<1x16xf32>,
        %swap3A_894 = vector.shape_cast %swap3A_893 : vector<1x16xf32> to vector<16xf32>
        %swap3A_895 = vector.shape_cast %mul3A_890 : vector<16xf32> to vector<1x16xf32>
        tpu.vector_store %arg11[%swap3A_891, %swap3A_892], %swap3A_895 {strides = array<i32>} : memref<128x128xf32, #tpu.memory_space<vmem>>, vector<1x16xf32>,
        %get3A_896 = arith.index_cast %add3A_855 : i32 to index
        %get3A_897 = arith.constant 64 : index
        %get3A_898 = tpu.vector_load %arg11[%get3A_896, %get3A_897] {strides = array<i32>} : memref<128x128xf32, #tpu.memory_space<vmem>>, vector<1x16xf32>,
        %get3A_899 = vector.shape_cast %get3A_898 : vector<1x16xf32> to vector<16xf32>
        %mul3A_900 = arith.mulf %get3A_899, %gather3A_851 : vector<16xf32>
        %swap3A_901 = arith.index_cast %add3A_855 : i32 to index
        %swap3A_902 = arith.constant 64 : index
        %swap3A_903 = tpu.vector_load %arg11[%swap3A_901, %swap3A_902] {strides = array<i32>} : memref<128x128xf32, #tpu.memory_space<vmem>>, vector<1x16xf32>,
        %swap3A_904 = vector.shape_cast %swap3A_903 : vector<1x16xf32> to vector<16xf32>
        %swap3A_905 = vector.shape_cast %mul3A_900 : vector<16xf32> to vector<1x16xf32>
        tpu.vector_store %arg11[%swap3A_901, %swap3A_902], %swap3A_905 {strides = array<i32>} : memref<128x128xf32, #tpu.memory_space<vmem>>, vector<1x16xf32>,
        %get3A_906 = arith.index_cast %add3A_855 : i32 to index
        %get3A_907 = arith.constant 80 : index
        %get3A_908 = tpu.vector_load %arg11[%get3A_906, %get3A_907] {strides = array<i32>} : memref<128x128xf32, #tpu.memory_space<vmem>>, vector<1x16xf32>,
        %get3A_909 = vector.shape_cast %get3A_908 : vector<1x16xf32> to vector<16xf32>
        %mul3A_910 = arith.mulf %get3A_909, %gather3A_851 : vector<16xf32>
        %swap3A_911 = arith.index_cast %add3A_855 : i32 to index
        %swap3A_912 = arith.constant 80 : index
        %swap3A_913 = tpu.vector_load %arg11[%swap3A_911, %swap3A_912] {strides = array<i32>} : memref<128x128xf32, #tpu.memory_space<vmem>>, vector<1x16xf32>,
        %swap3A_914 = vector.shape_cast %swap3A_913 : vector<1x16xf32> to vector<16xf32>
        %swap3A_915 = vector.shape_cast %mul3A_910 : vector<16xf32> to vector<1x16xf32>
        tpu.vector_store %arg11[%swap3A_911, %swap3A_912], %swap3A_915 {strides = array<i32>} : memref<128x128xf32, #tpu.memory_space<vmem>>, vector<1x16xf32>,
        %get3A_916 = arith.index_cast %add3A_855 : i32 to index
        %get3A_917 = arith.constant 96 : index
        %get3A_918 = tpu.vector_load %arg11[%get3A_916, %get3A_917] {strides = array<i32>} : memref<128x128xf32, #tpu.memory_space<vmem>>, vector<1x16xf32>,
        %get3A_919 = vector.shape_cast %get3A_918 : vector<1x16xf32> to vector<16xf32>
        %mul3A_920 = arith.mulf %get3A_919, %gather3A_851 : vector<16xf32>
        %swap3A_921 = arith.index_cast %add3A_855 : i32 to index
        %swap3A_922 = arith.constant 96 : index
        %swap3A_923 = tpu.vector_load %arg11[%swap3A_921, %swap3A_922] {strides = array<i32>} : memref<128x128xf32, #tpu.memory_space<vmem>>, vector<1x16xf32>,
        %swap3A_924 = vector.shape_cast %swap3A_923 : vector<1x16xf32> to vector<16xf32>
        %swap3A_925 = vector.shape_cast %mul3A_920 : vector<16xf32> to vector<1x16xf32>
        tpu.vector_store %arg11[%swap3A_921, %swap3A_922], %swap3A_925 {strides = array<i32>} : memref<128x128xf32, #tpu.memory_space<vmem>>, vector<1x16xf32>,
        %get3A_926 = arith.index_cast %add3A_855 : i32 to index
        %get3A_927 = arith.constant 112 : index
        %get3A_928 = tpu.vector_load %arg11[%get3A_926, %get3A_927] {strides = array<i32>} : memref<128x128xf32, #tpu.memory_space<vmem>>, vector<1x16xf32>,
        %get3A_929 = vector.shape_cast %get3A_928 : vector<1x16xf32> to vector<16xf32>
        %mul3A_930 = arith.mulf %get3A_929, %gather3A_851 : vector<16xf32>
        %swap3A_931 = arith.index_cast %add3A_855 : i32 to index
        %swap3A_932 = arith.constant 112 : index
        %swap3A_933 = tpu.vector_load %arg11[%swap3A_931, %swap3A_932] {strides = array<i32>} : memref<128x128xf32, #tpu.memory_space<vmem>>, vector<1x16xf32>,
        %swap3A_934 = vector.shape_cast %swap3A_933 : vector<1x16xf32> to vector<16xf32>
        %swap3A_935 = vector.shape_cast %mul3A_930 : vector<16xf32> to vector<1x16xf32>
        tpu.vector_store %arg11[%swap3A_931, %swap3A_932], %swap3A_935 {strides = array<i32>} : memref<128x128xf32, #tpu.memory_space<vmem>>, vector<1x16xf32>,
        %broadcast_in_dim3A_936 = arith.constant 10 : i32
        %broadcast_in_dim3A_937 = vector.broadcast %broadcast_in_dim3A_936 : i32 to vector<16x1xi32>
        %gather3A_938 = vector.shape_cast %broadcast_in_dim3A_937 : vector<16x1xi32> to vector<16xi32>
        %gather3A_939 = tpu.dynamic_gather %get3A_58[%gather3A_938] in [0] : vector<16xf32>, vector<16xi32> -> vector<16xf32>
        %mul3A_940 = arith.constant 16 : i32
        %mul3A_941 = arith.muli %scan3A_52, %mul3A_940 : i32
        %add3A_942 = arith.constant 10 : i32
        %add3A_943 = arith.addi %mul3A_941, %add3A_942 : i32
        %get3A_944 = arith.index_cast %add3A_943 : i32 to index
        %get3A_945 = arith.constant 0 : index
        %get3A_946 = tpu.vector_load %arg11[%get3A_944, %get3A_945] {strides = array<i32>} : memref<128x128xf32, #tpu.memory_space<vmem>>, vector<1x16xf32>,
        %get3A_947 = vector.shape_cast %get3A_946 : vector<1x16xf32> to vector<16xf32>
        %mul3A_948 = arith.mulf %get3A_947, %gather3A_939 : vector<16xf32>
        %swap3A_949 = arith.index_cast %add3A_943 : i32 to index
        %swap3A_950 = arith.constant 0 : index
        %swap3A_951 = tpu.vector_load %arg11[%swap3A_949, %swap3A_950] {strides = array<i32>} : memref<128x128xf32, #tpu.memory_space<vmem>>, vector<1x16xf32>,
        %swap3A_952 = vector.shape_cast %swap3A_951 : vector<1x16xf32> to vector<16xf32>
        %swap3A_953 = vector.shape_cast %mul3A_948 : vector<16xf32> to vector<1x16xf32>
        tpu.vector_store %arg11[%swap3A_949, %swap3A_950], %swap3A_953 {strides = array<i32>} : memref<128x128xf32, #tpu.memory_space<vmem>>, vector<1x16xf32>,
        %get3A_954 = arith.index_cast %add3A_943 : i32 to index
        %get3A_955 = arith.constant 16 : index
        %get3A_956 = tpu.vector_load %arg11[%get3A_954, %get3A_955] {strides = array<i32>} : memref<128x128xf32, #tpu.memory_space<vmem>>, vector<1x16xf32>,
        %get3A_957 = vector.shape_cast %get3A_956 : vector<1x16xf32> to vector<16xf32>
        %mul3A_958 = arith.mulf %get3A_957, %gather3A_939 : vector<16xf32>
        %swap3A_959 = arith.index_cast %add3A_943 : i32 to index
        %swap3A_960 = arith.constant 16 : index
        %swap3A_961 = tpu.vector_load %arg11[%swap3A_959, %swap3A_960] {strides = array<i32>} : memref<128x128xf32, #tpu.memory_space<vmem>>, vector<1x16xf32>,
        %swap3A_962 = vector.shape_cast %swap3A_961 : vector<1x16xf32> to vector<16xf32>
        %swap3A_963 = vector.shape_cast %mul3A_958 : vector<16xf32> to vector<1x16xf32>
        tpu.vector_store %arg11[%swap3A_959, %swap3A_960], %swap3A_963 {strides = array<i32>} : memref<128x128xf32, #tpu.memory_space<vmem>>, vector<1x16xf32>,
        %get3A_964 = arith.index_cast %add3A_943 : i32 to index
        %get3A_965 = arith.constant 32 : index
        %get3A_966 = tpu.vector_load %arg11[%get3A_964, %get3A_965] {strides = array<i32>} : memref<128x128xf32, #tpu.memory_space<vmem>>, vector<1x16xf32>,
        %get3A_967 = vector.shape_cast %get3A_966 : vector<1x16xf32> to vector<16xf32>
        %mul3A_968 = arith.mulf %get3A_967, %gather3A_939 : vector<16xf32>
        %swap3A_969 = arith.index_cast %add3A_943 : i32 to index
        %swap3A_970 = arith.constant 32 : index
        %swap3A_971 = tpu.vector_load %arg11[%swap3A_969, %swap3A_970] {strides = array<i32>} : memref<128x128xf32, #tpu.memory_space<vmem>>, vector<1x16xf32>,
        %swap3A_972 = vector.shape_cast %swap3A_971 : vector<1x16xf32> to vector<16xf32>
        %swap3A_973 = vector.shape_cast %mul3A_968 : vector<16xf32> to vector<1x16xf32>
        tpu.vector_store %arg11[%swap3A_969, %swap3A_970], %swap3A_973 {strides = array<i32>} : memref<128x128xf32, #tpu.memory_space<vmem>>, vector<1x16xf32>,
        %get3A_974 = arith.index_cast %add3A_943 : i32 to index
        %get3A_975 = arith.constant 48 : index
        %get3A_976 = tpu.vector_load %arg11[%get3A_974, %get3A_975] {strides = array<i32>} : memref<128x128xf32, #tpu.memory_space<vmem>>, vector<1x16xf32>,
        %get3A_977 = vector.shape_cast %get3A_976 : vector<1x16xf32> to vector<16xf32>
        %mul3A_978 = arith.mulf %get3A_977, %gather3A_939 : vector<16xf32>
        %swap3A_979 = arith.index_cast %add3A_943 : i32 to index
        %swap3A_980 = arith.constant 48 : index
        %swap3A_981 = tpu.vector_load %arg11[%swap3A_979, %swap3A_980] {strides = array<i32>} : memref<128x128xf32, #tpu.memory_space<vmem>>, vector<1x16xf32>,
        %swap3A_982 = vector.shape_cast %swap3A_981 : vector<1x16xf32> to vector<16xf32>
        %swap3A_983 = vector.shape_cast %mul3A_978 : vector<16xf32> to vector<1x16xf32>
        tpu.vector_store %arg11[%swap3A_979, %swap3A_980], %swap3A_983 {strides = array<i32>} : memref<128x128xf32, #tpu.memory_space<vmem>>, vector<1x16xf32>,
        %get3A_984 = arith.index_cast %add3A_943 : i32 to index
        %get3A_985 = arith.constant 64 : index
        %get3A_986 = tpu.vector_load %arg11[%get3A_984, %get3A_985] {strides = array<i32>} : memref<128x128xf32, #tpu.memory_space<vmem>>, vector<1x16xf32>,
        %get3A_987 = vector.shape_cast %get3A_986 : vector<1x16xf32> to vector<16xf32>
        %mul3A_988 = arith.mulf %get3A_987, %gather3A_939 : vector<16xf32>
        %swap3A_989 = arith.index_cast %add3A_943 : i32 to index
        %swap3A_990 = arith.constant 64 : index
        %swap3A_991 = tpu.vector_load %arg11[%swap3A_989, %swap3A_990] {strides = array<i32>} : memref<128x128xf32, #tpu.memory_space<vmem>>, vector<1x16xf32>,
        %swap3A_992 = vector.shape_cast %swap3A_991 : vector<1x16xf32> to vector<16xf32>
        %swap3A_993 = vector.shape_cast %mul3A_988 : vector<16xf32> to vector<1x16xf32>
        tpu.vector_store %arg11[%swap3A_989, %swap3A_990], %swap3A_993 {strides = array<i32>} : memref<128x128xf32, #tpu.memory_space<vmem>>, vector<1x16xf32>,
        %get3A_994 = arith.index_cast %add3A_943 : i32 to index
        %get3A_995 = arith.constant 80 : index
        %get3A_996 = tpu.vector_load %arg11[%get3A_994, %get3A_995] {strides = array<i32>} : memref<128x128xf32, #tpu.memory_space<vmem>>, vector<1x16xf32>,
        %get3A_997 = vector.shape_cast %get3A_996 : vector<1x16xf32> to vector<16xf32>
        %mul3A_998 = arith.mulf %get3A_997, %gather3A_939 : vector<16xf32>
        %swap3A_999 = arith.index_cast %add3A_943 : i32 to index
        %swap3A_1000 = arith.constant 80 : index
        %swap3A_1001 = tpu.vector_load %arg11[%swap3A_999, %swap3A_1000] {strides = array<i32>} : memref<128x128xf32, #tpu.memory_space<vmem>>, vector<1x16xf32>,
        %swap3A_1002 = vector.shape_cast %swap3A_1001 : vector<1x16xf32> to vector<16xf32>
        %swap3A_1003 = vector.shape_cast %mul3A_998 : vector<16xf32> to vector<1x16xf32>
        tpu.vector_store %arg11[%swap3A_999, %swap3A_1000], %swap3A_1003 {strides = array<i32>} : memref<128x128xf32, #tpu.memory_space<vmem>>, vector<1x16xf32>,
        %get3A_1004 = arith.index_cast %add3A_943 : i32 to index
        %get3A_1005 = arith.constant 96 : index
        %get3A_1006 = tpu.vector_load %arg11[%get3A_1004, %get3A_1005] {strides = array<i32>} : memref<128x128xf32, #tpu.memory_space<vmem>>, vector<1x16xf32>,
        %get3A_1007 = vector.shape_cast %get3A_1006 : vector<1x16xf32> to vector<16xf32>
        %mul3A_1008 = arith.mulf %get3A_1007, %gather3A_939 : vector<16xf32>
        %swap3A_1009 = arith.index_cast %add3A_943 : i32 to index
        %swap3A_1010 = arith.constant 96 : index
        %swap3A_1011 = tpu.vector_load %arg11[%swap3A_1009, %swap3A_1010] {strides = array<i32>} : memref<128x128xf32, #tpu.memory_space<vmem>>, vector<1x16xf32>,
        %swap3A_1012 = vector.shape_cast %swap3A_1011 : vector<1x16xf32> to vector<16xf32>
        %swap3A_1013 = vector.shape_cast %mul3A_1008 : vector<16xf32> to vector<1x16xf32>
        tpu.vector_store %arg11[%swap3A_1009, %swap3A_1010], %swap3A_1013 {strides = array<i32>} : memref<128x128xf32, #tpu.memory_space<vmem>>, vector<1x16xf32>,
        %get3A_1014 = arith.index_cast %add3A_943 : i32 to index
        %get3A_1015 = arith.constant 112 : index
        %get3A_1016 = tpu.vector_load %arg11[%get3A_1014, %get3A_1015] {strides = array<i32>} : memref<128x128xf32, #tpu.memory_space<vmem>>, vector<1x16xf32>,
        %get3A_1017 = vector.shape_cast %get3A_1016 : vector<1x16xf32> to vector<16xf32>
        %mul3A_1018 = arith.mulf %get3A_1017, %gather3A_939 : vector<16xf32>
        %swap3A_1019 = arith.index_cast %add3A_943 : i32 to index
        %swap3A_1020 = arith.constant 112 : index
        %swap3A_1021 = tpu.vector_load %arg11[%swap3A_1019, %swap3A_1020] {strides = array<i32>} : memref<128x128xf32, #tpu.memory_space<vmem>>, vector<1x16xf32>,
        %swap3A_1022 = vector.shape_cast %swap3A_1021 : vector<1x16xf32> to vector<16xf32>
        %swap3A_1023 = vector.shape_cast %mul3A_1018 : vector<16xf32> to vector<1x16xf32>
        tpu.vector_store %arg11[%swap3A_1019, %swap3A_1020], %swap3A_1023 {strides = array<i32>} : memref<128x128xf32, #tpu.memory_space<vmem>>, vector<1x16xf32>,
        %broadcast_in_dim3A_1024 = arith.constant 11 : i32
        %broadcast_in_dim3A_1025 = vector.broadcast %broadcast_in_dim3A_1024 : i32 to vector<16x1xi32>
        %gather3A_1026 = vector.shape_cast %broadcast_in_dim3A_1025 : vector<16x1xi32> to vector<16xi32>
        %gather3A_1027 = tpu.dynamic_gather %get3A_58[%gather3A_1026] in [0] : vector<16xf32>, vector<16xi32> -> vector<16xf32>
        %mul3A_1028 = arith.constant 16 : i32
        %mul3A_1029 = arith.muli %scan3A_52, %mul3A_1028 : i32
        %add3A_1030 = arith.constant 11 : i32
        %add3A_1031 = arith.addi %mul3A_1029, %add3A_1030 : i32
        %get3A_1032 = arith.index_cast %add3A_1031 : i32 to index
        %get3A_1033 = arith.constant 0 : index
        %get3A_1034 = tpu.vector_load %arg11[%get3A_1032, %get3A_1033] {strides = array<i32>} : memref<128x128xf32, #tpu.memory_space<vmem>>, vector<1x16xf32>,
        %get3A_1035 = vector.shape_cast %get3A_1034 : vector<1x16xf32> to vector<16xf32>
        %mul3A_1036 = arith.mulf %get3A_1035, %gather3A_1027 : vector<16xf32>
        %swap3A_1037 = arith.index_cast %add3A_1031 : i32 to index
        %swap3A_1038 = arith.constant 0 : index
        %swap3A_1039 = tpu.vector_load %arg11[%swap3A_1037, %swap3A_1038] {strides = array<i32>} : memref<128x128xf32, #tpu.memory_space<vmem>>, vector<1x16xf32>,
        %swap3A_1040 = vector.shape_cast %swap3A_1039 : vector<1x16xf32> to vector<16xf32>
        %swap3A_1041 = vector.shape_cast %mul3A_1036 : vector<16xf32> to vector<1x16xf32>
        tpu.vector_store %arg11[%swap3A_1037, %swap3A_1038], %swap3A_1041 {strides = array<i32>} : memref<128x128xf32, #tpu.memory_space<vmem>>, vector<1x16xf32>,
        %get3A_1042 = arith.index_cast %add3A_1031 : i32 to index
        %get3A_1043 = arith.constant 16 : index
        %get3A_1044 = tpu.vector_load %arg11[%get3A_1042, %get3A_1043] {strides = array<i32>} : memref<128x128xf32, #tpu.memory_space<vmem>>, vector<1x16xf32>,
        %get3A_1045 = vector.shape_cast %get3A_1044 : vector<1x16xf32> to vector<16xf32>
        %mul3A_1046 = arith.mulf %get3A_1045, %gather3A_1027 : vector<16xf32>
        %swap3A_1047 = arith.index_cast %add3A_1031 : i32 to index
        %swap3A_1048 = arith.constant 16 : index
        %swap3A_1049 = tpu.vector_load %arg11[%swap3A_1047, %swap3A_1048] {strides = array<i32>} : memref<128x128xf32, #tpu.memory_space<vmem>>, vector<1x16xf32>,
        %swap3A_1050 = vector.shape_cast %swap3A_1049 : vector<1x16xf32> to vector<16xf32>
        %swap3A_1051 = vector.shape_cast %mul3A_1046 : vector<16xf32> to vector<1x16xf32>
        tpu.vector_store %arg11[%swap3A_1047, %swap3A_1048], %swap3A_1051 {strides = array<i32>} : memref<128x128xf32, #tpu.memory_space<vmem>>, vector<1x16xf32>,
        %get3A_1052 = arith.index_cast %add3A_1031 : i32 to index
        %get3A_1053 = arith.constant 32 : index
        %get3A_1054 = tpu.vector_load %arg11[%get3A_1052, %get3A_1053] {strides = array<i32>} : memref<128x128xf32, #tpu.memory_space<vmem>>, vector<1x16xf32>,
        %get3A_1055 = vector.shape_cast %get3A_1054 : vector<1x16xf32> to vector<16xf32>
        %mul3A_1056 = arith.mulf %get3A_1055, %gather3A_1027 : vector<16xf32>
        %swap3A_1057 = arith.index_cast %add3A_1031 : i32 to index
        %swap3A_1058 = arith.constant 32 : index
        %swap3A_1059 = tpu.vector_load %arg11[%swap3A_1057, %swap3A_1058] {strides = array<i32>} : memref<128x128xf32, #tpu.memory_space<vmem>>, vector<1x16xf32>,
        %swap3A_1060 = vector.shape_cast %swap3A_1059 : vector<1x16xf32> to vector<16xf32>
        %swap3A_1061 = vector.shape_cast %mul3A_1056 : vector<16xf32> to vector<1x16xf32>
        tpu.vector_store %arg11[%swap3A_1057, %swap3A_1058], %swap3A_1061 {strides = array<i32>} : memref<128x128xf32, #tpu.memory_space<vmem>>, vector<1x16xf32>,
        %get3A_1062 = arith.index_cast %add3A_1031 : i32 to index
        %get3A_1063 = arith.constant 48 : index
        %get3A_1064 = tpu.vector_load %arg11[%get3A_1062, %get3A_1063] {strides = array<i32>} : memref<128x128xf32, #tpu.memory_space<vmem>>, vector<1x16xf32>,
        %get3A_1065 = vector.shape_cast %get3A_1064 : vector<1x16xf32> to vector<16xf32>
        %mul3A_1066 = arith.mulf %get3A_1065, %gather3A_1027 : vector<16xf32>
        %swap3A_1067 = arith.index_cast %add3A_1031 : i32 to index
        %swap3A_1068 = arith.constant 48 : index
        %swap3A_1069 = tpu.vector_load %arg11[%swap3A_1067, %swap3A_1068] {strides = array<i32>} : memref<128x128xf32, #tpu.memory_space<vmem>>, vector<1x16xf32>,
        %swap3A_1070 = vector.shape_cast %swap3A_1069 : vector<1x16xf32> to vector<16xf32>
        %swap3A_1071 = vector.shape_cast %mul3A_1066 : vector<16xf32> to vector<1x16xf32>
        tpu.vector_store %arg11[%swap3A_1067, %swap3A_1068], %swap3A_1071 {strides = array<i32>} : memref<128x128xf32, #tpu.memory_space<vmem>>, vector<1x16xf32>,
        %get3A_1072 = arith.index_cast %add3A_1031 : i32 to index
        %get3A_1073 = arith.constant 64 : index
        %get3A_1074 = tpu.vector_load %arg11[%get3A_1072, %get3A_1073] {strides = array<i32>} : memref<128x128xf32, #tpu.memory_space<vmem>>, vector<1x16xf32>,
        %get3A_1075 = vector.shape_cast %get3A_1074 : vector<1x16xf32> to vector<16xf32>
        %mul3A_1076 = arith.mulf %get3A_1075, %gather3A_1027 : vector<16xf32>
        %swap3A_1077 = arith.index_cast %add3A_1031 : i32 to index
        %swap3A_1078 = arith.constant 64 : index
        %swap3A_1079 = tpu.vector_load %arg11[%swap3A_1077, %swap3A_1078] {strides = array<i32>} : memref<128x128xf32, #tpu.memory_space<vmem>>, vector<1x16xf32>,
        %swap3A_1080 = vector.shape_cast %swap3A_1079 : vector<1x16xf32> to vector<16xf32>
        %swap3A_1081 = vector.shape_cast %mul3A_1076 : vector<16xf32> to vector<1x16xf32>
        tpu.vector_store %arg11[%swap3A_1077, %swap3A_1078], %swap3A_1081 {strides = array<i32>} : memref<128x128xf32, #tpu.memory_space<vmem>>, vector<1x16xf32>,
        %get3A_1082 = arith.index_cast %add3A_1031 : i32 to index
        %get3A_1083 = arith.constant 80 : index
        %get3A_1084 = tpu.vector_load %arg11[%get3A_1082, %get3A_1083] {strides = array<i32>} : memref<128x128xf32, #tpu.memory_space<vmem>>, vector<1x16xf32>,
        %get3A_1085 = vector.shape_cast %get3A_1084 : vector<1x16xf32> to vector<16xf32>
        %mul3A_1086 = arith.mulf %get3A_1085, %gather3A_1027 : vector<16xf32>
        %swap3A_1087 = arith.index_cast %add3A_1031 : i32 to index
        %swap3A_1088 = arith.constant 80 : index
        %swap3A_1089 = tpu.vector_load %arg11[%swap3A_1087, %swap3A_1088] {strides = array<i32>} : memref<128x128xf32, #tpu.memory_space<vmem>>, vector<1x16xf32>,
        %swap3A_1090 = vector.shape_cast %swap3A_1089 : vector<1x16xf32> to vector<16xf32>
        %swap3A_1091 = vector.shape_cast %mul3A_1086 : vector<16xf32> to vector<1x16xf32>
        tpu.vector_store %arg11[%swap3A_1087, %swap3A_1088], %swap3A_1091 {strides = array<i32>} : memref<128x128xf32, #tpu.memory_space<vmem>>, vector<1x16xf32>,
        %get3A_1092 = arith.index_cast %add3A_1031 : i32 to index
        %get3A_1093 = arith.constant 96 : index
        %get3A_1094 = tpu.vector_load %arg11[%get3A_1092, %get3A_1093] {strides = array<i32>} : memref<128x128xf32, #tpu.memory_space<vmem>>, vector<1x16xf32>,
        %get3A_1095 = vector.shape_cast %get3A_1094 : vector<1x16xf32> to vector<16xf32>
        %mul3A_1096 = arith.mulf %get3A_1095, %gather3A_1027 : vector<16xf32>
        %swap3A_1097 = arith.index_cast %add3A_1031 : i32 to index
        %swap3A_1098 = arith.constant 96 : index
        %swap3A_1099 = tpu.vector_load %arg11[%swap3A_1097, %swap3A_1098] {strides = array<i32>} : memref<128x128xf32, #tpu.memory_space<vmem>>, vector<1x16xf32>,
        %swap3A_1100 = vector.shape_cast %swap3A_1099 : vector<1x16xf32> to vector<16xf32>
        %swap3A_1101 = vector.shape_cast %mul3A_1096 : vector<16xf32> to vector<1x16xf32>
        tpu.vector_store %arg11[%swap3A_1097, %swap3A_1098], %swap3A_1101 {strides = array<i32>} : memref<128x128xf32, #tpu.memory_space<vmem>>, vector<1x16xf32>,
        %get3A_1102 = arith.index_cast %add3A_1031 : i32 to index
        %get3A_1103 = arith.constant 112 : index
        %get3A_1104 = tpu.vector_load %arg11[%get3A_1102, %get3A_1103] {strides = array<i32>} : memref<128x128xf32, #tpu.memory_space<vmem>>, vector<1x16xf32>,
        %get3A_1105 = vector.shape_cast %get3A_1104 : vector<1x16xf32> to vector<16xf32>
        %mul3A_1106 = arith.mulf %get3A_1105, %gather3A_1027 : vector<16xf32>
        %swap3A_1107 = arith.index_cast %add3A_1031 : i32 to index
        %swap3A_1108 = arith.constant 112 : index
        %swap3A_1109 = tpu.vector_load %arg11[%swap3A_1107, %swap3A_1108] {strides = array<i32>} : memref<128x128xf32, #tpu.memory_space<vmem>>, vector<1x16xf32>,
        %swap3A_1110 = vector.shape_cast %swap3A_1109 : vector<1x16xf32> to vector<16xf32>
        %swap3A_1111 = vector.shape_cast %mul3A_1106 : vector<16xf32> to vector<1x16xf32>
        tpu.vector_store %arg11[%swap3A_1107, %swap3A_1108], %swap3A_1111 {strides = array<i32>} : memref<128x128xf32, #tpu.memory_space<vmem>>, vector<1x16xf32>,
        %broadcast_in_dim3A_1112 = arith.constant 12 : i32
        %broadcast_in_dim3A_1113 = vector.broadcast %broadcast_in_dim3A_1112 : i32 to vector<16x1xi32>
        %gather3A_1114 = vector.shape_cast %broadcast_in_dim3A_1113 : vector<16x1xi32> to vector<16xi32>
        %gather3A_1115 = tpu.dynamic_gather %get3A_58[%gather3A_1114] in [0] : vector<16xf32>, vector<16xi32> -> vector<16xf32>
        %mul3A_1116 = arith.constant 16 : i32
        %mul3A_1117 = arith.muli %scan3A_52, %mul3A_1116 : i32
        %add3A_1118 = arith.constant 12 : i32
        %add3A_1119 = arith.addi %mul3A_1117, %add3A_1118 : i32
        %get3A_1120 = arith.index_cast %add3A_1119 : i32 to index
        %get3A_1121 = arith.constant 0 : index
        %get3A_1122 = tpu.vector_load %arg11[%get3A_1120, %get3A_1121] {strides = array<i32>} : memref<128x128xf32, #tpu.memory_space<vmem>>, vector<1x16xf32>,
        %get3A_1123 = vector.shape_cast %get3A_1122 : vector<1x16xf32> to vector<16xf32>
        %mul3A_1124 = arith.mulf %get3A_1123, %gather3A_1115 : vector<16xf32>
        %swap3A_1125 = arith.index_cast %add3A_1119 : i32 to index
        %swap3A_1126 = arith.constant 0 : index
        %swap3A_1127 = tpu.vector_load %arg11[%swap3A_1125, %swap3A_1126] {strides = array<i32>} : memref<128x128xf32, #tpu.memory_space<vmem>>, vector<1x16xf32>,
        %swap3A_1128 = vector.shape_cast %swap3A_1127 : vector<1x16xf32> to vector<16xf32>
        %swap3A_1129 = vector.shape_cast %mul3A_1124 : vector<16xf32> to vector<1x16xf32>
        tpu.vector_store %arg11[%swap3A_1125, %swap3A_1126], %swap3A_1129 {strides = array<i32>} : memref<128x128xf32, #tpu.memory_space<vmem>>, vector<1x16xf32>,
        %get3A_1130 = arith.index_cast %add3A_1119 : i32 to index
        %get3A_1131 = arith.constant 16 : index
        %get3A_1132 = tpu.vector_load %arg11[%get3A_1130, %get3A_1131] {strides = array<i32>} : memref<128x128xf32, #tpu.memory_space<vmem>>, vector<1x16xf32>,
        %get3A_1133 = vector.shape_cast %get3A_1132 : vector<1x16xf32> to vector<16xf32>
        %mul3A_1134 = arith.mulf %get3A_1133, %gather3A_1115 : vector<16xf32>
        %swap3A_1135 = arith.index_cast %add3A_1119 : i32 to index
        %swap3A_1136 = arith.constant 16 : index
        %swap3A_1137 = tpu.vector_load %arg11[%swap3A_1135, %swap3A_1136] {strides = array<i32>} : memref<128x128xf32, #tpu.memory_space<vmem>>, vector<1x16xf32>,
        %swap3A_1138 = vector.shape_cast %swap3A_1137 : vector<1x16xf32> to vector<16xf32>
        %swap3A_1139 = vector.shape_cast %mul3A_1134 : vector<16xf32> to vector<1x16xf32>
        tpu.vector_store %arg11[%swap3A_1135, %swap3A_1136], %swap3A_1139 {strides = array<i32>} : memref<128x128xf32, #tpu.memory_space<vmem>>, vector<1x16xf32>,
        %get3A_1140 = arith.index_cast %add3A_1119 : i32 to index
        %get3A_1141 = arith.constant 32 : index
        %get3A_1142 = tpu.vector_load %arg11[%get3A_1140, %get3A_1141] {strides = array<i32>} : memref<128x128xf32, #tpu.memory_space<vmem>>, vector<1x16xf32>,
        %get3A_1143 = vector.shape_cast %get3A_1142 : vector<1x16xf32> to vector<16xf32>
        %mul3A_1144 = arith.mulf %get3A_1143, %gather3A_1115 : vector<16xf32>
        %swap3A_1145 = arith.index_cast %add3A_1119 : i32 to index
        %swap3A_1146 = arith.constant 32 : index
        %swap3A_1147 = tpu.vector_load %arg11[%swap3A_1145, %swap3A_1146] {strides = array<i32>} : memref<128x128xf32, #tpu.memory_space<vmem>>, vector<1x16xf32>,
        %swap3A_1148 = vector.shape_cast %swap3A_1147 : vector<1x16xf32> to vector<16xf32>
        %swap3A_1149 = vector.shape_cast %mul3A_1144 : vector<16xf32> to vector<1x16xf32>
        tpu.vector_store %arg11[%swap3A_1145, %swap3A_1146], %swap3A_1149 {strides = array<i32>} : memref<128x128xf32, #tpu.memory_space<vmem>>, vector<1x16xf32>,
        %get3A_1150 = arith.index_cast %add3A_1119 : i32 to index
        %get3A_1151 = arith.constant 48 : index
        %get3A_1152 = tpu.vector_load %arg11[%get3A_1150, %get3A_1151] {strides = array<i32>} : memref<128x128xf32, #tpu.memory_space<vmem>>, vector<1x16xf32>,
        %get3A_1153 = vector.shape_cast %get3A_1152 : vector<1x16xf32> to vector<16xf32>
        %mul3A_1154 = arith.mulf %get3A_1153, %gather3A_1115 : vector<16xf32>
        %swap3A_1155 = arith.index_cast %add3A_1119 : i32 to index
        %swap3A_1156 = arith.constant 48 : index
        %swap3A_1157 = tpu.vector_load %arg11[%swap3A_1155, %swap3A_1156] {strides = array<i32>} : memref<128x128xf32, #tpu.memory_space<vmem>>, vector<1x16xf32>,
        %swap3A_1158 = vector.shape_cast %swap3A_1157 : vector<1x16xf32> to vector<16xf32>
        %swap3A_1159 = vector.shape_cast %mul3A_1154 : vector<16xf32> to vector<1x16xf32>
        tpu.vector_store %arg11[%swap3A_1155, %swap3A_1156], %swap3A_1159 {strides = array<i32>} : memref<128x128xf32, #tpu.memory_space<vmem>>, vector<1x16xf32>,
        %get3A_1160 = arith.index_cast %add3A_1119 : i32 to index
        %get3A_1161 = arith.constant 64 : index
        %get3A_1162 = tpu.vector_load %arg11[%get3A_1160, %get3A_1161] {strides = array<i32>} : memref<128x128xf32, #tpu.memory_space<vmem>>, vector<1x16xf32>,
        %get3A_1163 = vector.shape_cast %get3A_1162 : vector<1x16xf32> to vector<16xf32>
        %mul3A_1164 = arith.mulf %get3A_1163, %gather3A_1115 : vector<16xf32>
        %swap3A_1165 = arith.index_cast %add3A_1119 : i32 to index
        %swap3A_1166 = arith.constant 64 : index
        %swap3A_1167 = tpu.vector_load %arg11[%swap3A_1165, %swap3A_1166] {strides = array<i32>} : memref<128x128xf32, #tpu.memory_space<vmem>>, vector<1x16xf32>,
        %swap3A_1168 = vector.shape_cast %swap3A_1167 : vector<1x16xf32> to vector<16xf32>
        %swap3A_1169 = vector.shape_cast %mul3A_1164 : vector<16xf32> to vector<1x16xf32>
        tpu.vector_store %arg11[%swap3A_1165, %swap3A_1166], %swap3A_1169 {strides = array<i32>} : memref<128x128xf32, #tpu.memory_space<vmem>>, vector<1x16xf32>,
        %get3A_1170 = arith.index_cast %add3A_1119 : i32 to index
        %get3A_1171 = arith.constant 80 : index
        %get3A_1172 = tpu.vector_load %arg11[%get3A_1170, %get3A_1171] {strides = array<i32>} : memref<128x128xf32, #tpu.memory_space<vmem>>, vector<1x16xf32>,
        %get3A_1173 = vector.shape_cast %get3A_1172 : vector<1x16xf32> to vector<16xf32>
        %mul3A_1174 = arith.mulf %get3A_1173, %gather3A_1115 : vector<16xf32>
        %swap3A_1175 = arith.index_cast %add3A_1119 : i32 to index
        %swap3A_1176 = arith.constant 80 : index
        %swap3A_1177 = tpu.vector_load %arg11[%swap3A_1175, %swap3A_1176] {strides = array<i32>} : memref<128x128xf32, #tpu.memory_space<vmem>>, vector<1x16xf32>,
        %swap3A_1178 = vector.shape_cast %swap3A_1177 : vector<1x16xf32> to vector<16xf32>
        %swap3A_1179 = vector.shape_cast %mul3A_1174 : vector<16xf32> to vector<1x16xf32>
        tpu.vector_store %arg11[%swap3A_1175, %swap3A_1176], %swap3A_1179 {strides = array<i32>} : memref<128x128xf32, #tpu.memory_space<vmem>>, vector<1x16xf32>,
        %get3A_1180 = arith.index_cast %add3A_1119 : i32 to index
        %get3A_1181 = arith.constant 96 : index
        %get3A_1182 = tpu.vector_load %arg11[%get3A_1180, %get3A_1181] {strides = array<i32>} : memref<128x128xf32, #tpu.memory_space<vmem>>, vector<1x16xf32>,
        %get3A_1183 = vector.shape_cast %get3A_1182 : vector<1x16xf32> to vector<16xf32>
        %mul3A_1184 = arith.mulf %get3A_1183, %gather3A_1115 : vector<16xf32>
        %swap3A_1185 = arith.index_cast %add3A_1119 : i32 to index
        %swap3A_1186 = arith.constant 96 : index
        %swap3A_1187 = tpu.vector_load %arg11[%swap3A_1185, %swap3A_1186] {strides = array<i32>} : memref<128x128xf32, #tpu.memory_space<vmem>>, vector<1x16xf32>,
        %swap3A_1188 = vector.shape_cast %swap3A_1187 : vector<1x16xf32> to vector<16xf32>
        %swap3A_1189 = vector.shape_cast %mul3A_1184 : vector<16xf32> to vector<1x16xf32>
        tpu.vector_store %arg11[%swap3A_1185, %swap3A_1186], %swap3A_1189 {strides = array<i32>} : memref<128x128xf32, #tpu.memory_space<vmem>>, vector<1x16xf32>,
        %get3A_1190 = arith.index_cast %add3A_1119 : i32 to index
        %get3A_1191 = arith.constant 112 : index
        %get3A_1192 = tpu.vector_load %arg11[%get3A_1190, %get3A_1191] {strides = array<i32>} : memref<128x128xf32, #tpu.memory_space<vmem>>, vector<1x16xf32>,
        %get3A_1193 = vector.shape_cast %get3A_1192 : vector<1x16xf32> to vector<16xf32>
        %mul3A_1194 = arith.mulf %get3A_1193, %gather3A_1115 : vector<16xf32>
        %swap3A_1195 = arith.index_cast %add3A_1119 : i32 to index
        %swap3A_1196 = arith.constant 112 : index
        %swap3A_1197 = tpu.vector_load %arg11[%swap3A_1195, %swap3A_1196] {strides = array<i32>} : memref<128x128xf32, #tpu.memory_space<vmem>>, vector<1x16xf32>,
        %swap3A_1198 = vector.shape_cast %swap3A_1197 : vector<1x16xf32> to vector<16xf32>
        %swap3A_1199 = vector.shape_cast %mul3A_1194 : vector<16xf32> to vector<1x16xf32>
        tpu.vector_store %arg11[%swap3A_1195, %swap3A_1196], %swap3A_1199 {strides = array<i32>} : memref<128x128xf32, #tpu.memory_space<vmem>>, vector<1x16xf32>,
        %broadcast_in_dim3A_1200 = arith.constant 13 : i32
        %broadcast_in_dim3A_1201 = vector.broadcast %broadcast_in_dim3A_1200 : i32 to vector<16x1xi32>
        %gather3A_1202 = vector.shape_cast %broadcast_in_dim3A_1201 : vector<16x1xi32> to vector<16xi32>
        %gather3A_1203 = tpu.dynamic_gather %get3A_58[%gather3A_1202] in [0] : vector<16xf32>, vector<16xi32> -> vector<16xf32>
        %mul3A_1204 = arith.constant 16 : i32
        %mul3A_1205 = arith.muli %scan3A_52, %mul3A_1204 : i32
        %add3A_1206 = arith.constant 13 : i32
        %add3A_1207 = arith.addi %mul3A_1205, %add3A_1206 : i32
        %get3A_1208 = arith.index_cast %add3A_1207 : i32 to index
        %get3A_1209 = arith.constant 0 : index
        %get3A_1210 = tpu.vector_load %arg11[%get3A_1208, %get3A_1209] {strides = array<i32>} : memref<128x128xf32, #tpu.memory_space<vmem>>, vector<1x16xf32>,
        %get3A_1211 = vector.shape_cast %get3A_1210 : vector<1x16xf32> to vector<16xf32>
        %mul3A_1212 = arith.mulf %get3A_1211, %gather3A_1203 : vector<16xf32>
        %swap3A_1213 = arith.index_cast %add3A_1207 : i32 to index
        %swap3A_1214 = arith.constant 0 : index
        %swap3A_1215 = tpu.vector_load %arg11[%swap3A_1213, %swap3A_1214] {strides = array<i32>} : memref<128x128xf32, #tpu.memory_space<vmem>>, vector<1x16xf32>,
        %swap3A_1216 = vector.shape_cast %swap3A_1215 : vector<1x16xf32> to vector<16xf32>
        %swap3A_1217 = vector.shape_cast %mul3A_1212 : vector<16xf32> to vector<1x16xf32>
        tpu.vector_store %arg11[%swap3A_1213, %swap3A_1214], %swap3A_1217 {strides = array<i32>} : memref<128x128xf32, #tpu.memory_space<vmem>>, vector<1x16xf32>,
        %get3A_1218 = arith.index_cast %add3A_1207 : i32 to index
        %get3A_1219 = arith.constant 16 : index
        %get3A_1220 = tpu.vector_load %arg11[%get3A_1218, %get3A_1219] {strides = array<i32>} : memref<128x128xf32, #tpu.memory_space<vmem>>, vector<1x16xf32>,
        %get3A_1221 = vector.shape_cast %get3A_1220 : vector<1x16xf32> to vector<16xf32>
        %mul3A_1222 = arith.mulf %get3A_1221, %gather3A_1203 : vector<16xf32>
        %swap3A_1223 = arith.index_cast %add3A_1207 : i32 to index
        %swap3A_1224 = arith.constant 16 : index
        %swap3A_1225 = tpu.vector_load %arg11[%swap3A_1223, %swap3A_1224] {strides = array<i32>} : memref<128x128xf32, #tpu.memory_space<vmem>>, vector<1x16xf32>,
        %swap3A_1226 = vector.shape_cast %swap3A_1225 : vector<1x16xf32> to vector<16xf32>
        %swap3A_1227 = vector.shape_cast %mul3A_1222 : vector<16xf32> to vector<1x16xf32>
        tpu.vector_store %arg11[%swap3A_1223, %swap3A_1224], %swap3A_1227 {strides = array<i32>} : memref<128x128xf32, #tpu.memory_space<vmem>>, vector<1x16xf32>,
        %get3A_1228 = arith.index_cast %add3A_1207 : i32 to index
        %get3A_1229 = arith.constant 32 : index
        %get3A_1230 = tpu.vector_load %arg11[%get3A_1228, %get3A_1229] {strides = array<i32>} : memref<128x128xf32, #tpu.memory_space<vmem>>, vector<1x16xf32>,
        %get3A_1231 = vector.shape_cast %get3A_1230 : vector<1x16xf32> to vector<16xf32>
        %mul3A_1232 = arith.mulf %get3A_1231, %gather3A_1203 : vector<16xf32>
        %swap3A_1233 = arith.index_cast %add3A_1207 : i32 to index
        %swap3A_1234 = arith.constant 32 : index
        %swap3A_1235 = tpu.vector_load %arg11[%swap3A_1233, %swap3A_1234] {strides = array<i32>} : memref<128x128xf32, #tpu.memory_space<vmem>>, vector<1x16xf32>,
        %swap3A_1236 = vector.shape_cast %swap3A_1235 : vector<1x16xf32> to vector<16xf32>
        %swap3A_1237 = vector.shape_cast %mul3A_1232 : vector<16xf32> to vector<1x16xf32>
        tpu.vector_store %arg11[%swap3A_1233, %swap3A_1234], %swap3A_1237 {strides = array<i32>} : memref<128x128xf32, #tpu.memory_space<vmem>>, vector<1x16xf32>,
        %get3A_1238 = arith.index_cast %add3A_1207 : i32 to index
        %get3A_1239 = arith.constant 48 : index
        %get3A_1240 = tpu.vector_load %arg11[%get3A_1238, %get3A_1239] {strides = array<i32>} : memref<128x128xf32, #tpu.memory_space<vmem>>, vector<1x16xf32>,
        %get3A_1241 = vector.shape_cast %get3A_1240 : vector<1x16xf32> to vector<16xf32>
        %mul3A_1242 = arith.mulf %get3A_1241, %gather3A_1203 : vector<16xf32>
        %swap3A_1243 = arith.index_cast %add3A_1207 : i32 to index
        %swap3A_1244 = arith.constant 48 : index
        %swap3A_1245 = tpu.vector_load %arg11[%swap3A_1243, %swap3A_1244] {strides = array<i32>} : memref<128x128xf32, #tpu.memory_space<vmem>>, vector<1x16xf32>,
        %swap3A_1246 = vector.shape_cast %swap3A_1245 : vector<1x16xf32> to vector<16xf32>
        %swap3A_1247 = vector.shape_cast %mul3A_1242 : vector<16xf32> to vector<1x16xf32>
        tpu.vector_store %arg11[%swap3A_1243, %swap3A_1244], %swap3A_1247 {strides = array<i32>} : memref<128x128xf32, #tpu.memory_space<vmem>>, vector<1x16xf32>,
        %get3A_1248 = arith.index_cast %add3A_1207 : i32 to index
        %get3A_1249 = arith.constant 64 : index
        %get3A_1250 = tpu.vector_load %arg11[%get3A_1248, %get3A_1249] {strides = array<i32>} : memref<128x128xf32, #tpu.memory_space<vmem>>, vector<1x16xf32>,
        %get3A_1251 = vector.shape_cast %get3A_1250 : vector<1x16xf32> to vector<16xf32>
        %mul3A_1252 = arith.mulf %get3A_1251, %gather3A_1203 : vector<16xf32>
        %swap3A_1253 = arith.index_cast %add3A_1207 : i32 to index
        %swap3A_1254 = arith.constant 64 : index
        %swap3A_1255 = tpu.vector_load %arg11[%swap3A_1253, %swap3A_1254] {strides = array<i32>} : memref<128x128xf32, #tpu.memory_space<vmem>>, vector<1x16xf32>,
        %swap3A_1256 = vector.shape_cast %swap3A_1255 : vector<1x16xf32> to vector<16xf32>
        %swap3A_1257 = vector.shape_cast %mul3A_1252 : vector<16xf32> to vector<1x16xf32>
        tpu.vector_store %arg11[%swap3A_1253, %swap3A_1254], %swap3A_1257 {strides = array<i32>} : memref<128x128xf32, #tpu.memory_space<vmem>>, vector<1x16xf32>,
        %get3A_1258 = arith.index_cast %add3A_1207 : i32 to index
        %get3A_1259 = arith.constant 80 : index
        %get3A_1260 = tpu.vector_load %arg11[%get3A_1258, %get3A_1259] {strides = array<i32>} : memref<128x128xf32, #tpu.memory_space<vmem>>, vector<1x16xf32>,
        %get3A_1261 = vector.shape_cast %get3A_1260 : vector<1x16xf32> to vector<16xf32>
        %mul3A_1262 = arith.mulf %get3A_1261, %gather3A_1203 : vector<16xf32>
        %swap3A_1263 = arith.index_cast %add3A_1207 : i32 to index
        %swap3A_1264 = arith.constant 80 : index
        %swap3A_1265 = tpu.vector_load %arg11[%swap3A_1263, %swap3A_1264] {strides = array<i32>} : memref<128x128xf32, #tpu.memory_space<vmem>>, vector<1x16xf32>,
        %swap3A_1266 = vector.shape_cast %swap3A_1265 : vector<1x16xf32> to vector<16xf32>
        %swap3A_1267 = vector.shape_cast %mul3A_1262 : vector<16xf32> to vector<1x16xf32>
        tpu.vector_store %arg11[%swap3A_1263, %swap3A_1264], %swap3A_1267 {strides = array<i32>} : memref<128x128xf32, #tpu.memory_space<vmem>>, vector<1x16xf32>,
        %get3A_1268 = arith.index_cast %add3A_1207 : i32 to index
        %get3A_1269 = arith.constant 96 : index
        %get3A_1270 = tpu.vector_load %arg11[%get3A_1268, %get3A_1269] {strides = array<i32>} : memref<128x128xf32, #tpu.memory_space<vmem>>, vector<1x16xf32>,
        %get3A_1271 = vector.shape_cast %get3A_1270 : vector<1x16xf32> to vector<16xf32>
        %mul3A_1272 = arith.mulf %get3A_1271, %gather3A_1203 : vector<16xf32>
        %swap3A_1273 = arith.index_cast %add3A_1207 : i32 to index
        %swap3A_1274 = arith.constant 96 : index
        %swap3A_1275 = tpu.vector_load %arg11[%swap3A_1273, %swap3A_1274] {strides = array<i32>} : memref<128x128xf32, #tpu.memory_space<vmem>>, vector<1x16xf32>,
        %swap3A_1276 = vector.shape_cast %swap3A_1275 : vector<1x16xf32> to vector<16xf32>
        %swap3A_1277 = vector.shape_cast %mul3A_1272 : vector<16xf32> to vector<1x16xf32>
        tpu.vector_store %arg11[%swap3A_1273, %swap3A_1274], %swap3A_1277 {strides = array<i32>} : memref<128x128xf32, #tpu.memory_space<vmem>>, vector<1x16xf32>,
        %get3A_1278 = arith.index_cast %add3A_1207 : i32 to index
        %get3A_1279 = arith.constant 112 : index
        %get3A_1280 = tpu.vector_load %arg11[%get3A_1278, %get3A_1279] {strides = array<i32>} : memref<128x128xf32, #tpu.memory_space<vmem>>, vector<1x16xf32>,
        %get3A_1281 = vector.shape_cast %get3A_1280 : vector<1x16xf32> to vector<16xf32>
        %mul3A_1282 = arith.mulf %get3A_1281, %gather3A_1203 : vector<16xf32>
        %swap3A_1283 = arith.index_cast %add3A_1207 : i32 to index
        %swap3A_1284 = arith.constant 112 : index
        %swap3A_1285 = tpu.vector_load %arg11[%swap3A_1283, %swap3A_1284] {strides = array<i32>} : memref<128x128xf32, #tpu.memory_space<vmem>>, vector<1x16xf32>,
        %swap3A_1286 = vector.shape_cast %swap3A_1285 : vector<1x16xf32> to vector<16xf32>
        %swap3A_1287 = vector.shape_cast %mul3A_1282 : vector<16xf32> to vector<1x16xf32>
        tpu.vector_store %arg11[%swap3A_1283, %swap3A_1284], %swap3A_1287 {strides = array<i32>} : memref<128x128xf32, #tpu.memory_space<vmem>>, vector<1x16xf32>,
        %broadcast_in_dim3A_1288 = arith.constant 14 : i32
        %broadcast_in_dim3A_1289 = vector.broadcast %broadcast_in_dim3A_1288 : i32 to vector<16x1xi32>
        %gather3A_1290 = vector.shape_cast %broadcast_in_dim3A_1289 : vector<16x1xi32> to vector<16xi32>
        %gather3A_1291 = tpu.dynamic_gather %get3A_58[%gather3A_1290] in [0] : vector<16xf32>, vector<16xi32> -> vector<16xf32>
        %mul3A_1292 = arith.constant 16 : i32
        %mul3A_1293 = arith.muli %scan3A_52, %mul3A_1292 : i32
        %add3A_1294 = arith.constant 14 : i32
        %add3A_1295 = arith.addi %mul3A_1293, %add3A_1294 : i32
        %get3A_1296 = arith.index_cast %add3A_1295 : i32 to index
        %get3A_1297 = arith.constant 0 : index
        %get3A_1298 = tpu.vector_load %arg11[%get3A_1296, %get3A_1297] {strides = array<i32>} : memref<128x128xf32, #tpu.memory_space<vmem>>, vector<1x16xf32>,
        %get3A_1299 = vector.shape_cast %get3A_1298 : vector<1x16xf32> to vector<16xf32>
        %mul3A_1300 = arith.mulf %get3A_1299, %gather3A_1291 : vector<16xf32>
        %swap3A_1301 = arith.index_cast %add3A_1295 : i32 to index
        %swap3A_1302 = arith.constant 0 : index
        %swap3A_1303 = tpu.vector_load %arg11[%swap3A_1301, %swap3A_1302] {strides = array<i32>} : memref<128x128xf32, #tpu.memory_space<vmem>>, vector<1x16xf32>,
        %swap3A_1304 = vector.shape_cast %swap3A_1303 : vector<1x16xf32> to vector<16xf32>
        %swap3A_1305 = vector.shape_cast %mul3A_1300 : vector<16xf32> to vector<1x16xf32>
        tpu.vector_store %arg11[%swap3A_1301, %swap3A_1302], %swap3A_1305 {strides = array<i32>} : memref<128x128xf32, #tpu.memory_space<vmem>>, vector<1x16xf32>,
        %get3A_1306 = arith.index_cast %add3A_1295 : i32 to index
        %get3A_1307 = arith.constant 16 : index
        %get3A_1308 = tpu.vector_load %arg11[%get3A_1306, %get3A_1307] {strides = array<i32>} : memref<128x128xf32, #tpu.memory_space<vmem>>, vector<1x16xf32>,
        %get3A_1309 = vector.shape_cast %get3A_1308 : vector<1x16xf32> to vector<16xf32>
        %mul3A_1310 = arith.mulf %get3A_1309, %gather3A_1291 : vector<16xf32>
        %swap3A_1311 = arith.index_cast %add3A_1295 : i32 to index
        %swap3A_1312 = arith.constant 16 : index
        %swap3A_1313 = tpu.vector_load %arg11[%swap3A_1311, %swap3A_1312] {strides = array<i32>} : memref<128x128xf32, #tpu.memory_space<vmem>>, vector<1x16xf32>,
        %swap3A_1314 = vector.shape_cast %swap3A_1313 : vector<1x16xf32> to vector<16xf32>
        %swap3A_1315 = vector.shape_cast %mul3A_1310 : vector<16xf32> to vector<1x16xf32>
        tpu.vector_store %arg11[%swap3A_1311, %swap3A_1312], %swap3A_1315 {strides = array<i32>} : memref<128x128xf32, #tpu.memory_space<vmem>>, vector<1x16xf32>,
        %get3A_1316 = arith.index_cast %add3A_1295 : i32 to index
        %get3A_1317 = arith.constant 32 : index
        %get3A_1318 = tpu.vector_load %arg11[%get3A_1316, %get3A_1317] {strides = array<i32>} : memref<128x128xf32, #tpu.memory_space<vmem>>, vector<1x16xf32>,
        %get3A_1319 = vector.shape_cast %get3A_1318 : vector<1x16xf32> to vector<16xf32>
        %mul3A_1320 = arith.mulf %get3A_1319, %gather3A_1291 : vector<16xf32>
        %swap3A_1321 = arith.index_cast %add3A_1295 : i32 to index
        %swap3A_1322 = arith.constant 32 : index
        %swap3A_1323 = tpu.vector_load %arg11[%swap3A_1321, %swap3A_1322] {strides = array<i32>} : memref<128x128xf32, #tpu.memory_space<vmem>>, vector<1x16xf32>,
        %swap3A_1324 = vector.shape_cast %swap3A_1323 : vector<1x16xf32> to vector<16xf32>
        %swap3A_1325 = vector.shape_cast %mul3A_1320 : vector<16xf32> to vector<1x16xf32>
        tpu.vector_store %arg11[%swap3A_1321, %swap3A_1322], %swap3A_1325 {strides = array<i32>} : memref<128x128xf32, #tpu.memory_space<vmem>>, vector<1x16xf32>,
        %get3A_1326 = arith.index_cast %add3A_1295 : i32 to index
        %get3A_1327 = arith.constant 48 : index
        %get3A_1328 = tpu.vector_load %arg11[%get3A_1326, %get3A_1327] {strides = array<i32>} : memref<128x128xf32, #tpu.memory_space<vmem>>, vector<1x16xf32>,
        %get3A_1329 = vector.shape_cast %get3A_1328 : vector<1x16xf32> to vector<16xf32>
        %mul3A_1330 = arith.mulf %get3A_1329, %gather3A_1291 : vector<16xf32>
        %swap3A_1331 = arith.index_cast %add3A_1295 : i32 to index
        %swap3A_1332 = arith.constant 48 : index
        %swap3A_1333 = tpu.vector_load %arg11[%swap3A_1331, %swap3A_1332] {strides = array<i32>} : memref<128x128xf32, #tpu.memory_space<vmem>>, vector<1x16xf32>,
        %swap3A_1334 = vector.shape_cast %swap3A_1333 : vector<1x16xf32> to vector<16xf32>
        %swap3A_1335 = vector.shape_cast %mul3A_1330 : vector<16xf32> to vector<1x16xf32>
        tpu.vector_store %arg11[%swap3A_1331, %swap3A_1332], %swap3A_1335 {strides = array<i32>} : memref<128x128xf32, #tpu.memory_space<vmem>>, vector<1x16xf32>,
        %get3A_1336 = arith.index_cast %add3A_1295 : i32 to index
        %get3A_1337 = arith.constant 64 : index
        %get3A_1338 = tpu.vector_load %arg11[%get3A_1336, %get3A_1337] {strides = array<i32>} : memref<128x128xf32, #tpu.memory_space<vmem>>, vector<1x16xf32>,
        %get3A_1339 = vector.shape_cast %get3A_1338 : vector<1x16xf32> to vector<16xf32>
        %mul3A_1340 = arith.mulf %get3A_1339, %gather3A_1291 : vector<16xf32>
        %swap3A_1341 = arith.index_cast %add3A_1295 : i32 to index
        %swap3A_1342 = arith.constant 64 : index
        %swap3A_1343 = tpu.vector_load %arg11[%swap3A_1341, %swap3A_1342] {strides = array<i32>} : memref<128x128xf32, #tpu.memory_space<vmem>>, vector<1x16xf32>,
        %swap3A_1344 = vector.shape_cast %swap3A_1343 : vector<1x16xf32> to vector<16xf32>
        %swap3A_1345 = vector.shape_cast %mul3A_1340 : vector<16xf32> to vector<1x16xf32>
        tpu.vector_store %arg11[%swap3A_1341, %swap3A_1342], %swap3A_1345 {strides = array<i32>} : memref<128x128xf32, #tpu.memory_space<vmem>>, vector<1x16xf32>,
        %get3A_1346 = arith.index_cast %add3A_1295 : i32 to index
        %get3A_1347 = arith.constant 80 : index
        %get3A_1348 = tpu.vector_load %arg11[%get3A_1346, %get3A_1347] {strides = array<i32>} : memref<128x128xf32, #tpu.memory_space<vmem>>, vector<1x16xf32>,
        %get3A_1349 = vector.shape_cast %get3A_1348 : vector<1x16xf32> to vector<16xf32>
        %mul3A_1350 = arith.mulf %get3A_1349, %gather3A_1291 : vector<16xf32>
        %swap3A_1351 = arith.index_cast %add3A_1295 : i32 to index
        %swap3A_1352 = arith.constant 80 : index
        %swap3A_1353 = tpu.vector_load %arg11[%swap3A_1351, %swap3A_1352] {strides = array<i32>} : memref<128x128xf32, #tpu.memory_space<vmem>>, vector<1x16xf32>,
        %swap3A_1354 = vector.shape_cast %swap3A_1353 : vector<1x16xf32> to vector<16xf32>
        %swap3A_1355 = vector.shape_cast %mul3A_1350 : vector<16xf32> to vector<1x16xf32>
        tpu.vector_store %arg11[%swap3A_1351, %swap3A_1352], %swap3A_1355 {strides = array<i32>} : memref<128x128xf32, #tpu.memory_space<vmem>>, vector<1x16xf32>,
        %get3A_1356 = arith.index_cast %add3A_1295 : i32 to index
        %get3A_1357 = arith.constant 96 : index
        %get3A_1358 = tpu.vector_load %arg11[%get3A_1356, %get3A_1357] {strides = array<i32>} : memref<128x128xf32, #tpu.memory_space<vmem>>, vector<1x16xf32>,
        %get3A_1359 = vector.shape_cast %get3A_1358 : vector<1x16xf32> to vector<16xf32>
        %mul3A_1360 = arith.mulf %get3A_1359, %gather3A_1291 : vector<16xf32>
        %swap3A_1361 = arith.index_cast %add3A_1295 : i32 to index
        %swap3A_1362 = arith.constant 96 : index
        %swap3A_1363 = tpu.vector_load %arg11[%swap3A_1361, %swap3A_1362] {strides = array<i32>} : memref<128x128xf32, #tpu.memory_space<vmem>>, vector<1x16xf32>,
        %swap3A_1364 = vector.shape_cast %swap3A_1363 : vector<1x16xf32> to vector<16xf32>
        %swap3A_1365 = vector.shape_cast %mul3A_1360 : vector<16xf32> to vector<1x16xf32>
        tpu.vector_store %arg11[%swap3A_1361, %swap3A_1362], %swap3A_1365 {strides = array<i32>} : memref<128x128xf32, #tpu.memory_space<vmem>>, vector<1x16xf32>,
        %get3A_1366 = arith.index_cast %add3A_1295 : i32 to index
        %get3A_1367 = arith.constant 112 : index
        %get3A_1368 = tpu.vector_load %arg11[%get3A_1366, %get3A_1367] {strides = array<i32>} : memref<128x128xf32, #tpu.memory_space<vmem>>, vector<1x16xf32>,
        %get3A_1369 = vector.shape_cast %get3A_1368 : vector<1x16xf32> to vector<16xf32>
        %mul3A_1370 = arith.mulf %get3A_1369, %gather3A_1291 : vector<16xf32>
        %swap3A_1371 = arith.index_cast %add3A_1295 : i32 to index
        %swap3A_1372 = arith.constant 112 : index
        %swap3A_1373 = tpu.vector_load %arg11[%swap3A_1371, %swap3A_1372] {strides = array<i32>} : memref<128x128xf32, #tpu.memory_space<vmem>>, vector<1x16xf32>,
        %swap3A_1374 = vector.shape_cast %swap3A_1373 : vector<1x16xf32> to vector<16xf32>
        %swap3A_1375 = vector.shape_cast %mul3A_1370 : vector<16xf32> to vector<1x16xf32>
        tpu.vector_store %arg11[%swap3A_1371, %swap3A_1372], %swap3A_1375 {strides = array<i32>} : memref<128x128xf32, #tpu.memory_space<vmem>>, vector<1x16xf32>,
        %broadcast_in_dim3A_1376 = arith.constant 15 : i32
        %broadcast_in_dim3A_1377 = vector.broadcast %broadcast_in_dim3A_1376 : i32 to vector<16x1xi32>
        %gather3A_1378 = vector.shape_cast %broadcast_in_dim3A_1377 : vector<16x1xi32> to vector<16xi32>
        %gather3A_1379 = tpu.dynamic_gather %get3A_58[%gather3A_1378] in [0] : vector<16xf32>, vector<16xi32> -> vector<16xf32>
        %mul3A_1380 = arith.constant 16 : i32
        %mul3A_1381 = arith.muli %scan3A_52, %mul3A_1380 : i32
        %add3A_1382 = arith.constant 15 : i32
        %add3A_1383 = arith.addi %mul3A_1381, %add3A_1382 : i32
        %get3A_1384 = arith.index_cast %add3A_1383 : i32 to index
        %get3A_1385 = arith.constant 0 : index
        %get3A_1386 = tpu.vector_load %arg11[%get3A_1384, %get3A_1385] {strides = array<i32>} : memref<128x128xf32, #tpu.memory_space<vmem>>, vector<1x16xf32>,
        %get3A_1387 = vector.shape_cast %get3A_1386 : vector<1x16xf32> to vector<16xf32>
        %mul3A_1388 = arith.mulf %get3A_1387, %gather3A_1379 : vector<16xf32>
        %swap3A_1389 = arith.index_cast %add3A_1383 : i32 to index
        %swap3A_1390 = arith.constant 0 : index
        %swap3A_1391 = tpu.vector_load %arg11[%swap3A_1389, %swap3A_1390] {strides = array<i32>} : memref<128x128xf32, #tpu.memory_space<vmem>>, vector<1x16xf32>,
        %swap3A_1392 = vector.shape_cast %swap3A_1391 : vector<1x16xf32> to vector<16xf32>
        %swap3A_1393 = vector.shape_cast %mul3A_1388 : vector<16xf32> to vector<1x16xf32>
        tpu.vector_store %arg11[%swap3A_1389, %swap3A_1390], %swap3A_1393 {strides = array<i32>} : memref<128x128xf32, #tpu.memory_space<vmem>>, vector<1x16xf32>,
        %get3A_1394 = arith.index_cast %add3A_1383 : i32 to index
        %get3A_1395 = arith.constant 16 : index
        %get3A_1396 = tpu.vector_load %arg11[%get3A_1394, %get3A_1395] {strides = array<i32>} : memref<128x128xf32, #tpu.memory_space<vmem>>, vector<1x16xf32>,
        %get3A_1397 = vector.shape_cast %get3A_1396 : vector<1x16xf32> to vector<16xf32>
        %mul3A_1398 = arith.mulf %get3A_1397, %gather3A_1379 : vector<16xf32>
        %swap3A_1399 = arith.index_cast %add3A_1383 : i32 to index
        %swap3A_1400 = arith.constant 16 : index
        %swap3A_1401 = tpu.vector_load %arg11[%swap3A_1399, %swap3A_1400] {strides = array<i32>} : memref<128x128xf32, #tpu.memory_space<vmem>>, vector<1x16xf32>,
        %swap3A_1402 = vector.shape_cast %swap3A_1401 : vector<1x16xf32> to vector<16xf32>
        %swap3A_1403 = vector.shape_cast %mul3A_1398 : vector<16xf32> to vector<1x16xf32>
        tpu.vector_store %arg11[%swap3A_1399, %swap3A_1400], %swap3A_1403 {strides = array<i32>} : memref<128x128xf32, #tpu.memory_space<vmem>>, vector<1x16xf32>,
        %get3A_1404 = arith.index_cast %add3A_1383 : i32 to index
        %get3A_1405 = arith.constant 32 : index
        %get3A_1406 = tpu.vector_load %arg11[%get3A_1404, %get3A_1405] {strides = array<i32>} : memref<128x128xf32, #tpu.memory_space<vmem>>, vector<1x16xf32>,
        %get3A_1407 = vector.shape_cast %get3A_1406 : vector<1x16xf32> to vector<16xf32>
        %mul3A_1408 = arith.mulf %get3A_1407, %gather3A_1379 : vector<16xf32>
        %swap3A_1409 = arith.index_cast %add3A_1383 : i32 to index
        %swap3A_1410 = arith.constant 32 : index
        %swap3A_1411 = tpu.vector_load %arg11[%swap3A_1409, %swap3A_1410] {strides = array<i32>} : memref<128x128xf32, #tpu.memory_space<vmem>>, vector<1x16xf32>,
        %swap3A_1412 = vector.shape_cast %swap3A_1411 : vector<1x16xf32> to vector<16xf32>
        %swap3A_1413 = vector.shape_cast %mul3A_1408 : vector<16xf32> to vector<1x16xf32>
        tpu.vector_store %arg11[%swap3A_1409, %swap3A_1410], %swap3A_1413 {strides = array<i32>} : memref<128x128xf32, #tpu.memory_space<vmem>>, vector<1x16xf32>,
        %get3A_1414 = arith.index_cast %add3A_1383 : i32 to index
        %get3A_1415 = arith.constant 48 : index
        %get3A_1416 = tpu.vector_load %arg11[%get3A_1414, %get3A_1415] {strides = array<i32>} : memref<128x128xf32, #tpu.memory_space<vmem>>, vector<1x16xf32>,
        %get3A_1417 = vector.shape_cast %get3A_1416 : vector<1x16xf32> to vector<16xf32>
        %mul3A_1418 = arith.mulf %get3A_1417, %gather3A_1379 : vector<16xf32>
        %swap3A_1419 = arith.index_cast %add3A_1383 : i32 to index
        %swap3A_1420 = arith.constant 48 : index
        %swap3A_1421 = tpu.vector_load %arg11[%swap3A_1419, %swap3A_1420] {strides = array<i32>} : memref<128x128xf32, #tpu.memory_space<vmem>>, vector<1x16xf32>,
        %swap3A_1422 = vector.shape_cast %swap3A_1421 : vector<1x16xf32> to vector<16xf32>
        %swap3A_1423 = vector.shape_cast %mul3A_1418 : vector<16xf32> to vector<1x16xf32>
        tpu.vector_store %arg11[%swap3A_1419, %swap3A_1420], %swap3A_1423 {strides = array<i32>} : memref<128x128xf32, #tpu.memory_space<vmem>>, vector<1x16xf32>,
        %get3A_1424 = arith.index_cast %add3A_1383 : i32 to index
        %get3A_1425 = arith.constant 64 : index
        %get3A_1426 = tpu.vector_load %arg11[%get3A_1424, %get3A_1425] {strides = array<i32>} : memref<128x128xf32, #tpu.memory_space<vmem>>, vector<1x16xf32>,
        %get3A_1427 = vector.shape_cast %get3A_1426 : vector<1x16xf32> to vector<16xf32>
        %mul3A_1428 = arith.mulf %get3A_1427, %gather3A_1379 : vector<16xf32>
        %swap3A_1429 = arith.index_cast %add3A_1383 : i32 to index
        %swap3A_1430 = arith.constant 64 : index
        %swap3A_1431 = tpu.vector_load %arg11[%swap3A_1429, %swap3A_1430] {strides = array<i32>} : memref<128x128xf32, #tpu.memory_space<vmem>>, vector<1x16xf32>,
        %swap3A_1432 = vector.shape_cast %swap3A_1431 : vector<1x16xf32> to vector<16xf32>
        %swap3A_1433 = vector.shape_cast %mul3A_1428 : vector<16xf32> to vector<1x16xf32>
        tpu.vector_store %arg11[%swap3A_1429, %swap3A_1430], %swap3A_1433 {strides = array<i32>} : memref<128x128xf32, #tpu.memory_space<vmem>>, vector<1x16xf32>,
        %get3A_1434 = arith.index_cast %add3A_1383 : i32 to index
        %get3A_1435 = arith.constant 80 : index
        %get3A_1436 = tpu.vector_load %arg11[%get3A_1434, %get3A_1435] {strides = array<i32>} : memref<128x128xf32, #tpu.memory_space<vmem>>, vector<1x16xf32>,
        %get3A_1437 = vector.shape_cast %get3A_1436 : vector<1x16xf32> to vector<16xf32>
        %mul3A_1438 = arith.mulf %get3A_1437, %gather3A_1379 : vector<16xf32>
        %swap3A_1439 = arith.index_cast %add3A_1383 : i32 to index
        %swap3A_1440 = arith.constant 80 : index
        %swap3A_1441 = tpu.vector_load %arg11[%swap3A_1439, %swap3A_1440] {strides = array<i32>} : memref<128x128xf32, #tpu.memory_space<vmem>>, vector<1x16xf32>,
        %swap3A_1442 = vector.shape_cast %swap3A_1441 : vector<1x16xf32> to vector<16xf32>
        %swap3A_1443 = vector.shape_cast %mul3A_1438 : vector<16xf32> to vector<1x16xf32>
        tpu.vector_store %arg11[%swap3A_1439, %swap3A_1440], %swap3A_1443 {strides = array<i32>} : memref<128x128xf32, #tpu.memory_space<vmem>>, vector<1x16xf32>,
        %get3A_1444 = arith.index_cast %add3A_1383 : i32 to index
        %get3A_1445 = arith.constant 96 : index
        %get3A_1446 = tpu.vector_load %arg11[%get3A_1444, %get3A_1445] {strides = array<i32>} : memref<128x128xf32, #tpu.memory_space<vmem>>, vector<1x16xf32>,
        %get3A_1447 = vector.shape_cast %get3A_1446 : vector<1x16xf32> to vector<16xf32>
        %mul3A_1448 = arith.mulf %get3A_1447, %gather3A_1379 : vector<16xf32>
        %swap3A_1449 = arith.index_cast %add3A_1383 : i32 to index
        %swap3A_1450 = arith.constant 96 : index
        %swap3A_1451 = tpu.vector_load %arg11[%swap3A_1449, %swap3A_1450] {strides = array<i32>} : memref<128x128xf32, #tpu.memory_space<vmem>>, vector<1x16xf32>,
        %swap3A_1452 = vector.shape_cast %swap3A_1451 : vector<1x16xf32> to vector<16xf32>
        %swap3A_1453 = vector.shape_cast %mul3A_1448 : vector<16xf32> to vector<1x16xf32>
        tpu.vector_store %arg11[%swap3A_1449, %swap3A_1450], %swap3A_1453 {strides = array<i32>} : memref<128x128xf32, #tpu.memory_space<vmem>>, vector<1x16xf32>,
        %get3A_1454 = arith.index_cast %add3A_1383 : i32 to index
        %get3A_1455 = arith.constant 112 : index
        %get3A_1456 = tpu.vector_load %arg11[%get3A_1454, %get3A_1455] {strides = array<i32>} : memref<128x128xf32, #tpu.memory_space<vmem>>, vector<1x16xf32>,
        %get3A_1457 = vector.shape_cast %get3A_1456 : vector<1x16xf32> to vector<16xf32>
        %mul3A_1458 = arith.mulf %get3A_1457, %gather3A_1379 : vector<16xf32>
        %swap3A_1459 = arith.index_cast %add3A_1383 : i32 to index
        %swap3A_1460 = arith.constant 112 : index
        %swap3A_1461 = tpu.vector_load %arg11[%swap3A_1459, %swap3A_1460] {strides = array<i32>} : memref<128x128xf32, #tpu.memory_space<vmem>>, vector<1x16xf32>,
        %swap3A_1462 = vector.shape_cast %swap3A_1461 : vector<1x16xf32> to vector<16xf32>
        %swap3A_1463 = vector.shape_cast %mul3A_1458 : vector<16xf32> to vector<1x16xf32>
        tpu.vector_store %arg11[%swap3A_1459, %swap3A_1460], %swap3A_1463 {strides = array<i32>} : memref<128x128xf32, #tpu.memory_space<vmem>>, vector<1x16xf32>,
        %scan3A_1464 = arith.constant 0 : i32
        scf.yield %scan3A_1464 : i32
      }
      %scan3A_50 = arith.constant 8 : i32
      "tpu.region"() ({
        %run_scoped3A = tpu.sem_alloc : memref<!tpu.dma_semaphore, #tpu.memory_space<semaphore_mem>>
        %dma_start3A_52 = arith.constant 0 : i32
        %dma_start3A_53 = tpu.memref_slice %arg9[%scan3A_24, %dma_start3A_52] : memref<79x128xi32, #tpu.memory_space<vmem>> -> memref<1x128xi32, #tpu.memory_space<vmem>>
        %dma_start3A_54 = tpu.memref_squeeze %dma_start3A_53 : memref<1x128xi32, #tpu.memory_space<vmem>> -> memref<128xi32, #tpu.memory_space<vmem>>
        %dma_start3A_55 = arith.constant 0 : i32
        %dma_start3A_56 = arith.constant 0 : i32
        %dma_start3A_57 = tpu.memref_slice %arg7[%dma_start3A_55, %dma_start3A_56] : memref<10240x128xf32, #tpu.memory_space<vmem_shared>> -> memref<10240x128xf32, #tpu.memory_space<vmem_shared>>
        tpu.enqueue_indirect_dma source(%arg11 : memref<128x128xf32, #tpu.memory_space<vmem>>) target(%dma_start3A_57 : memref<10240x128xf32, #tpu.memory_space<vmem_shared>>) offsets(%dma_start3A_54 : memref<128xi32, #tpu.memory_space<vmem>>) semaphore(%run_scoped3A : memref<!tpu.dma_semaphore, #tpu.memory_space<semaphore_mem>>) {add = true}
        %dma_wait3A_58 = arith.constant 0 : i32
        %dma_wait3A_59 = tpu.memref_slice %arg9[%scan3A_24, %dma_wait3A_58] : memref<79x128xi32, #tpu.memory_space<vmem>> -> memref<1x128xi32, #tpu.memory_space<vmem>>
        %dma_wait3A_60 = tpu.memref_squeeze %dma_wait3A_59 : memref<1x128xi32, #tpu.memory_space<vmem>> -> memref<128xi32, #tpu.memory_space<vmem>>
        %dma_wait3A_61 = arith.constant 0 : i32
        %dma_wait3A_62 = arith.constant 0 : i32
        %dma_wait3A_63 = tpu.memref_slice %arg7[%dma_wait3A_61, %dma_wait3A_62] : memref<10240x128xf32, #tpu.memory_space<vmem_shared>> -> memref<10240x128xf32, #tpu.memory_space<vmem_shared>>
        tpu.wait_indirect_dma semaphore(%run_scoped3A : memref<!tpu.dma_semaphore, #tpu.memory_space<semaphore_mem>>) src(%arg11 : memref<128x128xf32, #tpu.memory_space<vmem>>) dst(%dma_wait3A_63 : memref<10240x128xf32, #tpu.memory_space<vmem_shared>>)
        tpu.yield
      }) : () -> ()
      %scan3A_51 = arith.constant 0 : i32
      scf.yield %scan3A_51 : i32
    }
    %scan3A_22 = arith.constant 79 : i32
    %barrier3A_23 = arith.constant 0 : index
    tpu.barrier barrier_id(%barrier3A_23)
    "tpu.region"() ({
      %run_scoped3A = tpu.sem_alloc : memref<!tpu.dma_semaphore, #tpu.memory_space<semaphore_mem>>
      %dma_start3A = arith.constant 0 : i32
      %dma_start3A_24 = arith.constant 0 : i32
      %dma_start3A_25 = tpu.memref_slice %arg6[%arg0, %dma_start3A, %dma_start3A_24] : memref<2x10240x128xf32, #tpu.memory_space<hbm>> -> memref<1x10240x128xf32, #tpu.memory_space<hbm>>
      %dma_start3A_26 = tpu.memref_squeeze %dma_start3A_25 : memref<1x10240x128xf32, #tpu.memory_space<hbm>> -> memref<10240x128xf32, #tpu.memory_space<hbm>>
      %dma_start3A_27 = arith.constant 0 : i32
      %dma_start3A_28 = tpu.memref_slice %dma_start3A_26[%mul3A_6, %dma_start3A_27] : memref<10240x128xf32, #tpu.memory_space<hbm>> -> memref<640x128xf32, #tpu.memory_space<hbm>>
      %dma_start3A_29 = arith.constant 0 : i32
      %dma_start3A_30 = tpu.memref_slice %arg7[%mul3A_6, %dma_start3A_29] : memref<10240x128xf32, #tpu.memory_space<vmem_shared>> -> memref<640x128xf32, #tpu.memory_space<vmem_shared>>
      tpu.enqueue_dma source(%dma_start3A_30 : memref<640x128xf32, #tpu.memory_space<vmem_shared>>) target(%dma_start3A_28 : memref<640x128xf32, #tpu.memory_space<hbm>>) target_semaphore(%run_scoped3A : memref<!tpu.dma_semaphore, #tpu.memory_space<semaphore_mem>>)
      %dma_wait3A = arith.constant 0 : i32
      %dma_wait3A_31 = arith.constant 0 : i32
      %dma_wait3A_32 = tpu.memref_slice %arg6[%arg0, %dma_wait3A, %dma_wait3A_31] : memref<2x10240x128xf32, #tpu.memory_space<hbm>> -> memref<1x10240x128xf32, #tpu.memory_space<hbm>>
      %dma_wait3A_33 = tpu.memref_squeeze %dma_wait3A_32 : memref<1x10240x128xf32, #tpu.memory_space<hbm>> -> memref<10240x128xf32, #tpu.memory_space<hbm>>
      %dma_wait3A_34 = arith.constant 0 : i32
      %dma_wait3A_35 = tpu.memref_slice %dma_wait3A_33[%mul3A_6, %dma_wait3A_34] : memref<10240x128xf32, #tpu.memory_space<hbm>> -> memref<640x128xf32, #tpu.memory_space<hbm>>
      %dma_wait3A_36 = arith.constant 0 : i32
      %dma_wait3A_37 = tpu.memref_slice %arg7[%mul3A_6, %dma_wait3A_36] : memref<10240x128xf32, #tpu.memory_space<vmem_shared>> -> memref<640x128xf32, #tpu.memory_space<vmem_shared>>
      tpu.wait_dma2 semaphore(%run_scoped3A : memref<!tpu.dma_semaphore, #tpu.memory_space<semaphore_mem>>) src(%dma_wait3A_37 : memref<640x128xf32, #tpu.memory_space<vmem_shared>>) dst(%dma_wait3A_35 : memref<640x128xf32, #tpu.memory_space<hbm>>)
      tpu.yield
    }) : () -> ()
    return
  }
}

#map = affine_map<(d0, d1) -> (0, 0, 0)>
module attributes {stable_mosaic.version = 14 : i64} {
  func.func @_spmm_body(%arg0: i32, %arg1: i32, %arg2: memref<2x10240x128xf32, #tpu.memory_space<hbm>>, %arg3: memref<16x79x128xi32, #tpu.memory_space<hbm>>, %arg4: memref<16x79x128xi32, #tpu.memory_space<hbm>>, %arg5: memref<16x79x128xf32, #tpu.memory_space<hbm>>, %arg6: memref<2x10240x128xf32, #tpu.memory_space<hbm>>, %arg7: memref<10240x128xf32, #tpu.memory_space<vmem_shared>>, %arg8: memref<79x128xi32, #tpu.memory_space<vmem>>, %arg9: memref<79x128xi32, #tpu.memory_space<vmem>>, %arg10: memref<79x128xf32, #tpu.memory_space<vmem>>, %arg11: memref<128x128xf32, #tpu.memory_space<vmem>>, %arg12: memref<!tpu.dma_semaphore, #tpu.memory_space<semaphore_mem>>) attributes {dimension_semantics = [#tpu.dimension_semantics<core_parallel>, #tpu.dimension_semantics<subcore_parallel>], iteration_bounds = array<i64: 2, 16>, scalar_prefetch = 0 : i64, scratch_operands = 6 : i64, tpu.core_type = #tpu.core_type<sc_vector_subcore>, window_params = [{transform_indices = #map}, {transform_indices = #map}, {transform_indices = #map}, {transform_indices = #map}, {transform_indices = #map}]} {
    %scan3A = arith.constant 0 : i32
    %scan3A_0 = arith.constant 0 : i32
    %scan3A_1 = arith.constant 128 : i32
    %scan3A_2 = arith.addi %scan3A_0, %scan3A_1 : i32
    %scan3A_3 = arith.constant 1 : i32
    %scan3A_4 = scf.for %scan3A_24 = %scan3A_0 to %scan3A_2 step %scan3A_3 iter_args(%scan3A_25 = %scan3A) -> (i32)  : i32 {
      %broadcast_in_dim3A = arith.constant 0.000000e+00 : f32
      %broadcast_in_dim3A_26 = vector.broadcast %broadcast_in_dim3A : f32 to vector<16xf32>
      %swap3A = arith.index_cast %scan3A_24 : i32 to index
      %swap3A_27 = arith.constant 0 : index
      %swap3A_28 = tpu.vector_load %arg11[%swap3A, %swap3A_27] {strides = array<i32>} : memref<128x128xf32, #tpu.memory_space<vmem>>, vector<1x16xf32>,
      %swap3A_29 = vector.shape_cast %swap3A_28 : vector<1x16xf32> to vector<16xf32>
      %swap3A_30 = vector.shape_cast %broadcast_in_dim3A_26 : vector<16xf32> to vector<1x16xf32>
      tpu.vector_store %arg11[%swap3A, %swap3A_27], %swap3A_30 {strides = array<i32>} : memref<128x128xf32, #tpu.memory_space<vmem>>, vector<1x16xf32>,
      %broadcast_in_dim3A_31 = arith.constant 0.000000e+00 : f32
      %broadcast_in_dim3A_32 = vector.broadcast %broadcast_in_dim3A_31 : f32 to vector<16xf32>
      %swap3A_33 = arith.index_cast %scan3A_24 : i32 to index
      %swap3A_34 = arith.constant 16 : index
      %swap3A_35 = tpu.vector_load %arg11[%swap3A_33, %swap3A_34] {strides = array<i32>} : memref<128x128xf32, #tpu.memory_space<vmem>>, vector<1x16xf32>,
      %swap3A_36 = vector.shape_cast %swap3A_35 : vector<1x16xf32> to vector<16xf32>
      %swap3A_37 = vector.shape_cast %broadcast_in_dim3A_32 : vector<16xf32> to vector<1x16xf32>
      tpu.vector_store %arg11[%swap3A_33, %swap3A_34], %swap3A_37 {strides = array<i32>} : memref<128x128xf32, #tpu.memory_space<vmem>>, vector<1x16xf32>,
      %broadcast_in_dim3A_38 = arith.constant 0.000000e+00 : f32
      %broadcast_in_dim3A_39 = vector.broadcast %broadcast_in_dim3A_38 : f32 to vector<16xf32>
      %swap3A_40 = arith.index_cast %scan3A_24 : i32 to index
      %swap3A_41 = arith.constant 32 : index
      %swap3A_42 = tpu.vector_load %arg11[%swap3A_40, %swap3A_41] {strides = array<i32>} : memref<128x128xf32, #tpu.memory_space<vmem>>, vector<1x16xf32>,
      %swap3A_43 = vector.shape_cast %swap3A_42 : vector<1x16xf32> to vector<16xf32>
      %swap3A_44 = vector.shape_cast %broadcast_in_dim3A_39 : vector<16xf32> to vector<1x16xf32>
      tpu.vector_store %arg11[%swap3A_40, %swap3A_41], %swap3A_44 {strides = array<i32>} : memref<128x128xf32, #tpu.memory_space<vmem>>, vector<1x16xf32>,
      %broadcast_in_dim3A_45 = arith.constant 0.000000e+00 : f32
      %broadcast_in_dim3A_46 = vector.broadcast %broadcast_in_dim3A_45 : f32 to vector<16xf32>
      %swap3A_47 = arith.index_cast %scan3A_24 : i32 to index
      %swap3A_48 = arith.constant 48 : index
      %swap3A_49 = tpu.vector_load %arg11[%swap3A_47, %swap3A_48] {strides = array<i32>} : memref<128x128xf32, #tpu.memory_space<vmem>>, vector<1x16xf32>,
      %swap3A_50 = vector.shape_cast %swap3A_49 : vector<1x16xf32> to vector<16xf32>
      %swap3A_51 = vector.shape_cast %broadcast_in_dim3A_46 : vector<16xf32> to vector<1x16xf32>
      tpu.vector_store %arg11[%swap3A_47, %swap3A_48], %swap3A_51 {strides = array<i32>} : memref<128x128xf32, #tpu.memory_space<vmem>>, vector<1x16xf32>,
      %broadcast_in_dim3A_52 = arith.constant 0.000000e+00 : f32
      %broadcast_in_dim3A_53 = vector.broadcast %broadcast_in_dim3A_52 : f32 to vector<16xf32>
      %swap3A_54 = arith.index_cast %scan3A_24 : i32 to index
      %swap3A_55 = arith.constant 64 : index
      %swap3A_56 = tpu.vector_load %arg11[%swap3A_54, %swap3A_55] {strides = array<i32>} : memref<128x128xf32, #tpu.memory_space<vmem>>, vector<1x16xf32>,
      %swap3A_57 = vector.shape_cast %swap3A_56 : vector<1x16xf32> to vector<16xf32>
      %swap3A_58 = vector.shape_cast %broadcast_in_dim3A_53 : vector<16xf32> to vector<1x16xf32>
      tpu.vector_store %arg11[%swap3A_54, %swap3A_55], %swap3A_58 {strides = array<i32>} : memref<128x128xf32, #tpu.memory_space<vmem>>, vector<1x16xf32>,
      %broadcast_in_dim3A_59 = arith.constant 0.000000e+00 : f32
      %broadcast_in_dim3A_60 = vector.broadcast %broadcast_in_dim3A_59 : f32 to vector<16xf32>
      %swap3A_61 = arith.index_cast %scan3A_24 : i32 to index
      %swap3A_62 = arith.constant 80 : index
      %swap3A_63 = tpu.vector_load %arg11[%swap3A_61, %swap3A_62] {strides = array<i32>} : memref<128x128xf32, #tpu.memory_space<vmem>>, vector<1x16xf32>,
      %swap3A_64 = vector.shape_cast %swap3A_63 : vector<1x16xf32> to vector<16xf32>
      %swap3A_65 = vector.shape_cast %broadcast_in_dim3A_60 : vector<16xf32> to vector<1x16xf32>
      tpu.vector_store %arg11[%swap3A_61, %swap3A_62], %swap3A_65 {strides = array<i32>} : memref<128x128xf32, #tpu.memory_space<vmem>>, vector<1x16xf32>,
      %broadcast_in_dim3A_66 = arith.constant 0.000000e+00 : f32
      %broadcast_in_dim3A_67 = vector.broadcast %broadcast_in_dim3A_66 : f32 to vector<16xf32>
      %swap3A_68 = arith.index_cast %scan3A_24 : i32 to index
      %swap3A_69 = arith.constant 96 : index
      %swap3A_70 = tpu.vector_load %arg11[%swap3A_68, %swap3A_69] {strides = array<i32>} : memref<128x128xf32, #tpu.memory_space<vmem>>, vector<1x16xf32>,
      %swap3A_71 = vector.shape_cast %swap3A_70 : vector<1x16xf32> to vector<16xf32>
      %swap3A_72 = vector.shape_cast %broadcast_in_dim3A_67 : vector<16xf32> to vector<1x16xf32>
      tpu.vector_store %arg11[%swap3A_68, %swap3A_69], %swap3A_72 {strides = array<i32>} : memref<128x128xf32, #tpu.memory_space<vmem>>, vector<1x16xf32>,
      %broadcast_in_dim3A_73 = arith.constant 0.000000e+00 : f32
      %broadcast_in_dim3A_74 = vector.broadcast %broadcast_in_dim3A_73 : f32 to vector<16xf32>
      %swap3A_75 = arith.index_cast %scan3A_24 : i32 to index
      %swap3A_76 = arith.constant 112 : index
      %swap3A_77 = tpu.vector_load %arg11[%swap3A_75, %swap3A_76] {strides = array<i32>} : memref<128x128xf32, #tpu.memory_space<vmem>>, vector<1x16xf32>,
      %swap3A_78 = vector.shape_cast %swap3A_77 : vector<1x16xf32> to vector<16xf32>
      %swap3A_79 = vector.shape_cast %broadcast_in_dim3A_74 : vector<16xf32> to vector<1x16xf32>
      tpu.vector_store %arg11[%swap3A_75, %swap3A_76], %swap3A_79 {strides = array<i32>} : memref<128x128xf32, #tpu.memory_space<vmem>>, vector<1x16xf32>,
      %scan3A_80 = arith.constant 0 : i32
      scf.yield %scan3A_80 : i32
    }
    %scan3A_5 = arith.constant 128 : i32
    %mul3A = arith.constant 640 : i32
    %mul3A_6 = arith.muli %arg1, %mul3A : i32
    %add3A = arith.constant 0 : i32
    %add3A_7 = arith.addi %mul3A_6, %add3A : i32
    "tpu.region"() ({
      %run_scoped3A = tpu.sem_alloc : memref<!tpu.dma_semaphore, #tpu.memory_space<semaphore_mem>>
      %dma_start3A = arith.constant 0 : i32
      %dma_start3A_24 = tpu.memref_slice %arg7[%add3A_7, %dma_start3A] : memref<10240x128xf32, #tpu.memory_space<vmem_shared>> -> memref<128x128xf32, #tpu.memory_space<vmem_shared>>
      %dma_start3A_25 = arith.constant 0 : i32
      %dma_start3A_26 = tpu.memref_slice %arg7[%add3A_7, %dma_start3A_25] : memref<10240x128xf32, #tpu.memory_space<vmem_shared>> -> memref<128x128xf32, #tpu.memory_space<vmem_shared>>
      tpu.enqueue_dma source(%arg11 : memref<128x128xf32, #tpu.memory_space<vmem>>) target(%dma_start3A_26 : memref<128x128xf32, #tpu.memory_space<vmem_shared>>) target_semaphore(%run_scoped3A : memref<!tpu.dma_semaphore, #tpu.memory_space<semaphore_mem>>)
      %dma_wait3A = arith.constant 0 : i32
      %dma_wait3A_27 = tpu.memref_slice %arg7[%add3A_7, %dma_wait3A] : memref<10240x128xf32, #tpu.memory_space<vmem_shared>> -> memref<128x128xf32, #tpu.memory_space<vmem_shared>>
      %dma_wait3A_28 = arith.constant 0 : i32
      %dma_wait3A_29 = tpu.memref_slice %arg7[%add3A_7, %dma_wait3A_28] : memref<10240x128xf32, #tpu.memory_space<vmem_shared>> -> memref<128x128xf32, #tpu.memory_space<vmem_shared>>
      tpu.wait_dma2 semaphore(%run_scoped3A : memref<!tpu.dma_semaphore, #tpu.memory_space<semaphore_mem>>) src(%arg11 : memref<128x128xf32, #tpu.memory_space<vmem>>) dst(%dma_wait3A_29 : memref<128x128xf32, #tpu.memory_space<vmem_shared>>)
      tpu.yield
    }) : () -> ()
    %add3A_8 = arith.constant 128 : i32
    %add3A_9 = arith.addi %mul3A_6, %add3A_8 : i32
    "tpu.region"() ({
      %run_scoped3A = tpu.sem_alloc : memref<!tpu.dma_semaphore, #tpu.memory_space<semaphore_mem>>
      %dma_start3A = arith.constant 0 : i32
      %dma_start3A_24 = tpu.memref_slice %arg7[%add3A_9, %dma_start3A] : memref<10240x128xf32, #tpu.memory_space<vmem_shared>> -> memref<128x128xf32, #tpu.memory_space<vmem_shared>>
      %dma_start3A_25 = arith.constant 0 : i32
      %dma_start3A_26 = tpu.memref_slice %arg7[%add3A_9, %dma_start3A_25] : memref<10240x128xf32, #tpu.memory_space<vmem_shared>> -> memref<128x128xf32, #tpu.memory_space<vmem_shared>>
      tpu.enqueue_dma source(%arg11 : memref<128x128xf32, #tpu.memory_space<vmem>>) target(%dma_start3A_26 : memref<128x128xf32, #tpu.memory_space<vmem_shared>>) target_semaphore(%run_scoped3A : memref<!tpu.dma_semaphore, #tpu.memory_space<semaphore_mem>>)
      %dma_wait3A = arith.constant 0 : i32
      %dma_wait3A_27 = tpu.memref_slice %arg7[%add3A_9, %dma_wait3A] : memref<10240x128xf32, #tpu.memory_space<vmem_shared>> -> memref<128x128xf32, #tpu.memory_space<vmem_shared>>
      %dma_wait3A_28 = arith.constant 0 : i32
      %dma_wait3A_29 = tpu.memref_slice %arg7[%add3A_9, %dma_wait3A_28] : memref<10240x128xf32, #tpu.memory_space<vmem_shared>> -> memref<128x128xf32, #tpu.memory_space<vmem_shared>>
      tpu.wait_dma2 semaphore(%run_scoped3A : memref<!tpu.dma_semaphore, #tpu.memory_space<semaphore_mem>>) src(%arg11 : memref<128x128xf32, #tpu.memory_space<vmem>>) dst(%dma_wait3A_29 : memref<128x128xf32, #tpu.memory_space<vmem_shared>>)
      tpu.yield
    }) : () -> ()
    %add3A_10 = arith.constant 256 : i32
    %add3A_11 = arith.addi %mul3A_6, %add3A_10 : i32
    "tpu.region"() ({
      %run_scoped3A = tpu.sem_alloc : memref<!tpu.dma_semaphore, #tpu.memory_space<semaphore_mem>>
      %dma_start3A = arith.constant 0 : i32
      %dma_start3A_24 = tpu.memref_slice %arg7[%add3A_11, %dma_start3A] : memref<10240x128xf32, #tpu.memory_space<vmem_shared>> -> memref<128x128xf32, #tpu.memory_space<vmem_shared>>
      %dma_start3A_25 = arith.constant 0 : i32
      %dma_start3A_26 = tpu.memref_slice %arg7[%add3A_11, %dma_start3A_25] : memref<10240x128xf32, #tpu.memory_space<vmem_shared>> -> memref<128x128xf32, #tpu.memory_space<vmem_shared>>
      tpu.enqueue_dma source(%arg11 : memref<128x128xf32, #tpu.memory_space<vmem>>) target(%dma_start3A_26 : memref<128x128xf32, #tpu.memory_space<vmem_shared>>) target_semaphore(%run_scoped3A : memref<!tpu.dma_semaphore, #tpu.memory_space<semaphore_mem>>)
      %dma_wait3A = arith.constant 0 : i32
      %dma_wait3A_27 = tpu.memref_slice %arg7[%add3A_11, %dma_wait3A] : memref<10240x128xf32, #tpu.memory_space<vmem_shared>> -> memref<128x128xf32, #tpu.memory_space<vmem_shared>>
      %dma_wait3A_28 = arith.constant 0 : i32
      %dma_wait3A_29 = tpu.memref_slice %arg7[%add3A_11, %dma_wait3A_28] : memref<10240x128xf32, #tpu.memory_space<vmem_shared>> -> memref<128x128xf32, #tpu.memory_space<vmem_shared>>
      tpu.wait_dma2 semaphore(%run_scoped3A : memref<!tpu.dma_semaphore, #tpu.memory_space<semaphore_mem>>) src(%arg11 : memref<128x128xf32, #tpu.memory_space<vmem>>) dst(%dma_wait3A_29 : memref<128x128xf32, #tpu.memory_space<vmem_shared>>)
      tpu.yield
    }) : () -> ()
    %add3A_12 = arith.constant 384 : i32
    %add3A_13 = arith.addi %mul3A_6, %add3A_12 : i32
    "tpu.region"() ({
      %run_scoped3A = tpu.sem_alloc : memref<!tpu.dma_semaphore, #tpu.memory_space<semaphore_mem>>
      %dma_start3A = arith.constant 0 : i32
      %dma_start3A_24 = tpu.memref_slice %arg7[%add3A_13, %dma_start3A] : memref<10240x128xf32, #tpu.memory_space<vmem_shared>> -> memref<128x128xf32, #tpu.memory_space<vmem_shared>>
      %dma_start3A_25 = arith.constant 0 : i32
      %dma_start3A_26 = tpu.memref_slice %arg7[%add3A_13, %dma_start3A_25] : memref<10240x128xf32, #tpu.memory_space<vmem_shared>> -> memref<128x128xf32, #tpu.memory_space<vmem_shared>>
      tpu.enqueue_dma source(%arg11 : memref<128x128xf32, #tpu.memory_space<vmem>>) target(%dma_start3A_26 : memref<128x128xf32, #tpu.memory_space<vmem_shared>>) target_semaphore(%run_scoped3A : memref<!tpu.dma_semaphore, #tpu.memory_space<semaphore_mem>>)
      %dma_wait3A = arith.constant 0 : i32
      %dma_wait3A_27 = tpu.memref_slice %arg7[%add3A_13, %dma_wait3A] : memref<10240x128xf32, #tpu.memory_space<vmem_shared>> -> memref<128x128xf32, #tpu.memory_space<vmem_shared>>
      %dma_wait3A_28 = arith.constant 0 : i32
      %dma_wait3A_29 = tpu.memref_slice %arg7[%add3A_13, %dma_wait3A_28] : memref<10240x128xf32, #tpu.memory_space<vmem_shared>> -> memref<128x128xf32, #tpu.memory_space<vmem_shared>>
      tpu.wait_dma2 semaphore(%run_scoped3A : memref<!tpu.dma_semaphore, #tpu.memory_space<semaphore_mem>>) src(%arg11 : memref<128x128xf32, #tpu.memory_space<vmem>>) dst(%dma_wait3A_29 : memref<128x128xf32, #tpu.memory_space<vmem_shared>>)
      tpu.yield
    }) : () -> ()
    %add3A_14 = arith.constant 512 : i32
    %add3A_15 = arith.addi %mul3A_6, %add3A_14 : i32
    "tpu.region"() ({
      %run_scoped3A = tpu.sem_alloc : memref<!tpu.dma_semaphore, #tpu.memory_space<semaphore_mem>>
      %dma_start3A = arith.constant 0 : i32
      %dma_start3A_24 = tpu.memref_slice %arg7[%add3A_15, %dma_start3A] : memref<10240x128xf32, #tpu.memory_space<vmem_shared>> -> memref<128x128xf32, #tpu.memory_space<vmem_shared>>
      %dma_start3A_25 = arith.constant 0 : i32
      %dma_start3A_26 = tpu.memref_slice %arg7[%add3A_15, %dma_start3A_25] : memref<10240x128xf32, #tpu.memory_space<vmem_shared>> -> memref<128x128xf32, #tpu.memory_space<vmem_shared>>
      tpu.enqueue_dma source(%arg11 : memref<128x128xf32, #tpu.memory_space<vmem>>) target(%dma_start3A_26 : memref<128x128xf32, #tpu.memory_space<vmem_shared>>) target_semaphore(%run_scoped3A : memref<!tpu.dma_semaphore, #tpu.memory_space<semaphore_mem>>)
      %dma_wait3A = arith.constant 0 : i32
      %dma_wait3A_27 = tpu.memref_slice %arg7[%add3A_15, %dma_wait3A] : memref<10240x128xf32, #tpu.memory_space<vmem_shared>> -> memref<128x128xf32, #tpu.memory_space<vmem_shared>>
      %dma_wait3A_28 = arith.constant 0 : i32
      %dma_wait3A_29 = tpu.memref_slice %arg7[%add3A_15, %dma_wait3A_28] : memref<10240x128xf32, #tpu.memory_space<vmem_shared>> -> memref<128x128xf32, #tpu.memory_space<vmem_shared>>
      tpu.wait_dma2 semaphore(%run_scoped3A : memref<!tpu.dma_semaphore, #tpu.memory_space<semaphore_mem>>) src(%arg11 : memref<128x128xf32, #tpu.memory_space<vmem>>) dst(%dma_wait3A_29 : memref<128x128xf32, #tpu.memory_space<vmem_shared>>)
      tpu.yield
    }) : () -> ()
    "tpu.region"() ({
      %run_scoped3A = tpu.sem_alloc : memref<!tpu.dma_semaphore, #tpu.memory_space<semaphore_mem>>
      %dma_start3A = arith.constant 0 : i32
      %dma_start3A_24 = arith.constant 0 : i32
      %dma_start3A_25 = tpu.memref_slice %arg3[%arg1, %dma_start3A, %dma_start3A_24] : memref<16x79x128xi32, #tpu.memory_space<hbm>> -> memref<1x79x128xi32, #tpu.memory_space<hbm>>
      %dma_start3A_26 = tpu.memref_squeeze %dma_start3A_25 : memref<1x79x128xi32, #tpu.memory_space<hbm>> -> memref<79x128xi32, #tpu.memory_space<hbm>>
      %dma_start3A_27 = arith.constant 0 : i32
      %dma_start3A_28 = arith.constant 0 : i32
      %dma_start3A_29 = tpu.memref_slice %arg3[%arg1, %dma_start3A_27, %dma_start3A_28] : memref<16x79x128xi32, #tpu.memory_space<hbm>> -> memref<1x79x128xi32, #tpu.memory_space<hbm>>
      %dma_start3A_30 = tpu.memref_squeeze %dma_start3A_29 : memref<1x79x128xi32, #tpu.memory_space<hbm>> -> memref<79x128xi32, #tpu.memory_space<hbm>>
      tpu.enqueue_dma source(%dma_start3A_30 : memref<79x128xi32, #tpu.memory_space<hbm>>) target(%arg8 : memref<79x128xi32, #tpu.memory_space<vmem>>) target_semaphore(%run_scoped3A : memref<!tpu.dma_semaphore, #tpu.memory_space<semaphore_mem>>)
      %dma_wait3A = arith.constant 0 : i32
      %dma_wait3A_31 = arith.constant 0 : i32
      %dma_wait3A_32 = tpu.memref_slice %arg3[%arg1, %dma_wait3A, %dma_wait3A_31] : memref<16x79x128xi32, #tpu.memory_space<hbm>> -> memref<1x79x128xi32, #tpu.memory_space<hbm>>
      %dma_wait3A_33 = tpu.memref_squeeze %dma_wait3A_32 : memref<1x79x128xi32, #tpu.memory_space<hbm>> -> memref<79x128xi32, #tpu.memory_space<hbm>>
      %dma_wait3A_34 = arith.constant 0 : i32
      %dma_wait3A_35 = arith.constant 0 : i32
      %dma_wait3A_36 = tpu.memref_slice %arg3[%arg1, %dma_wait3A_34, %dma_wait3A_35] : memref<16x79x128xi32, #tpu.memory_space<hbm>> -> memref<1x79x128xi32, #tpu.memory_space<hbm>>
      %dma_wait3A_37 = tpu.memref_squeeze %dma_wait3A_36 : memref<1x79x128xi32, #tpu.memory_space<hbm>> -> memref<79x128xi32, #tpu.memory_space<hbm>>
      tpu.wait_dma2 semaphore(%run_scoped3A : memref<!tpu.dma_semaphore, #tpu.memory_space<semaphore_mem>>) src(%dma_wait3A_37 : memref<79x128xi32, #tpu.memory_space<hbm>>) dst(%arg8 : memref<79x128xi32, #tpu.memory_space<vmem>>)
      tpu.yield
    }) : () -> ()
    "tpu.region"() ({
      %run_scoped3A = tpu.sem_alloc : memref<!tpu.dma_semaphore, #tpu.memory_space<semaphore_mem>>
      %dma_start3A = arith.constant 0 : i32
      %dma_start3A_24 = arith.constant 0 : i32
      %dma_start3A_25 = tpu.memref_slice %arg4[%arg1, %dma_start3A, %dma_start3A_24] : memref<16x79x128xi32, #tpu.memory_space<hbm>> -> memref<1x79x128xi32, #tpu.memory_space<hbm>>
      %dma_start3A_26 = tpu.memref_squeeze %dma_start3A_25 : memref<1x79x128xi32, #tpu.memory_space<hbm>> -> memref<79x128xi32, #tpu.memory_space<hbm>>
      %dma_start3A_27 = arith.constant 0 : i32
      %dma_start3A_28 = arith.constant 0 : i32
      %dma_start3A_29 = tpu.memref_slice %arg4[%arg1, %dma_start3A_27, %dma_start3A_28] : memref<16x79x128xi32, #tpu.memory_space<hbm>> -> memref<1x79x128xi32, #tpu.memory_space<hbm>>
      %dma_start3A_30 = tpu.memref_squeeze %dma_start3A_29 : memref<1x79x128xi32, #tpu.memory_space<hbm>> -> memref<79x128xi32, #tpu.memory_space<hbm>>
      tpu.enqueue_dma source(%dma_start3A_30 : memref<79x128xi32, #tpu.memory_space<hbm>>) target(%arg9 : memref<79x128xi32, #tpu.memory_space<vmem>>) target_semaphore(%run_scoped3A : memref<!tpu.dma_semaphore, #tpu.memory_space<semaphore_mem>>)
      %dma_wait3A = arith.constant 0 : i32
      %dma_wait3A_31 = arith.constant 0 : i32
      %dma_wait3A_32 = tpu.memref_slice %arg4[%arg1, %dma_wait3A, %dma_wait3A_31] : memref<16x79x128xi32, #tpu.memory_space<hbm>> -> memref<1x79x128xi32, #tpu.memory_space<hbm>>
      %dma_wait3A_33 = tpu.memref_squeeze %dma_wait3A_32 : memref<1x79x128xi32, #tpu.memory_space<hbm>> -> memref<79x128xi32, #tpu.memory_space<hbm>>
      %dma_wait3A_34 = arith.constant 0 : i32
      %dma_wait3A_35 = arith.constant 0 : i32
      %dma_wait3A_36 = tpu.memref_slice %arg4[%arg1, %dma_wait3A_34, %dma_wait3A_35] : memref<16x79x128xi32, #tpu.memory_space<hbm>> -> memref<1x79x128xi32, #tpu.memory_space<hbm>>
      %dma_wait3A_37 = tpu.memref_squeeze %dma_wait3A_36 : memref<1x79x128xi32, #tpu.memory_space<hbm>> -> memref<79x128xi32, #tpu.memory_space<hbm>>
      tpu.wait_dma2 semaphore(%run_scoped3A : memref<!tpu.dma_semaphore, #tpu.memory_space<semaphore_mem>>) src(%dma_wait3A_37 : memref<79x128xi32, #tpu.memory_space<hbm>>) dst(%arg9 : memref<79x128xi32, #tpu.memory_space<vmem>>)
      tpu.yield
    }) : () -> ()
    "tpu.region"() ({
      %run_scoped3A = tpu.sem_alloc : memref<!tpu.dma_semaphore, #tpu.memory_space<semaphore_mem>>
      %dma_start3A = arith.constant 0 : i32
      %dma_start3A_24 = arith.constant 0 : i32
      %dma_start3A_25 = tpu.memref_slice %arg5[%arg1, %dma_start3A, %dma_start3A_24] : memref<16x79x128xf32, #tpu.memory_space<hbm>> -> memref<1x79x128xf32, #tpu.memory_space<hbm>>
      %dma_start3A_26 = tpu.memref_squeeze %dma_start3A_25 : memref<1x79x128xf32, #tpu.memory_space<hbm>> -> memref<79x128xf32, #tpu.memory_space<hbm>>
      %dma_start3A_27 = arith.constant 0 : i32
      %dma_start3A_28 = arith.constant 0 : i32
      %dma_start3A_29 = tpu.memref_slice %arg5[%arg1, %dma_start3A_27, %dma_start3A_28] : memref<16x79x128xf32, #tpu.memory_space<hbm>> -> memref<1x79x128xf32, #tpu.memory_space<hbm>>
      %dma_start3A_30 = tpu.memref_squeeze %dma_start3A_29 : memref<1x79x128xf32, #tpu.memory_space<hbm>> -> memref<79x128xf32, #tpu.memory_space<hbm>>
      tpu.enqueue_dma source(%dma_start3A_30 : memref<79x128xf32, #tpu.memory_space<hbm>>) target(%arg10 : memref<79x128xf32, #tpu.memory_space<vmem>>) target_semaphore(%run_scoped3A : memref<!tpu.dma_semaphore, #tpu.memory_space<semaphore_mem>>)
      %dma_wait3A = arith.constant 0 : i32
      %dma_wait3A_31 = arith.constant 0 : i32
      %dma_wait3A_32 = tpu.memref_slice %arg5[%arg1, %dma_wait3A, %dma_wait3A_31] : memref<16x79x128xf32, #tpu.memory_space<hbm>> -> memref<1x79x128xf32, #tpu.memory_space<hbm>>
      %dma_wait3A_33 = tpu.memref_squeeze %dma_wait3A_32 : memref<1x79x128xf32, #tpu.memory_space<hbm>> -> memref<79x128xf32, #tpu.memory_space<hbm>>
      %dma_wait3A_34 = arith.constant 0 : i32
      %dma_wait3A_35 = arith.constant 0 : i32
      %dma_wait3A_36 = tpu.memref_slice %arg5[%arg1, %dma_wait3A_34, %dma_wait3A_35] : memref<16x79x128xf32, #tpu.memory_space<hbm>> -> memref<1x79x128xf32, #tpu.memory_space<hbm>>
      %dma_wait3A_37 = tpu.memref_squeeze %dma_wait3A_36 : memref<1x79x128xf32, #tpu.memory_space<hbm>> -> memref<79x128xf32, #tpu.memory_space<hbm>>
      tpu.wait_dma2 semaphore(%run_scoped3A : memref<!tpu.dma_semaphore, #tpu.memory_space<semaphore_mem>>) src(%dma_wait3A_37 : memref<79x128xf32, #tpu.memory_space<hbm>>) dst(%arg10 : memref<79x128xf32, #tpu.memory_space<vmem>>)
      tpu.yield
    }) : () -> ()
    %barrier3A = arith.constant 0 : index
    tpu.barrier barrier_id(%barrier3A)
    %scan3A_16 = arith.constant 0 : i32
    %scan3A_17 = arith.constant 0 : i32
    %scan3A_18 = arith.constant 79 : i32
    %scan3A_19 = arith.addi %scan3A_17, %scan3A_18 : i32
    %scan3A_20 = arith.constant 1 : i32
    %scan3A_21 = scf.for %scan3A_24 = %scan3A_17 to %scan3A_19 step %scan3A_20 iter_args(%scan3A_25 = %scan3A_16) -> (i32)  : i32 {
      %dma_start3A = arith.constant 0 : i32
      %dma_start3A_26 = tpu.memref_slice %arg8[%scan3A_24, %dma_start3A] : memref<79x128xi32, #tpu.memory_space<vmem>> -> memref<1x128xi32, #tpu.memory_space<vmem>>
      %dma_start3A_27 = tpu.memref_squeeze %dma_start3A_26 : memref<1x128xi32, #tpu.memory_space<vmem>> -> memref<128xi32, #tpu.memory_space<vmem>>
      %dma_start3A_28 = arith.constant 0 : i32
      %dma_start3A_29 = arith.constant 0 : i32
      %dma_start3A_30 = tpu.memref_slice %arg2[%arg0, %dma_start3A_28, %dma_start3A_29] : memref<2x10240x128xf32, #tpu.memory_space<hbm>> -> memref<1x10240x128xf32, #tpu.memory_space<hbm>>
      %dma_start3A_31 = tpu.memref_squeeze %dma_start3A_30 : memref<1x10240x128xf32, #tpu.memory_space<hbm>> -> memref<10240x128xf32, #tpu.memory_space<hbm>>
      %dma_start3A_32 = arith.constant 0 : i32
      %dma_start3A_33 = arith.constant 0 : i32
      %dma_start3A_34 = tpu.memref_slice %dma_start3A_31[%dma_start3A_32, %dma_start3A_33] : memref<10240x128xf32, #tpu.memory_space<hbm>> -> memref<10240x128xf32, #tpu.memory_space<hbm>>
      tpu.enqueue_indirect_dma source(%dma_start3A_34 : memref<10240x128xf32, #tpu.memory_space<hbm>>) target(%arg11 : memref<128x128xf32, #tpu.memory_space<vmem>>) offsets(%dma_start3A_27 : memref<128xi32, #tpu.memory_space<vmem>>) semaphore(%arg12 : memref<!tpu.dma_semaphore, #tpu.memory_space<semaphore_mem>>)
      %dma_wait3A = arith.constant 0 : i32
      %dma_wait3A_35 = tpu.memref_slice %arg8[%scan3A_24, %dma_wait3A] : memref<79x128xi32, #tpu.memory_space<vmem>> -> memref<1x128xi32, #tpu.memory_space<vmem>>
      %dma_wait3A_36 = tpu.memref_squeeze %dma_wait3A_35 : memref<1x128xi32, #tpu.memory_space<vmem>> -> memref<128xi32, #tpu.memory_space<vmem>>
      %dma_wait3A_37 = arith.constant 0 : i32
      %dma_wait3A_38 = arith.constant 0 : i32
      %dma_wait3A_39 = tpu.memref_slice %arg2[%arg0, %dma_wait3A_37, %dma_wait3A_38] : memref<2x10240x128xf32, #tpu.memory_space<hbm>> -> memref<1x10240x128xf32, #tpu.memory_space<hbm>>
      %dma_wait3A_40 = tpu.memref_squeeze %dma_wait3A_39 : memref<1x10240x128xf32, #tpu.memory_space<hbm>> -> memref<10240x128xf32, #tpu.memory_space<hbm>>
      %dma_wait3A_41 = arith.constant 0 : i32
      %dma_wait3A_42 = arith.constant 0 : i32
      %dma_wait3A_43 = tpu.memref_slice %dma_wait3A_40[%dma_wait3A_41, %dma_wait3A_42] : memref<10240x128xf32, #tpu.memory_space<hbm>> -> memref<10240x128xf32, #tpu.memory_space<hbm>>
      tpu.wait_indirect_dma semaphore(%arg12 : memref<!tpu.dma_semaphore, #tpu.memory_space<semaphore_mem>>) src(%dma_wait3A_43 : memref<10240x128xf32, #tpu.memory_space<hbm>>) dst(%arg11 : memref<128x128xf32, #tpu.memory_space<vmem>>)
      %scan3A_44 = arith.constant 0 : i32
      %scan3A_45 = arith.constant 0 : i32
      %scan3A_46 = arith.constant 8 : i32
      %scan3A_47 = arith.addi %scan3A_45, %scan3A_46 : i32
      %scan3A_48 = arith.constant 1 : i32
      %scan3A_49 = scf.for %scan3A_52 = %scan3A_45 to %scan3A_47 step %scan3A_48 iter_args(%scan3A_53 = %scan3A_44) -> (i32)  : i32 {
        %mul3A_54 = arith.constant 16 : i32
        %mul3A_55 = arith.muli %scan3A_52, %mul3A_54 : i32
        %get3A = arith.index_cast %scan3A_24 : i32 to index
        %get3A_56 = arith.index_cast %mul3A_55 : i32 to index
        %get3A_57 = tpu.vector_load %arg10[%get3A, %get3A_56] {strides = array<i32>} : memref<79x128xf32, #tpu.memory_space<vmem>>, vector<1x16xf32>,
        %get3A_58 = vector.shape_cast %get3A_57 : vector<1x16xf32> to vector<16xf32>
        %broadcast_in_dim3A = arith.constant 0 : i32
        %broadcast_in_dim3A_59 = vector.broadcast %broadcast_in_dim3A : i32 to vector<16x1xi32>
        %gather3A = vector.shape_cast %broadcast_in_dim3A_59 : vector<16x1xi32> to vector<16xi32>
        %gather3A_60 = tpu.dynamic_gather %get3A_58[%gather3A] in [0] : vector<16xf32>, vector<16xi32> -> vector<16xf32>
        %mul3A_61 = arith.constant 16 : i32
        %mul3A_62 = arith.muli %scan3A_52, %mul3A_61 : i32
        %add3A_63 = arith.constant 0 : i32
        %add3A_64 = arith.addi %mul3A_62, %add3A_63 : i32
        %get3A_65 = arith.index_cast %add3A_64 : i32 to index
        %get3A_66 = arith.constant 0 : index
        %get3A_67 = tpu.vector_load %arg11[%get3A_65, %get3A_66] {strides = array<i32>} : memref<128x128xf32, #tpu.memory_space<vmem>>, vector<1x16xf32>,
        %get3A_68 = vector.shape_cast %get3A_67 : vector<1x16xf32> to vector<16xf32>
        %mul3A_69 = arith.mulf %get3A_68, %gather3A_60 : vector<16xf32>
        %swap3A = arith.index_cast %add3A_64 : i32 to index
        %swap3A_70 = arith.constant 0 : index
        %swap3A_71 = tpu.vector_load %arg11[%swap3A, %swap3A_70] {strides = array<i32>} : memref<128x128xf32, #tpu.memory_space<vmem>>, vector<1x16xf32>,
        %swap3A_72 = vector.shape_cast %swap3A_71 : vector<1x16xf32> to vector<16xf32>
        %swap3A_73 = vector.shape_cast %mul3A_69 : vector<16xf32> to vector<1x16xf32>
        tpu.vector_store %arg11[%swap3A, %swap3A_70], %swap3A_73 {strides = array<i32>} : memref<128x128xf32, #tpu.memory_space<vmem>>, vector<1x16xf32>,
        %get3A_74 = arith.index_cast %add3A_64 : i32 to index
        %get3A_75 = arith.constant 16 : index
        %get3A_76 = tpu.vector_load %arg11[%get3A_74, %get3A_75] {strides = array<i32>} : memref<128x128xf32, #tpu.memory_space<vmem>>, vector<1x16xf32>,
        %get3A_77 = vector.shape_cast %get3A_76 : vector<1x16xf32> to vector<16xf32>
        %mul3A_78 = arith.mulf %get3A_77, %gather3A_60 : vector<16xf32>
        %swap3A_79 = arith.index_cast %add3A_64 : i32 to index
        %swap3A_80 = arith.constant 16 : index
        %swap3A_81 = tpu.vector_load %arg11[%swap3A_79, %swap3A_80] {strides = array<i32>} : memref<128x128xf32, #tpu.memory_space<vmem>>, vector<1x16xf32>,
        %swap3A_82 = vector.shape_cast %swap3A_81 : vector<1x16xf32> to vector<16xf32>
        %swap3A_83 = vector.shape_cast %mul3A_78 : vector<16xf32> to vector<1x16xf32>
        tpu.vector_store %arg11[%swap3A_79, %swap3A_80], %swap3A_83 {strides = array<i32>} : memref<128x128xf32, #tpu.memory_space<vmem>>, vector<1x16xf32>,
        %get3A_84 = arith.index_cast %add3A_64 : i32 to index
        %get3A_85 = arith.constant 32 : index
        %get3A_86 = tpu.vector_load %arg11[%get3A_84, %get3A_85] {strides = array<i32>} : memref<128x128xf32, #tpu.memory_space<vmem>>, vector<1x16xf32>,
        %get3A_87 = vector.shape_cast %get3A_86 : vector<1x16xf32> to vector<16xf32>
        %mul3A_88 = arith.mulf %get3A_87, %gather3A_60 : vector<16xf32>
        %swap3A_89 = arith.index_cast %add3A_64 : i32 to index
        %swap3A_90 = arith.constant 32 : index
        %swap3A_91 = tpu.vector_load %arg11[%swap3A_89, %swap3A_90] {strides = array<i32>} : memref<128x128xf32, #tpu.memory_space<vmem>>, vector<1x16xf32>,
        %swap3A_92 = vector.shape_cast %swap3A_91 : vector<1x16xf32> to vector<16xf32>
        %swap3A_93 = vector.shape_cast %mul3A_88 : vector<16xf32> to vector<1x16xf32>
        tpu.vector_store %arg11[%swap3A_89, %swap3A_90], %swap3A_93 {strides = array<i32>} : memref<128x128xf32, #tpu.memory_space<vmem>>, vector<1x16xf32>,
        %get3A_94 = arith.index_cast %add3A_64 : i32 to index
        %get3A_95 = arith.constant 48 : index
        %get3A_96 = tpu.vector_load %arg11[%get3A_94, %get3A_95] {strides = array<i32>} : memref<128x128xf32, #tpu.memory_space<vmem>>, vector<1x16xf32>,
        %get3A_97 = vector.shape_cast %get3A_96 : vector<1x16xf32> to vector<16xf32>
        %mul3A_98 = arith.mulf %get3A_97, %gather3A_60 : vector<16xf32>
        %swap3A_99 = arith.index_cast %add3A_64 : i32 to index
        %swap3A_100 = arith.constant 48 : index
        %swap3A_101 = tpu.vector_load %arg11[%swap3A_99, %swap3A_100] {strides = array<i32>} : memref<128x128xf32, #tpu.memory_space<vmem>>, vector<1x16xf32>,
        %swap3A_102 = vector.shape_cast %swap3A_101 : vector<1x16xf32> to vector<16xf32>
        %swap3A_103 = vector.shape_cast %mul3A_98 : vector<16xf32> to vector<1x16xf32>
        tpu.vector_store %arg11[%swap3A_99, %swap3A_100], %swap3A_103 {strides = array<i32>} : memref<128x128xf32, #tpu.memory_space<vmem>>, vector<1x16xf32>,
        %get3A_104 = arith.index_cast %add3A_64 : i32 to index
        %get3A_105 = arith.constant 64 : index
        %get3A_106 = tpu.vector_load %arg11[%get3A_104, %get3A_105] {strides = array<i32>} : memref<128x128xf32, #tpu.memory_space<vmem>>, vector<1x16xf32>,
        %get3A_107 = vector.shape_cast %get3A_106 : vector<1x16xf32> to vector<16xf32>
        %mul3A_108 = arith.mulf %get3A_107, %gather3A_60 : vector<16xf32>
        %swap3A_109 = arith.index_cast %add3A_64 : i32 to index
        %swap3A_110 = arith.constant 64 : index
        %swap3A_111 = tpu.vector_load %arg11[%swap3A_109, %swap3A_110] {strides = array<i32>} : memref<128x128xf32, #tpu.memory_space<vmem>>, vector<1x16xf32>,
        %swap3A_112 = vector.shape_cast %swap3A_111 : vector<1x16xf32> to vector<16xf32>
        %swap3A_113 = vector.shape_cast %mul3A_108 : vector<16xf32> to vector<1x16xf32>
        tpu.vector_store %arg11[%swap3A_109, %swap3A_110], %swap3A_113 {strides = array<i32>} : memref<128x128xf32, #tpu.memory_space<vmem>>, vector<1x16xf32>,
        %get3A_114 = arith.index_cast %add3A_64 : i32 to index
        %get3A_115 = arith.constant 80 : index
        %get3A_116 = tpu.vector_load %arg11[%get3A_114, %get3A_115] {strides = array<i32>} : memref<128x128xf32, #tpu.memory_space<vmem>>, vector<1x16xf32>,
        %get3A_117 = vector.shape_cast %get3A_116 : vector<1x16xf32> to vector<16xf32>
        %mul3A_118 = arith.mulf %get3A_117, %gather3A_60 : vector<16xf32>
        %swap3A_119 = arith.index_cast %add3A_64 : i32 to index
        %swap3A_120 = arith.constant 80 : index
        %swap3A_121 = tpu.vector_load %arg11[%swap3A_119, %swap3A_120] {strides = array<i32>} : memref<128x128xf32, #tpu.memory_space<vmem>>, vector<1x16xf32>,
        %swap3A_122 = vector.shape_cast %swap3A_121 : vector<1x16xf32> to vector<16xf32>
        %swap3A_123 = vector.shape_cast %mul3A_118 : vector<16xf32> to vector<1x16xf32>
        tpu.vector_store %arg11[%swap3A_119, %swap3A_120], %swap3A_123 {strides = array<i32>} : memref<128x128xf32, #tpu.memory_space<vmem>>, vector<1x16xf32>,
        %get3A_124 = arith.index_cast %add3A_64 : i32 to index
        %get3A_125 = arith.constant 96 : index
        %get3A_126 = tpu.vector_load %arg11[%get3A_124, %get3A_125] {strides = array<i32>} : memref<128x128xf32, #tpu.memory_space<vmem>>, vector<1x16xf32>,
        %get3A_127 = vector.shape_cast %get3A_126 : vector<1x16xf32> to vector<16xf32>
        %mul3A_128 = arith.mulf %get3A_127, %gather3A_60 : vector<16xf32>
        %swap3A_129 = arith.index_cast %add3A_64 : i32 to index
        %swap3A_130 = arith.constant 96 : index
        %swap3A_131 = tpu.vector_load %arg11[%swap3A_129, %swap3A_130] {strides = array<i32>} : memref<128x128xf32, #tpu.memory_space<vmem>>, vector<1x16xf32>,
        %swap3A_132 = vector.shape_cast %swap3A_131 : vector<1x16xf32> to vector<16xf32>
        %swap3A_133 = vector.shape_cast %mul3A_128 : vector<16xf32> to vector<1x16xf32>
        tpu.vector_store %arg11[%swap3A_129, %swap3A_130], %swap3A_133 {strides = array<i32>} : memref<128x128xf32, #tpu.memory_space<vmem>>, vector<1x16xf32>,
        %get3A_134 = arith.index_cast %add3A_64 : i32 to index
        %get3A_135 = arith.constant 112 : index
        %get3A_136 = tpu.vector_load %arg11[%get3A_134, %get3A_135] {strides = array<i32>} : memref<128x128xf32, #tpu.memory_space<vmem>>, vector<1x16xf32>,
        %get3A_137 = vector.shape_cast %get3A_136 : vector<1x16xf32> to vector<16xf32>
        %mul3A_138 = arith.mulf %get3A_137, %gather3A_60 : vector<16xf32>
        %swap3A_139 = arith.index_cast %add3A_64 : i32 to index
        %swap3A_140 = arith.constant 112 : index
        %swap3A_141 = tpu.vector_load %arg11[%swap3A_139, %swap3A_140] {strides = array<i32>} : memref<128x128xf32, #tpu.memory_space<vmem>>, vector<1x16xf32>,
        %swap3A_142 = vector.shape_cast %swap3A_141 : vector<1x16xf32> to vector<16xf32>
        %swap3A_143 = vector.shape_cast %mul3A_138 : vector<16xf32> to vector<1x16xf32>
        tpu.vector_store %arg11[%swap3A_139, %swap3A_140], %swap3A_143 {strides = array<i32>} : memref<128x128xf32, #tpu.memory_space<vmem>>, vector<1x16xf32>,
        %broadcast_in_dim3A_144 = arith.constant 1 : i32
        %broadcast_in_dim3A_145 = vector.broadcast %broadcast_in_dim3A_144 : i32 to vector<16x1xi32>
        %gather3A_146 = vector.shape_cast %broadcast_in_dim3A_145 : vector<16x1xi32> to vector<16xi32>
        %gather3A_147 = tpu.dynamic_gather %get3A_58[%gather3A_146] in [0] : vector<16xf32>, vector<16xi32> -> vector<16xf32>
        %mul3A_148 = arith.constant 16 : i32
        %mul3A_149 = arith.muli %scan3A_52, %mul3A_148 : i32
        %add3A_150 = arith.constant 1 : i32
        %add3A_151 = arith.addi %mul3A_149, %add3A_150 : i32
        %get3A_152 = arith.index_cast %add3A_151 : i32 to index
        %get3A_153 = arith.constant 0 : index
        %get3A_154 = tpu.vector_load %arg11[%get3A_152, %get3A_153] {strides = array<i32>} : memref<128x128xf32, #tpu.memory_space<vmem>>, vector<1x16xf32>,
        %get3A_155 = vector.shape_cast %get3A_154 : vector<1x16xf32> to vector<16xf32>
        %mul3A_156 = arith.mulf %get3A_155, %gather3A_147 : vector<16xf32>
        %swap3A_157 = arith.index_cast %add3A_151 : i32 to index
        %swap3A_158 = arith.constant 0 : index
        %swap3A_159 = tpu.vector_load %arg11[%swap3A_157, %swap3A_158] {strides = array<i32>} : memref<128x128xf32, #tpu.memory_space<vmem>>, vector<1x16xf32>,
        %swap3A_160 = vector.shape_cast %swap3A_159 : vector<1x16xf32> to vector<16xf32>
        %swap3A_161 = vector.shape_cast %mul3A_156 : vector<16xf32> to vector<1x16xf32>
        tpu.vector_store %arg11[%swap3A_157, %swap3A_158], %swap3A_161 {strides = array<i32>} : memref<128x128xf32, #tpu.memory_space<vmem>>, vector<1x16xf32>,
        %get3A_162 = arith.index_cast %add3A_151 : i32 to index
        %get3A_163 = arith.constant 16 : index
        %get3A_164 = tpu.vector_load %arg11[%get3A_162, %get3A_163] {strides = array<i32>} : memref<128x128xf32, #tpu.memory_space<vmem>>, vector<1x16xf32>,
        %get3A_165 = vector.shape_cast %get3A_164 : vector<1x16xf32> to vector<16xf32>
        %mul3A_166 = arith.mulf %get3A_165, %gather3A_147 : vector<16xf32>
        %swap3A_167 = arith.index_cast %add3A_151 : i32 to index
        %swap3A_168 = arith.constant 16 : index
        %swap3A_169 = tpu.vector_load %arg11[%swap3A_167, %swap3A_168] {strides = array<i32>} : memref<128x128xf32, #tpu.memory_space<vmem>>, vector<1x16xf32>,
        %swap3A_170 = vector.shape_cast %swap3A_169 : vector<1x16xf32> to vector<16xf32>
        %swap3A_171 = vector.shape_cast %mul3A_166 : vector<16xf32> to vector<1x16xf32>
        tpu.vector_store %arg11[%swap3A_167, %swap3A_168], %swap3A_171 {strides = array<i32>} : memref<128x128xf32, #tpu.memory_space<vmem>>, vector<1x16xf32>,
        %get3A_172 = arith.index_cast %add3A_151 : i32 to index
        %get3A_173 = arith.constant 32 : index
        %get3A_174 = tpu.vector_load %arg11[%get3A_172, %get3A_173] {strides = array<i32>} : memref<128x128xf32, #tpu.memory_space<vmem>>, vector<1x16xf32>,
        %get3A_175 = vector.shape_cast %get3A_174 : vector<1x16xf32> to vector<16xf32>
        %mul3A_176 = arith.mulf %get3A_175, %gather3A_147 : vector<16xf32>
        %swap3A_177 = arith.index_cast %add3A_151 : i32 to index
        %swap3A_178 = arith.constant 32 : index
        %swap3A_179 = tpu.vector_load %arg11[%swap3A_177, %swap3A_178] {strides = array<i32>} : memref<128x128xf32, #tpu.memory_space<vmem>>, vector<1x16xf32>,
        %swap3A_180 = vector.shape_cast %swap3A_179 : vector<1x16xf32> to vector<16xf32>
        %swap3A_181 = vector.shape_cast %mul3A_176 : vector<16xf32> to vector<1x16xf32>
        tpu.vector_store %arg11[%swap3A_177, %swap3A_178], %swap3A_181 {strides = array<i32>} : memref<128x128xf32, #tpu.memory_space<vmem>>, vector<1x16xf32>,
        %get3A_182 = arith.index_cast %add3A_151 : i32 to index
        %get3A_183 = arith.constant 48 : index
        %get3A_184 = tpu.vector_load %arg11[%get3A_182, %get3A_183] {strides = array<i32>} : memref<128x128xf32, #tpu.memory_space<vmem>>, vector<1x16xf32>,
        %get3A_185 = vector.shape_cast %get3A_184 : vector<1x16xf32> to vector<16xf32>
        %mul3A_186 = arith.mulf %get3A_185, %gather3A_147 : vector<16xf32>
        %swap3A_187 = arith.index_cast %add3A_151 : i32 to index
        %swap3A_188 = arith.constant 48 : index
        %swap3A_189 = tpu.vector_load %arg11[%swap3A_187, %swap3A_188] {strides = array<i32>} : memref<128x128xf32, #tpu.memory_space<vmem>>, vector<1x16xf32>,
        %swap3A_190 = vector.shape_cast %swap3A_189 : vector<1x16xf32> to vector<16xf32>
        %swap3A_191 = vector.shape_cast %mul3A_186 : vector<16xf32> to vector<1x16xf32>
        tpu.vector_store %arg11[%swap3A_187, %swap3A_188], %swap3A_191 {strides = array<i32>} : memref<128x128xf32, #tpu.memory_space<vmem>>, vector<1x16xf32>,
        %get3A_192 = arith.index_cast %add3A_151 : i32 to index
        %get3A_193 = arith.constant 64 : index
        %get3A_194 = tpu.vector_load %arg11[%get3A_192, %get3A_193] {strides = array<i32>} : memref<128x128xf32, #tpu.memory_space<vmem>>, vector<1x16xf32>,
        %get3A_195 = vector.shape_cast %get3A_194 : vector<1x16xf32> to vector<16xf32>
        %mul3A_196 = arith.mulf %get3A_195, %gather3A_147 : vector<16xf32>
        %swap3A_197 = arith.index_cast %add3A_151 : i32 to index
        %swap3A_198 = arith.constant 64 : index
        %swap3A_199 = tpu.vector_load %arg11[%swap3A_197, %swap3A_198] {strides = array<i32>} : memref<128x128xf32, #tpu.memory_space<vmem>>, vector<1x16xf32>,
        %swap3A_200 = vector.shape_cast %swap3A_199 : vector<1x16xf32> to vector<16xf32>
        %swap3A_201 = vector.shape_cast %mul3A_196 : vector<16xf32> to vector<1x16xf32>
        tpu.vector_store %arg11[%swap3A_197, %swap3A_198], %swap3A_201 {strides = array<i32>} : memref<128x128xf32, #tpu.memory_space<vmem>>, vector<1x16xf32>,
        %get3A_202 = arith.index_cast %add3A_151 : i32 to index
        %get3A_203 = arith.constant 80 : index
        %get3A_204 = tpu.vector_load %arg11[%get3A_202, %get3A_203] {strides = array<i32>} : memref<128x128xf32, #tpu.memory_space<vmem>>, vector<1x16xf32>,
        %get3A_205 = vector.shape_cast %get3A_204 : vector<1x16xf32> to vector<16xf32>
        %mul3A_206 = arith.mulf %get3A_205, %gather3A_147 : vector<16xf32>
        %swap3A_207 = arith.index_cast %add3A_151 : i32 to index
        %swap3A_208 = arith.constant 80 : index
        %swap3A_209 = tpu.vector_load %arg11[%swap3A_207, %swap3A_208] {strides = array<i32>} : memref<128x128xf32, #tpu.memory_space<vmem>>, vector<1x16xf32>,
        %swap3A_210 = vector.shape_cast %swap3A_209 : vector<1x16xf32> to vector<16xf32>
        %swap3A_211 = vector.shape_cast %mul3A_206 : vector<16xf32> to vector<1x16xf32>
        tpu.vector_store %arg11[%swap3A_207, %swap3A_208], %swap3A_211 {strides = array<i32>} : memref<128x128xf32, #tpu.memory_space<vmem>>, vector<1x16xf32>,
        %get3A_212 = arith.index_cast %add3A_151 : i32 to index
        %get3A_213 = arith.constant 96 : index
        %get3A_214 = tpu.vector_load %arg11[%get3A_212, %get3A_213] {strides = array<i32>} : memref<128x128xf32, #tpu.memory_space<vmem>>, vector<1x16xf32>,
        %get3A_215 = vector.shape_cast %get3A_214 : vector<1x16xf32> to vector<16xf32>
        %mul3A_216 = arith.mulf %get3A_215, %gather3A_147 : vector<16xf32>
        %swap3A_217 = arith.index_cast %add3A_151 : i32 to index
        %swap3A_218 = arith.constant 96 : index
        %swap3A_219 = tpu.vector_load %arg11[%swap3A_217, %swap3A_218] {strides = array<i32>} : memref<128x128xf32, #tpu.memory_space<vmem>>, vector<1x16xf32>,
        %swap3A_220 = vector.shape_cast %swap3A_219 : vector<1x16xf32> to vector<16xf32>
        %swap3A_221 = vector.shape_cast %mul3A_216 : vector<16xf32> to vector<1x16xf32>
        tpu.vector_store %arg11[%swap3A_217, %swap3A_218], %swap3A_221 {strides = array<i32>} : memref<128x128xf32, #tpu.memory_space<vmem>>, vector<1x16xf32>,
        %get3A_222 = arith.index_cast %add3A_151 : i32 to index
        %get3A_223 = arith.constant 112 : index
        %get3A_224 = tpu.vector_load %arg11[%get3A_222, %get3A_223] {strides = array<i32>} : memref<128x128xf32, #tpu.memory_space<vmem>>, vector<1x16xf32>,
        %get3A_225 = vector.shape_cast %get3A_224 : vector<1x16xf32> to vector<16xf32>
        %mul3A_226 = arith.mulf %get3A_225, %gather3A_147 : vector<16xf32>
        %swap3A_227 = arith.index_cast %add3A_151 : i32 to index
        %swap3A_228 = arith.constant 112 : index
        %swap3A_229 = tpu.vector_load %arg11[%swap3A_227, %swap3A_228] {strides = array<i32>} : memref<128x128xf32, #tpu.memory_space<vmem>>, vector<1x16xf32>,
        %swap3A_230 = vector.shape_cast %swap3A_229 : vector<1x16xf32> to vector<16xf32>
        %swap3A_231 = vector.shape_cast %mul3A_226 : vector<16xf32> to vector<1x16xf32>
        tpu.vector_store %arg11[%swap3A_227, %swap3A_228], %swap3A_231 {strides = array<i32>} : memref<128x128xf32, #tpu.memory_space<vmem>>, vector<1x16xf32>,
        %broadcast_in_dim3A_232 = arith.constant 2 : i32
        %broadcast_in_dim3A_233 = vector.broadcast %broadcast_in_dim3A_232 : i32 to vector<16x1xi32>
        %gather3A_234 = vector.shape_cast %broadcast_in_dim3A_233 : vector<16x1xi32> to vector<16xi32>
        %gather3A_235 = tpu.dynamic_gather %get3A_58[%gather3A_234] in [0] : vector<16xf32>, vector<16xi32> -> vector<16xf32>
        %mul3A_236 = arith.constant 16 : i32
        %mul3A_237 = arith.muli %scan3A_52, %mul3A_236 : i32
        %add3A_238 = arith.constant 2 : i32
        %add3A_239 = arith.addi %mul3A_237, %add3A_238 : i32
        %get3A_240 = arith.index_cast %add3A_239 : i32 to index
        %get3A_241 = arith.constant 0 : index
        %get3A_242 = tpu.vector_load %arg11[%get3A_240, %get3A_241] {strides = array<i32>} : memref<128x128xf32, #tpu.memory_space<vmem>>, vector<1x16xf32>,
        %get3A_243 = vector.shape_cast %get3A_242 : vector<1x16xf32> to vector<16xf32>
        %mul3A_244 = arith.mulf %get3A_243, %gather3A_235 : vector<16xf32>
        %swap3A_245 = arith.index_cast %add3A_239 : i32 to index
        %swap3A_246 = arith.constant 0 : index
        %swap3A_247 = tpu.vector_load %arg11[%swap3A_245, %swap3A_246] {strides = array<i32>} : memref<128x128xf32, #tpu.memory_space<vmem>>, vector<1x16xf32>,
        %swap3A_248 = vector.shape_cast %swap3A_247 : vector<1x16xf32> to vector<16xf32>
        %swap3A_249 = vector.shape_cast %mul3A_244 : vector<16xf32> to vector<1x16xf32>
        tpu.vector_store %arg11[%swap3A_245, %swap3A_246], %swap3A_249 {strides = array<i32>} : memref<128x128xf32, #tpu.memory_space<vmem>>, vector<1x16xf32>,
        %get3A_250 = arith.index_cast %add3A_239 : i32 to index
        %get3A_251 = arith.constant 16 : index
        %get3A_252 = tpu.vector_load %arg11[%get3A_250, %get3A_251] {strides = array<i32>} : memref<128x128xf32, #tpu.memory_space<vmem>>, vector<1x16xf32>,
        %get3A_253 = vector.shape_cast %get3A_252 : vector<1x16xf32> to vector<16xf32>
        %mul3A_254 = arith.mulf %get3A_253, %gather3A_235 : vector<16xf32>
        %swap3A_255 = arith.index_cast %add3A_239 : i32 to index
        %swap3A_256 = arith.constant 16 : index
        %swap3A_257 = tpu.vector_load %arg11[%swap3A_255, %swap3A_256] {strides = array<i32>} : memref<128x128xf32, #tpu.memory_space<vmem>>, vector<1x16xf32>,
        %swap3A_258 = vector.shape_cast %swap3A_257 : vector<1x16xf32> to vector<16xf32>
        %swap3A_259 = vector.shape_cast %mul3A_254 : vector<16xf32> to vector<1x16xf32>
        tpu.vector_store %arg11[%swap3A_255, %swap3A_256], %swap3A_259 {strides = array<i32>} : memref<128x128xf32, #tpu.memory_space<vmem>>, vector<1x16xf32>,
        %get3A_260 = arith.index_cast %add3A_239 : i32 to index
        %get3A_261 = arith.constant 32 : index
        %get3A_262 = tpu.vector_load %arg11[%get3A_260, %get3A_261] {strides = array<i32>} : memref<128x128xf32, #tpu.memory_space<vmem>>, vector<1x16xf32>,
        %get3A_263 = vector.shape_cast %get3A_262 : vector<1x16xf32> to vector<16xf32>
        %mul3A_264 = arith.mulf %get3A_263, %gather3A_235 : vector<16xf32>
        %swap3A_265 = arith.index_cast %add3A_239 : i32 to index
        %swap3A_266 = arith.constant 32 : index
        %swap3A_267 = tpu.vector_load %arg11[%swap3A_265, %swap3A_266] {strides = array<i32>} : memref<128x128xf32, #tpu.memory_space<vmem>>, vector<1x16xf32>,
        %swap3A_268 = vector.shape_cast %swap3A_267 : vector<1x16xf32> to vector<16xf32>
        %swap3A_269 = vector.shape_cast %mul3A_264 : vector<16xf32> to vector<1x16xf32>
        tpu.vector_store %arg11[%swap3A_265, %swap3A_266], %swap3A_269 {strides = array<i32>} : memref<128x128xf32, #tpu.memory_space<vmem>>, vector<1x16xf32>,
        %get3A_270 = arith.index_cast %add3A_239 : i32 to index
        %get3A_271 = arith.constant 48 : index
        %get3A_272 = tpu.vector_load %arg11[%get3A_270, %get3A_271] {strides = array<i32>} : memref<128x128xf32, #tpu.memory_space<vmem>>, vector<1x16xf32>,
        %get3A_273 = vector.shape_cast %get3A_272 : vector<1x16xf32> to vector<16xf32>
        %mul3A_274 = arith.mulf %get3A_273, %gather3A_235 : vector<16xf32>
        %swap3A_275 = arith.index_cast %add3A_239 : i32 to index
        %swap3A_276 = arith.constant 48 : index
        %swap3A_277 = tpu.vector_load %arg11[%swap3A_275, %swap3A_276] {strides = array<i32>} : memref<128x128xf32, #tpu.memory_space<vmem>>, vector<1x16xf32>,
        %swap3A_278 = vector.shape_cast %swap3A_277 : vector<1x16xf32> to vector<16xf32>
        %swap3A_279 = vector.shape_cast %mul3A_274 : vector<16xf32> to vector<1x16xf32>
        tpu.vector_store %arg11[%swap3A_275, %swap3A_276], %swap3A_279 {strides = array<i32>} : memref<128x128xf32, #tpu.memory_space<vmem>>, vector<1x16xf32>,
        %get3A_280 = arith.index_cast %add3A_239 : i32 to index
        %get3A_281 = arith.constant 64 : index
        %get3A_282 = tpu.vector_load %arg11[%get3A_280, %get3A_281] {strides = array<i32>} : memref<128x128xf32, #tpu.memory_space<vmem>>, vector<1x16xf32>,
        %get3A_283 = vector.shape_cast %get3A_282 : vector<1x16xf32> to vector<16xf32>
        %mul3A_284 = arith.mulf %get3A_283, %gather3A_235 : vector<16xf32>
        %swap3A_285 = arith.index_cast %add3A_239 : i32 to index
        %swap3A_286 = arith.constant 64 : index
        %swap3A_287 = tpu.vector_load %arg11[%swap3A_285, %swap3A_286] {strides = array<i32>} : memref<128x128xf32, #tpu.memory_space<vmem>>, vector<1x16xf32>,
        %swap3A_288 = vector.shape_cast %swap3A_287 : vector<1x16xf32> to vector<16xf32>
        %swap3A_289 = vector.shape_cast %mul3A_284 : vector<16xf32> to vector<1x16xf32>
        tpu.vector_store %arg11[%swap3A_285, %swap3A_286], %swap3A_289 {strides = array<i32>} : memref<128x128xf32, #tpu.memory_space<vmem>>, vector<1x16xf32>,
        %get3A_290 = arith.index_cast %add3A_239 : i32 to index
        %get3A_291 = arith.constant 80 : index
        %get3A_292 = tpu.vector_load %arg11[%get3A_290, %get3A_291] {strides = array<i32>} : memref<128x128xf32, #tpu.memory_space<vmem>>, vector<1x16xf32>,
        %get3A_293 = vector.shape_cast %get3A_292 : vector<1x16xf32> to vector<16xf32>
        %mul3A_294 = arith.mulf %get3A_293, %gather3A_235 : vector<16xf32>
        %swap3A_295 = arith.index_cast %add3A_239 : i32 to index
        %swap3A_296 = arith.constant 80 : index
        %swap3A_297 = tpu.vector_load %arg11[%swap3A_295, %swap3A_296] {strides = array<i32>} : memref<128x128xf32, #tpu.memory_space<vmem>>, vector<1x16xf32>,
        %swap3A_298 = vector.shape_cast %swap3A_297 : vector<1x16xf32> to vector<16xf32>
        %swap3A_299 = vector.shape_cast %mul3A_294 : vector<16xf32> to vector<1x16xf32>
        tpu.vector_store %arg11[%swap3A_295, %swap3A_296], %swap3A_299 {strides = array<i32>} : memref<128x128xf32, #tpu.memory_space<vmem>>, vector<1x16xf32>,
        %get3A_300 = arith.index_cast %add3A_239 : i32 to index
        %get3A_301 = arith.constant 96 : index
        %get3A_302 = tpu.vector_load %arg11[%get3A_300, %get3A_301] {strides = array<i32>} : memref<128x128xf32, #tpu.memory_space<vmem>>, vector<1x16xf32>,
        %get3A_303 = vector.shape_cast %get3A_302 : vector<1x16xf32> to vector<16xf32>
        %mul3A_304 = arith.mulf %get3A_303, %gather3A_235 : vector<16xf32>
        %swap3A_305 = arith.index_cast %add3A_239 : i32 to index
        %swap3A_306 = arith.constant 96 : index
        %swap3A_307 = tpu.vector_load %arg11[%swap3A_305, %swap3A_306] {strides = array<i32>} : memref<128x128xf32, #tpu.memory_space<vmem>>, vector<1x16xf32>,
        %swap3A_308 = vector.shape_cast %swap3A_307 : vector<1x16xf32> to vector<16xf32>
        %swap3A_309 = vector.shape_cast %mul3A_304 : vector<16xf32> to vector<1x16xf32>
        tpu.vector_store %arg11[%swap3A_305, %swap3A_306], %swap3A_309 {strides = array<i32>} : memref<128x128xf32, #tpu.memory_space<vmem>>, vector<1x16xf32>,
        %get3A_310 = arith.index_cast %add3A_239 : i32 to index
        %get3A_311 = arith.constant 112 : index
        %get3A_312 = tpu.vector_load %arg11[%get3A_310, %get3A_311] {strides = array<i32>} : memref<128x128xf32, #tpu.memory_space<vmem>>, vector<1x16xf32>,
        %get3A_313 = vector.shape_cast %get3A_312 : vector<1x16xf32> to vector<16xf32>
        %mul3A_314 = arith.mulf %get3A_313, %gather3A_235 : vector<16xf32>
        %swap3A_315 = arith.index_cast %add3A_239 : i32 to index
        %swap3A_316 = arith.constant 112 : index
        %swap3A_317 = tpu.vector_load %arg11[%swap3A_315, %swap3A_316] {strides = array<i32>} : memref<128x128xf32, #tpu.memory_space<vmem>>, vector<1x16xf32>,
        %swap3A_318 = vector.shape_cast %swap3A_317 : vector<1x16xf32> to vector<16xf32>
        %swap3A_319 = vector.shape_cast %mul3A_314 : vector<16xf32> to vector<1x16xf32>
        tpu.vector_store %arg11[%swap3A_315, %swap3A_316], %swap3A_319 {strides = array<i32>} : memref<128x128xf32, #tpu.memory_space<vmem>>, vector<1x16xf32>,
        %broadcast_in_dim3A_320 = arith.constant 3 : i32
        %broadcast_in_dim3A_321 = vector.broadcast %broadcast_in_dim3A_320 : i32 to vector<16x1xi32>
        %gather3A_322 = vector.shape_cast %broadcast_in_dim3A_321 : vector<16x1xi32> to vector<16xi32>
        %gather3A_323 = tpu.dynamic_gather %get3A_58[%gather3A_322] in [0] : vector<16xf32>, vector<16xi32> -> vector<16xf32>
        %mul3A_324 = arith.constant 16 : i32
        %mul3A_325 = arith.muli %scan3A_52, %mul3A_324 : i32
        %add3A_326 = arith.constant 3 : i32
        %add3A_327 = arith.addi %mul3A_325, %add3A_326 : i32
        %get3A_328 = arith.index_cast %add3A_327 : i32 to index
        %get3A_329 = arith.constant 0 : index
        %get3A_330 = tpu.vector_load %arg11[%get3A_328, %get3A_329] {strides = array<i32>} : memref<128x128xf32, #tpu.memory_space<vmem>>, vector<1x16xf32>,
        %get3A_331 = vector.shape_cast %get3A_330 : vector<1x16xf32> to vector<16xf32>
        %mul3A_332 = arith.mulf %get3A_331, %gather3A_323 : vector<16xf32>
        %swap3A_333 = arith.index_cast %add3A_327 : i32 to index
        %swap3A_334 = arith.constant 0 : index
        %swap3A_335 = tpu.vector_load %arg11[%swap3A_333, %swap3A_334] {strides = array<i32>} : memref<128x128xf32, #tpu.memory_space<vmem>>, vector<1x16xf32>,
        %swap3A_336 = vector.shape_cast %swap3A_335 : vector<1x16xf32> to vector<16xf32>
        %swap3A_337 = vector.shape_cast %mul3A_332 : vector<16xf32> to vector<1x16xf32>
        tpu.vector_store %arg11[%swap3A_333, %swap3A_334], %swap3A_337 {strides = array<i32>} : memref<128x128xf32, #tpu.memory_space<vmem>>, vector<1x16xf32>,
        %get3A_338 = arith.index_cast %add3A_327 : i32 to index
        %get3A_339 = arith.constant 16 : index
        %get3A_340 = tpu.vector_load %arg11[%get3A_338, %get3A_339] {strides = array<i32>} : memref<128x128xf32, #tpu.memory_space<vmem>>, vector<1x16xf32>,
        %get3A_341 = vector.shape_cast %get3A_340 : vector<1x16xf32> to vector<16xf32>
        %mul3A_342 = arith.mulf %get3A_341, %gather3A_323 : vector<16xf32>
        %swap3A_343 = arith.index_cast %add3A_327 : i32 to index
        %swap3A_344 = arith.constant 16 : index
        %swap3A_345 = tpu.vector_load %arg11[%swap3A_343, %swap3A_344] {strides = array<i32>} : memref<128x128xf32, #tpu.memory_space<vmem>>, vector<1x16xf32>,
        %swap3A_346 = vector.shape_cast %swap3A_345 : vector<1x16xf32> to vector<16xf32>
        %swap3A_347 = vector.shape_cast %mul3A_342 : vector<16xf32> to vector<1x16xf32>
        tpu.vector_store %arg11[%swap3A_343, %swap3A_344], %swap3A_347 {strides = array<i32>} : memref<128x128xf32, #tpu.memory_space<vmem>>, vector<1x16xf32>,
        %get3A_348 = arith.index_cast %add3A_327 : i32 to index
        %get3A_349 = arith.constant 32 : index
        %get3A_350 = tpu.vector_load %arg11[%get3A_348, %get3A_349] {strides = array<i32>} : memref<128x128xf32, #tpu.memory_space<vmem>>, vector<1x16xf32>,
        %get3A_351 = vector.shape_cast %get3A_350 : vector<1x16xf32> to vector<16xf32>
        %mul3A_352 = arith.mulf %get3A_351, %gather3A_323 : vector<16xf32>
        %swap3A_353 = arith.index_cast %add3A_327 : i32 to index
        %swap3A_354 = arith.constant 32 : index
        %swap3A_355 = tpu.vector_load %arg11[%swap3A_353, %swap3A_354] {strides = array<i32>} : memref<128x128xf32, #tpu.memory_space<vmem>>, vector<1x16xf32>,
        %swap3A_356 = vector.shape_cast %swap3A_355 : vector<1x16xf32> to vector<16xf32>
        %swap3A_357 = vector.shape_cast %mul3A_352 : vector<16xf32> to vector<1x16xf32>
        tpu.vector_store %arg11[%swap3A_353, %swap3A_354], %swap3A_357 {strides = array<i32>} : memref<128x128xf32, #tpu.memory_space<vmem>>, vector<1x16xf32>,
        %get3A_358 = arith.index_cast %add3A_327 : i32 to index
        %get3A_359 = arith.constant 48 : index
        %get3A_360 = tpu.vector_load %arg11[%get3A_358, %get3A_359] {strides = array<i32>} : memref<128x128xf32, #tpu.memory_space<vmem>>, vector<1x16xf32>,
        %get3A_361 = vector.shape_cast %get3A_360 : vector<1x16xf32> to vector<16xf32>
        %mul3A_362 = arith.mulf %get3A_361, %gather3A_323 : vector<16xf32>
        %swap3A_363 = arith.index_cast %add3A_327 : i32 to index
        %swap3A_364 = arith.constant 48 : index
        %swap3A_365 = tpu.vector_load %arg11[%swap3A_363, %swap3A_364] {strides = array<i32>} : memref<128x128xf32, #tpu.memory_space<vmem>>, vector<1x16xf32>,
        %swap3A_366 = vector.shape_cast %swap3A_365 : vector<1x16xf32> to vector<16xf32>
        %swap3A_367 = vector.shape_cast %mul3A_362 : vector<16xf32> to vector<1x16xf32>
        tpu.vector_store %arg11[%swap3A_363, %swap3A_364], %swap3A_367 {strides = array<i32>} : memref<128x128xf32, #tpu.memory_space<vmem>>, vector<1x16xf32>,
        %get3A_368 = arith.index_cast %add3A_327 : i32 to index
        %get3A_369 = arith.constant 64 : index
        %get3A_370 = tpu.vector_load %arg11[%get3A_368, %get3A_369] {strides = array<i32>} : memref<128x128xf32, #tpu.memory_space<vmem>>, vector<1x16xf32>,
        %get3A_371 = vector.shape_cast %get3A_370 : vector<1x16xf32> to vector<16xf32>
        %mul3A_372 = arith.mulf %get3A_371, %gather3A_323 : vector<16xf32>
        %swap3A_373 = arith.index_cast %add3A_327 : i32 to index
        %swap3A_374 = arith.constant 64 : index
        %swap3A_375 = tpu.vector_load %arg11[%swap3A_373, %swap3A_374] {strides = array<i32>} : memref<128x128xf32, #tpu.memory_space<vmem>>, vector<1x16xf32>,
        %swap3A_376 = vector.shape_cast %swap3A_375 : vector<1x16xf32> to vector<16xf32>
        %swap3A_377 = vector.shape_cast %mul3A_372 : vector<16xf32> to vector<1x16xf32>
        tpu.vector_store %arg11[%swap3A_373, %swap3A_374], %swap3A_377 {strides = array<i32>} : memref<128x128xf32, #tpu.memory_space<vmem>>, vector<1x16xf32>,
        %get3A_378 = arith.index_cast %add3A_327 : i32 to index
        %get3A_379 = arith.constant 80 : index
        %get3A_380 = tpu.vector_load %arg11[%get3A_378, %get3A_379] {strides = array<i32>} : memref<128x128xf32, #tpu.memory_space<vmem>>, vector<1x16xf32>,
        %get3A_381 = vector.shape_cast %get3A_380 : vector<1x16xf32> to vector<16xf32>
        %mul3A_382 = arith.mulf %get3A_381, %gather3A_323 : vector<16xf32>
        %swap3A_383 = arith.index_cast %add3A_327 : i32 to index
        %swap3A_384 = arith.constant 80 : index
        %swap3A_385 = tpu.vector_load %arg11[%swap3A_383, %swap3A_384] {strides = array<i32>} : memref<128x128xf32, #tpu.memory_space<vmem>>, vector<1x16xf32>,
        %swap3A_386 = vector.shape_cast %swap3A_385 : vector<1x16xf32> to vector<16xf32>
        %swap3A_387 = vector.shape_cast %mul3A_382 : vector<16xf32> to vector<1x16xf32>
        tpu.vector_store %arg11[%swap3A_383, %swap3A_384], %swap3A_387 {strides = array<i32>} : memref<128x128xf32, #tpu.memory_space<vmem>>, vector<1x16xf32>,
        %get3A_388 = arith.index_cast %add3A_327 : i32 to index
        %get3A_389 = arith.constant 96 : index
        %get3A_390 = tpu.vector_load %arg11[%get3A_388, %get3A_389] {strides = array<i32>} : memref<128x128xf32, #tpu.memory_space<vmem>>, vector<1x16xf32>,
        %get3A_391 = vector.shape_cast %get3A_390 : vector<1x16xf32> to vector<16xf32>
        %mul3A_392 = arith.mulf %get3A_391, %gather3A_323 : vector<16xf32>
        %swap3A_393 = arith.index_cast %add3A_327 : i32 to index
        %swap3A_394 = arith.constant 96 : index
        %swap3A_395 = tpu.vector_load %arg11[%swap3A_393, %swap3A_394] {strides = array<i32>} : memref<128x128xf32, #tpu.memory_space<vmem>>, vector<1x16xf32>,
        %swap3A_396 = vector.shape_cast %swap3A_395 : vector<1x16xf32> to vector<16xf32>
        %swap3A_397 = vector.shape_cast %mul3A_392 : vector<16xf32> to vector<1x16xf32>
        tpu.vector_store %arg11[%swap3A_393, %swap3A_394], %swap3A_397 {strides = array<i32>} : memref<128x128xf32, #tpu.memory_space<vmem>>, vector<1x16xf32>,
        %get3A_398 = arith.index_cast %add3A_327 : i32 to index
        %get3A_399 = arith.constant 112 : index
        %get3A_400 = tpu.vector_load %arg11[%get3A_398, %get3A_399] {strides = array<i32>} : memref<128x128xf32, #tpu.memory_space<vmem>>, vector<1x16xf32>,
        %get3A_401 = vector.shape_cast %get3A_400 : vector<1x16xf32> to vector<16xf32>
        %mul3A_402 = arith.mulf %get3A_401, %gather3A_323 : vector<16xf32>
        %swap3A_403 = arith.index_cast %add3A_327 : i32 to index
        %swap3A_404 = arith.constant 112 : index
        %swap3A_405 = tpu.vector_load %arg11[%swap3A_403, %swap3A_404] {strides = array<i32>} : memref<128x128xf32, #tpu.memory_space<vmem>>, vector<1x16xf32>,
        %swap3A_406 = vector.shape_cast %swap3A_405 : vector<1x16xf32> to vector<16xf32>
        %swap3A_407 = vector.shape_cast %mul3A_402 : vector<16xf32> to vector<1x16xf32>
        tpu.vector_store %arg11[%swap3A_403, %swap3A_404], %swap3A_407 {strides = array<i32>} : memref<128x128xf32, #tpu.memory_space<vmem>>, vector<1x16xf32>,
        %broadcast_in_dim3A_408 = arith.constant 4 : i32
        %broadcast_in_dim3A_409 = vector.broadcast %broadcast_in_dim3A_408 : i32 to vector<16x1xi32>
        %gather3A_410 = vector.shape_cast %broadcast_in_dim3A_409 : vector<16x1xi32> to vector<16xi32>
        %gather3A_411 = tpu.dynamic_gather %get3A_58[%gather3A_410] in [0] : vector<16xf32>, vector<16xi32> -> vector<16xf32>
        %mul3A_412 = arith.constant 16 : i32
        %mul3A_413 = arith.muli %scan3A_52, %mul3A_412 : i32
        %add3A_414 = arith.constant 4 : i32
        %add3A_415 = arith.addi %mul3A_413, %add3A_414 : i32
        %get3A_416 = arith.index_cast %add3A_415 : i32 to index
        %get3A_417 = arith.constant 0 : index
        %get3A_418 = tpu.vector_load %arg11[%get3A_416, %get3A_417] {strides = array<i32>} : memref<128x128xf32, #tpu.memory_space<vmem>>, vector<1x16xf32>,
        %get3A_419 = vector.shape_cast %get3A_418 : vector<1x16xf32> to vector<16xf32>
        %mul3A_420 = arith.mulf %get3A_419, %gather3A_411 : vector<16xf32>
        %swap3A_421 = arith.index_cast %add3A_415 : i32 to index
        %swap3A_422 = arith.constant 0 : index
        %swap3A_423 = tpu.vector_load %arg11[%swap3A_421, %swap3A_422] {strides = array<i32>} : memref<128x128xf32, #tpu.memory_space<vmem>>, vector<1x16xf32>,
        %swap3A_424 = vector.shape_cast %swap3A_423 : vector<1x16xf32> to vector<16xf32>
        %swap3A_425 = vector.shape_cast %mul3A_420 : vector<16xf32> to vector<1x16xf32>
        tpu.vector_store %arg11[%swap3A_421, %swap3A_422], %swap3A_425 {strides = array<i32>} : memref<128x128xf32, #tpu.memory_space<vmem>>, vector<1x16xf32>,
        %get3A_426 = arith.index_cast %add3A_415 : i32 to index
        %get3A_427 = arith.constant 16 : index
        %get3A_428 = tpu.vector_load %arg11[%get3A_426, %get3A_427] {strides = array<i32>} : memref<128x128xf32, #tpu.memory_space<vmem>>, vector<1x16xf32>,
        %get3A_429 = vector.shape_cast %get3A_428 : vector<1x16xf32> to vector<16xf32>
        %mul3A_430 = arith.mulf %get3A_429, %gather3A_411 : vector<16xf32>
        %swap3A_431 = arith.index_cast %add3A_415 : i32 to index
        %swap3A_432 = arith.constant 16 : index
        %swap3A_433 = tpu.vector_load %arg11[%swap3A_431, %swap3A_432] {strides = array<i32>} : memref<128x128xf32, #tpu.memory_space<vmem>>, vector<1x16xf32>,
        %swap3A_434 = vector.shape_cast %swap3A_433 : vector<1x16xf32> to vector<16xf32>
        %swap3A_435 = vector.shape_cast %mul3A_430 : vector<16xf32> to vector<1x16xf32>
        tpu.vector_store %arg11[%swap3A_431, %swap3A_432], %swap3A_435 {strides = array<i32>} : memref<128x128xf32, #tpu.memory_space<vmem>>, vector<1x16xf32>,
        %get3A_436 = arith.index_cast %add3A_415 : i32 to index
        %get3A_437 = arith.constant 32 : index
        %get3A_438 = tpu.vector_load %arg11[%get3A_436, %get3A_437] {strides = array<i32>} : memref<128x128xf32, #tpu.memory_space<vmem>>, vector<1x16xf32>,
        %get3A_439 = vector.shape_cast %get3A_438 : vector<1x16xf32> to vector<16xf32>
        %mul3A_440 = arith.mulf %get3A_439, %gather3A_411 : vector<16xf32>
        %swap3A_441 = arith.index_cast %add3A_415 : i32 to index
        %swap3A_442 = arith.constant 32 : index
        %swap3A_443 = tpu.vector_load %arg11[%swap3A_441, %swap3A_442] {strides = array<i32>} : memref<128x128xf32, #tpu.memory_space<vmem>>, vector<1x16xf32>,
        %swap3A_444 = vector.shape_cast %swap3A_443 : vector<1x16xf32> to vector<16xf32>
        %swap3A_445 = vector.shape_cast %mul3A_440 : vector<16xf32> to vector<1x16xf32>
        tpu.vector_store %arg11[%swap3A_441, %swap3A_442], %swap3A_445 {strides = array<i32>} : memref<128x128xf32, #tpu.memory_space<vmem>>, vector<1x16xf32>,
        %get3A_446 = arith.index_cast %add3A_415 : i32 to index
        %get3A_447 = arith.constant 48 : index
        %get3A_448 = tpu.vector_load %arg11[%get3A_446, %get3A_447] {strides = array<i32>} : memref<128x128xf32, #tpu.memory_space<vmem>>, vector<1x16xf32>,
        %get3A_449 = vector.shape_cast %get3A_448 : vector<1x16xf32> to vector<16xf32>
        %mul3A_450 = arith.mulf %get3A_449, %gather3A_411 : vector<16xf32>
        %swap3A_451 = arith.index_cast %add3A_415 : i32 to index
        %swap3A_452 = arith.constant 48 : index
        %swap3A_453 = tpu.vector_load %arg11[%swap3A_451, %swap3A_452] {strides = array<i32>} : memref<128x128xf32, #tpu.memory_space<vmem>>, vector<1x16xf32>,
        %swap3A_454 = vector.shape_cast %swap3A_453 : vector<1x16xf32> to vector<16xf32>
        %swap3A_455 = vector.shape_cast %mul3A_450 : vector<16xf32> to vector<1x16xf32>
        tpu.vector_store %arg11[%swap3A_451, %swap3A_452], %swap3A_455 {strides = array<i32>} : memref<128x128xf32, #tpu.memory_space<vmem>>, vector<1x16xf32>,
        %get3A_456 = arith.index_cast %add3A_415 : i32 to index
        %get3A_457 = arith.constant 64 : index
        %get3A_458 = tpu.vector_load %arg11[%get3A_456, %get3A_457] {strides = array<i32>} : memref<128x128xf32, #tpu.memory_space<vmem>>, vector<1x16xf32>,
        %get3A_459 = vector.shape_cast %get3A_458 : vector<1x16xf32> to vector<16xf32>
        %mul3A_460 = arith.mulf %get3A_459, %gather3A_411 : vector<16xf32>
        %swap3A_461 = arith.index_cast %add3A_415 : i32 to index
        %swap3A_462 = arith.constant 64 : index
        %swap3A_463 = tpu.vector_load %arg11[%swap3A_461, %swap3A_462] {strides = array<i32>} : memref<128x128xf32, #tpu.memory_space<vmem>>, vector<1x16xf32>,
        %swap3A_464 = vector.shape_cast %swap3A_463 : vector<1x16xf32> to vector<16xf32>
        %swap3A_465 = vector.shape_cast %mul3A_460 : vector<16xf32> to vector<1x16xf32>
        tpu.vector_store %arg11[%swap3A_461, %swap3A_462], %swap3A_465 {strides = array<i32>} : memref<128x128xf32, #tpu.memory_space<vmem>>, vector<1x16xf32>,
        %get3A_466 = arith.index_cast %add3A_415 : i32 to index
        %get3A_467 = arith.constant 80 : index
        %get3A_468 = tpu.vector_load %arg11[%get3A_466, %get3A_467] {strides = array<i32>} : memref<128x128xf32, #tpu.memory_space<vmem>>, vector<1x16xf32>,
        %get3A_469 = vector.shape_cast %get3A_468 : vector<1x16xf32> to vector<16xf32>
        %mul3A_470 = arith.mulf %get3A_469, %gather3A_411 : vector<16xf32>
        %swap3A_471 = arith.index_cast %add3A_415 : i32 to index
        %swap3A_472 = arith.constant 80 : index
        %swap3A_473 = tpu.vector_load %arg11[%swap3A_471, %swap3A_472] {strides = array<i32>} : memref<128x128xf32, #tpu.memory_space<vmem>>, vector<1x16xf32>,
        %swap3A_474 = vector.shape_cast %swap3A_473 : vector<1x16xf32> to vector<16xf32>
        %swap3A_475 = vector.shape_cast %mul3A_470 : vector<16xf32> to vector<1x16xf32>
        tpu.vector_store %arg11[%swap3A_471, %swap3A_472], %swap3A_475 {strides = array<i32>} : memref<128x128xf32, #tpu.memory_space<vmem>>, vector<1x16xf32>,
        %get3A_476 = arith.index_cast %add3A_415 : i32 to index
        %get3A_477 = arith.constant 96 : index
        %get3A_478 = tpu.vector_load %arg11[%get3A_476, %get3A_477] {strides = array<i32>} : memref<128x128xf32, #tpu.memory_space<vmem>>, vector<1x16xf32>,
        %get3A_479 = vector.shape_cast %get3A_478 : vector<1x16xf32> to vector<16xf32>
        %mul3A_480 = arith.mulf %get3A_479, %gather3A_411 : vector<16xf32>
        %swap3A_481 = arith.index_cast %add3A_415 : i32 to index
        %swap3A_482 = arith.constant 96 : index
        %swap3A_483 = tpu.vector_load %arg11[%swap3A_481, %swap3A_482] {strides = array<i32>} : memref<128x128xf32, #tpu.memory_space<vmem>>, vector<1x16xf32>,
        %swap3A_484 = vector.shape_cast %swap3A_483 : vector<1x16xf32> to vector<16xf32>
        %swap3A_485 = vector.shape_cast %mul3A_480 : vector<16xf32> to vector<1x16xf32>
        tpu.vector_store %arg11[%swap3A_481, %swap3A_482], %swap3A_485 {strides = array<i32>} : memref<128x128xf32, #tpu.memory_space<vmem>>, vector<1x16xf32>,
        %get3A_486 = arith.index_cast %add3A_415 : i32 to index
        %get3A_487 = arith.constant 112 : index
        %get3A_488 = tpu.vector_load %arg11[%get3A_486, %get3A_487] {strides = array<i32>} : memref<128x128xf32, #tpu.memory_space<vmem>>, vector<1x16xf32>,
        %get3A_489 = vector.shape_cast %get3A_488 : vector<1x16xf32> to vector<16xf32>
        %mul3A_490 = arith.mulf %get3A_489, %gather3A_411 : vector<16xf32>
        %swap3A_491 = arith.index_cast %add3A_415 : i32 to index
        %swap3A_492 = arith.constant 112 : index
        %swap3A_493 = tpu.vector_load %arg11[%swap3A_491, %swap3A_492] {strides = array<i32>} : memref<128x128xf32, #tpu.memory_space<vmem>>, vector<1x16xf32>,
        %swap3A_494 = vector.shape_cast %swap3A_493 : vector<1x16xf32> to vector<16xf32>
        %swap3A_495 = vector.shape_cast %mul3A_490 : vector<16xf32> to vector<1x16xf32>
        tpu.vector_store %arg11[%swap3A_491, %swap3A_492], %swap3A_495 {strides = array<i32>} : memref<128x128xf32, #tpu.memory_space<vmem>>, vector<1x16xf32>,
        %broadcast_in_dim3A_496 = arith.constant 5 : i32
        %broadcast_in_dim3A_497 = vector.broadcast %broadcast_in_dim3A_496 : i32 to vector<16x1xi32>
        %gather3A_498 = vector.shape_cast %broadcast_in_dim3A_497 : vector<16x1xi32> to vector<16xi32>
        %gather3A_499 = tpu.dynamic_gather %get3A_58[%gather3A_498] in [0] : vector<16xf32>, vector<16xi32> -> vector<16xf32>
        %mul3A_500 = arith.constant 16 : i32
        %mul3A_501 = arith.muli %scan3A_52, %mul3A_500 : i32
        %add3A_502 = arith.constant 5 : i32
        %add3A_503 = arith.addi %mul3A_501, %add3A_502 : i32
        %get3A_504 = arith.index_cast %add3A_503 : i32 to index
        %get3A_505 = arith.constant 0 : index
        %get3A_506 = tpu.vector_load %arg11[%get3A_504, %get3A_505] {strides = array<i32>} : memref<128x128xf32, #tpu.memory_space<vmem>>, vector<1x16xf32>,
        %get3A_507 = vector.shape_cast %get3A_506 : vector<1x16xf32> to vector<16xf32>
        %mul3A_508 = arith.mulf %get3A_507, %gather3A_499 : vector<16xf32>
        %swap3A_509 = arith.index_cast %add3A_503 : i32 to index
        %swap3A_510 = arith.constant 0 : index
        %swap3A_511 = tpu.vector_load %arg11[%swap3A_509, %swap3A_510] {strides = array<i32>} : memref<128x128xf32, #tpu.memory_space<vmem>>, vector<1x16xf32>,
        %swap3A_512 = vector.shape_cast %swap3A_511 : vector<1x16xf32> to vector<16xf32>
        %swap3A_513 = vector.shape_cast %mul3A_508 : vector<16xf32> to vector<1x16xf32>
        tpu.vector_store %arg11[%swap3A_509, %swap3A_510], %swap3A_513 {strides = array<i32>} : memref<128x128xf32, #tpu.memory_space<vmem>>, vector<1x16xf32>,
        %get3A_514 = arith.index_cast %add3A_503 : i32 to index
        %get3A_515 = arith.constant 16 : index
        %get3A_516 = tpu.vector_load %arg11[%get3A_514, %get3A_515] {strides = array<i32>} : memref<128x128xf32, #tpu.memory_space<vmem>>, vector<1x16xf32>,
        %get3A_517 = vector.shape_cast %get3A_516 : vector<1x16xf32> to vector<16xf32>
        %mul3A_518 = arith.mulf %get3A_517, %gather3A_499 : vector<16xf32>
        %swap3A_519 = arith.index_cast %add3A_503 : i32 to index
        %swap3A_520 = arith.constant 16 : index
        %swap3A_521 = tpu.vector_load %arg11[%swap3A_519, %swap3A_520] {strides = array<i32>} : memref<128x128xf32, #tpu.memory_space<vmem>>, vector<1x16xf32>,
        %swap3A_522 = vector.shape_cast %swap3A_521 : vector<1x16xf32> to vector<16xf32>
        %swap3A_523 = vector.shape_cast %mul3A_518 : vector<16xf32> to vector<1x16xf32>
        tpu.vector_store %arg11[%swap3A_519, %swap3A_520], %swap3A_523 {strides = array<i32>} : memref<128x128xf32, #tpu.memory_space<vmem>>, vector<1x16xf32>,
        %get3A_524 = arith.index_cast %add3A_503 : i32 to index
        %get3A_525 = arith.constant 32 : index
        %get3A_526 = tpu.vector_load %arg11[%get3A_524, %get3A_525] {strides = array<i32>} : memref<128x128xf32, #tpu.memory_space<vmem>>, vector<1x16xf32>,
        %get3A_527 = vector.shape_cast %get3A_526 : vector<1x16xf32> to vector<16xf32>
        %mul3A_528 = arith.mulf %get3A_527, %gather3A_499 : vector<16xf32>
        %swap3A_529 = arith.index_cast %add3A_503 : i32 to index
        %swap3A_530 = arith.constant 32 : index
        %swap3A_531 = tpu.vector_load %arg11[%swap3A_529, %swap3A_530] {strides = array<i32>} : memref<128x128xf32, #tpu.memory_space<vmem>>, vector<1x16xf32>,
        %swap3A_532 = vector.shape_cast %swap3A_531 : vector<1x16xf32> to vector<16xf32>
        %swap3A_533 = vector.shape_cast %mul3A_528 : vector<16xf32> to vector<1x16xf32>
        tpu.vector_store %arg11[%swap3A_529, %swap3A_530], %swap3A_533 {strides = array<i32>} : memref<128x128xf32, #tpu.memory_space<vmem>>, vector<1x16xf32>,
        %get3A_534 = arith.index_cast %add3A_503 : i32 to index
        %get3A_535 = arith.constant 48 : index
        %get3A_536 = tpu.vector_load %arg11[%get3A_534, %get3A_535] {strides = array<i32>} : memref<128x128xf32, #tpu.memory_space<vmem>>, vector<1x16xf32>,
        %get3A_537 = vector.shape_cast %get3A_536 : vector<1x16xf32> to vector<16xf32>
        %mul3A_538 = arith.mulf %get3A_537, %gather3A_499 : vector<16xf32>
        %swap3A_539 = arith.index_cast %add3A_503 : i32 to index
        %swap3A_540 = arith.constant 48 : index
        %swap3A_541 = tpu.vector_load %arg11[%swap3A_539, %swap3A_540] {strides = array<i32>} : memref<128x128xf32, #tpu.memory_space<vmem>>, vector<1x16xf32>,
        %swap3A_542 = vector.shape_cast %swap3A_541 : vector<1x16xf32> to vector<16xf32>
        %swap3A_543 = vector.shape_cast %mul3A_538 : vector<16xf32> to vector<1x16xf32>
        tpu.vector_store %arg11[%swap3A_539, %swap3A_540], %swap3A_543 {strides = array<i32>} : memref<128x128xf32, #tpu.memory_space<vmem>>, vector<1x16xf32>,
        %get3A_544 = arith.index_cast %add3A_503 : i32 to index
        %get3A_545 = arith.constant 64 : index
        %get3A_546 = tpu.vector_load %arg11[%get3A_544, %get3A_545] {strides = array<i32>} : memref<128x128xf32, #tpu.memory_space<vmem>>, vector<1x16xf32>,
        %get3A_547 = vector.shape_cast %get3A_546 : vector<1x16xf32> to vector<16xf32>
        %mul3A_548 = arith.mulf %get3A_547, %gather3A_499 : vector<16xf32>
        %swap3A_549 = arith.index_cast %add3A_503 : i32 to index
        %swap3A_550 = arith.constant 64 : index
        %swap3A_551 = tpu.vector_load %arg11[%swap3A_549, %swap3A_550] {strides = array<i32>} : memref<128x128xf32, #tpu.memory_space<vmem>>, vector<1x16xf32>,
        %swap3A_552 = vector.shape_cast %swap3A_551 : vector<1x16xf32> to vector<16xf32>
        %swap3A_553 = vector.shape_cast %mul3A_548 : vector<16xf32> to vector<1x16xf32>
        tpu.vector_store %arg11[%swap3A_549, %swap3A_550], %swap3A_553 {strides = array<i32>} : memref<128x128xf32, #tpu.memory_space<vmem>>, vector<1x16xf32>,
        %get3A_554 = arith.index_cast %add3A_503 : i32 to index
        %get3A_555 = arith.constant 80 : index
        %get3A_556 = tpu.vector_load %arg11[%get3A_554, %get3A_555] {strides = array<i32>} : memref<128x128xf32, #tpu.memory_space<vmem>>, vector<1x16xf32>,
        %get3A_557 = vector.shape_cast %get3A_556 : vector<1x16xf32> to vector<16xf32>
        %mul3A_558 = arith.mulf %get3A_557, %gather3A_499 : vector<16xf32>
        %swap3A_559 = arith.index_cast %add3A_503 : i32 to index
        %swap3A_560 = arith.constant 80 : index
        %swap3A_561 = tpu.vector_load %arg11[%swap3A_559, %swap3A_560] {strides = array<i32>} : memref<128x128xf32, #tpu.memory_space<vmem>>, vector<1x16xf32>,
        %swap3A_562 = vector.shape_cast %swap3A_561 : vector<1x16xf32> to vector<16xf32>
        %swap3A_563 = vector.shape_cast %mul3A_558 : vector<16xf32> to vector<1x16xf32>
        tpu.vector_store %arg11[%swap3A_559, %swap3A_560], %swap3A_563 {strides = array<i32>} : memref<128x128xf32, #tpu.memory_space<vmem>>, vector<1x16xf32>,
        %get3A_564 = arith.index_cast %add3A_503 : i32 to index
        %get3A_565 = arith.constant 96 : index
        %get3A_566 = tpu.vector_load %arg11[%get3A_564, %get3A_565] {strides = array<i32>} : memref<128x128xf32, #tpu.memory_space<vmem>>, vector<1x16xf32>,
        %get3A_567 = vector.shape_cast %get3A_566 : vector<1x16xf32> to vector<16xf32>
        %mul3A_568 = arith.mulf %get3A_567, %gather3A_499 : vector<16xf32>
        %swap3A_569 = arith.index_cast %add3A_503 : i32 to index
        %swap3A_570 = arith.constant 96 : index
        %swap3A_571 = tpu.vector_load %arg11[%swap3A_569, %swap3A_570] {strides = array<i32>} : memref<128x128xf32, #tpu.memory_space<vmem>>, vector<1x16xf32>,
        %swap3A_572 = vector.shape_cast %swap3A_571 : vector<1x16xf32> to vector<16xf32>
        %swap3A_573 = vector.shape_cast %mul3A_568 : vector<16xf32> to vector<1x16xf32>
        tpu.vector_store %arg11[%swap3A_569, %swap3A_570], %swap3A_573 {strides = array<i32>} : memref<128x128xf32, #tpu.memory_space<vmem>>, vector<1x16xf32>,
        %get3A_574 = arith.index_cast %add3A_503 : i32 to index
        %get3A_575 = arith.constant 112 : index
        %get3A_576 = tpu.vector_load %arg11[%get3A_574, %get3A_575] {strides = array<i32>} : memref<128x128xf32, #tpu.memory_space<vmem>>, vector<1x16xf32>,
        %get3A_577 = vector.shape_cast %get3A_576 : vector<1x16xf32> to vector<16xf32>
        %mul3A_578 = arith.mulf %get3A_577, %gather3A_499 : vector<16xf32>
        %swap3A_579 = arith.index_cast %add3A_503 : i32 to index
        %swap3A_580 = arith.constant 112 : index
        %swap3A_581 = tpu.vector_load %arg11[%swap3A_579, %swap3A_580] {strides = array<i32>} : memref<128x128xf32, #tpu.memory_space<vmem>>, vector<1x16xf32>,
        %swap3A_582 = vector.shape_cast %swap3A_581 : vector<1x16xf32> to vector<16xf32>
        %swap3A_583 = vector.shape_cast %mul3A_578 : vector<16xf32> to vector<1x16xf32>
        tpu.vector_store %arg11[%swap3A_579, %swap3A_580], %swap3A_583 {strides = array<i32>} : memref<128x128xf32, #tpu.memory_space<vmem>>, vector<1x16xf32>,
        %broadcast_in_dim3A_584 = arith.constant 6 : i32
        %broadcast_in_dim3A_585 = vector.broadcast %broadcast_in_dim3A_584 : i32 to vector<16x1xi32>
        %gather3A_586 = vector.shape_cast %broadcast_in_dim3A_585 : vector<16x1xi32> to vector<16xi32>
        %gather3A_587 = tpu.dynamic_gather %get3A_58[%gather3A_586] in [0] : vector<16xf32>, vector<16xi32> -> vector<16xf32>
        %mul3A_588 = arith.constant 16 : i32
        %mul3A_589 = arith.muli %scan3A_52, %mul3A_588 : i32
        %add3A_590 = arith.constant 6 : i32
        %add3A_591 = arith.addi %mul3A_589, %add3A_590 : i32
        %get3A_592 = arith.index_cast %add3A_591 : i32 to index
        %get3A_593 = arith.constant 0 : index
        %get3A_594 = tpu.vector_load %arg11[%get3A_592, %get3A_593] {strides = array<i32>} : memref<128x128xf32, #tpu.memory_space<vmem>>, vector<1x16xf32>,
        %get3A_595 = vector.shape_cast %get3A_594 : vector<1x16xf32> to vector<16xf32>
        %mul3A_596 = arith.mulf %get3A_595, %gather3A_587 : vector<16xf32>
        %swap3A_597 = arith.index_cast %add3A_591 : i32 to index
        %swap3A_598 = arith.constant 0 : index
        %swap3A_599 = tpu.vector_load %arg11[%swap3A_597, %swap3A_598] {strides = array<i32>} : memref<128x128xf32, #tpu.memory_space<vmem>>, vector<1x16xf32>,
        %swap3A_600 = vector.shape_cast %swap3A_599 : vector<1x16xf32> to vector<16xf32>
        %swap3A_601 = vector.shape_cast %mul3A_596 : vector<16xf32> to vector<1x16xf32>
        tpu.vector_store %arg11[%swap3A_597, %swap3A_598], %swap3A_601 {strides = array<i32>} : memref<128x128xf32, #tpu.memory_space<vmem>>, vector<1x16xf32>,
        %get3A_602 = arith.index_cast %add3A_591 : i32 to index
        %get3A_603 = arith.constant 16 : index
        %get3A_604 = tpu.vector_load %arg11[%get3A_602, %get3A_603] {strides = array<i32>} : memref<128x128xf32, #tpu.memory_space<vmem>>, vector<1x16xf32>,
        %get3A_605 = vector.shape_cast %get3A_604 : vector<1x16xf32> to vector<16xf32>
        %mul3A_606 = arith.mulf %get3A_605, %gather3A_587 : vector<16xf32>
        %swap3A_607 = arith.index_cast %add3A_591 : i32 to index
        %swap3A_608 = arith.constant 16 : index
        %swap3A_609 = tpu.vector_load %arg11[%swap3A_607, %swap3A_608] {strides = array<i32>} : memref<128x128xf32, #tpu.memory_space<vmem>>, vector<1x16xf32>,
        %swap3A_610 = vector.shape_cast %swap3A_609 : vector<1x16xf32> to vector<16xf32>
        %swap3A_611 = vector.shape_cast %mul3A_606 : vector<16xf32> to vector<1x16xf32>
        tpu.vector_store %arg11[%swap3A_607, %swap3A_608], %swap3A_611 {strides = array<i32>} : memref<128x128xf32, #tpu.memory_space<vmem>>, vector<1x16xf32>,
        %get3A_612 = arith.index_cast %add3A_591 : i32 to index
        %get3A_613 = arith.constant 32 : index
        %get3A_614 = tpu.vector_load %arg11[%get3A_612, %get3A_613] {strides = array<i32>} : memref<128x128xf32, #tpu.memory_space<vmem>>, vector<1x16xf32>,
        %get3A_615 = vector.shape_cast %get3A_614 : vector<1x16xf32> to vector<16xf32>
        %mul3A_616 = arith.mulf %get3A_615, %gather3A_587 : vector<16xf32>
        %swap3A_617 = arith.index_cast %add3A_591 : i32 to index
        %swap3A_618 = arith.constant 32 : index
        %swap3A_619 = tpu.vector_load %arg11[%swap3A_617, %swap3A_618] {strides = array<i32>} : memref<128x128xf32, #tpu.memory_space<vmem>>, vector<1x16xf32>,
        %swap3A_620 = vector.shape_cast %swap3A_619 : vector<1x16xf32> to vector<16xf32>
        %swap3A_621 = vector.shape_cast %mul3A_616 : vector<16xf32> to vector<1x16xf32>
        tpu.vector_store %arg11[%swap3A_617, %swap3A_618], %swap3A_621 {strides = array<i32>} : memref<128x128xf32, #tpu.memory_space<vmem>>, vector<1x16xf32>,
        %get3A_622 = arith.index_cast %add3A_591 : i32 to index
        %get3A_623 = arith.constant 48 : index
        %get3A_624 = tpu.vector_load %arg11[%get3A_622, %get3A_623] {strides = array<i32>} : memref<128x128xf32, #tpu.memory_space<vmem>>, vector<1x16xf32>,
        %get3A_625 = vector.shape_cast %get3A_624 : vector<1x16xf32> to vector<16xf32>
        %mul3A_626 = arith.mulf %get3A_625, %gather3A_587 : vector<16xf32>
        %swap3A_627 = arith.index_cast %add3A_591 : i32 to index
        %swap3A_628 = arith.constant 48 : index
        %swap3A_629 = tpu.vector_load %arg11[%swap3A_627, %swap3A_628] {strides = array<i32>} : memref<128x128xf32, #tpu.memory_space<vmem>>, vector<1x16xf32>,
        %swap3A_630 = vector.shape_cast %swap3A_629 : vector<1x16xf32> to vector<16xf32>
        %swap3A_631 = vector.shape_cast %mul3A_626 : vector<16xf32> to vector<1x16xf32>
        tpu.vector_store %arg11[%swap3A_627, %swap3A_628], %swap3A_631 {strides = array<i32>} : memref<128x128xf32, #tpu.memory_space<vmem>>, vector<1x16xf32>,
        %get3A_632 = arith.index_cast %add3A_591 : i32 to index
        %get3A_633 = arith.constant 64 : index
        %get3A_634 = tpu.vector_load %arg11[%get3A_632, %get3A_633] {strides = array<i32>} : memref<128x128xf32, #tpu.memory_space<vmem>>, vector<1x16xf32>,
        %get3A_635 = vector.shape_cast %get3A_634 : vector<1x16xf32> to vector<16xf32>
        %mul3A_636 = arith.mulf %get3A_635, %gather3A_587 : vector<16xf32>
        %swap3A_637 = arith.index_cast %add3A_591 : i32 to index
        %swap3A_638 = arith.constant 64 : index
        %swap3A_639 = tpu.vector_load %arg11[%swap3A_637, %swap3A_638] {strides = array<i32>} : memref<128x128xf32, #tpu.memory_space<vmem>>, vector<1x16xf32>,
        %swap3A_640 = vector.shape_cast %swap3A_639 : vector<1x16xf32> to vector<16xf32>
        %swap3A_641 = vector.shape_cast %mul3A_636 : vector<16xf32> to vector<1x16xf32>
        tpu.vector_store %arg11[%swap3A_637, %swap3A_638], %swap3A_641 {strides = array<i32>} : memref<128x128xf32, #tpu.memory_space<vmem>>, vector<1x16xf32>,
        %get3A_642 = arith.index_cast %add3A_591 : i32 to index
        %get3A_643 = arith.constant 80 : index
        %get3A_644 = tpu.vector_load %arg11[%get3A_642, %get3A_643] {strides = array<i32>} : memref<128x128xf32, #tpu.memory_space<vmem>>, vector<1x16xf32>,
        %get3A_645 = vector.shape_cast %get3A_644 : vector<1x16xf32> to vector<16xf32>
        %mul3A_646 = arith.mulf %get3A_645, %gather3A_587 : vector<16xf32>
        %swap3A_647 = arith.index_cast %add3A_591 : i32 to index
        %swap3A_648 = arith.constant 80 : index
        %swap3A_649 = tpu.vector_load %arg11[%swap3A_647, %swap3A_648] {strides = array<i32>} : memref<128x128xf32, #tpu.memory_space<vmem>>, vector<1x16xf32>,
        %swap3A_650 = vector.shape_cast %swap3A_649 : vector<1x16xf32> to vector<16xf32>
        %swap3A_651 = vector.shape_cast %mul3A_646 : vector<16xf32> to vector<1x16xf32>
        tpu.vector_store %arg11[%swap3A_647, %swap3A_648], %swap3A_651 {strides = array<i32>} : memref<128x128xf32, #tpu.memory_space<vmem>>, vector<1x16xf32>,
        %get3A_652 = arith.index_cast %add3A_591 : i32 to index
        %get3A_653 = arith.constant 96 : index
        %get3A_654 = tpu.vector_load %arg11[%get3A_652, %get3A_653] {strides = array<i32>} : memref<128x128xf32, #tpu.memory_space<vmem>>, vector<1x16xf32>,
        %get3A_655 = vector.shape_cast %get3A_654 : vector<1x16xf32> to vector<16xf32>
        %mul3A_656 = arith.mulf %get3A_655, %gather3A_587 : vector<16xf32>
        %swap3A_657 = arith.index_cast %add3A_591 : i32 to index
        %swap3A_658 = arith.constant 96 : index
        %swap3A_659 = tpu.vector_load %arg11[%swap3A_657, %swap3A_658] {strides = array<i32>} : memref<128x128xf32, #tpu.memory_space<vmem>>, vector<1x16xf32>,
        %swap3A_660 = vector.shape_cast %swap3A_659 : vector<1x16xf32> to vector<16xf32>
        %swap3A_661 = vector.shape_cast %mul3A_656 : vector<16xf32> to vector<1x16xf32>
        tpu.vector_store %arg11[%swap3A_657, %swap3A_658], %swap3A_661 {strides = array<i32>} : memref<128x128xf32, #tpu.memory_space<vmem>>, vector<1x16xf32>,
        %get3A_662 = arith.index_cast %add3A_591 : i32 to index
        %get3A_663 = arith.constant 112 : index
        %get3A_664 = tpu.vector_load %arg11[%get3A_662, %get3A_663] {strides = array<i32>} : memref<128x128xf32, #tpu.memory_space<vmem>>, vector<1x16xf32>,
        %get3A_665 = vector.shape_cast %get3A_664 : vector<1x16xf32> to vector<16xf32>
        %mul3A_666 = arith.mulf %get3A_665, %gather3A_587 : vector<16xf32>
        %swap3A_667 = arith.index_cast %add3A_591 : i32 to index
        %swap3A_668 = arith.constant 112 : index
        %swap3A_669 = tpu.vector_load %arg11[%swap3A_667, %swap3A_668] {strides = array<i32>} : memref<128x128xf32, #tpu.memory_space<vmem>>, vector<1x16xf32>,
        %swap3A_670 = vector.shape_cast %swap3A_669 : vector<1x16xf32> to vector<16xf32>
        %swap3A_671 = vector.shape_cast %mul3A_666 : vector<16xf32> to vector<1x16xf32>
        tpu.vector_store %arg11[%swap3A_667, %swap3A_668], %swap3A_671 {strides = array<i32>} : memref<128x128xf32, #tpu.memory_space<vmem>>, vector<1x16xf32>,
        %broadcast_in_dim3A_672 = arith.constant 7 : i32
        %broadcast_in_dim3A_673 = vector.broadcast %broadcast_in_dim3A_672 : i32 to vector<16x1xi32>
        %gather3A_674 = vector.shape_cast %broadcast_in_dim3A_673 : vector<16x1xi32> to vector<16xi32>
        %gather3A_675 = tpu.dynamic_gather %get3A_58[%gather3A_674] in [0] : vector<16xf32>, vector<16xi32> -> vector<16xf32>
        %mul3A_676 = arith.constant 16 : i32
        %mul3A_677 = arith.muli %scan3A_52, %mul3A_676 : i32
        %add3A_678 = arith.constant 7 : i32
        %add3A_679 = arith.addi %mul3A_677, %add3A_678 : i32
        %get3A_680 = arith.index_cast %add3A_679 : i32 to index
        %get3A_681 = arith.constant 0 : index
        %get3A_682 = tpu.vector_load %arg11[%get3A_680, %get3A_681] {strides = array<i32>} : memref<128x128xf32, #tpu.memory_space<vmem>>, vector<1x16xf32>,
        %get3A_683 = vector.shape_cast %get3A_682 : vector<1x16xf32> to vector<16xf32>
        %mul3A_684 = arith.mulf %get3A_683, %gather3A_675 : vector<16xf32>
        %swap3A_685 = arith.index_cast %add3A_679 : i32 to index
        %swap3A_686 = arith.constant 0 : index
        %swap3A_687 = tpu.vector_load %arg11[%swap3A_685, %swap3A_686] {strides = array<i32>} : memref<128x128xf32, #tpu.memory_space<vmem>>, vector<1x16xf32>,
        %swap3A_688 = vector.shape_cast %swap3A_687 : vector<1x16xf32> to vector<16xf32>
        %swap3A_689 = vector.shape_cast %mul3A_684 : vector<16xf32> to vector<1x16xf32>
        tpu.vector_store %arg11[%swap3A_685, %swap3A_686], %swap3A_689 {strides = array<i32>} : memref<128x128xf32, #tpu.memory_space<vmem>>, vector<1x16xf32>,
        %get3A_690 = arith.index_cast %add3A_679 : i32 to index
        %get3A_691 = arith.constant 16 : index
        %get3A_692 = tpu.vector_load %arg11[%get3A_690, %get3A_691] {strides = array<i32>} : memref<128x128xf32, #tpu.memory_space<vmem>>, vector<1x16xf32>,
        %get3A_693 = vector.shape_cast %get3A_692 : vector<1x16xf32> to vector<16xf32>
        %mul3A_694 = arith.mulf %get3A_693, %gather3A_675 : vector<16xf32>
        %swap3A_695 = arith.index_cast %add3A_679 : i32 to index
        %swap3A_696 = arith.constant 16 : index
        %swap3A_697 = tpu.vector_load %arg11[%swap3A_695, %swap3A_696] {strides = array<i32>} : memref<128x128xf32, #tpu.memory_space<vmem>>, vector<1x16xf32>,
        %swap3A_698 = vector.shape_cast %swap3A_697 : vector<1x16xf32> to vector<16xf32>
        %swap3A_699 = vector.shape_cast %mul3A_694 : vector<16xf32> to vector<1x16xf32>
        tpu.vector_store %arg11[%swap3A_695, %swap3A_696], %swap3A_699 {strides = array<i32>} : memref<128x128xf32, #tpu.memory_space<vmem>>, vector<1x16xf32>,
        %get3A_700 = arith.index_cast %add3A_679 : i32 to index
        %get3A_701 = arith.constant 32 : index
        %get3A_702 = tpu.vector_load %arg11[%get3A_700, %get3A_701] {strides = array<i32>} : memref<128x128xf32, #tpu.memory_space<vmem>>, vector<1x16xf32>,
        %get3A_703 = vector.shape_cast %get3A_702 : vector<1x16xf32> to vector<16xf32>
        %mul3A_704 = arith.mulf %get3A_703, %gather3A_675 : vector<16xf32>
        %swap3A_705 = arith.index_cast %add3A_679 : i32 to index
        %swap3A_706 = arith.constant 32 : index
        %swap3A_707 = tpu.vector_load %arg11[%swap3A_705, %swap3A_706] {strides = array<i32>} : memref<128x128xf32, #tpu.memory_space<vmem>>, vector<1x16xf32>,
        %swap3A_708 = vector.shape_cast %swap3A_707 : vector<1x16xf32> to vector<16xf32>
        %swap3A_709 = vector.shape_cast %mul3A_704 : vector<16xf32> to vector<1x16xf32>
        tpu.vector_store %arg11[%swap3A_705, %swap3A_706], %swap3A_709 {strides = array<i32>} : memref<128x128xf32, #tpu.memory_space<vmem>>, vector<1x16xf32>,
        %get3A_710 = arith.index_cast %add3A_679 : i32 to index
        %get3A_711 = arith.constant 48 : index
        %get3A_712 = tpu.vector_load %arg11[%get3A_710, %get3A_711] {strides = array<i32>} : memref<128x128xf32, #tpu.memory_space<vmem>>, vector<1x16xf32>,
        %get3A_713 = vector.shape_cast %get3A_712 : vector<1x16xf32> to vector<16xf32>
        %mul3A_714 = arith.mulf %get3A_713, %gather3A_675 : vector<16xf32>
        %swap3A_715 = arith.index_cast %add3A_679 : i32 to index
        %swap3A_716 = arith.constant 48 : index
        %swap3A_717 = tpu.vector_load %arg11[%swap3A_715, %swap3A_716] {strides = array<i32>} : memref<128x128xf32, #tpu.memory_space<vmem>>, vector<1x16xf32>,
        %swap3A_718 = vector.shape_cast %swap3A_717 : vector<1x16xf32> to vector<16xf32>
        %swap3A_719 = vector.shape_cast %mul3A_714 : vector<16xf32> to vector<1x16xf32>
        tpu.vector_store %arg11[%swap3A_715, %swap3A_716], %swap3A_719 {strides = array<i32>} : memref<128x128xf32, #tpu.memory_space<vmem>>, vector<1x16xf32>,
        %get3A_720 = arith.index_cast %add3A_679 : i32 to index
        %get3A_721 = arith.constant 64 : index
        %get3A_722 = tpu.vector_load %arg11[%get3A_720, %get3A_721] {strides = array<i32>} : memref<128x128xf32, #tpu.memory_space<vmem>>, vector<1x16xf32>,
        %get3A_723 = vector.shape_cast %get3A_722 : vector<1x16xf32> to vector<16xf32>
        %mul3A_724 = arith.mulf %get3A_723, %gather3A_675 : vector<16xf32>
        %swap3A_725 = arith.index_cast %add3A_679 : i32 to index
        %swap3A_726 = arith.constant 64 : index
        %swap3A_727 = tpu.vector_load %arg11[%swap3A_725, %swap3A_726] {strides = array<i32>} : memref<128x128xf32, #tpu.memory_space<vmem>>, vector<1x16xf32>,
        %swap3A_728 = vector.shape_cast %swap3A_727 : vector<1x16xf32> to vector<16xf32>
        %swap3A_729 = vector.shape_cast %mul3A_724 : vector<16xf32> to vector<1x16xf32>
        tpu.vector_store %arg11[%swap3A_725, %swap3A_726], %swap3A_729 {strides = array<i32>} : memref<128x128xf32, #tpu.memory_space<vmem>>, vector<1x16xf32>,
        %get3A_730 = arith.index_cast %add3A_679 : i32 to index
        %get3A_731 = arith.constant 80 : index
        %get3A_732 = tpu.vector_load %arg11[%get3A_730, %get3A_731] {strides = array<i32>} : memref<128x128xf32, #tpu.memory_space<vmem>>, vector<1x16xf32>,
        %get3A_733 = vector.shape_cast %get3A_732 : vector<1x16xf32> to vector<16xf32>
        %mul3A_734 = arith.mulf %get3A_733, %gather3A_675 : vector<16xf32>
        %swap3A_735 = arith.index_cast %add3A_679 : i32 to index
        %swap3A_736 = arith.constant 80 : index
        %swap3A_737 = tpu.vector_load %arg11[%swap3A_735, %swap3A_736] {strides = array<i32>} : memref<128x128xf32, #tpu.memory_space<vmem>>, vector<1x16xf32>,
        %swap3A_738 = vector.shape_cast %swap3A_737 : vector<1x16xf32> to vector<16xf32>
        %swap3A_739 = vector.shape_cast %mul3A_734 : vector<16xf32> to vector<1x16xf32>
        tpu.vector_store %arg11[%swap3A_735, %swap3A_736], %swap3A_739 {strides = array<i32>} : memref<128x128xf32, #tpu.memory_space<vmem>>, vector<1x16xf32>,
        %get3A_740 = arith.index_cast %add3A_679 : i32 to index
        %get3A_741 = arith.constant 96 : index
        %get3A_742 = tpu.vector_load %arg11[%get3A_740, %get3A_741] {strides = array<i32>} : memref<128x128xf32, #tpu.memory_space<vmem>>, vector<1x16xf32>,
        %get3A_743 = vector.shape_cast %get3A_742 : vector<1x16xf32> to vector<16xf32>
        %mul3A_744 = arith.mulf %get3A_743, %gather3A_675 : vector<16xf32>
        %swap3A_745 = arith.index_cast %add3A_679 : i32 to index
        %swap3A_746 = arith.constant 96 : index
        %swap3A_747 = tpu.vector_load %arg11[%swap3A_745, %swap3A_746] {strides = array<i32>} : memref<128x128xf32, #tpu.memory_space<vmem>>, vector<1x16xf32>,
        %swap3A_748 = vector.shape_cast %swap3A_747 : vector<1x16xf32> to vector<16xf32>
        %swap3A_749 = vector.shape_cast %mul3A_744 : vector<16xf32> to vector<1x16xf32>
        tpu.vector_store %arg11[%swap3A_745, %swap3A_746], %swap3A_749 {strides = array<i32>} : memref<128x128xf32, #tpu.memory_space<vmem>>, vector<1x16xf32>,
        %get3A_750 = arith.index_cast %add3A_679 : i32 to index
        %get3A_751 = arith.constant 112 : index
        %get3A_752 = tpu.vector_load %arg11[%get3A_750, %get3A_751] {strides = array<i32>} : memref<128x128xf32, #tpu.memory_space<vmem>>, vector<1x16xf32>,
        %get3A_753 = vector.shape_cast %get3A_752 : vector<1x16xf32> to vector<16xf32>
        %mul3A_754 = arith.mulf %get3A_753, %gather3A_675 : vector<16xf32>
        %swap3A_755 = arith.index_cast %add3A_679 : i32 to index
        %swap3A_756 = arith.constant 112 : index
        %swap3A_757 = tpu.vector_load %arg11[%swap3A_755, %swap3A_756] {strides = array<i32>} : memref<128x128xf32, #tpu.memory_space<vmem>>, vector<1x16xf32>,
        %swap3A_758 = vector.shape_cast %swap3A_757 : vector<1x16xf32> to vector<16xf32>
        %swap3A_759 = vector.shape_cast %mul3A_754 : vector<16xf32> to vector<1x16xf32>
        tpu.vector_store %arg11[%swap3A_755, %swap3A_756], %swap3A_759 {strides = array<i32>} : memref<128x128xf32, #tpu.memory_space<vmem>>, vector<1x16xf32>,
        %broadcast_in_dim3A_760 = arith.constant 8 : i32
        %broadcast_in_dim3A_761 = vector.broadcast %broadcast_in_dim3A_760 : i32 to vector<16x1xi32>
        %gather3A_762 = vector.shape_cast %broadcast_in_dim3A_761 : vector<16x1xi32> to vector<16xi32>
        %gather3A_763 = tpu.dynamic_gather %get3A_58[%gather3A_762] in [0] : vector<16xf32>, vector<16xi32> -> vector<16xf32>
        %mul3A_764 = arith.constant 16 : i32
        %mul3A_765 = arith.muli %scan3A_52, %mul3A_764 : i32
        %add3A_766 = arith.constant 8 : i32
        %add3A_767 = arith.addi %mul3A_765, %add3A_766 : i32
        %get3A_768 = arith.index_cast %add3A_767 : i32 to index
        %get3A_769 = arith.constant 0 : index
        %get3A_770 = tpu.vector_load %arg11[%get3A_768, %get3A_769] {strides = array<i32>} : memref<128x128xf32, #tpu.memory_space<vmem>>, vector<1x16xf32>,
        %get3A_771 = vector.shape_cast %get3A_770 : vector<1x16xf32> to vector<16xf32>
        %mul3A_772 = arith.mulf %get3A_771, %gather3A_763 : vector<16xf32>
        %swap3A_773 = arith.index_cast %add3A_767 : i32 to index
        %swap3A_774 = arith.constant 0 : index
        %swap3A_775 = tpu.vector_load %arg11[%swap3A_773, %swap3A_774] {strides = array<i32>} : memref<128x128xf32, #tpu.memory_space<vmem>>, vector<1x16xf32>,
        %swap3A_776 = vector.shape_cast %swap3A_775 : vector<1x16xf32> to vector<16xf32>
        %swap3A_777 = vector.shape_cast %mul3A_772 : vector<16xf32> to vector<1x16xf32>
        tpu.vector_store %arg11[%swap3A_773, %swap3A_774], %swap3A_777 {strides = array<i32>} : memref<128x128xf32, #tpu.memory_space<vmem>>, vector<1x16xf32>,
        %get3A_778 = arith.index_cast %add3A_767 : i32 to index
        %get3A_779 = arith.constant 16 : index
        %get3A_780 = tpu.vector_load %arg11[%get3A_778, %get3A_779] {strides = array<i32>} : memref<128x128xf32, #tpu.memory_space<vmem>>, vector<1x16xf32>,
        %get3A_781 = vector.shape_cast %get3A_780 : vector<1x16xf32> to vector<16xf32>
        %mul3A_782 = arith.mulf %get3A_781, %gather3A_763 : vector<16xf32>
        %swap3A_783 = arith.index_cast %add3A_767 : i32 to index
        %swap3A_784 = arith.constant 16 : index
        %swap3A_785 = tpu.vector_load %arg11[%swap3A_783, %swap3A_784] {strides = array<i32>} : memref<128x128xf32, #tpu.memory_space<vmem>>, vector<1x16xf32>,
        %swap3A_786 = vector.shape_cast %swap3A_785 : vector<1x16xf32> to vector<16xf32>
        %swap3A_787 = vector.shape_cast %mul3A_782 : vector<16xf32> to vector<1x16xf32>
        tpu.vector_store %arg11[%swap3A_783, %swap3A_784], %swap3A_787 {strides = array<i32>} : memref<128x128xf32, #tpu.memory_space<vmem>>, vector<1x16xf32>,
        %get3A_788 = arith.index_cast %add3A_767 : i32 to index
        %get3A_789 = arith.constant 32 : index
        %get3A_790 = tpu.vector_load %arg11[%get3A_788, %get3A_789] {strides = array<i32>} : memref<128x128xf32, #tpu.memory_space<vmem>>, vector<1x16xf32>,
        %get3A_791 = vector.shape_cast %get3A_790 : vector<1x16xf32> to vector<16xf32>
        %mul3A_792 = arith.mulf %get3A_791, %gather3A_763 : vector<16xf32>
        %swap3A_793 = arith.index_cast %add3A_767 : i32 to index
        %swap3A_794 = arith.constant 32 : index
        %swap3A_795 = tpu.vector_load %arg11[%swap3A_793, %swap3A_794] {strides = array<i32>} : memref<128x128xf32, #tpu.memory_space<vmem>>, vector<1x16xf32>,
        %swap3A_796 = vector.shape_cast %swap3A_795 : vector<1x16xf32> to vector<16xf32>
        %swap3A_797 = vector.shape_cast %mul3A_792 : vector<16xf32> to vector<1x16xf32>
        tpu.vector_store %arg11[%swap3A_793, %swap3A_794], %swap3A_797 {strides = array<i32>} : memref<128x128xf32, #tpu.memory_space<vmem>>, vector<1x16xf32>,
        %get3A_798 = arith.index_cast %add3A_767 : i32 to index
        %get3A_799 = arith.constant 48 : index
        %get3A_800 = tpu.vector_load %arg11[%get3A_798, %get3A_799] {strides = array<i32>} : memref<128x128xf32, #tpu.memory_space<vmem>>, vector<1x16xf32>,
        %get3A_801 = vector.shape_cast %get3A_800 : vector<1x16xf32> to vector<16xf32>
        %mul3A_802 = arith.mulf %get3A_801, %gather3A_763 : vector<16xf32>
        %swap3A_803 = arith.index_cast %add3A_767 : i32 to index
        %swap3A_804 = arith.constant 48 : index
        %swap3A_805 = tpu.vector_load %arg11[%swap3A_803, %swap3A_804] {strides = array<i32>} : memref<128x128xf32, #tpu.memory_space<vmem>>, vector<1x16xf32>,
        %swap3A_806 = vector.shape_cast %swap3A_805 : vector<1x16xf32> to vector<16xf32>
        %swap3A_807 = vector.shape_cast %mul3A_802 : vector<16xf32> to vector<1x16xf32>
        tpu.vector_store %arg11[%swap3A_803, %swap3A_804], %swap3A_807 {strides = array<i32>} : memref<128x128xf32, #tpu.memory_space<vmem>>, vector<1x16xf32>,
        %get3A_808 = arith.index_cast %add3A_767 : i32 to index
        %get3A_809 = arith.constant 64 : index
        %get3A_810 = tpu.vector_load %arg11[%get3A_808, %get3A_809] {strides = array<i32>} : memref<128x128xf32, #tpu.memory_space<vmem>>, vector<1x16xf32>,
        %get3A_811 = vector.shape_cast %get3A_810 : vector<1x16xf32> to vector<16xf32>
        %mul3A_812 = arith.mulf %get3A_811, %gather3A_763 : vector<16xf32>
        %swap3A_813 = arith.index_cast %add3A_767 : i32 to index
        %swap3A_814 = arith.constant 64 : index
        %swap3A_815 = tpu.vector_load %arg11[%swap3A_813, %swap3A_814] {strides = array<i32>} : memref<128x128xf32, #tpu.memory_space<vmem>>, vector<1x16xf32>,
        %swap3A_816 = vector.shape_cast %swap3A_815 : vector<1x16xf32> to vector<16xf32>
        %swap3A_817 = vector.shape_cast %mul3A_812 : vector<16xf32> to vector<1x16xf32>
        tpu.vector_store %arg11[%swap3A_813, %swap3A_814], %swap3A_817 {strides = array<i32>} : memref<128x128xf32, #tpu.memory_space<vmem>>, vector<1x16xf32>,
        %get3A_818 = arith.index_cast %add3A_767 : i32 to index
        %get3A_819 = arith.constant 80 : index
        %get3A_820 = tpu.vector_load %arg11[%get3A_818, %get3A_819] {strides = array<i32>} : memref<128x128xf32, #tpu.memory_space<vmem>>, vector<1x16xf32>,
        %get3A_821 = vector.shape_cast %get3A_820 : vector<1x16xf32> to vector<16xf32>
        %mul3A_822 = arith.mulf %get3A_821, %gather3A_763 : vector<16xf32>
        %swap3A_823 = arith.index_cast %add3A_767 : i32 to index
        %swap3A_824 = arith.constant 80 : index
        %swap3A_825 = tpu.vector_load %arg11[%swap3A_823, %swap3A_824] {strides = array<i32>} : memref<128x128xf32, #tpu.memory_space<vmem>>, vector<1x16xf32>,
        %swap3A_826 = vector.shape_cast %swap3A_825 : vector<1x16xf32> to vector<16xf32>
        %swap3A_827 = vector.shape_cast %mul3A_822 : vector<16xf32> to vector<1x16xf32>
        tpu.vector_store %arg11[%swap3A_823, %swap3A_824], %swap3A_827 {strides = array<i32>} : memref<128x128xf32, #tpu.memory_space<vmem>>, vector<1x16xf32>,
        %get3A_828 = arith.index_cast %add3A_767 : i32 to index
        %get3A_829 = arith.constant 96 : index
        %get3A_830 = tpu.vector_load %arg11[%get3A_828, %get3A_829] {strides = array<i32>} : memref<128x128xf32, #tpu.memory_space<vmem>>, vector<1x16xf32>,
        %get3A_831 = vector.shape_cast %get3A_830 : vector<1x16xf32> to vector<16xf32>
        %mul3A_832 = arith.mulf %get3A_831, %gather3A_763 : vector<16xf32>
        %swap3A_833 = arith.index_cast %add3A_767 : i32 to index
        %swap3A_834 = arith.constant 96 : index
        %swap3A_835 = tpu.vector_load %arg11[%swap3A_833, %swap3A_834] {strides = array<i32>} : memref<128x128xf32, #tpu.memory_space<vmem>>, vector<1x16xf32>,
        %swap3A_836 = vector.shape_cast %swap3A_835 : vector<1x16xf32> to vector<16xf32>
        %swap3A_837 = vector.shape_cast %mul3A_832 : vector<16xf32> to vector<1x16xf32>
        tpu.vector_store %arg11[%swap3A_833, %swap3A_834], %swap3A_837 {strides = array<i32>} : memref<128x128xf32, #tpu.memory_space<vmem>>, vector<1x16xf32>,
        %get3A_838 = arith.index_cast %add3A_767 : i32 to index
        %get3A_839 = arith.constant 112 : index
        %get3A_840 = tpu.vector_load %arg11[%get3A_838, %get3A_839] {strides = array<i32>} : memref<128x128xf32, #tpu.memory_space<vmem>>, vector<1x16xf32>,
        %get3A_841 = vector.shape_cast %get3A_840 : vector<1x16xf32> to vector<16xf32>
        %mul3A_842 = arith.mulf %get3A_841, %gather3A_763 : vector<16xf32>
        %swap3A_843 = arith.index_cast %add3A_767 : i32 to index
        %swap3A_844 = arith.constant 112 : index
        %swap3A_845 = tpu.vector_load %arg11[%swap3A_843, %swap3A_844] {strides = array<i32>} : memref<128x128xf32, #tpu.memory_space<vmem>>, vector<1x16xf32>,
        %swap3A_846 = vector.shape_cast %swap3A_845 : vector<1x16xf32> to vector<16xf32>
        %swap3A_847 = vector.shape_cast %mul3A_842 : vector<16xf32> to vector<1x16xf32>
        tpu.vector_store %arg11[%swap3A_843, %swap3A_844], %swap3A_847 {strides = array<i32>} : memref<128x128xf32, #tpu.memory_space<vmem>>, vector<1x16xf32>,
        %broadcast_in_dim3A_848 = arith.constant 9 : i32
        %broadcast_in_dim3A_849 = vector.broadcast %broadcast_in_dim3A_848 : i32 to vector<16x1xi32>
        %gather3A_850 = vector.shape_cast %broadcast_in_dim3A_849 : vector<16x1xi32> to vector<16xi32>
        %gather3A_851 = tpu.dynamic_gather %get3A_58[%gather3A_850] in [0] : vector<16xf32>, vector<16xi32> -> vector<16xf32>
        %mul3A_852 = arith.constant 16 : i32
        %mul3A_853 = arith.muli %scan3A_52, %mul3A_852 : i32
        %add3A_854 = arith.constant 9 : i32
        %add3A_855 = arith.addi %mul3A_853, %add3A_854 : i32
        %get3A_856 = arith.index_cast %add3A_855 : i32 to index
        %get3A_857 = arith.constant 0 : index
        %get3A_858 = tpu.vector_load %arg11[%get3A_856, %get3A_857] {strides = array<i32>} : memref<128x128xf32, #tpu.memory_space<vmem>>, vector<1x16xf32>,
        %get3A_859 = vector.shape_cast %get3A_858 : vector<1x16xf32> to vector<16xf32>
        %mul3A_860 = arith.mulf %get3A_859, %gather3A_851 : vector<16xf32>
        %swap3A_861 = arith.index_cast %add3A_855 : i32 to index
        %swap3A_862 = arith.constant 0 : index
        %swap3A_863 = tpu.vector_load %arg11[%swap3A_861, %swap3A_862] {strides = array<i32>} : memref<128x128xf32, #tpu.memory_space<vmem>>, vector<1x16xf32>,
        %swap3A_864 = vector.shape_cast %swap3A_863 : vector<1x16xf32> to vector<16xf32>
        %swap3A_865 = vector.shape_cast %mul3A_860 : vector<16xf32> to vector<1x16xf32>
        tpu.vector_store %arg11[%swap3A_861, %swap3A_862], %swap3A_865 {strides = array<i32>} : memref<128x128xf32, #tpu.memory_space<vmem>>, vector<1x16xf32>,
        %get3A_866 = arith.index_cast %add3A_855 : i32 to index
        %get3A_867 = arith.constant 16 : index
        %get3A_868 = tpu.vector_load %arg11[%get3A_866, %get3A_867] {strides = array<i32>} : memref<128x128xf32, #tpu.memory_space<vmem>>, vector<1x16xf32>,
        %get3A_869 = vector.shape_cast %get3A_868 : vector<1x16xf32> to vector<16xf32>
        %mul3A_870 = arith.mulf %get3A_869, %gather3A_851 : vector<16xf32>
        %swap3A_871 = arith.index_cast %add3A_855 : i32 to index
        %swap3A_872 = arith.constant 16 : index
        %swap3A_873 = tpu.vector_load %arg11[%swap3A_871, %swap3A_872] {strides = array<i32>} : memref<128x128xf32, #tpu.memory_space<vmem>>, vector<1x16xf32>,
        %swap3A_874 = vector.shape_cast %swap3A_873 : vector<1x16xf32> to vector<16xf32>
        %swap3A_875 = vector.shape_cast %mul3A_870 : vector<16xf32> to vector<1x16xf32>
        tpu.vector_store %arg11[%swap3A_871, %swap3A_872], %swap3A_875 {strides = array<i32>} : memref<128x128xf32, #tpu.memory_space<vmem>>, vector<1x16xf32>,
        %get3A_876 = arith.index_cast %add3A_855 : i32 to index
        %get3A_877 = arith.constant 32 : index
        %get3A_878 = tpu.vector_load %arg11[%get3A_876, %get3A_877] {strides = array<i32>} : memref<128x128xf32, #tpu.memory_space<vmem>>, vector<1x16xf32>,
        %get3A_879 = vector.shape_cast %get3A_878 : vector<1x16xf32> to vector<16xf32>
        %mul3A_880 = arith.mulf %get3A_879, %gather3A_851 : vector<16xf32>
        %swap3A_881 = arith.index_cast %add3A_855 : i32 to index
        %swap3A_882 = arith.constant 32 : index
        %swap3A_883 = tpu.vector_load %arg11[%swap3A_881, %swap3A_882] {strides = array<i32>} : memref<128x128xf32, #tpu.memory_space<vmem>>, vector<1x16xf32>,
        %swap3A_884 = vector.shape_cast %swap3A_883 : vector<1x16xf32> to vector<16xf32>
        %swap3A_885 = vector.shape_cast %mul3A_880 : vector<16xf32> to vector<1x16xf32>
        tpu.vector_store %arg11[%swap3A_881, %swap3A_882], %swap3A_885 {strides = array<i32>} : memref<128x128xf32, #tpu.memory_space<vmem>>, vector<1x16xf32>,
        %get3A_886 = arith.index_cast %add3A_855 : i32 to index
        %get3A_887 = arith.constant 48 : index
        %get3A_888 = tpu.vector_load %arg11[%get3A_886, %get3A_887] {strides = array<i32>} : memref<128x128xf32, #tpu.memory_space<vmem>>, vector<1x16xf32>,
        %get3A_889 = vector.shape_cast %get3A_888 : vector<1x16xf32> to vector<16xf32>
        %mul3A_890 = arith.mulf %get3A_889, %gather3A_851 : vector<16xf32>
        %swap3A_891 = arith.index_cast %add3A_855 : i32 to index
        %swap3A_892 = arith.constant 48 : index
        %swap3A_893 = tpu.vector_load %arg11[%swap3A_891, %swap3A_892] {strides = array<i32>} : memref<128x128xf32, #tpu.memory_space<vmem>>, vector<1x16xf32>,
        %swap3A_894 = vector.shape_cast %swap3A_893 : vector<1x16xf32> to vector<16xf32>
        %swap3A_895 = vector.shape_cast %mul3A_890 : vector<16xf32> to vector<1x16xf32>
        tpu.vector_store %arg11[%swap3A_891, %swap3A_892], %swap3A_895 {strides = array<i32>} : memref<128x128xf32, #tpu.memory_space<vmem>>, vector<1x16xf32>,
        %get3A_896 = arith.index_cast %add3A_855 : i32 to index
        %get3A_897 = arith.constant 64 : index
        %get3A_898 = tpu.vector_load %arg11[%get3A_896, %get3A_897] {strides = array<i32>} : memref<128x128xf32, #tpu.memory_space<vmem>>, vector<1x16xf32>,
        %get3A_899 = vector.shape_cast %get3A_898 : vector<1x16xf32> to vector<16xf32>
        %mul3A_900 = arith.mulf %get3A_899, %gather3A_851 : vector<16xf32>
        %swap3A_901 = arith.index_cast %add3A_855 : i32 to index
        %swap3A_902 = arith.constant 64 : index
        %swap3A_903 = tpu.vector_load %arg11[%swap3A_901, %swap3A_902] {strides = array<i32>} : memref<128x128xf32, #tpu.memory_space<vmem>>, vector<1x16xf32>,
        %swap3A_904 = vector.shape_cast %swap3A_903 : vector<1x16xf32> to vector<16xf32>
        %swap3A_905 = vector.shape_cast %mul3A_900 : vector<16xf32> to vector<1x16xf32>
        tpu.vector_store %arg11[%swap3A_901, %swap3A_902], %swap3A_905 {strides = array<i32>} : memref<128x128xf32, #tpu.memory_space<vmem>>, vector<1x16xf32>,
        %get3A_906 = arith.index_cast %add3A_855 : i32 to index
        %get3A_907 = arith.constant 80 : index
        %get3A_908 = tpu.vector_load %arg11[%get3A_906, %get3A_907] {strides = array<i32>} : memref<128x128xf32, #tpu.memory_space<vmem>>, vector<1x16xf32>,
        %get3A_909 = vector.shape_cast %get3A_908 : vector<1x16xf32> to vector<16xf32>
        %mul3A_910 = arith.mulf %get3A_909, %gather3A_851 : vector<16xf32>
        %swap3A_911 = arith.index_cast %add3A_855 : i32 to index
        %swap3A_912 = arith.constant 80 : index
        %swap3A_913 = tpu.vector_load %arg11[%swap3A_911, %swap3A_912] {strides = array<i32>} : memref<128x128xf32, #tpu.memory_space<vmem>>, vector<1x16xf32>,
        %swap3A_914 = vector.shape_cast %swap3A_913 : vector<1x16xf32> to vector<16xf32>
        %swap3A_915 = vector.shape_cast %mul3A_910 : vector<16xf32> to vector<1x16xf32>
        tpu.vector_store %arg11[%swap3A_911, %swap3A_912], %swap3A_915 {strides = array<i32>} : memref<128x128xf32, #tpu.memory_space<vmem>>, vector<1x16xf32>,
        %get3A_916 = arith.index_cast %add3A_855 : i32 to index
        %get3A_917 = arith.constant 96 : index
        %get3A_918 = tpu.vector_load %arg11[%get3A_916, %get3A_917] {strides = array<i32>} : memref<128x128xf32, #tpu.memory_space<vmem>>, vector<1x16xf32>,
        %get3A_919 = vector.shape_cast %get3A_918 : vector<1x16xf32> to vector<16xf32>
        %mul3A_920 = arith.mulf %get3A_919, %gather3A_851 : vector<16xf32>
        %swap3A_921 = arith.index_cast %add3A_855 : i32 to index
        %swap3A_922 = arith.constant 96 : index
        %swap3A_923 = tpu.vector_load %arg11[%swap3A_921, %swap3A_922] {strides = array<i32>} : memref<128x128xf32, #tpu.memory_space<vmem>>, vector<1x16xf32>,
        %swap3A_924 = vector.shape_cast %swap3A_923 : vector<1x16xf32> to vector<16xf32>
        %swap3A_925 = vector.shape_cast %mul3A_920 : vector<16xf32> to vector<1x16xf32>
        tpu.vector_store %arg11[%swap3A_921, %swap3A_922], %swap3A_925 {strides = array<i32>} : memref<128x128xf32, #tpu.memory_space<vmem>>, vector<1x16xf32>,
        %get3A_926 = arith.index_cast %add3A_855 : i32 to index
        %get3A_927 = arith.constant 112 : index
        %get3A_928 = tpu.vector_load %arg11[%get3A_926, %get3A_927] {strides = array<i32>} : memref<128x128xf32, #tpu.memory_space<vmem>>, vector<1x16xf32>,
        %get3A_929 = vector.shape_cast %get3A_928 : vector<1x16xf32> to vector<16xf32>
        %mul3A_930 = arith.mulf %get3A_929, %gather3A_851 : vector<16xf32>
        %swap3A_931 = arith.index_cast %add3A_855 : i32 to index
        %swap3A_932 = arith.constant 112 : index
        %swap3A_933 = tpu.vector_load %arg11[%swap3A_931, %swap3A_932] {strides = array<i32>} : memref<128x128xf32, #tpu.memory_space<vmem>>, vector<1x16xf32>,
        %swap3A_934 = vector.shape_cast %swap3A_933 : vector<1x16xf32> to vector<16xf32>
        %swap3A_935 = vector.shape_cast %mul3A_930 : vector<16xf32> to vector<1x16xf32>
        tpu.vector_store %arg11[%swap3A_931, %swap3A_932], %swap3A_935 {strides = array<i32>} : memref<128x128xf32, #tpu.memory_space<vmem>>, vector<1x16xf32>,
        %broadcast_in_dim3A_936 = arith.constant 10 : i32
        %broadcast_in_dim3A_937 = vector.broadcast %broadcast_in_dim3A_936 : i32 to vector<16x1xi32>
        %gather3A_938 = vector.shape_cast %broadcast_in_dim3A_937 : vector<16x1xi32> to vector<16xi32>
        %gather3A_939 = tpu.dynamic_gather %get3A_58[%gather3A_938] in [0] : vector<16xf32>, vector<16xi32> -> vector<16xf32>
        %mul3A_940 = arith.constant 16 : i32
        %mul3A_941 = arith.muli %scan3A_52, %mul3A_940 : i32
        %add3A_942 = arith.constant 10 : i32
        %add3A_943 = arith.addi %mul3A_941, %add3A_942 : i32
        %get3A_944 = arith.index_cast %add3A_943 : i32 to index
        %get3A_945 = arith.constant 0 : index
        %get3A_946 = tpu.vector_load %arg11[%get3A_944, %get3A_945] {strides = array<i32>} : memref<128x128xf32, #tpu.memory_space<vmem>>, vector<1x16xf32>,
        %get3A_947 = vector.shape_cast %get3A_946 : vector<1x16xf32> to vector<16xf32>
        %mul3A_948 = arith.mulf %get3A_947, %gather3A_939 : vector<16xf32>
        %swap3A_949 = arith.index_cast %add3A_943 : i32 to index
        %swap3A_950 = arith.constant 0 : index
        %swap3A_951 = tpu.vector_load %arg11[%swap3A_949, %swap3A_950] {strides = array<i32>} : memref<128x128xf32, #tpu.memory_space<vmem>>, vector<1x16xf32>,
        %swap3A_952 = vector.shape_cast %swap3A_951 : vector<1x16xf32> to vector<16xf32>
        %swap3A_953 = vector.shape_cast %mul3A_948 : vector<16xf32> to vector<1x16xf32>
        tpu.vector_store %arg11[%swap3A_949, %swap3A_950], %swap3A_953 {strides = array<i32>} : memref<128x128xf32, #tpu.memory_space<vmem>>, vector<1x16xf32>,
        %get3A_954 = arith.index_cast %add3A_943 : i32 to index
        %get3A_955 = arith.constant 16 : index
        %get3A_956 = tpu.vector_load %arg11[%get3A_954, %get3A_955] {strides = array<i32>} : memref<128x128xf32, #tpu.memory_space<vmem>>, vector<1x16xf32>,
        %get3A_957 = vector.shape_cast %get3A_956 : vector<1x16xf32> to vector<16xf32>
        %mul3A_958 = arith.mulf %get3A_957, %gather3A_939 : vector<16xf32>
        %swap3A_959 = arith.index_cast %add3A_943 : i32 to index
        %swap3A_960 = arith.constant 16 : index
        %swap3A_961 = tpu.vector_load %arg11[%swap3A_959, %swap3A_960] {strides = array<i32>} : memref<128x128xf32, #tpu.memory_space<vmem>>, vector<1x16xf32>,
        %swap3A_962 = vector.shape_cast %swap3A_961 : vector<1x16xf32> to vector<16xf32>
        %swap3A_963 = vector.shape_cast %mul3A_958 : vector<16xf32> to vector<1x16xf32>
        tpu.vector_store %arg11[%swap3A_959, %swap3A_960], %swap3A_963 {strides = array<i32>} : memref<128x128xf32, #tpu.memory_space<vmem>>, vector<1x16xf32>,
        %get3A_964 = arith.index_cast %add3A_943 : i32 to index
        %get3A_965 = arith.constant 32 : index
        %get3A_966 = tpu.vector_load %arg11[%get3A_964, %get3A_965] {strides = array<i32>} : memref<128x128xf32, #tpu.memory_space<vmem>>, vector<1x16xf32>,
        %get3A_967 = vector.shape_cast %get3A_966 : vector<1x16xf32> to vector<16xf32>
        %mul3A_968 = arith.mulf %get3A_967, %gather3A_939 : vector<16xf32>
        %swap3A_969 = arith.index_cast %add3A_943 : i32 to index
        %swap3A_970 = arith.constant 32 : index
        %swap3A_971 = tpu.vector_load %arg11[%swap3A_969, %swap3A_970] {strides = array<i32>} : memref<128x128xf32, #tpu.memory_space<vmem>>, vector<1x16xf32>,
        %swap3A_972 = vector.shape_cast %swap3A_971 : vector<1x16xf32> to vector<16xf32>
        %swap3A_973 = vector.shape_cast %mul3A_968 : vector<16xf32> to vector<1x16xf32>
        tpu.vector_store %arg11[%swap3A_969, %swap3A_970], %swap3A_973 {strides = array<i32>} : memref<128x128xf32, #tpu.memory_space<vmem>>, vector<1x16xf32>,
        %get3A_974 = arith.index_cast %add3A_943 : i32 to index
        %get3A_975 = arith.constant 48 : index
        %get3A_976 = tpu.vector_load %arg11[%get3A_974, %get3A_975] {strides = array<i32>} : memref<128x128xf32, #tpu.memory_space<vmem>>, vector<1x16xf32>,
        %get3A_977 = vector.shape_cast %get3A_976 : vector<1x16xf32> to vector<16xf32>
        %mul3A_978 = arith.mulf %get3A_977, %gather3A_939 : vector<16xf32>
        %swap3A_979 = arith.index_cast %add3A_943 : i32 to index
        %swap3A_980 = arith.constant 48 : index
        %swap3A_981 = tpu.vector_load %arg11[%swap3A_979, %swap3A_980] {strides = array<i32>} : memref<128x128xf32, #tpu.memory_space<vmem>>, vector<1x16xf32>,
        %swap3A_982 = vector.shape_cast %swap3A_981 : vector<1x16xf32> to vector<16xf32>
        %swap3A_983 = vector.shape_cast %mul3A_978 : vector<16xf32> to vector<1x16xf32>
        tpu.vector_store %arg11[%swap3A_979, %swap3A_980], %swap3A_983 {strides = array<i32>} : memref<128x128xf32, #tpu.memory_space<vmem>>, vector<1x16xf32>,
        %get3A_984 = arith.index_cast %add3A_943 : i32 to index
        %get3A_985 = arith.constant 64 : index
        %get3A_986 = tpu.vector_load %arg11[%get3A_984, %get3A_985] {strides = array<i32>} : memref<128x128xf32, #tpu.memory_space<vmem>>, vector<1x16xf32>,
        %get3A_987 = vector.shape_cast %get3A_986 : vector<1x16xf32> to vector<16xf32>
        %mul3A_988 = arith.mulf %get3A_987, %gather3A_939 : vector<16xf32>
        %swap3A_989 = arith.index_cast %add3A_943 : i32 to index
        %swap3A_990 = arith.constant 64 : index
        %swap3A_991 = tpu.vector_load %arg11[%swap3A_989, %swap3A_990] {strides = array<i32>} : memref<128x128xf32, #tpu.memory_space<vmem>>, vector<1x16xf32>,
        %swap3A_992 = vector.shape_cast %swap3A_991 : vector<1x16xf32> to vector<16xf32>
        %swap3A_993 = vector.shape_cast %mul3A_988 : vector<16xf32> to vector<1x16xf32>
        tpu.vector_store %arg11[%swap3A_989, %swap3A_990], %swap3A_993 {strides = array<i32>} : memref<128x128xf32, #tpu.memory_space<vmem>>, vector<1x16xf32>,
        %get3A_994 = arith.index_cast %add3A_943 : i32 to index
        %get3A_995 = arith.constant 80 : index
        %get3A_996 = tpu.vector_load %arg11[%get3A_994, %get3A_995] {strides = array<i32>} : memref<128x128xf32, #tpu.memory_space<vmem>>, vector<1x16xf32>,
        %get3A_997 = vector.shape_cast %get3A_996 : vector<1x16xf32> to vector<16xf32>
        %mul3A_998 = arith.mulf %get3A_997, %gather3A_939 : vector<16xf32>
        %swap3A_999 = arith.index_cast %add3A_943 : i32 to index
        %swap3A_1000 = arith.constant 80 : index
        %swap3A_1001 = tpu.vector_load %arg11[%swap3A_999, %swap3A_1000] {strides = array<i32>} : memref<128x128xf32, #tpu.memory_space<vmem>>, vector<1x16xf32>,
        %swap3A_1002 = vector.shape_cast %swap3A_1001 : vector<1x16xf32> to vector<16xf32>
        %swap3A_1003 = vector.shape_cast %mul3A_998 : vector<16xf32> to vector<1x16xf32>
        tpu.vector_store %arg11[%swap3A_999, %swap3A_1000], %swap3A_1003 {strides = array<i32>} : memref<128x128xf32, #tpu.memory_space<vmem>>, vector<1x16xf32>,
        %get3A_1004 = arith.index_cast %add3A_943 : i32 to index
        %get3A_1005 = arith.constant 96 : index
        %get3A_1006 = tpu.vector_load %arg11[%get3A_1004, %get3A_1005] {strides = array<i32>} : memref<128x128xf32, #tpu.memory_space<vmem>>, vector<1x16xf32>,
        %get3A_1007 = vector.shape_cast %get3A_1006 : vector<1x16xf32> to vector<16xf32>
        %mul3A_1008 = arith.mulf %get3A_1007, %gather3A_939 : vector<16xf32>
        %swap3A_1009 = arith.index_cast %add3A_943 : i32 to index
        %swap3A_1010 = arith.constant 96 : index
        %swap3A_1011 = tpu.vector_load %arg11[%swap3A_1009, %swap3A_1010] {strides = array<i32>} : memref<128x128xf32, #tpu.memory_space<vmem>>, vector<1x16xf32>,
        %swap3A_1012 = vector.shape_cast %swap3A_1011 : vector<1x16xf32> to vector<16xf32>
        %swap3A_1013 = vector.shape_cast %mul3A_1008 : vector<16xf32> to vector<1x16xf32>
        tpu.vector_store %arg11[%swap3A_1009, %swap3A_1010], %swap3A_1013 {strides = array<i32>} : memref<128x128xf32, #tpu.memory_space<vmem>>, vector<1x16xf32>,
        %get3A_1014 = arith.index_cast %add3A_943 : i32 to index
        %get3A_1015 = arith.constant 112 : index
        %get3A_1016 = tpu.vector_load %arg11[%get3A_1014, %get3A_1015] {strides = array<i32>} : memref<128x128xf32, #tpu.memory_space<vmem>>, vector<1x16xf32>,
        %get3A_1017 = vector.shape_cast %get3A_1016 : vector<1x16xf32> to vector<16xf32>
        %mul3A_1018 = arith.mulf %get3A_1017, %gather3A_939 : vector<16xf32>
        %swap3A_1019 = arith.index_cast %add3A_943 : i32 to index
        %swap3A_1020 = arith.constant 112 : index
        %swap3A_1021 = tpu.vector_load %arg11[%swap3A_1019, %swap3A_1020] {strides = array<i32>} : memref<128x128xf32, #tpu.memory_space<vmem>>, vector<1x16xf32>,
        %swap3A_1022 = vector.shape_cast %swap3A_1021 : vector<1x16xf32> to vector<16xf32>
        %swap3A_1023 = vector.shape_cast %mul3A_1018 : vector<16xf32> to vector<1x16xf32>
        tpu.vector_store %arg11[%swap3A_1019, %swap3A_1020], %swap3A_1023 {strides = array<i32>} : memref<128x128xf32, #tpu.memory_space<vmem>>, vector<1x16xf32>,
        %broadcast_in_dim3A_1024 = arith.constant 11 : i32
        %broadcast_in_dim3A_1025 = vector.broadcast %broadcast_in_dim3A_1024 : i32 to vector<16x1xi32>
        %gather3A_1026 = vector.shape_cast %broadcast_in_dim3A_1025 : vector<16x1xi32> to vector<16xi32>
        %gather3A_1027 = tpu.dynamic_gather %get3A_58[%gather3A_1026] in [0] : vector<16xf32>, vector<16xi32> -> vector<16xf32>
        %mul3A_1028 = arith.constant 16 : i32
        %mul3A_1029 = arith.muli %scan3A_52, %mul3A_1028 : i32
        %add3A_1030 = arith.constant 11 : i32
        %add3A_1031 = arith.addi %mul3A_1029, %add3A_1030 : i32
        %get3A_1032 = arith.index_cast %add3A_1031 : i32 to index
        %get3A_1033 = arith.constant 0 : index
        %get3A_1034 = tpu.vector_load %arg11[%get3A_1032, %get3A_1033] {strides = array<i32>} : memref<128x128xf32, #tpu.memory_space<vmem>>, vector<1x16xf32>,
        %get3A_1035 = vector.shape_cast %get3A_1034 : vector<1x16xf32> to vector<16xf32>
        %mul3A_1036 = arith.mulf %get3A_1035, %gather3A_1027 : vector<16xf32>
        %swap3A_1037 = arith.index_cast %add3A_1031 : i32 to index
        %swap3A_1038 = arith.constant 0 : index
        %swap3A_1039 = tpu.vector_load %arg11[%swap3A_1037, %swap3A_1038] {strides = array<i32>} : memref<128x128xf32, #tpu.memory_space<vmem>>, vector<1x16xf32>,
        %swap3A_1040 = vector.shape_cast %swap3A_1039 : vector<1x16xf32> to vector<16xf32>
        %swap3A_1041 = vector.shape_cast %mul3A_1036 : vector<16xf32> to vector<1x16xf32>
        tpu.vector_store %arg11[%swap3A_1037, %swap3A_1038], %swap3A_1041 {strides = array<i32>} : memref<128x128xf32, #tpu.memory_space<vmem>>, vector<1x16xf32>,
        %get3A_1042 = arith.index_cast %add3A_1031 : i32 to index
        %get3A_1043 = arith.constant 16 : index
        %get3A_1044 = tpu.vector_load %arg11[%get3A_1042, %get3A_1043] {strides = array<i32>} : memref<128x128xf32, #tpu.memory_space<vmem>>, vector<1x16xf32>,
        %get3A_1045 = vector.shape_cast %get3A_1044 : vector<1x16xf32> to vector<16xf32>
        %mul3A_1046 = arith.mulf %get3A_1045, %gather3A_1027 : vector<16xf32>
        %swap3A_1047 = arith.index_cast %add3A_1031 : i32 to index
        %swap3A_1048 = arith.constant 16 : index
        %swap3A_1049 = tpu.vector_load %arg11[%swap3A_1047, %swap3A_1048] {strides = array<i32>} : memref<128x128xf32, #tpu.memory_space<vmem>>, vector<1x16xf32>,
        %swap3A_1050 = vector.shape_cast %swap3A_1049 : vector<1x16xf32> to vector<16xf32>
        %swap3A_1051 = vector.shape_cast %mul3A_1046 : vector<16xf32> to vector<1x16xf32>
        tpu.vector_store %arg11[%swap3A_1047, %swap3A_1048], %swap3A_1051 {strides = array<i32>} : memref<128x128xf32, #tpu.memory_space<vmem>>, vector<1x16xf32>,
        %get3A_1052 = arith.index_cast %add3A_1031 : i32 to index
        %get3A_1053 = arith.constant 32 : index
        %get3A_1054 = tpu.vector_load %arg11[%get3A_1052, %get3A_1053] {strides = array<i32>} : memref<128x128xf32, #tpu.memory_space<vmem>>, vector<1x16xf32>,
        %get3A_1055 = vector.shape_cast %get3A_1054 : vector<1x16xf32> to vector<16xf32>
        %mul3A_1056 = arith.mulf %get3A_1055, %gather3A_1027 : vector<16xf32>
        %swap3A_1057 = arith.index_cast %add3A_1031 : i32 to index
        %swap3A_1058 = arith.constant 32 : index
        %swap3A_1059 = tpu.vector_load %arg11[%swap3A_1057, %swap3A_1058] {strides = array<i32>} : memref<128x128xf32, #tpu.memory_space<vmem>>, vector<1x16xf32>,
        %swap3A_1060 = vector.shape_cast %swap3A_1059 : vector<1x16xf32> to vector<16xf32>
        %swap3A_1061 = vector.shape_cast %mul3A_1056 : vector<16xf32> to vector<1x16xf32>
        tpu.vector_store %arg11[%swap3A_1057, %swap3A_1058], %swap3A_1061 {strides = array<i32>} : memref<128x128xf32, #tpu.memory_space<vmem>>, vector<1x16xf32>,
        %get3A_1062 = arith.index_cast %add3A_1031 : i32 to index
        %get3A_1063 = arith.constant 48 : index
        %get3A_1064 = tpu.vector_load %arg11[%get3A_1062, %get3A_1063] {strides = array<i32>} : memref<128x128xf32, #tpu.memory_space<vmem>>, vector<1x16xf32>,
        %get3A_1065 = vector.shape_cast %get3A_1064 : vector<1x16xf32> to vector<16xf32>
        %mul3A_1066 = arith.mulf %get3A_1065, %gather3A_1027 : vector<16xf32>
        %swap3A_1067 = arith.index_cast %add3A_1031 : i32 to index
        %swap3A_1068 = arith.constant 48 : index
        %swap3A_1069 = tpu.vector_load %arg11[%swap3A_1067, %swap3A_1068] {strides = array<i32>} : memref<128x128xf32, #tpu.memory_space<vmem>>, vector<1x16xf32>,
        %swap3A_1070 = vector.shape_cast %swap3A_1069 : vector<1x16xf32> to vector<16xf32>
        %swap3A_1071 = vector.shape_cast %mul3A_1066 : vector<16xf32> to vector<1x16xf32>
        tpu.vector_store %arg11[%swap3A_1067, %swap3A_1068], %swap3A_1071 {strides = array<i32>} : memref<128x128xf32, #tpu.memory_space<vmem>>, vector<1x16xf32>,
        %get3A_1072 = arith.index_cast %add3A_1031 : i32 to index
        %get3A_1073 = arith.constant 64 : index
        %get3A_1074 = tpu.vector_load %arg11[%get3A_1072, %get3A_1073] {strides = array<i32>} : memref<128x128xf32, #tpu.memory_space<vmem>>, vector<1x16xf32>,
        %get3A_1075 = vector.shape_cast %get3A_1074 : vector<1x16xf32> to vector<16xf32>
        %mul3A_1076 = arith.mulf %get3A_1075, %gather3A_1027 : vector<16xf32>
        %swap3A_1077 = arith.index_cast %add3A_1031 : i32 to index
        %swap3A_1078 = arith.constant 64 : index
        %swap3A_1079 = tpu.vector_load %arg11[%swap3A_1077, %swap3A_1078] {strides = array<i32>} : memref<128x128xf32, #tpu.memory_space<vmem>>, vector<1x16xf32>,
        %swap3A_1080 = vector.shape_cast %swap3A_1079 : vector<1x16xf32> to vector<16xf32>
        %swap3A_1081 = vector.shape_cast %mul3A_1076 : vector<16xf32> to vector<1x16xf32>
        tpu.vector_store %arg11[%swap3A_1077, %swap3A_1078], %swap3A_1081 {strides = array<i32>} : memref<128x128xf32, #tpu.memory_space<vmem>>, vector<1x16xf32>,
        %get3A_1082 = arith.index_cast %add3A_1031 : i32 to index
        %get3A_1083 = arith.constant 80 : index
        %get3A_1084 = tpu.vector_load %arg11[%get3A_1082, %get3A_1083] {strides = array<i32>} : memref<128x128xf32, #tpu.memory_space<vmem>>, vector<1x16xf32>,
        %get3A_1085 = vector.shape_cast %get3A_1084 : vector<1x16xf32> to vector<16xf32>
        %mul3A_1086 = arith.mulf %get3A_1085, %gather3A_1027 : vector<16xf32>
        %swap3A_1087 = arith.index_cast %add3A_1031 : i32 to index
        %swap3A_1088 = arith.constant 80 : index
        %swap3A_1089 = tpu.vector_load %arg11[%swap3A_1087, %swap3A_1088] {strides = array<i32>} : memref<128x128xf32, #tpu.memory_space<vmem>>, vector<1x16xf32>,
        %swap3A_1090 = vector.shape_cast %swap3A_1089 : vector<1x16xf32> to vector<16xf32>
        %swap3A_1091 = vector.shape_cast %mul3A_1086 : vector<16xf32> to vector<1x16xf32>
        tpu.vector_store %arg11[%swap3A_1087, %swap3A_1088], %swap3A_1091 {strides = array<i32>} : memref<128x128xf32, #tpu.memory_space<vmem>>, vector<1x16xf32>,
        %get3A_1092 = arith.index_cast %add3A_1031 : i32 to index
        %get3A_1093 = arith.constant 96 : index
        %get3A_1094 = tpu.vector_load %arg11[%get3A_1092, %get3A_1093] {strides = array<i32>} : memref<128x128xf32, #tpu.memory_space<vmem>>, vector<1x16xf32>,
        %get3A_1095 = vector.shape_cast %get3A_1094 : vector<1x16xf32> to vector<16xf32>
        %mul3A_1096 = arith.mulf %get3A_1095, %gather3A_1027 : vector<16xf32>
        %swap3A_1097 = arith.index_cast %add3A_1031 : i32 to index
        %swap3A_1098 = arith.constant 96 : index
        %swap3A_1099 = tpu.vector_load %arg11[%swap3A_1097, %swap3A_1098] {strides = array<i32>} : memref<128x128xf32, #tpu.memory_space<vmem>>, vector<1x16xf32>,
        %swap3A_1100 = vector.shape_cast %swap3A_1099 : vector<1x16xf32> to vector<16xf32>
        %swap3A_1101 = vector.shape_cast %mul3A_1096 : vector<16xf32> to vector<1x16xf32>
        tpu.vector_store %arg11[%swap3A_1097, %swap3A_1098], %swap3A_1101 {strides = array<i32>} : memref<128x128xf32, #tpu.memory_space<vmem>>, vector<1x16xf32>,
        %get3A_1102 = arith.index_cast %add3A_1031 : i32 to index
        %get3A_1103 = arith.constant 112 : index
        %get3A_1104 = tpu.vector_load %arg11[%get3A_1102, %get3A_1103] {strides = array<i32>} : memref<128x128xf32, #tpu.memory_space<vmem>>, vector<1x16xf32>,
        %get3A_1105 = vector.shape_cast %get3A_1104 : vector<1x16xf32> to vector<16xf32>
        %mul3A_1106 = arith.mulf %get3A_1105, %gather3A_1027 : vector<16xf32>
        %swap3A_1107 = arith.index_cast %add3A_1031 : i32 to index
        %swap3A_1108 = arith.constant 112 : index
        %swap3A_1109 = tpu.vector_load %arg11[%swap3A_1107, %swap3A_1108] {strides = array<i32>} : memref<128x128xf32, #tpu.memory_space<vmem>>, vector<1x16xf32>,
        %swap3A_1110 = vector.shape_cast %swap3A_1109 : vector<1x16xf32> to vector<16xf32>
        %swap3A_1111 = vector.shape_cast %mul3A_1106 : vector<16xf32> to vector<1x16xf32>
        tpu.vector_store %arg11[%swap3A_1107, %swap3A_1108], %swap3A_1111 {strides = array<i32>} : memref<128x128xf32, #tpu.memory_space<vmem>>, vector<1x16xf32>,
        %broadcast_in_dim3A_1112 = arith.constant 12 : i32
        %broadcast_in_dim3A_1113 = vector.broadcast %broadcast_in_dim3A_1112 : i32 to vector<16x1xi32>
        %gather3A_1114 = vector.shape_cast %broadcast_in_dim3A_1113 : vector<16x1xi32> to vector<16xi32>
        %gather3A_1115 = tpu.dynamic_gather %get3A_58[%gather3A_1114] in [0] : vector<16xf32>, vector<16xi32> -> vector<16xf32>
        %mul3A_1116 = arith.constant 16 : i32
        %mul3A_1117 = arith.muli %scan3A_52, %mul3A_1116 : i32
        %add3A_1118 = arith.constant 12 : i32
        %add3A_1119 = arith.addi %mul3A_1117, %add3A_1118 : i32
        %get3A_1120 = arith.index_cast %add3A_1119 : i32 to index
        %get3A_1121 = arith.constant 0 : index
        %get3A_1122 = tpu.vector_load %arg11[%get3A_1120, %get3A_1121] {strides = array<i32>} : memref<128x128xf32, #tpu.memory_space<vmem>>, vector<1x16xf32>,
        %get3A_1123 = vector.shape_cast %get3A_1122 : vector<1x16xf32> to vector<16xf32>
        %mul3A_1124 = arith.mulf %get3A_1123, %gather3A_1115 : vector<16xf32>
        %swap3A_1125 = arith.index_cast %add3A_1119 : i32 to index
        %swap3A_1126 = arith.constant 0 : index
        %swap3A_1127 = tpu.vector_load %arg11[%swap3A_1125, %swap3A_1126] {strides = array<i32>} : memref<128x128xf32, #tpu.memory_space<vmem>>, vector<1x16xf32>,
        %swap3A_1128 = vector.shape_cast %swap3A_1127 : vector<1x16xf32> to vector<16xf32>
        %swap3A_1129 = vector.shape_cast %mul3A_1124 : vector<16xf32> to vector<1x16xf32>
        tpu.vector_store %arg11[%swap3A_1125, %swap3A_1126], %swap3A_1129 {strides = array<i32>} : memref<128x128xf32, #tpu.memory_space<vmem>>, vector<1x16xf32>,
        %get3A_1130 = arith.index_cast %add3A_1119 : i32 to index
        %get3A_1131 = arith.constant 16 : index
        %get3A_1132 = tpu.vector_load %arg11[%get3A_1130, %get3A_1131] {strides = array<i32>} : memref<128x128xf32, #tpu.memory_space<vmem>>, vector<1x16xf32>,
        %get3A_1133 = vector.shape_cast %get3A_1132 : vector<1x16xf32> to vector<16xf32>
        %mul3A_1134 = arith.mulf %get3A_1133, %gather3A_1115 : vector<16xf32>
        %swap3A_1135 = arith.index_cast %add3A_1119 : i32 to index
        %swap3A_1136 = arith.constant 16 : index
        %swap3A_1137 = tpu.vector_load %arg11[%swap3A_1135, %swap3A_1136] {strides = array<i32>} : memref<128x128xf32, #tpu.memory_space<vmem>>, vector<1x16xf32>,
        %swap3A_1138 = vector.shape_cast %swap3A_1137 : vector<1x16xf32> to vector<16xf32>
        %swap3A_1139 = vector.shape_cast %mul3A_1134 : vector<16xf32> to vector<1x16xf32>
        tpu.vector_store %arg11[%swap3A_1135, %swap3A_1136], %swap3A_1139 {strides = array<i32>} : memref<128x128xf32, #tpu.memory_space<vmem>>, vector<1x16xf32>,
        %get3A_1140 = arith.index_cast %add3A_1119 : i32 to index
        %get3A_1141 = arith.constant 32 : index
        %get3A_1142 = tpu.vector_load %arg11[%get3A_1140, %get3A_1141] {strides = array<i32>} : memref<128x128xf32, #tpu.memory_space<vmem>>, vector<1x16xf32>,
        %get3A_1143 = vector.shape_cast %get3A_1142 : vector<1x16xf32> to vector<16xf32>
        %mul3A_1144 = arith.mulf %get3A_1143, %gather3A_1115 : vector<16xf32>
        %swap3A_1145 = arith.index_cast %add3A_1119 : i32 to index
        %swap3A_1146 = arith.constant 32 : index
        %swap3A_1147 = tpu.vector_load %arg11[%swap3A_1145, %swap3A_1146] {strides = array<i32>} : memref<128x128xf32, #tpu.memory_space<vmem>>, vector<1x16xf32>,
        %swap3A_1148 = vector.shape_cast %swap3A_1147 : vector<1x16xf32> to vector<16xf32>
        %swap3A_1149 = vector.shape_cast %mul3A_1144 : vector<16xf32> to vector<1x16xf32>
        tpu.vector_store %arg11[%swap3A_1145, %swap3A_1146], %swap3A_1149 {strides = array<i32>} : memref<128x128xf32, #tpu.memory_space<vmem>>, vector<1x16xf32>,
        %get3A_1150 = arith.index_cast %add3A_1119 : i32 to index
        %get3A_1151 = arith.constant 48 : index
        %get3A_1152 = tpu.vector_load %arg11[%get3A_1150, %get3A_1151] {strides = array<i32>} : memref<128x128xf32, #tpu.memory_space<vmem>>, vector<1x16xf32>,
        %get3A_1153 = vector.shape_cast %get3A_1152 : vector<1x16xf32> to vector<16xf32>
        %mul3A_1154 = arith.mulf %get3A_1153, %gather3A_1115 : vector<16xf32>
        %swap3A_1155 = arith.index_cast %add3A_1119 : i32 to index
        %swap3A_1156 = arith.constant 48 : index
        %swap3A_1157 = tpu.vector_load %arg11[%swap3A_1155, %swap3A_1156] {strides = array<i32>} : memref<128x128xf32, #tpu.memory_space<vmem>>, vector<1x16xf32>,
        %swap3A_1158 = vector.shape_cast %swap3A_1157 : vector<1x16xf32> to vector<16xf32>
        %swap3A_1159 = vector.shape_cast %mul3A_1154 : vector<16xf32> to vector<1x16xf32>
        tpu.vector_store %arg11[%swap3A_1155, %swap3A_1156], %swap3A_1159 {strides = array<i32>} : memref<128x128xf32, #tpu.memory_space<vmem>>, vector<1x16xf32>,
        %get3A_1160 = arith.index_cast %add3A_1119 : i32 to index
        %get3A_1161 = arith.constant 64 : index
        %get3A_1162 = tpu.vector_load %arg11[%get3A_1160, %get3A_1161] {strides = array<i32>} : memref<128x128xf32, #tpu.memory_space<vmem>>, vector<1x16xf32>,
        %get3A_1163 = vector.shape_cast %get3A_1162 : vector<1x16xf32> to vector<16xf32>
        %mul3A_1164 = arith.mulf %get3A_1163, %gather3A_1115 : vector<16xf32>
        %swap3A_1165 = arith.index_cast %add3A_1119 : i32 to index
        %swap3A_1166 = arith.constant 64 : index
        %swap3A_1167 = tpu.vector_load %arg11[%swap3A_1165, %swap3A_1166] {strides = array<i32>} : memref<128x128xf32, #tpu.memory_space<vmem>>, vector<1x16xf32>,
        %swap3A_1168 = vector.shape_cast %swap3A_1167 : vector<1x16xf32> to vector<16xf32>
        %swap3A_1169 = vector.shape_cast %mul3A_1164 : vector<16xf32> to vector<1x16xf32>
        tpu.vector_store %arg11[%swap3A_1165, %swap3A_1166], %swap3A_1169 {strides = array<i32>} : memref<128x128xf32, #tpu.memory_space<vmem>>, vector<1x16xf32>,
        %get3A_1170 = arith.index_cast %add3A_1119 : i32 to index
        %get3A_1171 = arith.constant 80 : index
        %get3A_1172 = tpu.vector_load %arg11[%get3A_1170, %get3A_1171] {strides = array<i32>} : memref<128x128xf32, #tpu.memory_space<vmem>>, vector<1x16xf32>,
        %get3A_1173 = vector.shape_cast %get3A_1172 : vector<1x16xf32> to vector<16xf32>
        %mul3A_1174 = arith.mulf %get3A_1173, %gather3A_1115 : vector<16xf32>
        %swap3A_1175 = arith.index_cast %add3A_1119 : i32 to index
        %swap3A_1176 = arith.constant 80 : index
        %swap3A_1177 = tpu.vector_load %arg11[%swap3A_1175, %swap3A_1176] {strides = array<i32>} : memref<128x128xf32, #tpu.memory_space<vmem>>, vector<1x16xf32>,
        %swap3A_1178 = vector.shape_cast %swap3A_1177 : vector<1x16xf32> to vector<16xf32>
        %swap3A_1179 = vector.shape_cast %mul3A_1174 : vector<16xf32> to vector<1x16xf32>
        tpu.vector_store %arg11[%swap3A_1175, %swap3A_1176], %swap3A_1179 {strides = array<i32>} : memref<128x128xf32, #tpu.memory_space<vmem>>, vector<1x16xf32>,
        %get3A_1180 = arith.index_cast %add3A_1119 : i32 to index
        %get3A_1181 = arith.constant 96 : index
        %get3A_1182 = tpu.vector_load %arg11[%get3A_1180, %get3A_1181] {strides = array<i32>} : memref<128x128xf32, #tpu.memory_space<vmem>>, vector<1x16xf32>,
        %get3A_1183 = vector.shape_cast %get3A_1182 : vector<1x16xf32> to vector<16xf32>
        %mul3A_1184 = arith.mulf %get3A_1183, %gather3A_1115 : vector<16xf32>
        %swap3A_1185 = arith.index_cast %add3A_1119 : i32 to index
        %swap3A_1186 = arith.constant 96 : index
        %swap3A_1187 = tpu.vector_load %arg11[%swap3A_1185, %swap3A_1186] {strides = array<i32>} : memref<128x128xf32, #tpu.memory_space<vmem>>, vector<1x16xf32>,
        %swap3A_1188 = vector.shape_cast %swap3A_1187 : vector<1x16xf32> to vector<16xf32>
        %swap3A_1189 = vector.shape_cast %mul3A_1184 : vector<16xf32> to vector<1x16xf32>
        tpu.vector_store %arg11[%swap3A_1185, %swap3A_1186], %swap3A_1189 {strides = array<i32>} : memref<128x128xf32, #tpu.memory_space<vmem>>, vector<1x16xf32>,
        %get3A_1190 = arith.index_cast %add3A_1119 : i32 to index
        %get3A_1191 = arith.constant 112 : index
        %get3A_1192 = tpu.vector_load %arg11[%get3A_1190, %get3A_1191] {strides = array<i32>} : memref<128x128xf32, #tpu.memory_space<vmem>>, vector<1x16xf32>,
        %get3A_1193 = vector.shape_cast %get3A_1192 : vector<1x16xf32> to vector<16xf32>
        %mul3A_1194 = arith.mulf %get3A_1193, %gather3A_1115 : vector<16xf32>
        %swap3A_1195 = arith.index_cast %add3A_1119 : i32 to index
        %swap3A_1196 = arith.constant 112 : index
        %swap3A_1197 = tpu.vector_load %arg11[%swap3A_1195, %swap3A_1196] {strides = array<i32>} : memref<128x128xf32, #tpu.memory_space<vmem>>, vector<1x16xf32>,
        %swap3A_1198 = vector.shape_cast %swap3A_1197 : vector<1x16xf32> to vector<16xf32>
        %swap3A_1199 = vector.shape_cast %mul3A_1194 : vector<16xf32> to vector<1x16xf32>
        tpu.vector_store %arg11[%swap3A_1195, %swap3A_1196], %swap3A_1199 {strides = array<i32>} : memref<128x128xf32, #tpu.memory_space<vmem>>, vector<1x16xf32>,
        %broadcast_in_dim3A_1200 = arith.constant 13 : i32
        %broadcast_in_dim3A_1201 = vector.broadcast %broadcast_in_dim3A_1200 : i32 to vector<16x1xi32>
        %gather3A_1202 = vector.shape_cast %broadcast_in_dim3A_1201 : vector<16x1xi32> to vector<16xi32>
        %gather3A_1203 = tpu.dynamic_gather %get3A_58[%gather3A_1202] in [0] : vector<16xf32>, vector<16xi32> -> vector<16xf32>
        %mul3A_1204 = arith.constant 16 : i32
        %mul3A_1205 = arith.muli %scan3A_52, %mul3A_1204 : i32
        %add3A_1206 = arith.constant 13 : i32
        %add3A_1207 = arith.addi %mul3A_1205, %add3A_1206 : i32
        %get3A_1208 = arith.index_cast %add3A_1207 : i32 to index
        %get3A_1209 = arith.constant 0 : index
        %get3A_1210 = tpu.vector_load %arg11[%get3A_1208, %get3A_1209] {strides = array<i32>} : memref<128x128xf32, #tpu.memory_space<vmem>>, vector<1x16xf32>,
        %get3A_1211 = vector.shape_cast %get3A_1210 : vector<1x16xf32> to vector<16xf32>
        %mul3A_1212 = arith.mulf %get3A_1211, %gather3A_1203 : vector<16xf32>
        %swap3A_1213 = arith.index_cast %add3A_1207 : i32 to index
        %swap3A_1214 = arith.constant 0 : index
        %swap3A_1215 = tpu.vector_load %arg11[%swap3A_1213, %swap3A_1214] {strides = array<i32>} : memref<128x128xf32, #tpu.memory_space<vmem>>, vector<1x16xf32>,
        %swap3A_1216 = vector.shape_cast %swap3A_1215 : vector<1x16xf32> to vector<16xf32>
        %swap3A_1217 = vector.shape_cast %mul3A_1212 : vector<16xf32> to vector<1x16xf32>
        tpu.vector_store %arg11[%swap3A_1213, %swap3A_1214], %swap3A_1217 {strides = array<i32>} : memref<128x128xf32, #tpu.memory_space<vmem>>, vector<1x16xf32>,
        %get3A_1218 = arith.index_cast %add3A_1207 : i32 to index
        %get3A_1219 = arith.constant 16 : index
        %get3A_1220 = tpu.vector_load %arg11[%get3A_1218, %get3A_1219] {strides = array<i32>} : memref<128x128xf32, #tpu.memory_space<vmem>>, vector<1x16xf32>,
        %get3A_1221 = vector.shape_cast %get3A_1220 : vector<1x16xf32> to vector<16xf32>
        %mul3A_1222 = arith.mulf %get3A_1221, %gather3A_1203 : vector<16xf32>
        %swap3A_1223 = arith.index_cast %add3A_1207 : i32 to index
        %swap3A_1224 = arith.constant 16 : index
        %swap3A_1225 = tpu.vector_load %arg11[%swap3A_1223, %swap3A_1224] {strides = array<i32>} : memref<128x128xf32, #tpu.memory_space<vmem>>, vector<1x16xf32>,
        %swap3A_1226 = vector.shape_cast %swap3A_1225 : vector<1x16xf32> to vector<16xf32>
        %swap3A_1227 = vector.shape_cast %mul3A_1222 : vector<16xf32> to vector<1x16xf32>
        tpu.vector_store %arg11[%swap3A_1223, %swap3A_1224], %swap3A_1227 {strides = array<i32>} : memref<128x128xf32, #tpu.memory_space<vmem>>, vector<1x16xf32>,
        %get3A_1228 = arith.index_cast %add3A_1207 : i32 to index
        %get3A_1229 = arith.constant 32 : index
        %get3A_1230 = tpu.vector_load %arg11[%get3A_1228, %get3A_1229] {strides = array<i32>} : memref<128x128xf32, #tpu.memory_space<vmem>>, vector<1x16xf32>,
        %get3A_1231 = vector.shape_cast %get3A_1230 : vector<1x16xf32> to vector<16xf32>
        %mul3A_1232 = arith.mulf %get3A_1231, %gather3A_1203 : vector<16xf32>
        %swap3A_1233 = arith.index_cast %add3A_1207 : i32 to index
        %swap3A_1234 = arith.constant 32 : index
        %swap3A_1235 = tpu.vector_load %arg11[%swap3A_1233, %swap3A_1234] {strides = array<i32>} : memref<128x128xf32, #tpu.memory_space<vmem>>, vector<1x16xf32>,
        %swap3A_1236 = vector.shape_cast %swap3A_1235 : vector<1x16xf32> to vector<16xf32>
        %swap3A_1237 = vector.shape_cast %mul3A_1232 : vector<16xf32> to vector<1x16xf32>
        tpu.vector_store %arg11[%swap3A_1233, %swap3A_1234], %swap3A_1237 {strides = array<i32>} : memref<128x128xf32, #tpu.memory_space<vmem>>, vector<1x16xf32>,
        %get3A_1238 = arith.index_cast %add3A_1207 : i32 to index
        %get3A_1239 = arith.constant 48 : index
        %get3A_1240 = tpu.vector_load %arg11[%get3A_1238, %get3A_1239] {strides = array<i32>} : memref<128x128xf32, #tpu.memory_space<vmem>>, vector<1x16xf32>,
        %get3A_1241 = vector.shape_cast %get3A_1240 : vector<1x16xf32> to vector<16xf32>
        %mul3A_1242 = arith.mulf %get3A_1241, %gather3A_1203 : vector<16xf32>
        %swap3A_1243 = arith.index_cast %add3A_1207 : i32 to index
        %swap3A_1244 = arith.constant 48 : index
        %swap3A_1245 = tpu.vector_load %arg11[%swap3A_1243, %swap3A_1244] {strides = array<i32>} : memref<128x128xf32, #tpu.memory_space<vmem>>, vector<1x16xf32>,
        %swap3A_1246 = vector.shape_cast %swap3A_1245 : vector<1x16xf32> to vector<16xf32>
        %swap3A_1247 = vector.shape_cast %mul3A_1242 : vector<16xf32> to vector<1x16xf32>
        tpu.vector_store %arg11[%swap3A_1243, %swap3A_1244], %swap3A_1247 {strides = array<i32>} : memref<128x128xf32, #tpu.memory_space<vmem>>, vector<1x16xf32>,
        %get3A_1248 = arith.index_cast %add3A_1207 : i32 to index
        %get3A_1249 = arith.constant 64 : index
        %get3A_1250 = tpu.vector_load %arg11[%get3A_1248, %get3A_1249] {strides = array<i32>} : memref<128x128xf32, #tpu.memory_space<vmem>>, vector<1x16xf32>,
        %get3A_1251 = vector.shape_cast %get3A_1250 : vector<1x16xf32> to vector<16xf32>
        %mul3A_1252 = arith.mulf %get3A_1251, %gather3A_1203 : vector<16xf32>
        %swap3A_1253 = arith.index_cast %add3A_1207 : i32 to index
        %swap3A_1254 = arith.constant 64 : index
        %swap3A_1255 = tpu.vector_load %arg11[%swap3A_1253, %swap3A_1254] {strides = array<i32>} : memref<128x128xf32, #tpu.memory_space<vmem>>, vector<1x16xf32>,
        %swap3A_1256 = vector.shape_cast %swap3A_1255 : vector<1x16xf32> to vector<16xf32>
        %swap3A_1257 = vector.shape_cast %mul3A_1252 : vector<16xf32> to vector<1x16xf32>
        tpu.vector_store %arg11[%swap3A_1253, %swap3A_1254], %swap3A_1257 {strides = array<i32>} : memref<128x128xf32, #tpu.memory_space<vmem>>, vector<1x16xf32>,
        %get3A_1258 = arith.index_cast %add3A_1207 : i32 to index
        %get3A_1259 = arith.constant 80 : index
        %get3A_1260 = tpu.vector_load %arg11[%get3A_1258, %get3A_1259] {strides = array<i32>} : memref<128x128xf32, #tpu.memory_space<vmem>>, vector<1x16xf32>,
        %get3A_1261 = vector.shape_cast %get3A_1260 : vector<1x16xf32> to vector<16xf32>
        %mul3A_1262 = arith.mulf %get3A_1261, %gather3A_1203 : vector<16xf32>
        %swap3A_1263 = arith.index_cast %add3A_1207 : i32 to index
        %swap3A_1264 = arith.constant 80 : index
        %swap3A_1265 = tpu.vector_load %arg11[%swap3A_1263, %swap3A_1264] {strides = array<i32>} : memref<128x128xf32, #tpu.memory_space<vmem>>, vector<1x16xf32>,
        %swap3A_1266 = vector.shape_cast %swap3A_1265 : vector<1x16xf32> to vector<16xf32>
        %swap3A_1267 = vector.shape_cast %mul3A_1262 : vector<16xf32> to vector<1x16xf32>
        tpu.vector_store %arg11[%swap3A_1263, %swap3A_1264], %swap3A_1267 {strides = array<i32>} : memref<128x128xf32, #tpu.memory_space<vmem>>, vector<1x16xf32>,
        %get3A_1268 = arith.index_cast %add3A_1207 : i32 to index
        %get3A_1269 = arith.constant 96 : index
        %get3A_1270 = tpu.vector_load %arg11[%get3A_1268, %get3A_1269] {strides = array<i32>} : memref<128x128xf32, #tpu.memory_space<vmem>>, vector<1x16xf32>,
        %get3A_1271 = vector.shape_cast %get3A_1270 : vector<1x16xf32> to vector<16xf32>
        %mul3A_1272 = arith.mulf %get3A_1271, %gather3A_1203 : vector<16xf32>
        %swap3A_1273 = arith.index_cast %add3A_1207 : i32 to index
        %swap3A_1274 = arith.constant 96 : index
        %swap3A_1275 = tpu.vector_load %arg11[%swap3A_1273, %swap3A_1274] {strides = array<i32>} : memref<128x128xf32, #tpu.memory_space<vmem>>, vector<1x16xf32>,
        %swap3A_1276 = vector.shape_cast %swap3A_1275 : vector<1x16xf32> to vector<16xf32>
        %swap3A_1277 = vector.shape_cast %mul3A_1272 : vector<16xf32> to vector<1x16xf32>
        tpu.vector_store %arg11[%swap3A_1273, %swap3A_1274], %swap3A_1277 {strides = array<i32>} : memref<128x128xf32, #tpu.memory_space<vmem>>, vector<1x16xf32>,
        %get3A_1278 = arith.index_cast %add3A_1207 : i32 to index
        %get3A_1279 = arith.constant 112 : index
        %get3A_1280 = tpu.vector_load %arg11[%get3A_1278, %get3A_1279] {strides = array<i32>} : memref<128x128xf32, #tpu.memory_space<vmem>>, vector<1x16xf32>,
        %get3A_1281 = vector.shape_cast %get3A_1280 : vector<1x16xf32> to vector<16xf32>
        %mul3A_1282 = arith.mulf %get3A_1281, %gather3A_1203 : vector<16xf32>
        %swap3A_1283 = arith.index_cast %add3A_1207 : i32 to index
        %swap3A_1284 = arith.constant 112 : index
        %swap3A_1285 = tpu.vector_load %arg11[%swap3A_1283, %swap3A_1284] {strides = array<i32>} : memref<128x128xf32, #tpu.memory_space<vmem>>, vector<1x16xf32>,
        %swap3A_1286 = vector.shape_cast %swap3A_1285 : vector<1x16xf32> to vector<16xf32>
        %swap3A_1287 = vector.shape_cast %mul3A_1282 : vector<16xf32> to vector<1x16xf32>
        tpu.vector_store %arg11[%swap3A_1283, %swap3A_1284], %swap3A_1287 {strides = array<i32>} : memref<128x128xf32, #tpu.memory_space<vmem>>, vector<1x16xf32>,
        %broadcast_in_dim3A_1288 = arith.constant 14 : i32
        %broadcast_in_dim3A_1289 = vector.broadcast %broadcast_in_dim3A_1288 : i32 to vector<16x1xi32>
        %gather3A_1290 = vector.shape_cast %broadcast_in_dim3A_1289 : vector<16x1xi32> to vector<16xi32>
        %gather3A_1291 = tpu.dynamic_gather %get3A_58[%gather3A_1290] in [0] : vector<16xf32>, vector<16xi32> -> vector<16xf32>
        %mul3A_1292 = arith.constant 16 : i32
        %mul3A_1293 = arith.muli %scan3A_52, %mul3A_1292 : i32
        %add3A_1294 = arith.constant 14 : i32
        %add3A_1295 = arith.addi %mul3A_1293, %add3A_1294 : i32
        %get3A_1296 = arith.index_cast %add3A_1295 : i32 to index
        %get3A_1297 = arith.constant 0 : index
        %get3A_1298 = tpu.vector_load %arg11[%get3A_1296, %get3A_1297] {strides = array<i32>} : memref<128x128xf32, #tpu.memory_space<vmem>>, vector<1x16xf32>,
        %get3A_1299 = vector.shape_cast %get3A_1298 : vector<1x16xf32> to vector<16xf32>
        %mul3A_1300 = arith.mulf %get3A_1299, %gather3A_1291 : vector<16xf32>
        %swap3A_1301 = arith.index_cast %add3A_1295 : i32 to index
        %swap3A_1302 = arith.constant 0 : index
        %swap3A_1303 = tpu.vector_load %arg11[%swap3A_1301, %swap3A_1302] {strides = array<i32>} : memref<128x128xf32, #tpu.memory_space<vmem>>, vector<1x16xf32>,
        %swap3A_1304 = vector.shape_cast %swap3A_1303 : vector<1x16xf32> to vector<16xf32>
        %swap3A_1305 = vector.shape_cast %mul3A_1300 : vector<16xf32> to vector<1x16xf32>
        tpu.vector_store %arg11[%swap3A_1301, %swap3A_1302], %swap3A_1305 {strides = array<i32>} : memref<128x128xf32, #tpu.memory_space<vmem>>, vector<1x16xf32>,
        %get3A_1306 = arith.index_cast %add3A_1295 : i32 to index
        %get3A_1307 = arith.constant 16 : index
        %get3A_1308 = tpu.vector_load %arg11[%get3A_1306, %get3A_1307] {strides = array<i32>} : memref<128x128xf32, #tpu.memory_space<vmem>>, vector<1x16xf32>,
        %get3A_1309 = vector.shape_cast %get3A_1308 : vector<1x16xf32> to vector<16xf32>
        %mul3A_1310 = arith.mulf %get3A_1309, %gather3A_1291 : vector<16xf32>
        %swap3A_1311 = arith.index_cast %add3A_1295 : i32 to index
        %swap3A_1312 = arith.constant 16 : index
        %swap3A_1313 = tpu.vector_load %arg11[%swap3A_1311, %swap3A_1312] {strides = array<i32>} : memref<128x128xf32, #tpu.memory_space<vmem>>, vector<1x16xf32>,
        %swap3A_1314 = vector.shape_cast %swap3A_1313 : vector<1x16xf32> to vector<16xf32>
        %swap3A_1315 = vector.shape_cast %mul3A_1310 : vector<16xf32> to vector<1x16xf32>
        tpu.vector_store %arg11[%swap3A_1311, %swap3A_1312], %swap3A_1315 {strides = array<i32>} : memref<128x128xf32, #tpu.memory_space<vmem>>, vector<1x16xf32>,
        %get3A_1316 = arith.index_cast %add3A_1295 : i32 to index
        %get3A_1317 = arith.constant 32 : index
        %get3A_1318 = tpu.vector_load %arg11[%get3A_1316, %get3A_1317] {strides = array<i32>} : memref<128x128xf32, #tpu.memory_space<vmem>>, vector<1x16xf32>,
        %get3A_1319 = vector.shape_cast %get3A_1318 : vector<1x16xf32> to vector<16xf32>
        %mul3A_1320 = arith.mulf %get3A_1319, %gather3A_1291 : vector<16xf32>
        %swap3A_1321 = arith.index_cast %add3A_1295 : i32 to index
        %swap3A_1322 = arith.constant 32 : index
        %swap3A_1323 = tpu.vector_load %arg11[%swap3A_1321, %swap3A_1322] {strides = array<i32>} : memref<128x128xf32, #tpu.memory_space<vmem>>, vector<1x16xf32>,
        %swap3A_1324 = vector.shape_cast %swap3A_1323 : vector<1x16xf32> to vector<16xf32>
        %swap3A_1325 = vector.shape_cast %mul3A_1320 : vector<16xf32> to vector<1x16xf32>
        tpu.vector_store %arg11[%swap3A_1321, %swap3A_1322], %swap3A_1325 {strides = array<i32>} : memref<128x128xf32, #tpu.memory_space<vmem>>, vector<1x16xf32>,
        %get3A_1326 = arith.index_cast %add3A_1295 : i32 to index
        %get3A_1327 = arith.constant 48 : index
        %get3A_1328 = tpu.vector_load %arg11[%get3A_1326, %get3A_1327] {strides = array<i32>} : memref<128x128xf32, #tpu.memory_space<vmem>>, vector<1x16xf32>,
        %get3A_1329 = vector.shape_cast %get3A_1328 : vector<1x16xf32> to vector<16xf32>
        %mul3A_1330 = arith.mulf %get3A_1329, %gather3A_1291 : vector<16xf32>
        %swap3A_1331 = arith.index_cast %add3A_1295 : i32 to index
        %swap3A_1332 = arith.constant 48 : index
        %swap3A_1333 = tpu.vector_load %arg11[%swap3A_1331, %swap3A_1332] {strides = array<i32>} : memref<128x128xf32, #tpu.memory_space<vmem>>, vector<1x16xf32>,
        %swap3A_1334 = vector.shape_cast %swap3A_1333 : vector<1x16xf32> to vector<16xf32>
        %swap3A_1335 = vector.shape_cast %mul3A_1330 : vector<16xf32> to vector<1x16xf32>
        tpu.vector_store %arg11[%swap3A_1331, %swap3A_1332], %swap3A_1335 {strides = array<i32>} : memref<128x128xf32, #tpu.memory_space<vmem>>, vector<1x16xf32>,
        %get3A_1336 = arith.index_cast %add3A_1295 : i32 to index
        %get3A_1337 = arith.constant 64 : index
        %get3A_1338 = tpu.vector_load %arg11[%get3A_1336, %get3A_1337] {strides = array<i32>} : memref<128x128xf32, #tpu.memory_space<vmem>>, vector<1x16xf32>,
        %get3A_1339 = vector.shape_cast %get3A_1338 : vector<1x16xf32> to vector<16xf32>
        %mul3A_1340 = arith.mulf %get3A_1339, %gather3A_1291 : vector<16xf32>
        %swap3A_1341 = arith.index_cast %add3A_1295 : i32 to index
        %swap3A_1342 = arith.constant 64 : index
        %swap3A_1343 = tpu.vector_load %arg11[%swap3A_1341, %swap3A_1342] {strides = array<i32>} : memref<128x128xf32, #tpu.memory_space<vmem>>, vector<1x16xf32>,
        %swap3A_1344 = vector.shape_cast %swap3A_1343 : vector<1x16xf32> to vector<16xf32>
        %swap3A_1345 = vector.shape_cast %mul3A_1340 : vector<16xf32> to vector<1x16xf32>
        tpu.vector_store %arg11[%swap3A_1341, %swap3A_1342], %swap3A_1345 {strides = array<i32>} : memref<128x128xf32, #tpu.memory_space<vmem>>, vector<1x16xf32>,
        %get3A_1346 = arith.index_cast %add3A_1295 : i32 to index
        %get3A_1347 = arith.constant 80 : index
        %get3A_1348 = tpu.vector_load %arg11[%get3A_1346, %get3A_1347] {strides = array<i32>} : memref<128x128xf32, #tpu.memory_space<vmem>>, vector<1x16xf32>,
        %get3A_1349 = vector.shape_cast %get3A_1348 : vector<1x16xf32> to vector<16xf32>
        %mul3A_1350 = arith.mulf %get3A_1349, %gather3A_1291 : vector<16xf32>
        %swap3A_1351 = arith.index_cast %add3A_1295 : i32 to index
        %swap3A_1352 = arith.constant 80 : index
        %swap3A_1353 = tpu.vector_load %arg11[%swap3A_1351, %swap3A_1352] {strides = array<i32>} : memref<128x128xf32, #tpu.memory_space<vmem>>, vector<1x16xf32>,
        %swap3A_1354 = vector.shape_cast %swap3A_1353 : vector<1x16xf32> to vector<16xf32>
        %swap3A_1355 = vector.shape_cast %mul3A_1350 : vector<16xf32> to vector<1x16xf32>
        tpu.vector_store %arg11[%swap3A_1351, %swap3A_1352], %swap3A_1355 {strides = array<i32>} : memref<128x128xf32, #tpu.memory_space<vmem>>, vector<1x16xf32>,
        %get3A_1356 = arith.index_cast %add3A_1295 : i32 to index
        %get3A_1357 = arith.constant 96 : index
        %get3A_1358 = tpu.vector_load %arg11[%get3A_1356, %get3A_1357] {strides = array<i32>} : memref<128x128xf32, #tpu.memory_space<vmem>>, vector<1x16xf32>,
        %get3A_1359 = vector.shape_cast %get3A_1358 : vector<1x16xf32> to vector<16xf32>
        %mul3A_1360 = arith.mulf %get3A_1359, %gather3A_1291 : vector<16xf32>
        %swap3A_1361 = arith.index_cast %add3A_1295 : i32 to index
        %swap3A_1362 = arith.constant 96 : index
        %swap3A_1363 = tpu.vector_load %arg11[%swap3A_1361, %swap3A_1362] {strides = array<i32>} : memref<128x128xf32, #tpu.memory_space<vmem>>, vector<1x16xf32>,
        %swap3A_1364 = vector.shape_cast %swap3A_1363 : vector<1x16xf32> to vector<16xf32>
        %swap3A_1365 = vector.shape_cast %mul3A_1360 : vector<16xf32> to vector<1x16xf32>
        tpu.vector_store %arg11[%swap3A_1361, %swap3A_1362], %swap3A_1365 {strides = array<i32>} : memref<128x128xf32, #tpu.memory_space<vmem>>, vector<1x16xf32>,
        %get3A_1366 = arith.index_cast %add3A_1295 : i32 to index
        %get3A_1367 = arith.constant 112 : index
        %get3A_1368 = tpu.vector_load %arg11[%get3A_1366, %get3A_1367] {strides = array<i32>} : memref<128x128xf32, #tpu.memory_space<vmem>>, vector<1x16xf32>,
        %get3A_1369 = vector.shape_cast %get3A_1368 : vector<1x16xf32> to vector<16xf32>
        %mul3A_1370 = arith.mulf %get3A_1369, %gather3A_1291 : vector<16xf32>
        %swap3A_1371 = arith.index_cast %add3A_1295 : i32 to index
        %swap3A_1372 = arith.constant 112 : index
        %swap3A_1373 = tpu.vector_load %arg11[%swap3A_1371, %swap3A_1372] {strides = array<i32>} : memref<128x128xf32, #tpu.memory_space<vmem>>, vector<1x16xf32>,
        %swap3A_1374 = vector.shape_cast %swap3A_1373 : vector<1x16xf32> to vector<16xf32>
        %swap3A_1375 = vector.shape_cast %mul3A_1370 : vector<16xf32> to vector<1x16xf32>
        tpu.vector_store %arg11[%swap3A_1371, %swap3A_1372], %swap3A_1375 {strides = array<i32>} : memref<128x128xf32, #tpu.memory_space<vmem>>, vector<1x16xf32>,
        %broadcast_in_dim3A_1376 = arith.constant 15 : i32
        %broadcast_in_dim3A_1377 = vector.broadcast %broadcast_in_dim3A_1376 : i32 to vector<16x1xi32>
        %gather3A_1378 = vector.shape_cast %broadcast_in_dim3A_1377 : vector<16x1xi32> to vector<16xi32>
        %gather3A_1379 = tpu.dynamic_gather %get3A_58[%gather3A_1378] in [0] : vector<16xf32>, vector<16xi32> -> vector<16xf32>
        %mul3A_1380 = arith.constant 16 : i32
        %mul3A_1381 = arith.muli %scan3A_52, %mul3A_1380 : i32
        %add3A_1382 = arith.constant 15 : i32
        %add3A_1383 = arith.addi %mul3A_1381, %add3A_1382 : i32
        %get3A_1384 = arith.index_cast %add3A_1383 : i32 to index
        %get3A_1385 = arith.constant 0 : index
        %get3A_1386 = tpu.vector_load %arg11[%get3A_1384, %get3A_1385] {strides = array<i32>} : memref<128x128xf32, #tpu.memory_space<vmem>>, vector<1x16xf32>,
        %get3A_1387 = vector.shape_cast %get3A_1386 : vector<1x16xf32> to vector<16xf32>
        %mul3A_1388 = arith.mulf %get3A_1387, %gather3A_1379 : vector<16xf32>
        %swap3A_1389 = arith.index_cast %add3A_1383 : i32 to index
        %swap3A_1390 = arith.constant 0 : index
        %swap3A_1391 = tpu.vector_load %arg11[%swap3A_1389, %swap3A_1390] {strides = array<i32>} : memref<128x128xf32, #tpu.memory_space<vmem>>, vector<1x16xf32>,
        %swap3A_1392 = vector.shape_cast %swap3A_1391 : vector<1x16xf32> to vector<16xf32>
        %swap3A_1393 = vector.shape_cast %mul3A_1388 : vector<16xf32> to vector<1x16xf32>
        tpu.vector_store %arg11[%swap3A_1389, %swap3A_1390], %swap3A_1393 {strides = array<i32>} : memref<128x128xf32, #tpu.memory_space<vmem>>, vector<1x16xf32>,
        %get3A_1394 = arith.index_cast %add3A_1383 : i32 to index
        %get3A_1395 = arith.constant 16 : index
        %get3A_1396 = tpu.vector_load %arg11[%get3A_1394, %get3A_1395] {strides = array<i32>} : memref<128x128xf32, #tpu.memory_space<vmem>>, vector<1x16xf32>,
        %get3A_1397 = vector.shape_cast %get3A_1396 : vector<1x16xf32> to vector<16xf32>
        %mul3A_1398 = arith.mulf %get3A_1397, %gather3A_1379 : vector<16xf32>
        %swap3A_1399 = arith.index_cast %add3A_1383 : i32 to index
        %swap3A_1400 = arith.constant 16 : index
        %swap3A_1401 = tpu.vector_load %arg11[%swap3A_1399, %swap3A_1400] {strides = array<i32>} : memref<128x128xf32, #tpu.memory_space<vmem>>, vector<1x16xf32>,
        %swap3A_1402 = vector.shape_cast %swap3A_1401 : vector<1x16xf32> to vector<16xf32>
        %swap3A_1403 = vector.shape_cast %mul3A_1398 : vector<16xf32> to vector<1x16xf32>
        tpu.vector_store %arg11[%swap3A_1399, %swap3A_1400], %swap3A_1403 {strides = array<i32>} : memref<128x128xf32, #tpu.memory_space<vmem>>, vector<1x16xf32>,
        %get3A_1404 = arith.index_cast %add3A_1383 : i32 to index
        %get3A_1405 = arith.constant 32 : index
        %get3A_1406 = tpu.vector_load %arg11[%get3A_1404, %get3A_1405] {strides = array<i32>} : memref<128x128xf32, #tpu.memory_space<vmem>>, vector<1x16xf32>,
        %get3A_1407 = vector.shape_cast %get3A_1406 : vector<1x16xf32> to vector<16xf32>
        %mul3A_1408 = arith.mulf %get3A_1407, %gather3A_1379 : vector<16xf32>
        %swap3A_1409 = arith.index_cast %add3A_1383 : i32 to index
        %swap3A_1410 = arith.constant 32 : index
        %swap3A_1411 = tpu.vector_load %arg11[%swap3A_1409, %swap3A_1410] {strides = array<i32>} : memref<128x128xf32, #tpu.memory_space<vmem>>, vector<1x16xf32>,
        %swap3A_1412 = vector.shape_cast %swap3A_1411 : vector<1x16xf32> to vector<16xf32>
        %swap3A_1413 = vector.shape_cast %mul3A_1408 : vector<16xf32> to vector<1x16xf32>
        tpu.vector_store %arg11[%swap3A_1409, %swap3A_1410], %swap3A_1413 {strides = array<i32>} : memref<128x128xf32, #tpu.memory_space<vmem>>, vector<1x16xf32>,
        %get3A_1414 = arith.index_cast %add3A_1383 : i32 to index
        %get3A_1415 = arith.constant 48 : index
        %get3A_1416 = tpu.vector_load %arg11[%get3A_1414, %get3A_1415] {strides = array<i32>} : memref<128x128xf32, #tpu.memory_space<vmem>>, vector<1x16xf32>,
        %get3A_1417 = vector.shape_cast %get3A_1416 : vector<1x16xf32> to vector<16xf32>
        %mul3A_1418 = arith.mulf %get3A_1417, %gather3A_1379 : vector<16xf32>
        %swap3A_1419 = arith.index_cast %add3A_1383 : i32 to index
        %swap3A_1420 = arith.constant 48 : index
        %swap3A_1421 = tpu.vector_load %arg11[%swap3A_1419, %swap3A_1420] {strides = array<i32>} : memref<128x128xf32, #tpu.memory_space<vmem>>, vector<1x16xf32>,
        %swap3A_1422 = vector.shape_cast %swap3A_1421 : vector<1x16xf32> to vector<16xf32>
        %swap3A_1423 = vector.shape_cast %mul3A_1418 : vector<16xf32> to vector<1x16xf32>
        tpu.vector_store %arg11[%swap3A_1419, %swap3A_1420], %swap3A_1423 {strides = array<i32>} : memref<128x128xf32, #tpu.memory_space<vmem>>, vector<1x16xf32>,
        %get3A_1424 = arith.index_cast %add3A_1383 : i32 to index
        %get3A_1425 = arith.constant 64 : index
        %get3A_1426 = tpu.vector_load %arg11[%get3A_1424, %get3A_1425] {strides = array<i32>} : memref<128x128xf32, #tpu.memory_space<vmem>>, vector<1x16xf32>,
        %get3A_1427 = vector.shape_cast %get3A_1426 : vector<1x16xf32> to vector<16xf32>
        %mul3A_1428 = arith.mulf %get3A_1427, %gather3A_1379 : vector<16xf32>
        %swap3A_1429 = arith.index_cast %add3A_1383 : i32 to index
        %swap3A_1430 = arith.constant 64 : index
        %swap3A_1431 = tpu.vector_load %arg11[%swap3A_1429, %swap3A_1430] {strides = array<i32>} : memref<128x128xf32, #tpu.memory_space<vmem>>, vector<1x16xf32>,
        %swap3A_1432 = vector.shape_cast %swap3A_1431 : vector<1x16xf32> to vector<16xf32>
        %swap3A_1433 = vector.shape_cast %mul3A_1428 : vector<16xf32> to vector<1x16xf32>
        tpu.vector_store %arg11[%swap3A_1429, %swap3A_1430], %swap3A_1433 {strides = array<i32>} : memref<128x128xf32, #tpu.memory_space<vmem>>, vector<1x16xf32>,
        %get3A_1434 = arith.index_cast %add3A_1383 : i32 to index
        %get3A_1435 = arith.constant 80 : index
        %get3A_1436 = tpu.vector_load %arg11[%get3A_1434, %get3A_1435] {strides = array<i32>} : memref<128x128xf32, #tpu.memory_space<vmem>>, vector<1x16xf32>,
        %get3A_1437 = vector.shape_cast %get3A_1436 : vector<1x16xf32> to vector<16xf32>
        %mul3A_1438 = arith.mulf %get3A_1437, %gather3A_1379 : vector<16xf32>
        %swap3A_1439 = arith.index_cast %add3A_1383 : i32 to index
        %swap3A_1440 = arith.constant 80 : index
        %swap3A_1441 = tpu.vector_load %arg11[%swap3A_1439, %swap3A_1440] {strides = array<i32>} : memref<128x128xf32, #tpu.memory_space<vmem>>, vector<1x16xf32>,
        %swap3A_1442 = vector.shape_cast %swap3A_1441 : vector<1x16xf32> to vector<16xf32>
        %swap3A_1443 = vector.shape_cast %mul3A_1438 : vector<16xf32> to vector<1x16xf32>
        tpu.vector_store %arg11[%swap3A_1439, %swap3A_1440], %swap3A_1443 {strides = array<i32>} : memref<128x128xf32, #tpu.memory_space<vmem>>, vector<1x16xf32>,
        %get3A_1444 = arith.index_cast %add3A_1383 : i32 to index
        %get3A_1445 = arith.constant 96 : index
        %get3A_1446 = tpu.vector_load %arg11[%get3A_1444, %get3A_1445] {strides = array<i32>} : memref<128x128xf32, #tpu.memory_space<vmem>>, vector<1x16xf32>,
        %get3A_1447 = vector.shape_cast %get3A_1446 : vector<1x16xf32> to vector<16xf32>
        %mul3A_1448 = arith.mulf %get3A_1447, %gather3A_1379 : vector<16xf32>
        %swap3A_1449 = arith.index_cast %add3A_1383 : i32 to index
        %swap3A_1450 = arith.constant 96 : index
        %swap3A_1451 = tpu.vector_load %arg11[%swap3A_1449, %swap3A_1450] {strides = array<i32>} : memref<128x128xf32, #tpu.memory_space<vmem>>, vector<1x16xf32>,
        %swap3A_1452 = vector.shape_cast %swap3A_1451 : vector<1x16xf32> to vector<16xf32>
        %swap3A_1453 = vector.shape_cast %mul3A_1448 : vector<16xf32> to vector<1x16xf32>
        tpu.vector_store %arg11[%swap3A_1449, %swap3A_1450], %swap3A_1453 {strides = array<i32>} : memref<128x128xf32, #tpu.memory_space<vmem>>, vector<1x16xf32>,
        %get3A_1454 = arith.index_cast %add3A_1383 : i32 to index
        %get3A_1455 = arith.constant 112 : index
        %get3A_1456 = tpu.vector_load %arg11[%get3A_1454, %get3A_1455] {strides = array<i32>} : memref<128x128xf32, #tpu.memory_space<vmem>>, vector<1x16xf32>,
        %get3A_1457 = vector.shape_cast %get3A_1456 : vector<1x16xf32> to vector<16xf32>
        %mul3A_1458 = arith.mulf %get3A_1457, %gather3A_1379 : vector<16xf32>
        %swap3A_1459 = arith.index_cast %add3A_1383 : i32 to index
        %swap3A_1460 = arith.constant 112 : index
        %swap3A_1461 = tpu.vector_load %arg11[%swap3A_1459, %swap3A_1460] {strides = array<i32>} : memref<128x128xf32, #tpu.memory_space<vmem>>, vector<1x16xf32>,
        %swap3A_1462 = vector.shape_cast %swap3A_1461 : vector<1x16xf32> to vector<16xf32>
        %swap3A_1463 = vector.shape_cast %mul3A_1458 : vector<16xf32> to vector<1x16xf32>
        tpu.vector_store %arg11[%swap3A_1459, %swap3A_1460], %swap3A_1463 {strides = array<i32>} : memref<128x128xf32, #tpu.memory_space<vmem>>, vector<1x16xf32>,
        %scan3A_1464 = arith.constant 0 : i32
        scf.yield %scan3A_1464 : i32
      }
      %scan3A_50 = arith.constant 8 : i32
      "tpu.region"() ({
        %run_scoped3A = tpu.sem_alloc : memref<!tpu.dma_semaphore, #tpu.memory_space<semaphore_mem>>
        %dma_start3A_52 = arith.constant 0 : i32
        %dma_start3A_53 = tpu.memref_slice %arg9[%scan3A_24, %dma_start3A_52] : memref<79x128xi32, #tpu.memory_space<vmem>> -> memref<1x128xi32, #tpu.memory_space<vmem>>
        %dma_start3A_54 = tpu.memref_squeeze %dma_start3A_53 : memref<1x128xi32, #tpu.memory_space<vmem>> -> memref<128xi32, #tpu.memory_space<vmem>>
        %dma_start3A_55 = arith.constant 0 : i32
        %dma_start3A_56 = arith.constant 0 : i32
        %dma_start3A_57 = tpu.memref_slice %arg7[%dma_start3A_55, %dma_start3A_56] : memref<10240x128xf32, #tpu.memory_space<vmem_shared>> -> memref<10240x128xf32, #tpu.memory_space<vmem_shared>>
        tpu.enqueue_indirect_dma source(%arg11 : memref<128x128xf32, #tpu.memory_space<vmem>>) target(%dma_start3A_57 : memref<10240x128xf32, #tpu.memory_space<vmem_shared>>) offsets(%dma_start3A_54 : memref<128xi32, #tpu.memory_space<vmem>>) semaphore(%run_scoped3A : memref<!tpu.dma_semaphore, #tpu.memory_space<semaphore_mem>>) {add = true}
        %dma_wait3A_58 = arith.constant 0 : i32
        %dma_wait3A_59 = tpu.memref_slice %arg9[%scan3A_24, %dma_wait3A_58] : memref<79x128xi32, #tpu.memory_space<vmem>> -> memref<1x128xi32, #tpu.memory_space<vmem>>
        %dma_wait3A_60 = tpu.memref_squeeze %dma_wait3A_59 : memref<1x128xi32, #tpu.memory_space<vmem>> -> memref<128xi32, #tpu.memory_space<vmem>>
        %dma_wait3A_61 = arith.constant 0 : i32
        %dma_wait3A_62 = arith.constant 0 : i32
        %dma_wait3A_63 = tpu.memref_slice %arg7[%dma_wait3A_61, %dma_wait3A_62] : memref<10240x128xf32, #tpu.memory_space<vmem_shared>> -> memref<10240x128xf32, #tpu.memory_space<vmem_shared>>
        tpu.wait_indirect_dma semaphore(%run_scoped3A : memref<!tpu.dma_semaphore, #tpu.memory_space<semaphore_mem>>) src(%arg11 : memref<128x128xf32, #tpu.memory_space<vmem>>) dst(%dma_wait3A_63 : memref<10240x128xf32, #tpu.memory_space<vmem_shared>>)
        tpu.yield
      }) : () -> ()
      %scan3A_51 = arith.constant 0 : i32
      scf.yield %scan3A_51 : i32
    }
    %scan3A_22 = arith.constant 79 : i32
    %barrier3A_23 = arith.constant 0 : index
    tpu.barrier barrier_id(%barrier3A_23)
    "tpu.region"() ({
      %run_scoped3A = tpu.sem_alloc : memref<!tpu.dma_semaphore, #tpu.memory_space<semaphore_mem>>
      %dma_start3A = arith.constant 0 : i32
      %dma_start3A_24 = arith.constant 0 : i32
      %dma_start3A_25 = tpu.memref_slice %arg6[%arg0, %dma_start3A, %dma_start3A_24] : memref<2x10240x128xf32, #tpu.memory_space<hbm>> -> memref<1x10240x128xf32, #tpu.memory_space<hbm>>
      %dma_start3A_26 = tpu.memref_squeeze %dma_start3A_25 : memref<1x10240x128xf32, #tpu.memory_space<hbm>> -> memref<10240x128xf32, #tpu.memory_space<hbm>>
      %dma_start3A_27 = arith.constant 0 : i32
      %dma_start3A_28 = tpu.memref_slice %dma_start3A_26[%mul3A_6, %dma_start3A_27] : memref<10240x128xf32, #tpu.memory_space<hbm>> -> memref<640x128xf32, #tpu.memory_space<hbm>>
      %dma_start3A_29 = arith.constant 0 : i32
      %dma_start3A_30 = tpu.memref_slice %arg7[%mul3A_6, %dma_start3A_29] : memref<10240x128xf32, #tpu.memory_space<vmem_shared>> -> memref<640x128xf32, #tpu.memory_space<vmem_shared>>
      tpu.enqueue_dma source(%dma_start3A_30 : memref<640x128xf32, #tpu.memory_space<vmem_shared>>) target(%dma_start3A_28 : memref<640x128xf32, #tpu.memory_space<hbm>>) target_semaphore(%run_scoped3A : memref<!tpu.dma_semaphore, #tpu.memory_space<semaphore_mem>>)
      %dma_wait3A = arith.constant 0 : i32
      %dma_wait3A_31 = arith.constant 0 : i32
      %dma_wait3A_32 = tpu.memref_slice %arg6[%arg0, %dma_wait3A, %dma_wait3A_31] : memref<2x10240x128xf32, #tpu.memory_space<hbm>> -> memref<1x10240x128xf32, #tpu.memory_space<hbm>>
      %dma_wait3A_33 = tpu.memref_squeeze %dma_wait3A_32 : memref<1x10240x128xf32, #tpu.memory_space<hbm>> -> memref<10240x128xf32, #tpu.memory_space<hbm>>
      %dma_wait3A_34 = arith.constant 0 : i32
      %dma_wait3A_35 = tpu.memref_slice %dma_wait3A_33[%mul3A_6, %dma_wait3A_34] : memref<10240x128xf32, #tpu.memory_space<hbm>> -> memref<640x128xf32, #tpu.memory_space<hbm>>
      %dma_wait3A_36 = arith.constant 0 : i32
      %dma_wait3A_37 = tpu.memref_slice %arg7[%mul3A_6, %dma_wait3A_36] : memref<10240x128xf32, #tpu.memory_space<vmem_shared>> -> memref<640x128xf32, #tpu.memory_space<vmem_shared>>
      tpu.wait_dma2 semaphore(%run_scoped3A : memref<!tpu.dma_semaphore, #tpu.memory_space<semaphore_mem>>) src(%dma_wait3A_37 : memref<640x128xf32, #tpu.memory_space<vmem_shared>>) dst(%dma_wait3A_35 : memref<640x128xf32, #tpu.memory_space<hbm>>)
      tpu.yield
    }) : () -> ()
    return
  }
}

module attributes {stable_mosaic.version = 14 : i64} {
  func.func @_mm_split_body(%arg0: i32, %arg1: i32, %arg2: memref<400x256xf32, #tpu.memory_space<vmem>>, %arg3: memref<256x128xf32, #tpu.memory_space<vmem>>, %arg4: memref<256x128xf32, #tpu.memory_space<vmem>>, %arg5: memref<1x400x128xf32, #tpu.memory_space<vmem>>, %arg6: memref<1x400x128xf32, #tpu.memory_space<vmem>>) attributes {dimension_semantics = [#tpu.dimension_semantics<arbitrary>, #tpu.dimension_semantics<arbitrary>], iteration_bounds = array<i64: 25, 2>, scalar_prefetch = 0 : i64, scratch_operands = 0 : i64, tpu.core_type = #tpu.core_type<tc>, window_params = [{transform_indices = @transform_0, window_bounds = array<i64: 400, 256>}, {transform_indices = @transform_1, window_bounds = array<i64: 256, 128>}, {transform_indices = @transform_2, window_bounds = array<i64: 256, 128>}, {transform_indices = @transform_3, window_bounds = array<i64: 1, 400, 128>}, {transform_indices = @transform_4, window_bounds = array<i64: 1, 400, 128>}]} {
    %get3A = arith.constant 0 : index
    %get3A_0 = arith.constant 0 : index
    %get3A_1 = vector.load %arg2[%get3A, %get3A_0] : memref<400x256xf32, #tpu.memory_space<vmem>>, vector<400x256xf32>
    %get3A_2 = arith.constant 0 : index
    %get3A_3 = arith.constant 0 : index
    %get3A_4 = vector.load %arg3[%get3A_2, %get3A_3] : memref<256x128xf32, #tpu.memory_space<vmem>>, vector<256x128xf32>
    %dot_general3A = arith.constant dense<0.000000e+00> : vector<400x128xf32>
    %dot_general3A_5 = tpu.matmul %get3A_1, %get3A_4, %dot_general3A {dimension_numbers = #tpu.dot_dimension_numbers<[1], [0], [0], [1], [0, 0, 1, 1], [], []>, transpose_lhs_hint = false} : vector<400x256xf32>, vector<256x128xf32>, vector<400x128xf32> -> vector<400x128xf32>
    %swap3A = arith.constant 0 : index
    %swap3A_6 = arith.constant 0 : index
    %swap3A_7 = arith.constant 0 : index
    %swap3A_8 = vector.load %arg5[%swap3A, %swap3A_6, %swap3A_7] : memref<1x400x128xf32, #tpu.memory_space<vmem>>, vector<1x400x128xf32>
    %swap3A_9 = vector.shape_cast %swap3A_8 : vector<1x400x128xf32> to vector<400x128xf32>
    %swap3A_10 = vector.shape_cast %dot_general3A_5 : vector<400x128xf32> to vector<1x400x128xf32>
    tpu.vector_store %arg5[%swap3A, %swap3A_6, %swap3A_7], %swap3A_10 {strides = array<i32>} : memref<1x400x128xf32, #tpu.memory_space<vmem>>, vector<1x400x128xf32>,
    %get3A_11 = arith.constant 0 : index
    %get3A_12 = arith.constant 0 : index
    %get3A_13 = vector.load %arg4[%get3A_11, %get3A_12] : memref<256x128xf32, #tpu.memory_space<vmem>>, vector<256x128xf32>
    %dot_general3A_14 = arith.constant dense<0.000000e+00> : vector<400x128xf32>
    %dot_general3A_15 = tpu.matmul %get3A_1, %get3A_13, %dot_general3A_14 {dimension_numbers = #tpu.dot_dimension_numbers<[1], [0], [0], [1], [0, 0, 1, 1], [], []>, transpose_lhs_hint = false} : vector<400x256xf32>, vector<256x128xf32>, vector<400x128xf32> -> vector<400x128xf32>
    %swap3A_16 = arith.constant 0 : index
    %swap3A_17 = arith.constant 0 : index
    %swap3A_18 = arith.constant 0 : index
    %swap3A_19 = vector.load %arg6[%swap3A_16, %swap3A_17, %swap3A_18] : memref<1x400x128xf32, #tpu.memory_space<vmem>>, vector<1x400x128xf32>
    %swap3A_20 = vector.shape_cast %swap3A_19 : vector<1x400x128xf32> to vector<400x128xf32>
    %swap3A_21 = vector.shape_cast %dot_general3A_15 : vector<400x128xf32> to vector<1x400x128xf32>
    tpu.vector_store %arg6[%swap3A_16, %swap3A_17, %swap3A_18], %swap3A_21 {strides = array<i32>} : memref<1x400x128xf32, #tpu.memory_space<vmem>>, vector<1x400x128xf32>,
    return
  }
  func.func @transform_0(%arg0: i32, %arg1: i32) -> (i32, i32) {
    %c0_i32 = arith.constant 0 : i32
    %c0_i32_0 = arith.constant 0 : i32
    return %arg0, %c0_i32 : i32, i32
  }
  func.func @transform_1(%arg0: i32, %arg1: i32) -> (i32, i32) {
    %c0_i32 = arith.constant 0 : i32
    %c0_i32_0 = arith.constant 0 : i32
    return %c0_i32, %arg1 : i32, i32
  }
  func.func @transform_2(%arg0: i32, %arg1: i32) -> (i32, i32) {
    %c0_i32 = arith.constant 0 : i32
    %c0_i32_0 = arith.constant 0 : i32
    return %c0_i32, %arg1 : i32, i32
  }
  func.func @transform_3(%arg0: i32, %arg1: i32) -> (i32, i32, i32) {
    %c0_i32 = arith.constant 0 : i32
    %c0_i32_0 = arith.constant 0 : i32
    return %arg1, %arg0, %c0_i32 : i32, i32, i32
  }
  func.func @transform_4(%arg0: i32, %arg1: i32) -> (i32, i32, i32) {
    %c0_i32 = arith.constant 0 : i32
    %c0_i32_0 = arith.constant 0 : i32
    return %arg1, %arg0, %c0_i32 : i32, i32, i32
  }
}

module attributes {stable_mosaic.version = 14 : i64} {
  func.func @_relu_mm_body(%arg0: i32, %arg1: i32, %arg2: memref<2x400x128xf32, #tpu.memory_space<vmem>>, %arg3: memref<256x128xf32, #tpu.memory_space<vmem>>, %arg4: memref<1x400x128xf32, #tpu.memory_space<vmem>>) attributes {dimension_semantics = [#tpu.dimension_semantics<arbitrary>, #tpu.dimension_semantics<arbitrary>], iteration_bounds = array<i64: 25, 2>, scalar_prefetch = 0 : i64, scratch_operands = 0 : i64, tpu.core_type = #tpu.core_type<tc>, window_params = [{transform_indices = @transform_0, window_bounds = array<i64: 2, 400, 128>}, {transform_indices = @transform_1, window_bounds = array<i64: 256, 128>}, {transform_indices = @transform_2, window_bounds = array<i64: 1, 400, 128>}]} {
    %get3A = arith.constant 0 : index
    %get3A_0 = arith.constant 0 : index
    %get3A_1 = arith.constant 0 : index
    %get3A_2 = vector.load %arg2[%get3A, %get3A_0, %get3A_1] : memref<2x400x128xf32, #tpu.memory_space<vmem>>, vector<1x400x128xf32>
    %get3A_3 = vector.shape_cast %get3A_2 : vector<1x400x128xf32> to vector<400x128xf32>
    %max3A = arith.constant 0.000000e+00 : f32
    %max3A_4 = vector.broadcast %max3A : f32 to vector<400x128xf32>
    %max3A_5 = arith.maximumf %get3A_3, %max3A_4 : vector<400x128xf32>
    %get3A_6 = arith.constant 1 : index
    %get3A_7 = arith.constant 0 : index
    %get3A_8 = arith.constant 0 : index
    %get3A_9 = vector.load %arg2[%get3A_6, %get3A_7, %get3A_8] : memref<2x400x128xf32, #tpu.memory_space<vmem>>, vector<1x400x128xf32>
    %get3A_10 = vector.shape_cast %get3A_9 : vector<1x400x128xf32> to vector<400x128xf32>
    %max3A_11 = arith.constant 0.000000e+00 : f32
    %max3A_12 = vector.broadcast %max3A_11 : f32 to vector<400x128xf32>
    %max3A_13 = arith.maximumf %get3A_10, %max3A_12 : vector<400x128xf32>
    %concatenate3A = tpu.concatenate %max3A_5, %max3A_13 in 1 : vector<400x128xf32>, vector<400x128xf32> -> vector<400x256xf32>
    %get3A_14 = arith.constant 0 : index
    %get3A_15 = arith.constant 0 : index
    %get3A_16 = vector.load %arg3[%get3A_14, %get3A_15] : memref<256x128xf32, #tpu.memory_space<vmem>>, vector<256x128xf32>
    %dot_general3A = arith.constant dense<0.000000e+00> : vector<400x128xf32>
    %dot_general3A_17 = tpu.matmul %concatenate3A, %get3A_16, %dot_general3A {dimension_numbers = #tpu.dot_dimension_numbers<[1], [0], [0], [1], [0, 0, 1, 1], [], []>, transpose_lhs_hint = false} : vector<400x256xf32>, vector<256x128xf32>, vector<400x128xf32> -> vector<400x128xf32>
    %swap3A = arith.constant 0 : index
    %swap3A_18 = arith.constant 0 : index
    %swap3A_19 = arith.constant 0 : index
    %swap3A_20 = vector.load %arg4[%swap3A, %swap3A_18, %swap3A_19] : memref<1x400x128xf32, #tpu.memory_space<vmem>>, vector<1x400x128xf32>
    %swap3A_21 = vector.shape_cast %swap3A_20 : vector<1x400x128xf32> to vector<400x128xf32>
    %swap3A_22 = vector.shape_cast %dot_general3A_17 : vector<400x128xf32> to vector<1x400x128xf32>
    tpu.vector_store %arg4[%swap3A, %swap3A_18, %swap3A_19], %swap3A_22 {strides = array<i32>} : memref<1x400x128xf32, #tpu.memory_space<vmem>>, vector<1x400x128xf32>,
    return
  }
  func.func @transform_0(%arg0: i32, %arg1: i32) -> (i32, i32, i32) {
    %c0_i32 = arith.constant 0 : i32
    %c0_i32_0 = arith.constant 0 : i32
    %c0_i32_1 = arith.constant 0 : i32
    return %c0_i32, %arg0, %c0_i32_0 : i32, i32, i32
  }
  func.func @transform_1(%arg0: i32, %arg1: i32) -> (i32, i32) {
    %c0_i32 = arith.constant 0 : i32
    %c0_i32_0 = arith.constant 0 : i32
    return %c0_i32, %arg1 : i32, i32
  }
  func.func @transform_2(%arg0: i32, %arg1: i32) -> (i32, i32, i32) {
    %c0_i32 = arith.constant 0 : i32
    %c0_i32_0 = arith.constant 0 : i32
    return %arg1, %arg0, %c0_i32 : i32, i32, i32
  }
}

module attributes {stable_mosaic.version = 14 : i64} {
  func.func @_skip_relu_body(%arg0: i32, %arg1: i32, %arg2: memref<1x400x128xf32, #tpu.memory_space<vmem>>, %arg3: memref<1x400x128xf32, #tpu.memory_space<vmem>>, %arg4: memref<400x128xf32, #tpu.memory_space<vmem>>) attributes {dimension_semantics = [#tpu.dimension_semantics<arbitrary>, #tpu.dimension_semantics<arbitrary>], iteration_bounds = array<i64: 25, 2>, scalar_prefetch = 0 : i64, scratch_operands = 0 : i64, tpu.core_type = #tpu.core_type<tc>, window_params = [{transform_indices = @transform_0, window_bounds = array<i64: 1, 400, 128>}, {transform_indices = @transform_1, window_bounds = array<i64: 1, 400, 128>}, {transform_indices = @transform_2, window_bounds = array<i64: 400, 128>}]} {
    %get3A = arith.constant 0 : index
    %get3A_0 = arith.constant 0 : index
    %get3A_1 = arith.constant 0 : index
    %get3A_2 = vector.load %arg2[%get3A, %get3A_0, %get3A_1] : memref<1x400x128xf32, #tpu.memory_space<vmem>>, vector<1x400x128xf32>
    %get3A_3 = vector.shape_cast %get3A_2 : vector<1x400x128xf32> to vector<400x128xf32>
    %get3A_4 = arith.constant 0 : index
    %get3A_5 = arith.constant 0 : index
    %get3A_6 = arith.constant 0 : index
    %get3A_7 = vector.load %arg3[%get3A_4, %get3A_5, %get3A_6] : memref<1x400x128xf32, #tpu.memory_space<vmem>>, vector<1x400x128xf32>
    %get3A_8 = vector.shape_cast %get3A_7 : vector<1x400x128xf32> to vector<400x128xf32>
    %add3A = arith.addf %get3A_3, %get3A_8 : vector<400x128xf32>
    %max3A = arith.constant 0.000000e+00 : f32
    %max3A_9 = vector.broadcast %max3A : f32 to vector<400x128xf32>
    %max3A_10 = arith.maximumf %add3A, %max3A_9 : vector<400x128xf32>
    %swap3A = arith.constant 0 : index
    %swap3A_11 = arith.constant 0 : index
    %swap3A_12 = vector.load %arg4[%swap3A, %swap3A_11] : memref<400x128xf32, #tpu.memory_space<vmem>>, vector<400x128xf32>
    tpu.vector_store %arg4[%swap3A, %swap3A_11], %max3A_10 {strides = array<i32>} : memref<400x128xf32, #tpu.memory_space<vmem>>, vector<400x128xf32>,
    return
  }
  func.func @transform_0(%arg0: i32, %arg1: i32) -> (i32, i32, i32) {
    %c0_i32 = arith.constant 0 : i32
    %c0_i32_0 = arith.constant 0 : i32
    return %arg1, %arg0, %c0_i32 : i32, i32, i32
  }
  func.func @transform_1(%arg0: i32, %arg1: i32) -> (i32, i32, i32) {
    %c0_i32 = arith.constant 0 : i32
    %c0_i32_0 = arith.constant 0 : i32
    return %arg1, %arg0, %c0_i32 : i32, i32, i32
  }
  func.func @transform_2(%arg0: i32, %arg1: i32) -> (i32, i32) {
    %c0_i32 = arith.constant 0 : i32
    return %arg0, %arg1 : i32, i32
  }
}

</mosaic_0001>

<sc_bundles>
// kernel: kernel.10.cloned.1.call-start
scs
__scs_entry_jumppad:
0x0: {  	(pc) =	sbr.rel $0x88, $3  }
0x1: {  	(tag) =	ssettag $0x0;
	lr =	simm.s32 $0x1  }
0x2: {  	[smem:$0x3F9B] =	sst lr;
	_ =	strace $0xD0000000  }
0x3: {  	_ = 	snop  }
0x4: {  	_ = 	snop  }
0x5: {  	_ = 	snop  }
0x6: {  	_ = 	snop  }
0x7: {  	_ = 	snop  }
__scs_overlays_trampoline_lowered:
0x8: {  	[smem:$0x3FAA] =	sst s0  }
0x9: {  	[smem:$0x3FAB] =	sst s1  }
0xa: {  	[smem:$0x3FAC] =	sst s2  }
0xb: {  	[smem:$0x3FAD] =	sst s3  }
0xc: {  	[smem:$0x3FAE] =	sst s4  }
0xd: {  	[smem:$0x3FAF] =	sst s5  }
0xe: {  	[smem:$0x3FB0] =	sst s6  }
0xf: {  	[smem:$0x3FB1] =	sst s7  }
0x10: {  	[smem:$0x3FB2] =	sst s8  }
0x11: {  	[smem:$0x3FB3] =	sst s9;
	s0 =	simm.s32 @!p0 $0x0  }
0x12: {  	s1 =	sld [smem:$0x3F99];
	s0 =	simm.s32 @p0 $0x1  }
0x13: {  	[smem:$0x3FB4] =	sst s0;
	s0 =	simm.s32 @!p1 $0x0  }
0x14: {  	s2 =	sld [smem:$0x3F98];
	s0 =	simm.s32 @p1 $0x1  }
0x15: {  	[smem:$0x3FB5] =	sst s0;
	s0 =	simm.s32 @!p2 $0x0  }
0x16: {  	s3 =	sld [smem:$0x3FDB];
	s0 =	simm.s32 @p2 $0x1  }
0x17: {  	s4 =	simm.s32 $0x1BF5;
	[smem:$0x3FB7] =	sst s0  }
0x18: {  	s0 =	sld [smem:$0x3F9A];
	_ =	swait.ge [sflag:s4], $0x0  }
0x19: {  	s7 =	sld [smem:$0x3F9B]  }
0x1a: {  	s8 =	sadd.s32 $0xFFFFE003, lr  }
0x1b: {  	s9 =	sadd.s32 $0xFFFFFEF7, lr;
	s5 =	simm.s32 $0xFFFFFFFF;
	p2 =	slt.u32 s8, $0xFFFFF086  }
0x1c: {  	p1 =	slt.u32 s9, $0xF7A;
	s5 =	simm.s32 @!p2 $0x0  }
0x1d: {  	s5 =	simm.s32 @p1 $0x1;
	p0 =	seq.s32 s7, s2  }
0x1e: {  	s7 =	smul.u32 @!p0 $0xF7A, s2;
	p2 =	seq.s32 @!p0 s5, $0x0  }
0x1f: {  	s9 =	smul.u32 $0xF7A, s1;
	s8 =	simm.s32 @!p0 $0x1BF5;
	p2 =	por !p2, p0  }
0x20: {  	[sflag:s8] =	ssyncset.s32 @!p0 $0xFFFFF086;
	s6 =	sadd.s32 @!p0 s3, s7;
	s7 =	simm.s32 @!p0 $0x108  }
0x21: {  	s3 =	sadd.s32 s3, s9;
	s6 =	sadd.s32 @!p0 $0x88, s6;
	s7 =	simm.s32 @p2 $0x1082  }
0x22: {  	[simem:s7], [sflag:s8] =	dma.local @!p0 [hbm:s6], $0xF7A  }
0x23: {  	s9 =	sor.u32 $0xD0000000, s2;
	s6 =	simm.s32 $0x108;
	_ =	swait.ge @!p0 [sflag:s8], $0x0  }
0x24: {  	s3 =	sadd.s32 $0x88, s3;
	s6 =	simm.s32 @!p1 $0x1082;
	[sflag:s4] =	ssyncset.s32 $0xFFFFF086  }
0x25: {  	[simem:s6], [sflag:s4] =	dma.local [hbm:s3], $0xF7A  }
0x26: {  	[smem:$0x3F9B] =	sst s1;
	(tag) =	ssettag s2;
	_ =	strace s9  }
0x27: {  	s1 =	sld [smem:$0x3FAB]  }
0x28: {  	s2 =	sld [smem:$0x3FAC]  }
0x29: {  	s4 =	sld [smem:$0x3FAE]  }
0x2a: {  	p0 =	seq.s32 s5, $0x0;
	s5 =	sld [smem:$0x3FAF]  }
0x2b: {  	s6 =	sld [smem:$0x3FB0]  }
0x2c: {  	s7 =	sld [smem:$0x3FB1]  }
0x2d: {  	s3 =	simm.s32 $0x108;
	s8 =	sld [smem:$0x3FB2]  }
0x2e: {  	s3 =	simm.s32 @!p0 $0x1082;
	s9 =	sld [smem:$0x3FB3]  }
0x2f: {  	lr =	sadd.s32 s0, s3;
	s0 =	sld [smem:$0x3FAA]  }
0x30: {  	s3 =	sld [smem:$0x3FAD]  }
0x31: {  	[smem:$0x3FB6] =	sst s10  }
0x32: {  	s10 =	sld [smem:$0x3FB4];
	_ =	sdelay $0x3  }
0x33: {  	p0 =	seq.s32 s10, $0x1;
	s10 =	sld [smem:$0x3FB6];
	_ =	sdelay $0x3  }
0x34: {  	[smem:$0x3FB6] =	sst s10  }
0x35: {  	s10 =	sld [smem:$0x3FB5];
	_ =	sdelay $0x3  }
0x36: {  	p1 =	seq.s32 s10, $0x1;
	s10 =	sld [smem:$0x3FB6];
	_ =	sdelay $0x3  }
0x37: {  	[smem:$0x3FB6] =	sst s10  }
0x38: {  	s10 =	sld [smem:$0x3FB7]  }
0x39: {  	_ = 	snop;
	(pc) =	sbr.ind lr, $3  }
0x3a: {  	_ = 	snop  }
0x3b: {  	_ = 	snop  }
0x3c: {  	p2 =	seq.s32 s10, $0x1;
	s10 =	sld [smem:$0x3FB6]  }
0x3d: {  	_ =	shalt  }
0x3e: {  	_ =	shalt  }
0x3f: {  	_ =	shalt  }
0x40: {  	_ =	shalt  }
0x41: {  	_ =	shalt  }
0x42: {  	_ =	shalt  }
0x43: {  	_ =	shalt  }
0x44: {  	_ =	shalt  }
0x45: {  	_ =	shalt  }
0x46: {  	_ =	shalt  }
0x47: {  	_ =	shalt  }
0x48: {  	_ =	shalt  }
0x49: {  	_ =	shalt  }
0x4a: {  	_ =	shalt  }
0x4b: {  	_ =	shalt  }
0x4c: {  	_ =	shalt  }
0x4d: {  	_ =	shalt  }
0x4e: {  	_ =	shalt  }
0x4f: {  	_ =	shalt  }
0x50: {  	_ =	shalt  }
0x51: {  	_ =	shalt  }
0x52: {  	_ =	shalt  }
0x53: {  	_ =	shalt  }
0x54: {  	_ =	shalt  }
0x55: {  	_ =	shalt  }
0x56: {  	_ =	shalt  }
0x57: {  	_ =	shalt  }
0x58: {  	_ =	shalt  }
0x59: {  	_ =	shalt  }
0x5a: {  	_ =	shalt  }
0x5b: {  	_ =	shalt  }
0x5c: {  	_ =	shalt  }
0x5d: {  	_ =	shalt  }
0x5e: {  	_ =	shalt  }
0x5f: {  	_ =	shalt  }
0x60: {  	_ =	shalt  }
0x61: {  	_ =	shalt  }
0x62: {  	_ =	shalt  }
0x63: {  	_ =	shalt  }
0x64: {  	_ =	shalt  }
0x65: {  	_ =	shalt  }
0x66: {  	_ =	shalt  }
0x67: {  	_ =	shalt  }
0x68: {  	_ =	shalt  }
0x69: {  	_ =	shalt  }
0x6a: {  	_ =	shalt  }
0x6b: {  	_ =	shalt  }
0x6c: {  	_ =	shalt  }
0x6d: {  	_ =	shalt  }
0x6e: {  	_ =	shalt  }
0x6f: {  	_ =	shalt  }
0x70: {  	_ =	shalt  }
0x71: {  	_ =	shalt  }
0x72: {  	_ =	shalt  }
0x73: {  	_ =	shalt  }
0x74: {  	_ =	shalt  }
0x75: {  	_ =	shalt  }
0x76: {  	_ =	shalt  }
0x77: {  	_ =	shalt  }
0x78: {  	_ =	shalt  }
0x79: {  	_ =	shalt  }
0x7a: {  	_ =	shalt  }
0x7b: {  	_ =	shalt  }
0x7c: {  	_ =	shalt  }
0x7d: {  	_ =	shalt  }
0x7e: {  	_ =	shalt  }
0x7f: {  	_ =	shalt  }
0x80: {  	_ =	shalt  }
0x81: {  	_ =	shalt  }
0x82: {  	_ =	shalt  }
0x83: {  	_ =	shalt  }
0x84: {  	_ =	shalt  }
0x85: {  	_ =	shalt  }
0x86: {  	_ =	shalt  }
0x87: {  	_ =	shalt  }
.Lfunc_end0:
.L_simem_size_0:
called_computation.1_lowered:
.L_overlay_start_0:
0x88: {  	s2 =	sld [smem:$0x3FD9]  }
0x89: {  	s3 =	sld [smem:$0x3FFE];
	_ =	sdelay $0x1  }
0x8a: {  	s1 =	srdreg.scid  }
0x8b: {  	s0 =	sand.u32 $0x1, s1  }
0x8c: {  	s17 =	sshll.u32 s0, $0xA;
	s2 =	sadd.s32 s3, s2  }
0x8d: {  	s2 =	sadd.s32 s2, s17  }
0x8e: {  	[smem:$0x3FC2] =	sst s2  }
0x8f: {  	_ = 	snop  }
0x90: {  	s2 =	sld [smem:$0x3FD0];
	(tm) =	ssettm $0x1  }
0x91: {  	s18 =	sld [smem:$0x3FFB];
	_ =	sdelay $0x3  }
0x92: {  	_ =	strace s18  }
0x93: {  	s3 =	sld [smem:$0x3FFC];
	_ =	sdelay $0x3  }
0x94: {  	_ =	strace s3  }
0x95: {  	s3 =	sld [smem:$0x3FFD];
	_ =	sdelay $0x3  }
0x96: {  	_ =	strace s3  }
0x97: {  	_ =	strace $0x8FFFFFFF  }
0x98: {  	s19 =	sld [smem:$0x3FDB];
	_ =	sdelay $0x1  }
0x99: {  	s4 =	simm.s32 $_scs_section_size  }
0x9a: {  	s5 =	simm.s32 $_size__tile_overlayer_lowered;
	s6 =	simm.s32 $_tile_overlayer_lowered  }
0x9b: {  	s22 =	simm.s32 $0x1BFF;
	s21 =	sshll.u32 s6, $0x1;
	s3 =	sadd.s32 s4, s19  }
0x9c: {  	s7 =	simm.s32 $0x0;
	s20 =	sshll.u32 s5, $0x1;
	s5 =	sadd.s32 s21, s3  }
0x9d: {  	[timem:s7], [sflag:s22] =	dma.local [hbm:s5], s20  }
0x9e: {  	_ =	swait.ge [sflag:s22], s20  }
0x9f: {  	s4 =	ssub.s32 $0x0, s20;
	[sflag:s22] =	ssyncset.done $0x0  }
0xa0: {  	[sflag:s22] =	ssyncadd.s32 s4;
	_ =	sdelay $0x1  }
0xa1: {  	s23 =	simm.s32 $0x1B8B  }
0xa2: {  	_ =	swait.ge [sflag:s23], $0x1  }
0xa3: {  	[sflag:s23] =	ssyncset.done $0x0  }
0xa4: {  	s25 =	simm.s32 $0x1B8E;
	s24 =	sld [smem:$0x3FFE];
	[sflag:s23] =	ssyncadd.s32 $0xFFFFFFFF  }
0xa5: {  	s26 =	simm.s32 $execute0_lowered;
	[smem:$0x3FD2] =	sst s25  }
0xa6: {  	s5 =	sshll.u32 s26, $0x1;
	_ =	strace $0x80000049;
	[dreg:$0x1] =	wrdreg $0xFFFFFFFF  }
0xa7: {  	s28 =	simm.s32 $_size_execute0_lowered;
	s3 =	sadd.s32 s3, s5;
	[dreg:$0x0] =	wrdreg $0x0  }
0xa8: {  	s5 =	sshll.u32 s28, $0x1;
	[dreg:$0x2] =	wrdreg s3  }
0xa9: {  	[dreg:$0x3] =	wrdreg s5  }
0xaa: {  	[dreg:$0x4] =	wrdreg $0xC0  }
0xab: {  	_ =	task [dreg:s7], $0x5FFFF  }
0xac: {  	[dreg:$0x1] =	wrdreg $0xFFFFFFFF  }
0xad: {  	[dreg:$0x0] =	wrdreg $0x60  }
0xae: {  	[dreg:$0x2] =	wrdreg s24  }
0xaf: {  	[dreg:$0x3] =	wrdreg s2  }
0xb0: {  	[dreg:$0x4] =	wrdreg $0x0  }
0xb1: {  	[dreg:$0x5] =	wrdreg $0x9  }
0xb2: {  	_ =	task.clear_ibuf [dreg:s7], $0x6FFFF;
	_ =	strace $0x90000049  }
0xb3: {  	s29 =	simm.s32 $0x9;
	_ =	strace $0x8000004B  }
0xb4: {  	_ =	swait.ge [sflag:s29], $0x1  }
0xb5: {  	[sflag:s29] =	ssyncadd.s32 $0xFFFFFFFF  }
0xb6: {  	_ =	strace $0x9000004B  }
0xb7: {  	_ =	sfence  }
0xb8: {  	s30 =	sld [smem:$0x0];
	_ =	sdelay $0x2  }
0xb9: {  	s31 =	sshll.u32 s1, $0xD;
	s1 =	sshrl.u32 s1, $0x2  }
0xba: {  	s3 =	sand.u32 $0x4000, s31;
	s1 =	sadd.s32 s1, s30  }
0xbb: {  	s0 =	sor.u32 s3, s0;
	s1 =	sshll.u32 s1, $0x11  }
0xbc: {  	s0 =	sor.u32 s1, s0  }
0xbd: {  	s0 =	sadd.s32 $0x8F2B, s0  }
0xbe: {  	[sflag:s0] =	ssyncadd.remote.s32 $0x1  }
0xbf: {  	_ =	sfence.sel $0xFFFF  }
0xc0: {  	[dreg:$0x0] =	wrdreg $0xFFFFFFFF;
	(pc) =	sbr.abs _section_cstart, $3  }
0xc1: {  	[dreg:$0x1] =	wrdreg $0xFFFFFFFF  }
0xc2: {  	_ =	task.clear_ibuf [dreg:s7], $0x2FFFF;
	_ =	strace $0x9FFFFFFF  }
0xc3: {  	(tm) =	ssettm $0x7FFFFFFF  }
tec
execute0_lowered:
.L_overlay_start_1:
0x0: {  	(tag) =	ssettag $0x1  }
0x1: {  	s5 =	rddreg [dreg:$0x0]  }
0x2: {  	s9 =	rddreg [dreg:$0x1]  }
0x3: {  	s2 =	rddreg [dreg:$0x2]  }
0x4: {  	s0 =	rddreg [dreg:$0x3];
	s3 =	simm.s32 $0x0;
	s1 =	stileid.u32  }
0x5: {  	s4 =	srdreg.scid;
	s15 =	simm.s32 $0x2;
	s16 =	simm.s32 $0x14000  }
0x6: {  	s17 =	simm.s32 $0x16800;
	s18 =	simm.s32 $0x19000;
	s6 =	smul.u32 $0x50000, s1  }
0x7: {  	s19 =	simm.s32 $0x80;
	s20 =	simm.s32 $0x1;
	s10 =	smul.u32 $0x500, s1  }
0x8: {  	[smem:$0x7FF] =	sst s3;
	s4 =	sand.u32 $0x1, s4;
	s22 =	smul.u32 $0x2800, s1  }
0x9: {  	_ =	strace $0x8000004A;
	s7 =	smul.u32 $0x28000, s4;
	s8 =	ssub.s32 $0x2, s4  }
0xa: {  	v0 =	vimm.f32 $0.0e+00;
	v1 =	vimm.s32 $0x0;
	s30 =	sshrl.u32 s6, $0x2;
	s11 =	sadd.s32 s10, s5;
	s31 =	sshrl.u32 s8, $0x1  }
0xb: {  	v2 =	vimm.s32 $0x1;
	v3 =	vimm.s32 $0x2;
	v4 =	vimm.s32 $0x3;
	s9 =	sadd.s32 s9, s10;
	s4 =	sadd.s32 s30, s2;
	s13 =	sadd.s32 s7, s5  }
0xc: {  	v5 =	vimm.s32 $0x4;
	v6 =	vimm.s32 $0x5;
	v7 =	vimm.s32 $0x6;
	s14 =	ssub.s32 s8, s31;
	s10 =	sadd.s32 $0x6E00, s11;
	s11 =	sadd.s32 $0x1E00, s11  }
0xd: {  	v8 =	vimm.s32 $0x7;
	v9 =	vimm.s32 $0x8;
	v10 =	vimm.s32 $0x9;
	s5 =	sadd.s32 $0x4000, s4;
	s6 =	sadd.s32 $0x8000, s4;
	s7 =	sadd.s32 $0xC000, s4  }
0xe: {  	v11 =	vimm.s32 $0xA;
	v12 =	vimm.s32 $0xB;
	v13 =	vimm.s32 $0xC;
	s8 =	sadd.s32 $0x10000, s4;
	s12 =	sadd.s32 $0x5BE00, s13;
	s21 =	sadd.s32 $0xABE00, s13  }
0xf: {  	v14 =	vimm.s32 $0xD;
	v15 =	vimm.s32 $0xE;
	v16 =	vimm.s32 $0xF;
	s13 =	smax.u32 s14, $0x1;
	s14 =	simm.s32 $0x1B800;
	s21 =	sadd.s32 s22, s21  }
.LBB2_1:
0x10: {  	s22 =	simm.s32 $0x0;
	s23 =	simm.s32 $0x200  }
.LBB2_2:
0x11: {  	p0 =	sne.s32 s23, $0xFE00;
	[tilespmem:s22+$0x1B870] =	vst v0  }
0x12: {  	[tilespmem:s22+$0x1B800] =	vst v0  }
0x13: {  	[tilespmem:s22+$0x1B810] =	vst v0  }
.Ltmp0:
0x14: {  	[tilespmem:s22+$0x1B820] =	vst v0;
	(pc) =	sbr.rel @p0 .LBB2_2-.Ltmp0, $4  }
0x15: {  	[tilespmem:s22+$0x1B830] =	vst v0  }
0x16: {  	[tilespmem:s22+$0x1B840] =	vst v0  }
0x17: {  	[tilespmem:s22+$0x1B850] =	vst v0  }
0x18: {  	[tilespmem:s22+$0x1B860] =	vst v0;
	s22 =	sshra.s32 s23, $0x2;
	s23 =	sadd.s32 $0x200, s23  }
0x19: {  	[tilespmem:s22+$0x1B870] =	vst v0  }
0x1a: {  	[tilespmem:s22+$0x1B800] =	vst v0  }
0x1b: {  	[tilespmem:s22+$0x1B810] =	vst v0  }
0x1c: {  	[tilespmem:s22+$0x1B820] =	vst v0  }
0x1d: {  	[tilespmem:s22+$0x1B830] =	vst v0  }
0x1e: {  	[tilespmem:s22+$0x1B840] =	vst v0  }
0x1f: {  	[tilespmem:s22+$0x1B850] =	vst v0  }
0x20: {  	[tilespmem:s22+$0x1B860] =	vst v0  }
0x21: {  	[spmem:s4] =	stream.linear.scatter [tilespmem:s14], [sflag:$0x2], $0x4000, $0x38;
	[tilespmem:$0x1F800] =	vst v63  }
0x22: {  	_ =	swait.ge [sflag:s15], $0x4000  }
0x23: {  	[sflag:s15] =	ssyncset.done $0x0  }
0x24: {  	[sflag:s15] =	ssyncadd.s32 $0xFFFFC000  }
0x25: {  	[spmem:s5] =	stream.linear.scatter [tilespmem:s14], [sflag:$0x2], $0x4000, $0x38;
	[tilespmem:$0x1F800] =	vst v63  }
0x26: {  	_ =	swait.ge [sflag:s15], $0x4000  }
0x27: {  	[sflag:s15] =	ssyncset.done $0x0  }
0x28: {  	[sflag:s15] =	ssyncadd.s32 $0xFFFFC000  }
0x29: {  	[spmem:s6] =	stream.linear.scatter [tilespmem:s14], [sflag:$0x2], $0x4000, $0x38;
	[tilespmem:$0x1F800] =	vst v63  }
0x2a: {  	_ =	swait.ge [sflag:s15], $0x4000  }
0x2b: {  	[sflag:s15] =	ssyncset.done $0x0  }
0x2c: {  	[sflag:s15] =	ssyncadd.s32 $0xFFFFC000  }
0x2d: {  	[spmem:s7] =	stream.linear.scatter [tilespmem:s14], [sflag:$0x2], $0x4000, $0x38;
	[tilespmem:$0x1F800] =	vst v63  }
0x2e: {  	_ =	swait.ge [sflag:s15], $0x4000  }
0x2f: {  	[sflag:s15] =	ssyncset.done $0x0  }
0x30: {  	[sflag:s15] =	ssyncadd.s32 $0xFFFFC000  }
0x31: {  	[spmem:s8] =	stream.linear.scatter [tilespmem:s14], [sflag:$0x2], $0x4000, $0x38;
	[tilespmem:$0x1F800] =	vst v63  }
0x32: {  	_ =	swait.ge [sflag:s15], $0x4000  }
0x33: {  	[sflag:s15] =	ssyncset.done $0x0  }
0x34: {  	s22 =	simm.s32 $0x0;
	[sflag:s15] =	ssyncadd.s32 $0xFFFFC000  }
0x35: {  	[tilespmem:s16], [sflag:$0x2] =	stream.linear.gather [hbm4b:s9+s22], $0x2780, $0x38;
	[tilespmem:$0x1F800] =	vst v63  }
0x36: {  	_ =	swait.ge [sflag:s15], $0x2780  }
0x37: {  	[sflag:s15] =	ssyncset.done $0x0  }
0x38: {  	[sflag:s15] =	ssyncadd.s32 $0xFFFFD880  }
0x39: {  	[tilespmem:s17], [sflag:$0x2] =	stream.linear.gather [hbm4b:s10+s22], $0x2780, $0x38;
	[tilespmem:$0x1F800] =	vst v63  }
0x3a: {  	_ =	swait.ge [sflag:s15], $0x2780  }
0x3b: {  	[sflag:s15] =	ssyncset.done $0x0  }
0x3c: {  	[sflag:s15] =	ssyncadd.s32 $0xFFFFD880  }
0x3d: {  	[tilespmem:s18], [sflag:$0x2] =	stream.linear.gather [hbm4b:s11+s22], $0x2780, $0x38;
	[tilespmem:$0x1F800] =	vst v63  }
0x3e: {  	_ =	swait.ge [sflag:s15], $0x2780  }
0x3f: {  	[sflag:s15] =	ssyncset.done $0x0  }
0x40: {  	[sflag:s15] =	ssyncadd.s32 $0xFFFFD880  }
0x41: {  	[bflag:$0x0] =	sbarrier.arrive $0xFFFF  }
.LBB2_4:
0x42: {  	s23 =	sshll.u32 s22, $0x7  }
0x43: {  	s24 =	sadd.s32 $0x14000, s23;
	s31 =	sadd.s32 $0x19000, s23  }
0x44: {  	[tilespmem:s14], [sflag:$0x1] =	stream.indirect.gather [hbm4b:s12+s19], $0x80, s24, s19, $0xb8;
	[tilespmem:$0x1F800] =	vst v63  }
0x45: {  	v17 =	vmov s31;
	_ =	swait.ge [sflag:s20], $0x4000  }
0x46: {  	[sflag:s20] =	ssyncset.done $0x0  }
0x47: {  	s24 =	simm.s32 $0x0;
	[sflag:s20] =	ssyncadd.s32 $0xFFFFC000  }
.LBB2_5:
0x48: {  	s25 =	sshll.u32 s24, $0x4  }
0x49: {  	s25 =	sand.u32 $0x3FFFFFF0, s25  }
0x4a: {  	s31 =	sshll.u32 s24, $0xB;
	v18 =	vld.idx.msk [tilespmem:v17+s25+$0x0 ss:$0x1], $0xffff  }
0x4b: {  	s25 =	sand.u32 $0x3FFFF800, s31  }
0x4c: {  	v19 =	vld [tilespmem:s25+$0x1B800]  }
0x4d: {  	v20 =	vld [tilespmem:s25+$0x1B810]  }
0x4e: {  	v21 =	vld [tilespmem:s25+$0x1B820]  }
0x4f: {  	v23 =	vld [tilespmem:s25+$0x1B830];
	v22 =	vperm.xlane v18, v1  }
0x50: {  	v24 =	vld [tilespmem:s25+$0x1B840]  }
0x51: {  	v25 =	vld [tilespmem:s25+$0x1B850];
	v19 =	vmul.f32 v19, v22  }
0x52: {  	v26 =	vld [tilespmem:s25+$0x1B860];
	v20 =	vmul.f32 v20, v22  }
0x53: {  	v43 =	vld [tilespmem:s25+$0x1B870];
	[tilespmem:s25+$0x1B800] =	vst v19;
	v19 =	vmul.f32 v21, v22  }
0x54: {  	v45 =	vld [tilespmem:s25+$0x1B880];
	v44 =	vmul.f32 v23, v22;
	[tilespmem:s25+$0x1B810] =	vst v20  }
0x55: {  	v46 =	vld [tilespmem:s25+$0x1B890];
	[tilespmem:s25+$0x1B820] =	vst v19;
	v19 =	vmul.f32 v24, v22  }
0x56: {  	v48 =	vld [tilespmem:s25+$0x1B8A0];
	v47 =	vmul.f32 v25, v22;
	[tilespmem:s25+$0x1B830] =	vst v44  }
0x57: {  	v27 =	vld [tilespmem:s25+$0x1B8B0];
	v49 =	vperm.xlane v18, v2;
	[tilespmem:s25+$0x1B840] =	vst v19;
	v19 =	vmul.f32 v26, v22  }
0x58: {  	v51 =	vld [tilespmem:s25+$0x1B8C0];
	v50 =	vmul.f32 v43, v22;
	[tilespmem:s25+$0x1B850] =	vst v47  }
0x59: {  	v52 =	vld [tilespmem:s25+$0x1B8D0];
	[tilespmem:s25+$0x1B860] =	vst v19;
	v19 =	vmul.f32 v45, v49  }
0x5a: {  	v54 =	vld [tilespmem:s25+$0x1B8E0];
	v53 =	vmul.f32 v46, v49;
	[tilespmem:s25+$0x1B870] =	vst v50  }
0x5b: {  	v55 =	vld [tilespmem:s25+$0x1B8F0];
	[tilespmem:s25+$0x1B880] =	vst v19;
	v19 =	vmul.f32 v48, v49  }
0x5c: {  	v57 =	vld [tilespmem:s25+$0x1B900];
	v56 =	vmul.f32 v27, v49;
	[tilespmem:s25+$0x1B890] =	vst v53  }
0x5d: {  	v58 =	vld [tilespmem:s25+$0x1B910];
	[tilespmem:s25+$0x1B8A0] =	vst v19;
	v19 =	vmul.f32 v51, v49  }
0x5e: {  	v60 =	vld [tilespmem:s25+$0x1B920];
	v59 =	vmul.f32 v52, v49;
	[tilespmem:s25+$0x1B8B0] =	vst v56  }
0x5f: {  	v62 =	vld [tilespmem:s25+$0x1B930];
	v61 =	vperm.xlane v18, v3;
	[tilespmem:s25+$0x1B8C0] =	vst v19;
	v19 =	vmul.f32 v54, v49  }
0x60: {  	v28 =	vld [tilespmem:s25+$0x1B940];
	v63 =	vmul.f32 v55, v49;
	[tilespmem:s25+$0x1B8D0] =	vst v59  }
0x61: {  	v29 =	vld [tilespmem:s25+$0x1B950];
	[tilespmem:s25+$0x1B8E0] =	vst v19;
	v19 =	vmul.f32 v57, v61  }
0x62: {  	v31 =	vld [tilespmem:s25+$0x1B960];
	v30 =	vmul.f32 v58, v61;
	[tilespmem:s25+$0x1B8F0] =	vst v63  }
0x63: {  	v32 =	vld [tilespmem:s25+$0x1B970];
	[tilespmem:s25+$0x1B900] =	vst v19;
	v19 =	vmul.f32 v60, v61  }
0x64: {  	v34 =	vld [tilespmem:s25+$0x1B980];
	v33 =	vmul.f32 v62, v61;
	[tilespmem:s25+$0x1B910] =	vst v30  }
0x65: {  	v35 =	vld [tilespmem:s25+$0x1B990];
	[tilespmem:s25+$0x1B920] =	vst v19;
	v19 =	vmul.f32 v28, v61  }
0x66: {  	v37 =	vld [tilespmem:s25+$0x1B9A0];
	v36 =	vmul.f32 v29, v61;
	[tilespmem:s25+$0x1B930] =	vst v33  }
0x67: {  	v39 =	vld [tilespmem:s25+$0x1B9B0];
	v38 =	vperm.xlane v18, v4;
	[tilespmem:s25+$0x1B940] =	vst v19;
	v19 =	vmul.f32 v31, v61  }
0x68: {  	v41 =	vld [tilespmem:s25+$0x1B9C0];
	v40 =	vmul.f32 v32, v61;
	[tilespmem:s25+$0x1B950] =	vst v36  }
0x69: {  	v45 =	vld [tilespmem:s25+$0x1B9F0];
	[tilespmem:s25+$0x1B960] =	vst v19;
	v19 =	vmul.f32 v34, v38  }
0x6a: {  	v43 =	vmul.f32 v35, v38;
	[tilespmem:s25+$0x1B970] =	vst v40;
	v44 =	vld [tilespmem:s25+$0x1B9E0]  }
0x6b: {  	v42 =	vld [tilespmem:s25+$0x1B9D0];
	[tilespmem:s25+$0x1B980] =	vst v19;
	v19 =	vmul.f32 v37, v38  }
0x6c: {  	v46 =	vmul.f32 v39, v38;
	[tilespmem:s25+$0x1B990] =	vst v43;
	v47 =	vld [tilespmem:s25+$0x1BA00]  }
0x6d: {  	v52 =	vld [tilespmem:s25+$0x1BA30];
	[tilespmem:s25+$0x1B9A0] =	vst v19;
	v19 =	vmul.f32 v41, v38  }
0x6e: {  	[tilespmem:s25+$0x1B9B0] =	vst v46;
	v50 =	vld [tilespmem:s25+$0x1BA20];
	v53 =	vmul.f32 v45, v38  }
0x6f: {  	v55 =	vld [tilespmem:s25+$0x1BA50];
	v51 =	vperm.xlane v18, v5;
	[tilespmem:s25+$0x1B9C0] =	vst v19;
	v19 =	vmul.f32 v44, v38  }
0x70: {  	v49 =	vmul.f32 v42, v38;
	v54 =	vld [tilespmem:s25+$0x1BA40];
	[tilespmem:s25+$0x1B9F0] =	vst v53  }
0x71: {  	v58 =	vld [tilespmem:s25+$0x1BA70];
	[tilespmem:s25+$0x1B9E0] =	vst v19;
	v19 =	vmul.f32 v47, v51  }
0x72: {  	v59 =	vmul.f32 v52, v51;
	[tilespmem:s25+$0x1B9D0] =	vst v49;
	v57 =	vld [tilespmem:s25+$0x1BA60]  }
0x73: {  	v48 =	vld [tilespmem:s25+$0x1BA10];
	[tilespmem:s25+$0x1BA00] =	vst v19;
	v19 =	vmul.f32 v50, v51  }
0x74: {  	v62 =	vmul.f32 v55, v51;
	[tilespmem:s25+$0x1BA30] =	vst v59;
	v60 =	vld [tilespmem:s25+$0x1BA80]  }
0x75: {  	v40 =	vld [tilespmem:s25+$0x1BB10];
	[tilespmem:s25+$0x1BA20] =	vst v19;
	v19 =	vmul.f32 v54, v51  }
0x76: {  	v63 =	vld [tilespmem:s25+$0x1BAA0];
	v32 =	vmul.f32 v58, v51;
	[tilespmem:s25+$0x1BA50] =	vst v62  }
0x77: {  	v30 =	vperm.xlane v18, v6;
	v61 =	vld [tilespmem:s25+$0x1BA90];
	[tilespmem:s25+$0x1BA40] =	vst v19;
	v19 =	vmul.f32 v57, v51  }
0x78: {  	v33 =	vld [tilespmem:s25+$0x1BAC0];
	v43 =	vperm.xlane v18, v7;
	v56 =	vmul.f32 v48, v51;
	[tilespmem:s25+$0x1BA70] =	vst v32  }
0x79: {  	v53 =	vld [tilespmem:s25+$0x1BB90];
	[tilespmem:s25+$0x1BA60] =	vst v19;
	v19 =	vmul.f32 v60, v30  }
0x7a: {  	v36 =	vld [tilespmem:s25+$0x1BAE0];
	v48 =	vmul.f32 v40, v43;
	[tilespmem:s25+$0x1BA10] =	vst v56  }
0x7b: {  	v31 =	vld [tilespmem:s25+$0x1BAB0];
	[tilespmem:s25+$0x1BA80] =	vst v19;
	v19 =	vmul.f32 v63, v30  }
0x7c: {  	v39 =	vld [tilespmem:s25+$0x1BB00];
	[tilespmem:s25+$0x1BB10] =	vst v48;
	v56 =	vperm.xlane v18, v8;
	v35 =	vmul.f32 v61, v30  }
0x7d: {  	v34 =	vld [tilespmem:s25+$0x1BAD0];
	[tilespmem:s25+$0x1BAA0] =	vst v19;
	v19 =	vmul.f32 v33, v30  }
0x7e: {  	v42 =	vld [tilespmem:s25+$0x1BB20];
	v61 =	vmul.f32 v53, v56;
	[tilespmem:s25+$0x1BA90] =	vst v35  }
0x7f: {  	v37 =	vld [tilespmem:s25+$0x1BAF0];
	[tilespmem:s25+$0x1BAC0] =	vst v19;
	v19 =	vmul.f32 v36, v30  }
0x80: {  	v46 =	vld [tilespmem:s25+$0x1BB40];
	[tilespmem:s25+$0x1BB90] =	vst v61;
	v38 =	vmul.f32 v31, v30  }
0x81: {  	v47 =	vld [tilespmem:s25+$0x1BB50];
	[tilespmem:s25+$0x1BAE0] =	vst v19;
	v19 =	vmul.f32 v39, v43  }
0x82: {  	v49 =	vld [tilespmem:s25+$0x1BB60];
	v41 =	vmul.f32 v34, v30;
	[tilespmem:s25+$0x1BAB0] =	vst v38  }
0x83: {  	v38 =	vld [tilespmem:s25+$0x1BC50];
	[tilespmem:s25+$0x1BB00] =	vst v19;
	v19 =	vmul.f32 v42, v43  }
0x84: {  	v52 =	vld [tilespmem:s25+$0x1BB80];
	[tilespmem:s25+$0x1BAD0] =	vst v41;
	v45 =	vmul.f32 v37, v30  }
0x85: {  	v44 =	vld [tilespmem:s25+$0x1BB30];
	[tilespmem:s25+$0x1BB20] =	vst v19;
	v19 =	vmul.f32 v46, v43  }
0x86: {  	v55 =	vld [tilespmem:s25+$0x1BBA0];
	v34 =	vperm.xlane v18, v9;
	[tilespmem:s25+$0x1BAF0] =	vst v45;
	v54 =	vmul.f32 v47, v43  }
0x87: {  	v50 =	vld [tilespmem:s25+$0x1BB70];
	[tilespmem:s25+$0x1BB40] =	vst v19;
	v19 =	vmul.f32 v49, v43  }
0x88: {  	v59 =	vld [tilespmem:s25+$0x1BBC0];
	v45 =	vmul.f32 v38, v34;
	[tilespmem:s25+$0x1BB50] =	vst v54  }
0x89: {  	v57 =	vld [tilespmem:s25+$0x1BBB0];
	[tilespmem:s25+$0x1BB60] =	vst v19;
	v19 =	vmul.f32 v52, v56  }
0x8a: {  	v62 =	vld [tilespmem:s25+$0x1BBE0];
	v51 =	vmul.f32 v44, v43;
	[tilespmem:s25+$0x1BC50] =	vst v45  }
0x8b: {  	v60 =	vld [tilespmem:s25+$0x1BBD0];
	[tilespmem:s25+$0x1BB80] =	vst v19;
	v19 =	vmul.f32 v55, v56  }
0x8c: {  	v58 =	vmul.f32 v50, v43;
	[tilespmem:s25+$0x1BB30] =	vst v51;
	v30 =	vld [tilespmem:s25+$0x1BC00]  }
0x8d: {  	v51 =	vld [tilespmem:s25+$0x1BCD0];
	[tilespmem:s25+$0x1BBA0] =	vst v19;
	v19 =	vmul.f32 v59, v56  }
0x8e: {  	[tilespmem:s25+$0x1BB70] =	vst v58;
	v29 =	vmul.f32 v57, v56;
	v33 =	vld [tilespmem:s25+$0x1BC20]  }
0x8f: {  	v63 =	vld [tilespmem:s25+$0x1BBF0];
	[tilespmem:s25+$0x1BBC0] =	vst v19;
	v19 =	vmul.f32 v62, v56  }
0x90: {  	v37 =	vld [tilespmem:s25+$0x1BC40];
	v47 =	vperm.xlane v18, v10;
	[tilespmem:s25+$0x1BBB0] =	vst v29;
	v32 =	vmul.f32 v60, v56  }
0x91: {  	v61 =	vld [tilespmem:s25+$0x1BD30];
	[tilespmem:s25+$0x1BBE0] =	vst v19;
	v19 =	vmul.f32 v30, v34  }
0x92: {  	v40 =	vld [tilespmem:s25+$0x1BC60];
	v58 =	vmul.f32 v51, v47;
	[tilespmem:s25+$0x1BBD0] =	vst v32  }
0x93: {  	v31 =	vld [tilespmem:s25+$0x1BC10];
	[tilespmem:s25+$0x1BC00] =	vst v19;
	v19 =	vmul.f32 v33, v34  }
0x94: {  	v60 =	vperm.xlane v18, v11;
	v36 =	vmul.f32 v63, v56;
	[tilespmem:s25+$0x1BCD0] =	vst v58;
	v43 =	vld [tilespmem:s25+$0x1BC80]  }
0x95: {  	v57 =	vld [tilespmem:s25+$0x1BD10];
	[tilespmem:s25+$0x1BC20] =	vst v19;
	v19 =	vmul.f32 v37, v34  }
0x96: {  	v32 =	vmul.f32 v61, v60;
	[tilespmem:s25+$0x1BBF0] =	vst v36;
	v46 =	vld [tilespmem:s25+$0x1BCA0]  }
0x97: {  	v35 =	vld [tilespmem:s25+$0x1BC30];
	[tilespmem:s25+$0x1BC40] =	vst v19;
	v19 =	vmul.f32 v40, v34  }
0x98: {  	v50 =	vld [tilespmem:s25+$0x1BCC0];
	v39 =	vmul.f32 v31, v34;
	[tilespmem:s25+$0x1BD30] =	vst v32  }
0x99: {  	v28 =	vld [tilespmem:s25+$0x1BD50];
	[tilespmem:s25+$0x1BC60] =	vst v19;
	v19 =	vmul.f32 v43, v47  }
0x9a: {  	v53 =	vld [tilespmem:s25+$0x1BCE0];
	v29 =	vmul.f32 v57, v60;
	[tilespmem:s25+$0x1BC10] =	vst v39  }
0x9b: {  	v31 =	vld [tilespmem:s25+$0x1BD70];
	[tilespmem:s25+$0x1BC80] =	vst v19;
	v19 =	vmul.f32 v46, v47  }
0x9c: {  	v42 =	vmul.f32 v35, v34;
	[tilespmem:s25+$0x1BD10] =	vst v29;
	v56 =	vld [tilespmem:s25+$0x1BD00]  }
0x9d: {  	v41 =	vld [tilespmem:s25+$0x1BC70];
	[tilespmem:s25+$0x1BCA0] =	vst v19;
	v19 =	vmul.f32 v50, v47  }
0x9e: {  	v35 =	vmul.f32 v28, v60;
	[tilespmem:s25+$0x1BC30] =	vst v42;
	v59 =	vld [tilespmem:s25+$0x1BD20]  }
0x9f: {  	v44 =	vld [tilespmem:s25+$0x1BC90];
	[tilespmem:s25+$0x1BCC0] =	vst v19;
	v19 =	vmul.f32 v53, v47  }
0xa0: {  	v63 =	vld [tilespmem:s25+$0x1BD40];
	[tilespmem:s25+$0x1BD50] =	vst v35;
	v39 =	vmul.f32 v31, v60  }
0xa1: {  	v48 =	vld [tilespmem:s25+$0x1BCB0];
	[tilespmem:s25+$0x1BCE0] =	vst v19;
	v19 =	vmul.f32 v56, v60  }
0xa2: {  	v49 =	vmul.f32 v41, v34;
	[tilespmem:s25+$0x1BD70] =	vst v39;
	v30 =	vld [tilespmem:s25+$0x1BD60]  }
0xa3: {  	v54 =	vld [tilespmem:s25+$0x1BCF0];
	[tilespmem:s25+$0x1BD00] =	vst v19;
	v19 =	vmul.f32 v59, v60  }
0xa4: {  	[tilespmem:s25+$0x1BC70] =	vst v49;
	v52 =	vmul.f32 v44, v47;
	v33 =	vld [tilespmem:s25+$0x1BD80]  }
0xa5: {  	v38 =	vld [tilespmem:s25+$0x1BDB0];
	[tilespmem:s25+$0x1BD20] =	vst v19;
	v19 =	vmul.f32 v63, v60  }
0xa6: {  	v36 =	vld [tilespmem:s25+$0x1BDA0];
	[tilespmem:s25+$0x1BC90] =	vst v52;
	v55 =	vmul.f32 v48, v47  }
0xa7: {  	v41 =	vld [tilespmem:s25+$0x1BDD0];
	v37 =	vperm.xlane v18, v12;
	[tilespmem:s25+$0x1BD40] =	vst v19;
	v19 =	vmul.f32 v30, v60  }
0xa8: {  	[tilespmem:s25+$0x1BCB0] =	vst v55;
	v62 =	vmul.f32 v54, v47;
	v40 =	vld [tilespmem:s25+$0x1BDC0]  }
0xa9: {  	v44 =	vld [tilespmem:s25+$0x1BDF0];
	[tilespmem:s25+$0x1BD60] =	vst v19;
	v19 =	vmul.f32 v33, v37  }
0xaa: {  	[tilespmem:s25+$0x1BCF0] =	vst v62;
	v45 =	vmul.f32 v38, v37;
	v43 =	vld [tilespmem:s25+$0x1BDE0]  }
0xab: {  	v34 =	vld [tilespmem:s25+$0x1BD90];
	[tilespmem:s25+$0x1BD80] =	vst v19;
	v19 =	vmul.f32 v36, v37  }
0xac: {  	v48 =	vmul.f32 v41, v37;
	[tilespmem:s25+$0x1BDB0] =	vst v45;
	v46 =	vld [tilespmem:s25+$0x1BE00]  }
0xad: {  	v51 =	vld [tilespmem:s25+$0x1BE30];
	[tilespmem:s25+$0x1BDA0] =	vst v19;
	v19 =	vmul.f32 v40, v37  }
0xae: {  	v49 =	vld [tilespmem:s25+$0x1BE20];
	v52 =	vmul.f32 v44, v37;
	[tilespmem:s25+$0x1BDD0] =	vst v48  }
0xaf: {  	v54 =	vld [tilespmem:s25+$0x1BE50];
	v50 =	vperm.xlane v18, v13;
	[tilespmem:s25+$0x1BDC0] =	vst v19;
	v19 =	vmul.f32 v43, v37  }
0xb0: {  	[tilespmem:s25+$0x1BDF0] =	vst v52;
	v42 =	vmul.f32 v34, v37;
	v53 =	vld [tilespmem:s25+$0x1BE40]  }
0xb1: {  	v57 =	vld [tilespmem:s25+$0x1BE70];
	[tilespmem:s25+$0x1BDE0] =	vst v19;
	v19 =	vmul.f32 v46, v50  }
0xb2: {  	[tilespmem:s25+$0x1BD90] =	vst v42;
	v58 =	vmul.f32 v51, v50;
	v56 =	vld [tilespmem:s25+$0x1BE60]  }
0xb3: {  	v47 =	vld [tilespmem:s25+$0x1BE10];
	[tilespmem:s25+$0x1BE00] =	vst v19;
	v19 =	vmul.f32 v49, v50  }
0xb4: {  	v61 =	vmul.f32 v54, v50;
	[tilespmem:s25+$0x1BE30] =	vst v58;
	v59 =	vld [tilespmem:s25+$0x1BE80]  }
0xb5: {  	v39 =	vld [tilespmem:s25+$0x1BF10];
	[tilespmem:s25+$0x1BE20] =	vst v19;
	v19 =	vmul.f32 v53, v50  }
0xb6: {  	v62 =	vld [tilespmem:s25+$0x1BEA0];
	v31 =	vmul.f32 v57, v50;
	[tilespmem:s25+$0x1BE50] =	vst v61  }
0xb7: {  	v63 =	vperm.xlane v18, v14;
	v60 =	vld [tilespmem:s25+$0x1BE90];
	[tilespmem:s25+$0x1BE40] =	vst v19;
	v19 =	vmul.f32 v56, v50  }
0xb8: {  	v32 =	vld [tilespmem:s25+$0x1BEC0];
	v42 =	vperm.xlane v18, v15;
	[tilespmem:s25+$0x1BE70] =	vst v31;
	v55 =	vmul.f32 v47, v50  }
0xb9: {  	v33 =	vld [tilespmem:s25+$0x1BED0];
	[tilespmem:s25+$0x1BE60] =	vst v19;
	v19 =	vmul.f32 v59, v63  }
0xba: {  	v35 =	vld [tilespmem:s25+$0x1BEE0];
	v47 =	vmul.f32 v39, v42;
	[tilespmem:s25+$0x1BE10] =	vst v55  }
0xbb: {  	v30 =	vld [tilespmem:s25+$0x1BEB0];
	[tilespmem:s25+$0x1BE80] =	vst v19;
	v19 =	vmul.f32 v62, v63  }
0xbc: {  	v38 =	vld [tilespmem:s25+$0x1BF00];
	[tilespmem:s25+$0x1BF10] =	vst v47;
	v34 =	vmul.f32 v60, v63  }
0xbd: {  	v36 =	vld [tilespmem:s25+$0x1BEF0];
	[tilespmem:s25+$0x1BEA0] =	vst v19;
	v19 =	vmul.f32 v32, v63  }
0xbe: {  	v41 =	vld [tilespmem:s25+$0x1BF20];
	[tilespmem:s25+$0x1BE90] =	vst v34;
	v40 =	vmul.f32 v33, v63  }
0xbf: {  	v46 =	vld [tilespmem:s25+$0x1BF50];
	[tilespmem:s25+$0x1BEC0] =	vst v19;
	v19 =	vmul.f32 v35, v63  }
0xc0: {  	v45 =	vld [tilespmem:s25+$0x1BF40];
	v37 =	vmul.f32 v30, v63;
	[tilespmem:s25+$0x1BED0] =	vst v40  }
0xc1: {  	v43 =	vld [tilespmem:s25+$0x1BF30];
	[tilespmem:s25+$0x1BEE0] =	vst v19;
	v19 =	vmul.f32 v38, v42  }
0xc2: {  	v48 =	vld [tilespmem:s25+$0x1BF60];
	v44 =	vmul.f32 v36, v63;
	[tilespmem:s25+$0x1BEB0] =	vst v37  }
0xc3: {  	v49 =	vld [tilespmem:s25+$0x1BF70];
	[tilespmem:s25+$0x1BF00] =	vst v19;
	v19 =	vmul.f32 v41, v42  }
0xc4: {  	v51 =	vld [tilespmem:s25+$0x1BF80];
	[tilespmem:s25+$0x1BEF0] =	vst v44;
	v53 =	vmul.f32 v46, v42  }
0xc5: {  	v52 =	vld [tilespmem:s25+$0x1BF90];
	[tilespmem:s25+$0x1BF20] =	vst v19;
	v19 =	vmul.f32 v45, v42  }
0xc6: {  	v54 =	vld [tilespmem:s25+$0x1BFA0];
	v50 =	vmul.f32 v43, v42;
	[tilespmem:s25+$0x1BF50] =	vst v53  }
0xc7: {  	v18 =	vperm.xlane v18, v16;
	v55 =	vld [tilespmem:s25+$0x1BFB0];
	[tilespmem:s25+$0x1BF40] =	vst v19;
	v19 =	vmul.f32 v48, v42  }
0xc8: {  	v57 =	vld [tilespmem:s25+$0x1BFC0];
	v56 =	vmul.f32 v49, v42;
	[tilespmem:s25+$0x1BF30] =	vst v50  }
0xc9: {  	v58 =	vld [tilespmem:s25+$0x1BFD0];
	[tilespmem:s25+$0x1BF60] =	vst v19;
	v19 =	vmul.f32 v51, v18  }
0xca: {  	v60 =	vld [tilespmem:s25+$0x1BFE0];
	v59 =	vmul.f32 v52, v18;
	[tilespmem:s25+$0x1BF70] =	vst v56  }
0xcb: {  	v61 =	vld [tilespmem:s25+$0x1BFF0];
	[tilespmem:s25+$0x1BF80] =	vst v19;
	v19 =	vmul.f32 v54, v18  }
0xcc: {  	[tilespmem:s25+$0x1BF90] =	vst v59;
	v62 =	vmul.f32 v55, v18  }
0xcd: {  	p0 =	sne.s32 s24, $0x7;
	[tilespmem:s25+$0x1BFA0] =	vst v19;
	v19 =	vmul.f32 v57, v18  }
.Ltmp1:
0xce: {  	[tilespmem:s25+$0x1BFB0] =	vst v62;
	v63 =	vmul.f32 v58, v18;
	(pc) =	sbr.rel @p0 .LBB2_5-.Ltmp1, $4  }
0xcf: {  	[tilespmem:s25+$0x1BFC0] =	vst v19;
	v19 =	vmul.f32 v60, v18  }
0xd0: {  	[tilespmem:s25+$0x1BFD0] =	vst v63;
	v18 =	vmul.f32 v61, v18  }
0xd1: {  	[tilespmem:s25+$0x1BFE0] =	vst v19  }
0xd2: {  	s24 =	sadd.s32 $0x1, s24;
	[tilespmem:s25+$0x1BFF0] =	vst v18  }
0xd3: {  	s22 =	sadd.s32 $0x1, s22  }
0xd4: {  	p0 =	sne.s32 s22, $0x4F  }
.Ltmp2:
0xd5: {  	s23 =	sadd.s32 $0x16800, s23;
	(pc) =	sbr.rel @p0 .LBB2_4-.Ltmp2, $4  }
0xd6: {  	[spmem:s2] =	stream.indirect.scatter.add.f32 [tilespmem:s14], [sflag:$0x2], $0x80, s23, s19, $0xb8;
	[tilespmem:$0x1F800] =	vst v63  }
0xd7: {  	_ =	swait.ge [sflag:s15], $0x4000  }
0xd8: {  	[sflag:s15] =	ssyncset.done $0x0  }
0xd9: {  	[sflag:s15] =	ssyncadd.s32 $0xFFFFC000  }
0xda: {  	s3 =	sadd.s32 $0x1, s3  }
0xdb: {  	s22 =	sshll.u32 s1, $0x6;
	[bflag:$0x0] =	sbarrier.arrive $0xFFFF;
	p0 =	sne.s32 s3, s13  }
.Ltmp3:
0xdc: {  	s23 =	sshrl.u32 s4, $0x3;
	s22 =	sor.u32 $0x1C02, s22;
	(pc) =	sbr.rel @p0 .LBB2_1-.Ltmp3, $4  }
0xdd: {  	[hbm:s21], [sflag:s22] =	dma.local [spmem:s23], $0x2800  }
0xde: {  	_ =	swait.ge [sflag:s15], $0x2800  }
0xdf: {  	[sflag:s15] =	ssyncset.done $0x0  }
0xe0: {  	[sflag:s15] =	ssyncadd.s32 $0xFFFFD800  }
0xe1: {  	_ =	sfence.sel $0x180000  }
0xe2: {  	[bflag:$0x0] =	sbarrier.arrive $0xFFFF  }
0xe3: {  	p0 =	sne.s32 s1, $0x0;
	_ =	strace $0x9000004A  }
0xe4: {  	s0 =	sadd.s32 @!p0 $0x100000, s0;
	[bflag:$0x2] =	sbarrier.arrive $0xFFFF  }
0xe5: {  	[sflag:s0] =	ssyncadd.tile.s32 @!p0 $0x1;
	_ =	shalt  }
.Lfunc_end2:
_tile_overlayer_lowered:
.L_overlay_start_2:
0xe6: {  	(tag) =	ssettag $0x2  }
0xe7: {  	s0 =	rddreg [dreg:$0x0];
	s2 =	stileid.u32  }
0xe8: {  	s1 =	rddreg [dreg:$0x1];
	p0 =	sne.s32 s2, $0x0  }
0xe9: {  	s3 =	rddreg [dreg:$0x2];
	[bflag:$0x3] =	sbarrier.arrive $0xFFFF;
	s2 =	simm.s32 @!p0 $0x1C02  }
0xea: {  	[timem:s3], [sflag:s2] =	dma.local @!p0 [hbm:s0], s1  }
0xeb: {  	s0 =	simm.s32 @!p0 $0x2  }
0xec: {  	_ =	swait.ge @!p0 [sflag:s0], s1  }
0xed: {  	s1 =	ssub.s32 @!p0 $0x0, s1;
	[sflag:s0] =	ssyncset.done @!p0 $0x0  }
0xee: {  	[sflag:s0] =	ssyncadd.s32 @!p0 s1  }
0xef: {  	[bflag:$0x3] =	sbarrier.arrive $0xFFFF  }
0xf0: {  	_ =	shalt  }

// kernel: kernel.7.cloned.1.call-start
scs
__scs_entry_jumppad:
0x0: {  	(pc) =	sbr.rel $0x88, $3  }
0x1: {  	(tag) =	ssettag $0x0;
	lr =	simm.s32 $0x1  }
0x2: {  	[smem:$0x3F9B] =	sst lr;
	_ =	strace $0xD0000000  }
0x3: {  	_ = 	snop  }
0x4: {  	_ = 	snop  }
0x5: {  	_ = 	snop  }
0x6: {  	_ = 	snop  }
0x7: {  	_ = 	snop  }
__scs_overlays_trampoline_lowered:
0x8: {  	[smem:$0x3FAA] =	sst s0  }
0x9: {  	[smem:$0x3FAB] =	sst s1  }
0xa: {  	[smem:$0x3FAC] =	sst s2  }
0xb: {  	[smem:$0x3FAD] =	sst s3  }
0xc: {  	[smem:$0x3FAE] =	sst s4  }
0xd: {  	[smem:$0x3FAF] =	sst s5  }
0xe: {  	[smem:$0x3FB0] =	sst s6  }
0xf: {  	[smem:$0x3FB1] =	sst s7  }
0x10: {  	[smem:$0x3FB2] =	sst s8  }
0x11: {  	[smem:$0x3FB3] =	sst s9;
	s0 =	simm.s32 @!p0 $0x0  }
0x12: {  	s1 =	sld [smem:$0x3F99];
	s0 =	simm.s32 @p0 $0x1  }
0x13: {  	[smem:$0x3FB4] =	sst s0;
	s0 =	simm.s32 @!p1 $0x0  }
0x14: {  	s2 =	sld [smem:$0x3F98];
	s0 =	simm.s32 @p1 $0x1  }
0x15: {  	[smem:$0x3FB5] =	sst s0;
	s0 =	simm.s32 @!p2 $0x0  }
0x16: {  	s3 =	sld [smem:$0x3FDB];
	s0 =	simm.s32 @p2 $0x1  }
0x17: {  	s4 =	simm.s32 $0x1BF5;
	[smem:$0x3FB7] =	sst s0  }
0x18: {  	s0 =	sld [smem:$0x3F9A];
	_ =	swait.ge [sflag:s4], $0x0  }
0x19: {  	s7 =	sld [smem:$0x3F9B]  }
0x1a: {  	s8 =	sadd.s32 $0xFFFFE003, lr  }
0x1b: {  	s9 =	sadd.s32 $0xFFFFFEF7, lr;
	s5 =	simm.s32 $0xFFFFFFFF;
	p2 =	slt.u32 s8, $0xFFFFF086  }
0x1c: {  	p1 =	slt.u32 s9, $0xF7A;
	s5 =	simm.s32 @!p2 $0x0  }
0x1d: {  	s5 =	simm.s32 @p1 $0x1;
	p0 =	seq.s32 s7, s2  }
0x1e: {  	s7 =	smul.u32 @!p0 $0xF7A, s2;
	p2 =	seq.s32 @!p0 s5, $0x0  }
0x1f: {  	s9 =	smul.u32 $0xF7A, s1;
	s8 =	simm.s32 @!p0 $0x1BF5;
	p2 =	por !p2, p0  }
0x20: {  	[sflag:s8] =	ssyncset.s32 @!p0 $0xFFFFF086;
	s6 =	sadd.s32 @!p0 s3, s7;
	s7 =	simm.s32 @!p0 $0x108  }
0x21: {  	s3 =	sadd.s32 s3, s9;
	s6 =	sadd.s32 @!p0 $0x88, s6;
	s7 =	simm.s32 @p2 $0x1082  }
0x22: {  	[simem:s7], [sflag:s8] =	dma.local @!p0 [hbm:s6], $0xF7A  }
0x23: {  	s9 =	sor.u32 $0xD0000000, s2;
	s6 =	simm.s32 $0x108;
	_ =	swait.ge @!p0 [sflag:s8], $0x0  }
0x24: {  	s3 =	sadd.s32 $0x88, s3;
	s6 =	simm.s32 @!p1 $0x1082;
	[sflag:s4] =	ssyncset.s32 $0xFFFFF086  }
0x25: {  	[simem:s6], [sflag:s4] =	dma.local [hbm:s3], $0xF7A  }
0x26: {  	[smem:$0x3F9B] =	sst s1;
	(tag) =	ssettag s2;
	_ =	strace s9  }
0x27: {  	s1 =	sld [smem:$0x3FAB]  }
0x28: {  	s2 =	sld [smem:$0x3FAC]  }
0x29: {  	s4 =	sld [smem:$0x3FAE]  }
0x2a: {  	p0 =	seq.s32 s5, $0x0;
	s5 =	sld [smem:$0x3FAF]  }
0x2b: {  	s6 =	sld [smem:$0x3FB0]  }
0x2c: {  	s7 =	sld [smem:$0x3FB1]  }
0x2d: {  	s3 =	simm.s32 $0x108;
	s8 =	sld [smem:$0x3FB2]  }
0x2e: {  	s3 =	simm.s32 @!p0 $0x1082;
	s9 =	sld [smem:$0x3FB3]  }
0x2f: {  	lr =	sadd.s32 s0, s3;
	s0 =	sld [smem:$0x3FAA]  }
0x30: {  	s3 =	sld [smem:$0x3FAD]  }
0x31: {  	[smem:$0x3FB6] =	sst s10  }
0x32: {  	s10 =	sld [smem:$0x3FB4];
	_ =	sdelay $0x3  }
0x33: {  	p0 =	seq.s32 s10, $0x1;
	s10 =	sld [smem:$0x3FB6];
	_ =	sdelay $0x3  }
0x34: {  	[smem:$0x3FB6] =	sst s10  }
0x35: {  	s10 =	sld [smem:$0x3FB5];
	_ =	sdelay $0x3  }
0x36: {  	p1 =	seq.s32 s10, $0x1;
	s10 =	sld [smem:$0x3FB6];
	_ =	sdelay $0x3  }
0x37: {  	[smem:$0x3FB6] =	sst s10  }
0x38: {  	s10 =	sld [smem:$0x3FB7]  }
0x39: {  	_ = 	snop;
	(pc) =	sbr.ind lr, $3  }
0x3a: {  	_ = 	snop  }
0x3b: {  	_ = 	snop  }
0x3c: {  	p2 =	seq.s32 s10, $0x1;
	s10 =	sld [smem:$0x3FB6]  }
0x3d: {  	_ =	shalt  }
0x3e: {  	_ =	shalt  }
0x3f: {  	_ =	shalt  }
0x40: {  	_ =	shalt  }
0x41: {  	_ =	shalt  }
0x42: {  	_ =	shalt  }
0x43: {  	_ =	shalt  }
0x44: {  	_ =	shalt  }
0x45: {  	_ =	shalt  }
0x46: {  	_ =	shalt  }
0x47: {  	_ =	shalt  }
0x48: {  	_ =	shalt  }
0x49: {  	_ =	shalt  }
0x4a: {  	_ =	shalt  }
0x4b: {  	_ =	shalt  }
0x4c: {  	_ =	shalt  }
0x4d: {  	_ =	shalt  }
0x4e: {  	_ =	shalt  }
0x4f: {  	_ =	shalt  }
0x50: {  	_ =	shalt  }
0x51: {  	_ =	shalt  }
0x52: {  	_ =	shalt  }
0x53: {  	_ =	shalt  }
0x54: {  	_ =	shalt  }
0x55: {  	_ =	shalt  }
0x56: {  	_ =	shalt  }
0x57: {  	_ =	shalt  }
0x58: {  	_ =	shalt  }
0x59: {  	_ =	shalt  }
0x5a: {  	_ =	shalt  }
0x5b: {  	_ =	shalt  }
0x5c: {  	_ =	shalt  }
0x5d: {  	_ =	shalt  }
0x5e: {  	_ =	shalt  }
0x5f: {  	_ =	shalt  }
0x60: {  	_ =	shalt  }
0x61: {  	_ =	shalt  }
0x62: {  	_ =	shalt  }
0x63: {  	_ =	shalt  }
0x64: {  	_ =	shalt  }
0x65: {  	_ =	shalt  }
0x66: {  	_ =	shalt  }
0x67: {  	_ =	shalt  }
0x68: {  	_ =	shalt  }
0x69: {  	_ =	shalt  }
0x6a: {  	_ =	shalt  }
0x6b: {  	_ =	shalt  }
0x6c: {  	_ =	shalt  }
0x6d: {  	_ =	shalt  }
0x6e: {  	_ =	shalt  }
0x6f: {  	_ =	shalt  }
0x70: {  	_ =	shalt  }
0x71: {  	_ =	shalt  }
0x72: {  	_ =	shalt  }
0x73: {  	_ =	shalt  }
0x74: {  	_ =	shalt  }
0x75: {  	_ =	shalt  }
0x76: {  	_ =	shalt  }
0x77: {  	_ =	shalt  }
0x78: {  	_ =	shalt  }
0x79: {  	_ =	shalt  }
0x7a: {  	_ =	shalt  }
0x7b: {  	_ =	shalt  }
0x7c: {  	_ =	shalt  }
0x7d: {  	_ =	shalt  }
0x7e: {  	_ =	shalt  }
0x7f: {  	_ =	shalt  }
0x80: {  	_ =	shalt  }
0x81: {  	_ =	shalt  }
0x82: {  	_ =	shalt  }
0x83: {  	_ =	shalt  }
0x84: {  	_ =	shalt  }
0x85: {  	_ =	shalt  }
0x86: {  	_ =	shalt  }
0x87: {  	_ =	shalt  }
.Lfunc_end0:
.L_simem_size_0:
called_computation_lowered:
.L_overlay_start_0:
0x88: {  	s2 =	sld [smem:$0x3FD9]  }
0x89: {  	s3 =	sld [smem:$0x3FFE];
	_ =	sdelay $0x1  }
0x8a: {  	s1 =	srdreg.scid  }
0x8b: {  	s0 =	sand.u32 $0x1, s1  }
0x8c: {  	s17 =	sshll.u32 s0, $0xA;
	s2 =	sadd.s32 s3, s2  }
0x8d: {  	s2 =	sadd.s32 s2, s17  }
0x8e: {  	[smem:$0x3FC2] =	sst s2  }
0x8f: {  	_ = 	snop  }
0x90: {  	s2 =	sld [smem:$0x3FD0];
	(tm) =	ssettm $0x1  }
0x91: {  	s18 =	sld [smem:$0x3FFB];
	_ =	sdelay $0x3  }
0x92: {  	_ =	strace s18  }
0x93: {  	s3 =	sld [smem:$0x3FFC];
	_ =	sdelay $0x3  }
0x94: {  	_ =	strace s3  }
0x95: {  	s3 =	sld [smem:$0x3FFD];
	_ =	sdelay $0x3  }
0x96: {  	_ =	strace s3  }
0x97: {  	_ =	strace $0x8FFFFFFF  }
0x98: {  	s19 =	sld [smem:$0x3FDB];
	_ =	sdelay $0x1  }
0x99: {  	s4 =	simm.s32 $_scs_section_size  }
0x9a: {  	s5 =	simm.s32 $_size__tile_overlayer_lowered;
	s6 =	simm.s32 $_tile_overlayer_lowered  }
0x9b: {  	s22 =	simm.s32 $0x1BFF;
	s21 =	sshll.u32 s6, $0x1;
	s3 =	sadd.s32 s4, s19  }
0x9c: {  	s7 =	simm.s32 $0x0;
	s20 =	sshll.u32 s5, $0x1;
	s5 =	sadd.s32 s21, s3  }
0x9d: {  	[timem:s7], [sflag:s22] =	dma.local [hbm:s5], s20  }
0x9e: {  	_ =	swait.ge [sflag:s22], s20  }
0x9f: {  	s4 =	ssub.s32 $0x0, s20;
	[sflag:s22] =	ssyncset.done $0x0  }
0xa0: {  	[sflag:s22] =	ssyncadd.s32 s4;
	_ =	sdelay $0x1  }
0xa1: {  	s23 =	simm.s32 $0x1B8B  }
0xa2: {  	_ =	swait.ge [sflag:s23], $0x1  }
0xa3: {  	[sflag:s23] =	ssyncset.done $0x0  }
0xa4: {  	s25 =	simm.s32 $0x1B8E;
	s24 =	sld [smem:$0x3FFE];
	[sflag:s23] =	ssyncadd.s32 $0xFFFFFFFF  }
0xa5: {  	s26 =	simm.s32 $execute0_lowered;
	[smem:$0x3FD2] =	sst s25  }
0xa6: {  	s5 =	sshll.u32 s26, $0x1;
	_ =	strace $0x80000046;
	[dreg:$0x1] =	wrdreg $0xFFFFFFFF  }
0xa7: {  	s28 =	simm.s32 $_size_execute0_lowered;
	s3 =	sadd.s32 s3, s5;
	[dreg:$0x0] =	wrdreg $0x0  }
0xa8: {  	s5 =	sshll.u32 s28, $0x1;
	[dreg:$0x2] =	wrdreg s3  }
0xa9: {  	[dreg:$0x3] =	wrdreg s5  }
0xaa: {  	[dreg:$0x4] =	wrdreg $0xC0  }
0xab: {  	_ =	task [dreg:s7], $0x5FFFF  }
0xac: {  	[dreg:$0x1] =	wrdreg $0xFFFFFFFF  }
0xad: {  	[dreg:$0x0] =	wrdreg $0x60  }
0xae: {  	[dreg:$0x2] =	wrdreg s24  }
0xaf: {  	[dreg:$0x3] =	wrdreg s2  }
0xb0: {  	[dreg:$0x4] =	wrdreg $0x0  }
0xb1: {  	[dreg:$0x5] =	wrdreg $0x9  }
0xb2: {  	_ =	task.clear_ibuf [dreg:s7], $0x6FFFF;
	_ =	strace $0x90000046  }
0xb3: {  	s29 =	simm.s32 $0x9;
	_ =	strace $0x80000048  }
0xb4: {  	_ =	swait.ge [sflag:s29], $0x1  }
0xb5: {  	[sflag:s29] =	ssyncadd.s32 $0xFFFFFFFF  }
0xb6: {  	_ =	strace $0x90000048  }
0xb7: {  	_ =	sfence  }
0xb8: {  	s30 =	sld [smem:$0x0];
	_ =	sdelay $0x2  }
0xb9: {  	s31 =	sshll.u32 s1, $0xD;
	s1 =	sshrl.u32 s1, $0x2  }
0xba: {  	s3 =	sand.u32 $0x4000, s31;
	s1 =	sadd.s32 s1, s30  }
0xbb: {  	s0 =	sor.u32 s3, s0;
	s1 =	sshll.u32 s1, $0x11  }
0xbc: {  	s0 =	sor.u32 s1, s0  }
0xbd: {  	s0 =	sadd.s32 $0x8F2B, s0  }
0xbe: {  	[sflag:s0] =	ssyncadd.remote.s32 $0x1  }
0xbf: {  	_ =	sfence.sel $0xFFFF  }
0xc0: {  	[dreg:$0x0] =	wrdreg $0xFFFFFFFF;
	(pc) =	sbr.abs _section_cstart, $3  }
0xc1: {  	[dreg:$0x1] =	wrdreg $0xFFFFFFFF  }
0xc2: {  	_ =	task.clear_ibuf [dreg:s7], $0x2FFFF;
	_ =	strace $0x9FFFFFFF  }
0xc3: {  	(tm) =	ssettm $0x7FFFFFFF  }
tec
execute0_lowered:
.L_overlay_start_1:
0x0: {  	(tag) =	ssettag $0x1  }
0x1: {  	s5 =	rddreg [dreg:$0x0]  }
0x2: {  	s9 =	rddreg [dreg:$0x1]  }
0x3: {  	s2 =	rddreg [dreg:$0x2]  }
0x4: {  	s0 =	rddreg [dreg:$0x3];
	s3 =	simm.s32 $0x0;
	s1 =	stileid.u32  }
0x5: {  	s4 =	srdreg.scid;
	s15 =	simm.s32 $0x2;
	s16 =	simm.s32 $0x14000  }
0x6: {  	s17 =	simm.s32 $0x16800;
	s18 =	simm.s32 $0x19000;
	s6 =	smul.u32 $0x50000, s1  }
0x7: {  	s19 =	simm.s32 $0x80;
	s20 =	simm.s32 $0x1;
	s10 =	smul.u32 $0x500, s1  }
0x8: {  	[smem:$0x7FF] =	sst s3;
	s4 =	sand.u32 $0x1, s4;
	s22 =	smul.u32 $0x2800, s1  }
0x9: {  	_ =	strace $0x80000047;
	s7 =	smul.u32 $0x28000, s4;
	s8 =	ssub.s32 $0x2, s4  }
0xa: {  	v0 =	vimm.f32 $0.0e+00;
	v1 =	vimm.s32 $0x0;
	s30 =	sshrl.u32 s6, $0x2;
	s11 =	sadd.s32 s10, s5;
	s31 =	sshrl.u32 s8, $0x1  }
0xb: {  	v2 =	vimm.s32 $0x1;
	v3 =	vimm.s32 $0x2;
	v4 =	vimm.s32 $0x3;
	s9 =	sadd.s32 s9, s10;
	s4 =	sadd.s32 s30, s2;
	s13 =	sadd.s32 s7, s5  }
0xc: {  	v5 =	vimm.s32 $0x4;
	v6 =	vimm.s32 $0x5;
	v7 =	vimm.s32 $0x6;
	s14 =	ssub.s32 s8, s31;
	s10 =	sadd.s32 $0x6E00, s11;
	s11 =	sadd.s32 $0x1E00, s11  }
0xd: {  	v8 =	vimm.s32 $0x7;
	v9 =	vimm.s32 $0x8;
	v10 =	vimm.s32 $0x9;
	s5 =	sadd.s32 $0x4000, s4;
	s6 =	sadd.s32 $0x8000, s4;
	s7 =	sadd.s32 $0xC000, s4  }
0xe: {  	v11 =	vimm.s32 $0xA;
	v12 =	vimm.s32 $0xB;
	v13 =	vimm.s32 $0xC;
	s8 =	sadd.s32 $0x10000, s4;
	s12 =	sadd.s32 $0x5BE00, s13;
	s21 =	sadd.s32 $0xABE00, s13  }
0xf: {  	v14 =	vimm.s32 $0xD;
	v15 =	vimm.s32 $0xE;
	v16 =	vimm.s32 $0xF;
	s13 =	smax.u32 s14, $0x1;
	s14 =	simm.s32 $0x1B800;
	s21 =	sadd.s32 s22, s21  }
.LBB2_1:
0x10: {  	s22 =	simm.s32 $0x0;
	s23 =	simm.s32 $0x200  }
.LBB2_2:
0x11: {  	p0 =	sne.s32 s23, $0xFE00;
	[tilespmem:s22+$0x1B870] =	vst v0  }
0x12: {  	[tilespmem:s22+$0x1B800] =	vst v0  }
0x13: {  	[tilespmem:s22+$0x1B810] =	vst v0  }
.Ltmp0:
0x14: {  	[tilespmem:s22+$0x1B820] =	vst v0;
	(pc) =	sbr.rel @p0 .LBB2_2-.Ltmp0, $4  }
0x15: {  	[tilespmem:s22+$0x1B830] =	vst v0  }
0x16: {  	[tilespmem:s22+$0x1B840] =	vst v0  }
0x17: {  	[tilespmem:s22+$0x1B850] =	vst v0  }
0x18: {  	[tilespmem:s22+$0x1B860] =	vst v0;
	s22 =	sshra.s32 s23, $0x2;
	s23 =	sadd.s32 $0x200, s23  }
0x19: {  	[tilespmem:s22+$0x1B870] =	vst v0  }
0x1a: {  	[tilespmem:s22+$0x1B800] =	vst v0  }
0x1b: {  	[tilespmem:s22+$0x1B810] =	vst v0  }
0x1c: {  	[tilespmem:s22+$0x1B820] =	vst v0  }
0x1d: {  	[tilespmem:s22+$0x1B830] =	vst v0  }
0x1e: {  	[tilespmem:s22+$0x1B840] =	vst v0  }
0x1f: {  	[tilespmem:s22+$0x1B850] =	vst v0  }
0x20: {  	[tilespmem:s22+$0x1B860] =	vst v0  }
0x21: {  	[spmem:s4] =	stream.linear.scatter [tilespmem:s14], [sflag:$0x2], $0x4000, $0x38;
	[tilespmem:$0x1F800] =	vst v63  }
0x22: {  	_ =	swait.ge [sflag:s15], $0x4000  }
0x23: {  	[sflag:s15] =	ssyncset.done $0x0  }
0x24: {  	[sflag:s15] =	ssyncadd.s32 $0xFFFFC000  }
0x25: {  	[spmem:s5] =	stream.linear.scatter [tilespmem:s14], [sflag:$0x2], $0x4000, $0x38;
	[tilespmem:$0x1F800] =	vst v63  }
0x26: {  	_ =	swait.ge [sflag:s15], $0x4000  }
0x27: {  	[sflag:s15] =	ssyncset.done $0x0  }
0x28: {  	[sflag:s15] =	ssyncadd.s32 $0xFFFFC000  }
0x29: {  	[spmem:s6] =	stream.linear.scatter [tilespmem:s14], [sflag:$0x2], $0x4000, $0x38;
	[tilespmem:$0x1F800] =	vst v63  }
0x2a: {  	_ =	swait.ge [sflag:s15], $0x4000  }
0x2b: {  	[sflag:s15] =	ssyncset.done $0x0  }
0x2c: {  	[sflag:s15] =	ssyncadd.s32 $0xFFFFC000  }
0x2d: {  	[spmem:s7] =	stream.linear.scatter [tilespmem:s14], [sflag:$0x2], $0x4000, $0x38;
	[tilespmem:$0x1F800] =	vst v63  }
0x2e: {  	_ =	swait.ge [sflag:s15], $0x4000  }
0x2f: {  	[sflag:s15] =	ssyncset.done $0x0  }
0x30: {  	[sflag:s15] =	ssyncadd.s32 $0xFFFFC000  }
0x31: {  	[spmem:s8] =	stream.linear.scatter [tilespmem:s14], [sflag:$0x2], $0x4000, $0x38;
	[tilespmem:$0x1F800] =	vst v63  }
0x32: {  	_ =	swait.ge [sflag:s15], $0x4000  }
0x33: {  	[sflag:s15] =	ssyncset.done $0x0  }
0x34: {  	s22 =	simm.s32 $0x0;
	[sflag:s15] =	ssyncadd.s32 $0xFFFFC000  }
0x35: {  	[tilespmem:s16], [sflag:$0x2] =	stream.linear.gather [hbm4b:s9+s22], $0x2780, $0x38;
	[tilespmem:$0x1F800] =	vst v63  }
0x36: {  	_ =	swait.ge [sflag:s15], $0x2780  }
0x37: {  	[sflag:s15] =	ssyncset.done $0x0  }
0x38: {  	[sflag:s15] =	ssyncadd.s32 $0xFFFFD880  }
0x39: {  	[tilespmem:s17], [sflag:$0x2] =	stream.linear.gather [hbm4b:s10+s22], $0x2780, $0x38;
	[tilespmem:$0x1F800] =	vst v63  }
0x3a: {  	_ =	swait.ge [sflag:s15], $0x2780  }
0x3b: {  	[sflag:s15] =	ssyncset.done $0x0  }
0x3c: {  	[sflag:s15] =	ssyncadd.s32 $0xFFFFD880  }
0x3d: {  	[tilespmem:s18], [sflag:$0x2] =	stream.linear.gather [hbm4b:s11+s22], $0x2780, $0x38;
	[tilespmem:$0x1F800] =	vst v63  }
0x3e: {  	_ =	swait.ge [sflag:s15], $0x2780  }
0x3f: {  	[sflag:s15] =	ssyncset.done $0x0  }
0x40: {  	[sflag:s15] =	ssyncadd.s32 $0xFFFFD880  }
0x41: {  	[bflag:$0x0] =	sbarrier.arrive $0xFFFF  }
.LBB2_4:
0x42: {  	s23 =	sshll.u32 s22, $0x7  }
0x43: {  	s24 =	sadd.s32 $0x14000, s23;
	s31 =	sadd.s32 $0x19000, s23  }
0x44: {  	[tilespmem:s14], [sflag:$0x1] =	stream.indirect.gather [hbm4b:s12+s19], $0x80, s24, s19, $0xb8;
	[tilespmem:$0x1F800] =	vst v63  }
0x45: {  	v17 =	vmov s31;
	_ =	swait.ge [sflag:s20], $0x4000  }
0x46: {  	[sflag:s20] =	ssyncset.done $0x0  }
0x47: {  	s24 =	simm.s32 $0x0;
	[sflag:s20] =	ssyncadd.s32 $0xFFFFC000  }
.LBB2_5:
0x48: {  	s25 =	sshll.u32 s24, $0x4  }
0x49: {  	s25 =	sand.u32 $0x3FFFFFF0, s25  }
0x4a: {  	s31 =	sshll.u32 s24, $0xB;
	v18 =	vld.idx.msk [tilespmem:v17+s25+$0x0 ss:$0x1], $0xffff  }
0x4b: {  	s25 =	sand.u32 $0x3FFFF800, s31  }
0x4c: {  	v19 =	vld [tilespmem:s25+$0x1B800]  }
0x4d: {  	v20 =	vld [tilespmem:s25+$0x1B810]  }
0x4e: {  	v21 =	vld [tilespmem:s25+$0x1B820]  }
0x4f: {  	v23 =	vld [tilespmem:s25+$0x1B830];
	v22 =	vperm.xlane v18, v1  }
0x50: {  	v24 =	vld [tilespmem:s25+$0x1B840]  }
0x51: {  	v25 =	vld [tilespmem:s25+$0x1B850];
	v19 =	vmul.f32 v19, v22  }
0x52: {  	v26 =	vld [tilespmem:s25+$0x1B860];
	v20 =	vmul.f32 v20, v22  }
0x53: {  	v43 =	vld [tilespmem:s25+$0x1B870];
	[tilespmem:s25+$0x1B800] =	vst v19;
	v19 =	vmul.f32 v21, v22  }
0x54: {  	v45 =	vld [tilespmem:s25+$0x1B880];
	v44 =	vmul.f32 v23, v22;
	[tilespmem:s25+$0x1B810] =	vst v20  }
0x55: {  	v46 =	vld [tilespmem:s25+$0x1B890];
	[tilespmem:s25+$0x1B820] =	vst v19;
	v19 =	vmul.f32 v24, v22  }
0x56: {  	v48 =	vld [tilespmem:s25+$0x1B8A0];
	v47 =	vmul.f32 v25, v22;
	[tilespmem:s25+$0x1B830] =	vst v44  }
0x57: {  	v27 =	vld [tilespmem:s25+$0x1B8B0];
	v49 =	vperm.xlane v18, v2;
	[tilespmem:s25+$0x1B840] =	vst v19;
	v19 =	vmul.f32 v26, v22  }
0x58: {  	v51 =	vld [tilespmem:s25+$0x1B8C0];
	v50 =	vmul.f32 v43, v22;
	[tilespmem:s25+$0x1B850] =	vst v47  }
0x59: {  	v52 =	vld [tilespmem:s25+$0x1B8D0];
	[tilespmem:s25+$0x1B860] =	vst v19;
	v19 =	vmul.f32 v45, v49  }
0x5a: {  	v54 =	vld [tilespmem:s25+$0x1B8E0];
	v53 =	vmul.f32 v46, v49;
	[tilespmem:s25+$0x1B870] =	vst v50  }
0x5b: {  	v55 =	vld [tilespmem:s25+$0x1B8F0];
	[tilespmem:s25+$0x1B880] =	vst v19;
	v19 =	vmul.f32 v48, v49  }
0x5c: {  	v57 =	vld [tilespmem:s25+$0x1B900];
	v56 =	vmul.f32 v27, v49;
	[tilespmem:s25+$0x1B890] =	vst v53  }
0x5d: {  	v58 =	vld [tilespmem:s25+$0x1B910];
	[tilespmem:s25+$0x1B8A0] =	vst v19;
	v19 =	vmul.f32 v51, v49  }
0x5e: {  	v60 =	vld [tilespmem:s25+$0x1B920];
	v59 =	vmul.f32 v52, v49;
	[tilespmem:s25+$0x1B8B0] =	vst v56  }
0x5f: {  	v62 =	vld [tilespmem:s25+$0x1B930];
	v61 =	vperm.xlane v18, v3;
	[tilespmem:s25+$0x1B8C0] =	vst v19;
	v19 =	vmul.f32 v54, v49  }
0x60: {  	v28 =	vld [tilespmem:s25+$0x1B940];
	v63 =	vmul.f32 v55, v49;
	[tilespmem:s25+$0x1B8D0] =	vst v59  }
0x61: {  	v29 =	vld [tilespmem:s25+$0x1B950];
	[tilespmem:s25+$0x1B8E0] =	vst v19;
	v19 =	vmul.f32 v57, v61  }
0x62: {  	v31 =	vld [tilespmem:s25+$0x1B960];
	v30 =	vmul.f32 v58, v61;
	[tilespmem:s25+$0x1B8F0] =	vst v63  }
0x63: {  	v32 =	vld [tilespmem:s25+$0x1B970];
	[tilespmem:s25+$0x1B900] =	vst v19;
	v19 =	vmul.f32 v60, v61  }
0x64: {  	v34 =	vld [tilespmem:s25+$0x1B980];
	v33 =	vmul.f32 v62, v61;
	[tilespmem:s25+$0x1B910] =	vst v30  }
0x65: {  	v35 =	vld [tilespmem:s25+$0x1B990];
	[tilespmem:s25+$0x1B920] =	vst v19;
	v19 =	vmul.f32 v28, v61  }
0x66: {  	v37 =	vld [tilespmem:s25+$0x1B9A0];
	v36 =	vmul.f32 v29, v61;
	[tilespmem:s25+$0x1B930] =	vst v33  }
0x67: {  	v39 =	vld [tilespmem:s25+$0x1B9B0];
	v38 =	vperm.xlane v18, v4;
	[tilespmem:s25+$0x1B940] =	vst v19;
	v19 =	vmul.f32 v31, v61  }
0x68: {  	v41 =	vld [tilespmem:s25+$0x1B9C0];
	v40 =	vmul.f32 v32, v61;
	[tilespmem:s25+$0x1B950] =	vst v36  }
0x69: {  	v45 =	vld [tilespmem:s25+$0x1B9F0];
	[tilespmem:s25+$0x1B960] =	vst v19;
	v19 =	vmul.f32 v34, v38  }
0x6a: {  	v43 =	vmul.f32 v35, v38;
	[tilespmem:s25+$0x1B970] =	vst v40;
	v44 =	vld [tilespmem:s25+$0x1B9E0]  }
0x6b: {  	v42 =	vld [tilespmem:s25+$0x1B9D0];
	[tilespmem:s25+$0x1B980] =	vst v19;
	v19 =	vmul.f32 v37, v38  }
0x6c: {  	v46 =	vmul.f32 v39, v38;
	[tilespmem:s25+$0x1B990] =	vst v43;
	v47 =	vld [tilespmem:s25+$0x1BA00]  }
0x6d: {  	v52 =	vld [tilespmem:s25+$0x1BA30];
	[tilespmem:s25+$0x1B9A0] =	vst v19;
	v19 =	vmul.f32 v41, v38  }
0x6e: {  	[tilespmem:s25+$0x1B9B0] =	vst v46;
	v50 =	vld [tilespmem:s25+$0x1BA20];
	v53 =	vmul.f32 v45, v38  }
0x6f: {  	v55 =	vld [tilespmem:s25+$0x1BA50];
	v51 =	vperm.xlane v18, v5;
	[tilespmem:s25+$0x1B9C0] =	vst v19;
	v19 =	vmul.f32 v44, v38  }
0x70: {  	v49 =	vmul.f32 v42, v38;
	v54 =	vld [tilespmem:s25+$0x1BA40];
	[tilespmem:s25+$0x1B9F0] =	vst v53  }
0x71: {  	v58 =	vld [tilespmem:s25+$0x1BA70];
	[tilespmem:s25+$0x1B9E0] =	vst v19;
	v19 =	vmul.f32 v47, v51  }
0x72: {  	v59 =	vmul.f32 v52, v51;
	[tilespmem:s25+$0x1B9D0] =	vst v49;
	v57 =	vld [tilespmem:s25+$0x1BA60]  }
0x73: {  	v48 =	vld [tilespmem:s25+$0x1BA10];
	[tilespmem:s25+$0x1BA00] =	vst v19;
	v19 =	vmul.f32 v50, v51  }
0x74: {  	v62 =	vmul.f32 v55, v51;
	[tilespmem:s25+$0x1BA30] =	vst v59;
	v60 =	vld [tilespmem:s25+$0x1BA80]  }
0x75: {  	v40 =	vld [tilespmem:s25+$0x1BB10];
	[tilespmem:s25+$0x1BA20] =	vst v19;
	v19 =	vmul.f32 v54, v51  }
0x76: {  	v63 =	vld [tilespmem:s25+$0x1BAA0];
	v32 =	vmul.f32 v58, v51;
	[tilespmem:s25+$0x1BA50] =	vst v62  }
0x77: {  	v30 =	vperm.xlane v18, v6;
	v61 =	vld [tilespmem:s25+$0x1BA90];
	[tilespmem:s25+$0x1BA40] =	vst v19;
	v19 =	vmul.f32 v57, v51  }
0x78: {  	v33 =	vld [tilespmem:s25+$0x1BAC0];
	v43 =	vperm.xlane v18, v7;
	v56 =	vmul.f32 v48, v51;
	[tilespmem:s25+$0x1BA70] =	vst v32  }
0x79: {  	v53 =	vld [tilespmem:s25+$0x1BB90];
	[tilespmem:s25+$0x1BA60] =	vst v19;
	v19 =	vmul.f32 v60, v30  }
0x7a: {  	v36 =	vld [tilespmem:s25+$0x1BAE0];
	v48 =	vmul.f32 v40, v43;
	[tilespmem:s25+$0x1BA10] =	vst v56  }
0x7b: {  	v31 =	vld [tilespmem:s25+$0x1BAB0];
	[tilespmem:s25+$0x1BA80] =	vst v19;
	v19 =	vmul.f32 v63, v30  }
0x7c: {  	v39 =	vld [tilespmem:s25+$0x1BB00];
	[tilespmem:s25+$0x1BB10] =	vst v48;
	v56 =	vperm.xlane v18, v8;
	v35 =	vmul.f32 v61, v30  }
0x7d: {  	v34 =	vld [tilespmem:s25+$0x1BAD0];
	[tilespmem:s25+$0x1BAA0] =	vst v19;
	v19 =	vmul.f32 v33, v30  }
0x7e: {  	v42 =	vld [tilespmem:s25+$0x1BB20];
	v61 =	vmul.f32 v53, v56;
	[tilespmem:s25+$0x1BA90] =	vst v35  }
0x7f: {  	v37 =	vld [tilespmem:s25+$0x1BAF0];
	[tilespmem:s25+$0x1BAC0] =	vst v19;
	v19 =	vmul.f32 v36, v30  }
0x80: {  	v46 =	vld [tilespmem:s25+$0x1BB40];
	[tilespmem:s25+$0x1BB90] =	vst v61;
	v38 =	vmul.f32 v31, v30  }
0x81: {  	v47 =	vld [tilespmem:s25+$0x1BB50];
	[tilespmem:s25+$0x1BAE0] =	vst v19;
	v19 =	vmul.f32 v39, v43  }
0x82: {  	v49 =	vld [tilespmem:s25+$0x1BB60];
	v41 =	vmul.f32 v34, v30;
	[tilespmem:s25+$0x1BAB0] =	vst v38  }
0x83: {  	v38 =	vld [tilespmem:s25+$0x1BC50];
	[tilespmem:s25+$0x1BB00] =	vst v19;
	v19 =	vmul.f32 v42, v43  }
0x84: {  	v52 =	vld [tilespmem:s25+$0x1BB80];
	[tilespmem:s25+$0x1BAD0] =	vst v41;
	v45 =	vmul.f32 v37, v30  }
0x85: {  	v44 =	vld [tilespmem:s25+$0x1BB30];
	[tilespmem:s25+$0x1BB20] =	vst v19;
	v19 =	vmul.f32 v46, v43  }
0x86: {  	v55 =	vld [tilespmem:s25+$0x1BBA0];
	v34 =	vperm.xlane v18, v9;
	[tilespmem:s25+$0x1BAF0] =	vst v45;
	v54 =	vmul.f32 v47, v43  }
0x87: {  	v50 =	vld [tilespmem:s25+$0x1BB70];
	[tilespmem:s25+$0x1BB40] =	vst v19;
	v19 =	vmul.f32 v49, v43  }
0x88: {  	v59 =	vld [tilespmem:s25+$0x1BBC0];
	v45 =	vmul.f32 v38, v34;
	[tilespmem:s25+$0x1BB50] =	vst v54  }
0x89: {  	v57 =	vld [tilespmem:s25+$0x1BBB0];
	[tilespmem:s25+$0x1BB60] =	vst v19;
	v19 =	vmul.f32 v52, v56  }
0x8a: {  	v62 =	vld [tilespmem:s25+$0x1BBE0];
	v51 =	vmul.f32 v44, v43;
	[tilespmem:s25+$0x1BC50] =	vst v45  }
0x8b: {  	v60 =	vld [tilespmem:s25+$0x1BBD0];
	[tilespmem:s25+$0x1BB80] =	vst v19;
	v19 =	vmul.f32 v55, v56  }
0x8c: {  	v58 =	vmul.f32 v50, v43;
	[tilespmem:s25+$0x1BB30] =	vst v51;
	v30 =	vld [tilespmem:s25+$0x1BC00]  }
0x8d: {  	v51 =	vld [tilespmem:s25+$0x1BCD0];
	[tilespmem:s25+$0x1BBA0] =	vst v19;
	v19 =	vmul.f32 v59, v56  }
0x8e: {  	[tilespmem:s25+$0x1BB70] =	vst v58;
	v29 =	vmul.f32 v57, v56;
	v33 =	vld [tilespmem:s25+$0x1BC20]  }
0x8f: {  	v63 =	vld [tilespmem:s25+$0x1BBF0];
	[tilespmem:s25+$0x1BBC0] =	vst v19;
	v19 =	vmul.f32 v62, v56  }
0x90: {  	v37 =	vld [tilespmem:s25+$0x1BC40];
	v47 =	vperm.xlane v18, v10;
	[tilespmem:s25+$0x1BBB0] =	vst v29;
	v32 =	vmul.f32 v60, v56  }
0x91: {  	v61 =	vld [tilespmem:s25+$0x1BD30];
	[tilespmem:s25+$0x1BBE0] =	vst v19;
	v19 =	vmul.f32 v30, v34  }
0x92: {  	v40 =	vld [tilespmem:s25+$0x1BC60];
	v58 =	vmul.f32 v51, v47;
	[tilespmem:s25+$0x1BBD0] =	vst v32  }
0x93: {  	v31 =	vld [tilespmem:s25+$0x1BC10];
	[tilespmem:s25+$0x1BC00] =	vst v19;
	v19 =	vmul.f32 v33, v34  }
0x94: {  	v60 =	vperm.xlane v18, v11;
	v36 =	vmul.f32 v63, v56;
	[tilespmem:s25+$0x1BCD0] =	vst v58;
	v43 =	vld [tilespmem:s25+$0x1BC80]  }
0x95: {  	v57 =	vld [tilespmem:s25+$0x1BD10];
	[tilespmem:s25+$0x1BC20] =	vst v19;
	v19 =	vmul.f32 v37, v34  }
0x96: {  	v32 =	vmul.f32 v61, v60;
	[tilespmem:s25+$0x1BBF0] =	vst v36;
	v46 =	vld [tilespmem:s25+$0x1BCA0]  }
0x97: {  	v35 =	vld [tilespmem:s25+$0x1BC30];
	[tilespmem:s25+$0x1BC40] =	vst v19;
	v19 =	vmul.f32 v40, v34  }
0x98: {  	v50 =	vld [tilespmem:s25+$0x1BCC0];
	v39 =	vmul.f32 v31, v34;
	[tilespmem:s25+$0x1BD30] =	vst v32  }
0x99: {  	v28 =	vld [tilespmem:s25+$0x1BD50];
	[tilespmem:s25+$0x1BC60] =	vst v19;
	v19 =	vmul.f32 v43, v47  }
0x9a: {  	v53 =	vld [tilespmem:s25+$0x1BCE0];
	v29 =	vmul.f32 v57, v60;
	[tilespmem:s25+$0x1BC10] =	vst v39  }
0x9b: {  	v31 =	vld [tilespmem:s25+$0x1BD70];
	[tilespmem:s25+$0x1BC80] =	vst v19;
	v19 =	vmul.f32 v46, v47  }
0x9c: {  	v42 =	vmul.f32 v35, v34;
	[tilespmem:s25+$0x1BD10] =	vst v29;
	v56 =	vld [tilespmem:s25+$0x1BD00]  }
0x9d: {  	v41 =	vld [tilespmem:s25+$0x1BC70];
	[tilespmem:s25+$0x1BCA0] =	vst v19;
	v19 =	vmul.f32 v50, v47  }
0x9e: {  	v35 =	vmul.f32 v28, v60;
	[tilespmem:s25+$0x1BC30] =	vst v42;
	v59 =	vld [tilespmem:s25+$0x1BD20]  }
0x9f: {  	v44 =	vld [tilespmem:s25+$0x1BC90];
	[tilespmem:s25+$0x1BCC0] =	vst v19;
	v19 =	vmul.f32 v53, v47  }
0xa0: {  	v63 =	vld [tilespmem:s25+$0x1BD40];
	[tilespmem:s25+$0x1BD50] =	vst v35;
	v39 =	vmul.f32 v31, v60  }
0xa1: {  	v48 =	vld [tilespmem:s25+$0x1BCB0];
	[tilespmem:s25+$0x1BCE0] =	vst v19;
	v19 =	vmul.f32 v56, v60  }
0xa2: {  	v49 =	vmul.f32 v41, v34;
	[tilespmem:s25+$0x1BD70] =	vst v39;
	v30 =	vld [tilespmem:s25+$0x1BD60]  }
0xa3: {  	v54 =	vld [tilespmem:s25+$0x1BCF0];
	[tilespmem:s25+$0x1BD00] =	vst v19;
	v19 =	vmul.f32 v59, v60  }
0xa4: {  	[tilespmem:s25+$0x1BC70] =	vst v49;
	v52 =	vmul.f32 v44, v47;
	v33 =	vld [tilespmem:s25+$0x1BD80]  }
0xa5: {  	v38 =	vld [tilespmem:s25+$0x1BDB0];
	[tilespmem:s25+$0x1BD20] =	vst v19;
	v19 =	vmul.f32 v63, v60  }
0xa6: {  	v36 =	vld [tilespmem:s25+$0x1BDA0];
	[tilespmem:s25+$0x1BC90] =	vst v52;
	v55 =	vmul.f32 v48, v47  }
0xa7: {  	v41 =	vld [tilespmem:s25+$0x1BDD0];
	v37 =	vperm.xlane v18, v12;
	[tilespmem:s25+$0x1BD40] =	vst v19;
	v19 =	vmul.f32 v30, v60  }
0xa8: {  	[tilespmem:s25+$0x1BCB0] =	vst v55;
	v62 =	vmul.f32 v54, v47;
	v40 =	vld [tilespmem:s25+$0x1BDC0]  }
0xa9: {  	v44 =	vld [tilespmem:s25+$0x1BDF0];
	[tilespmem:s25+$0x1BD60] =	vst v19;
	v19 =	vmul.f32 v33, v37  }
0xaa: {  	[tilespmem:s25+$0x1BCF0] =	vst v62;
	v45 =	vmul.f32 v38, v37;
	v43 =	vld [tilespmem:s25+$0x1BDE0]  }
0xab: {  	v34 =	vld [tilespmem:s25+$0x1BD90];
	[tilespmem:s25+$0x1BD80] =	vst v19;
	v19 =	vmul.f32 v36, v37  }
0xac: {  	v48 =	vmul.f32 v41, v37;
	[tilespmem:s25+$0x1BDB0] =	vst v45;
	v46 =	vld [tilespmem:s25+$0x1BE00]  }
0xad: {  	v51 =	vld [tilespmem:s25+$0x1BE30];
	[tilespmem:s25+$0x1BDA0] =	vst v19;
	v19 =	vmul.f32 v40, v37  }
0xae: {  	v49 =	vld [tilespmem:s25+$0x1BE20];
	v52 =	vmul.f32 v44, v37;
	[tilespmem:s25+$0x1BDD0] =	vst v48  }
0xaf: {  	v54 =	vld [tilespmem:s25+$0x1BE50];
	v50 =	vperm.xlane v18, v13;
	[tilespmem:s25+$0x1BDC0] =	vst v19;
	v19 =	vmul.f32 v43, v37  }
0xb0: {  	[tilespmem:s25+$0x1BDF0] =	vst v52;
	v42 =	vmul.f32 v34, v37;
	v53 =	vld [tilespmem:s25+$0x1BE40]  }
0xb1: {  	v57 =	vld [tilespmem:s25+$0x1BE70];
	[tilespmem:s25+$0x1BDE0] =	vst v19;
	v19 =	vmul.f32 v46, v50  }
0xb2: {  	[tilespmem:s25+$0x1BD90] =	vst v42;
	v58 =	vmul.f32 v51, v50;
	v56 =	vld [tilespmem:s25+$0x1BE60]  }
0xb3: {  	v47 =	vld [tilespmem:s25+$0x1BE10];
	[tilespmem:s25+$0x1BE00] =	vst v19;
	v19 =	vmul.f32 v49, v50  }
0xb4: {  	v61 =	vmul.f32 v54, v50;
	[tilespmem:s25+$0x1BE30] =	vst v58;
	v59 =	vld [tilespmem:s25+$0x1BE80]  }
0xb5: {  	v39 =	vld [tilespmem:s25+$0x1BF10];
	[tilespmem:s25+$0x1BE20] =	vst v19;
	v19 =	vmul.f32 v53, v50  }
0xb6: {  	v62 =	vld [tilespmem:s25+$0x1BEA0];
	v31 =	vmul.f32 v57, v50;
	[tilespmem:s25+$0x1BE50] =	vst v61  }
0xb7: {  	v63 =	vperm.xlane v18, v14;
	v60 =	vld [tilespmem:s25+$0x1BE90];
	[tilespmem:s25+$0x1BE40] =	vst v19;
	v19 =	vmul.f32 v56, v50  }
0xb8: {  	v32 =	vld [tilespmem:s25+$0x1BEC0];
	v42 =	vperm.xlane v18, v15;
	[tilespmem:s25+$0x1BE70] =	vst v31;
	v55 =	vmul.f32 v47, v50  }
0xb9: {  	v33 =	vld [tilespmem:s25+$0x1BED0];
	[tilespmem:s25+$0x1BE60] =	vst v19;
	v19 =	vmul.f32 v59, v63  }
0xba: {  	v35 =	vld [tilespmem:s25+$0x1BEE0];
	v47 =	vmul.f32 v39, v42;
	[tilespmem:s25+$0x1BE10] =	vst v55  }
0xbb: {  	v30 =	vld [tilespmem:s25+$0x1BEB0];
	[tilespmem:s25+$0x1BE80] =	vst v19;
	v19 =	vmul.f32 v62, v63  }
0xbc: {  	v38 =	vld [tilespmem:s25+$0x1BF00];
	[tilespmem:s25+$0x1BF10] =	vst v47;
	v34 =	vmul.f32 v60, v63  }
0xbd: {  	v36 =	vld [tilespmem:s25+$0x1BEF0];
	[tilespmem:s25+$0x1BEA0] =	vst v19;
	v19 =	vmul.f32 v32, v63  }
0xbe: {  	v41 =	vld [tilespmem:s25+$0x1BF20];
	[tilespmem:s25+$0x1BE90] =	vst v34;
	v40 =	vmul.f32 v33, v63  }
0xbf: {  	v46 =	vld [tilespmem:s25+$0x1BF50];
	[tilespmem:s25+$0x1BEC0] =	vst v19;
	v19 =	vmul.f32 v35, v63  }
0xc0: {  	v45 =	vld [tilespmem:s25+$0x1BF40];
	v37 =	vmul.f32 v30, v63;
	[tilespmem:s25+$0x1BED0] =	vst v40  }
0xc1: {  	v43 =	vld [tilespmem:s25+$0x1BF30];
	[tilespmem:s25+$0x1BEE0] =	vst v19;
	v19 =	vmul.f32 v38, v42  }
0xc2: {  	v48 =	vld [tilespmem:s25+$0x1BF60];
	v44 =	vmul.f32 v36, v63;
	[tilespmem:s25+$0x1BEB0] =	vst v37  }
0xc3: {  	v49 =	vld [tilespmem:s25+$0x1BF70];
	[tilespmem:s25+$0x1BF00] =	vst v19;
	v19 =	vmul.f32 v41, v42  }
0xc4: {  	v51 =	vld [tilespmem:s25+$0x1BF80];
	[tilespmem:s25+$0x1BEF0] =	vst v44;
	v53 =	vmul.f32 v46, v42  }
0xc5: {  	v52 =	vld [tilespmem:s25+$0x1BF90];
	[tilespmem:s25+$0x1BF20] =	vst v19;
	v19 =	vmul.f32 v45, v42  }
0xc6: {  	v54 =	vld [tilespmem:s25+$0x1BFA0];
	v50 =	vmul.f32 v43, v42;
	[tilespmem:s25+$0x1BF50] =	vst v53  }
0xc7: {  	v18 =	vperm.xlane v18, v16;
	v55 =	vld [tilespmem:s25+$0x1BFB0];
	[tilespmem:s25+$0x1BF40] =	vst v19;
	v19 =	vmul.f32 v48, v42  }
0xc8: {  	v57 =	vld [tilespmem:s25+$0x1BFC0];
	v56 =	vmul.f32 v49, v42;
	[tilespmem:s25+$0x1BF30] =	vst v50  }
0xc9: {  	v58 =	vld [tilespmem:s25+$0x1BFD0];
	[tilespmem:s25+$0x1BF60] =	vst v19;
	v19 =	vmul.f32 v51, v18  }
0xca: {  	v60 =	vld [tilespmem:s25+$0x1BFE0];
	v59 =	vmul.f32 v52, v18;
	[tilespmem:s25+$0x1BF70] =	vst v56  }
0xcb: {  	v61 =	vld [tilespmem:s25+$0x1BFF0];
	[tilespmem:s25+$0x1BF80] =	vst v19;
	v19 =	vmul.f32 v54, v18  }
0xcc: {  	[tilespmem:s25+$0x1BF90] =	vst v59;
	v62 =	vmul.f32 v55, v18  }
0xcd: {  	p0 =	sne.s32 s24, $0x7;
	[tilespmem:s25+$0x1BFA0] =	vst v19;
	v19 =	vmul.f32 v57, v18  }
.Ltmp1:
0xce: {  	[tilespmem:s25+$0x1BFB0] =	vst v62;
	v63 =	vmul.f32 v58, v18;
	(pc) =	sbr.rel @p0 .LBB2_5-.Ltmp1, $4  }
0xcf: {  	[tilespmem:s25+$0x1BFC0] =	vst v19;
	v19 =	vmul.f32 v60, v18  }
0xd0: {  	[tilespmem:s25+$0x1BFD0] =	vst v63;
	v18 =	vmul.f32 v61, v18  }
0xd1: {  	[tilespmem:s25+$0x1BFE0] =	vst v19  }
0xd2: {  	s24 =	sadd.s32 $0x1, s24;
	[tilespmem:s25+$0x1BFF0] =	vst v18  }
0xd3: {  	s22 =	sadd.s32 $0x1, s22  }
0xd4: {  	p0 =	sne.s32 s22, $0x4F  }
.Ltmp2:
0xd5: {  	s23 =	sadd.s32 $0x16800, s23;
	(pc) =	sbr.rel @p0 .LBB2_4-.Ltmp2, $4  }
0xd6: {  	[spmem:s2] =	stream.indirect.scatter.add.f32 [tilespmem:s14], [sflag:$0x2], $0x80, s23, s19, $0xb8;
	[tilespmem:$0x1F800] =	vst v63  }
0xd7: {  	_ =	swait.ge [sflag:s15], $0x4000  }
0xd8: {  	[sflag:s15] =	ssyncset.done $0x0  }
0xd9: {  	[sflag:s15] =	ssyncadd.s32 $0xFFFFC000  }
0xda: {  	s3 =	sadd.s32 $0x1, s3  }
0xdb: {  	s22 =	sshll.u32 s1, $0x6;
	[bflag:$0x0] =	sbarrier.arrive $0xFFFF;
	p0 =	sne.s32 s3, s13  }
.Ltmp3:
0xdc: {  	s23 =	sshrl.u32 s4, $0x3;
	s22 =	sor.u32 $0x1C02, s22;
	(pc) =	sbr.rel @p0 .LBB2_1-.Ltmp3, $4  }
0xdd: {  	[hbm:s21], [sflag:s22] =	dma.local [spmem:s23], $0x2800  }
0xde: {  	_ =	swait.ge [sflag:s15], $0x2800  }
0xdf: {  	[sflag:s15] =	ssyncset.done $0x0  }
0xe0: {  	[sflag:s15] =	ssyncadd.s32 $0xFFFFD800  }
0xe1: {  	_ =	sfence.sel $0x180000  }
0xe2: {  	[bflag:$0x0] =	sbarrier.arrive $0xFFFF  }
0xe3: {  	p0 =	sne.s32 s1, $0x0;
	_ =	strace $0x90000047  }
0xe4: {  	s0 =	sadd.s32 @!p0 $0x100000, s0;
	[bflag:$0x2] =	sbarrier.arrive $0xFFFF  }
0xe5: {  	[sflag:s0] =	ssyncadd.tile.s32 @!p0 $0x1;
	_ =	shalt  }
.Lfunc_end2:
_tile_overlayer_lowered:
.L_overlay_start_2:
0xe6: {  	(tag) =	ssettag $0x2  }
0xe7: {  	s0 =	rddreg [dreg:$0x0];
	s2 =	stileid.u32  }
0xe8: {  	s1 =	rddreg [dreg:$0x1];
	p0 =	sne.s32 s2, $0x0  }
0xe9: {  	s3 =	rddreg [dreg:$0x2];
	[bflag:$0x3] =	sbarrier.arrive $0xFFFF;
	s2 =	simm.s32 @!p0 $0x1C02  }
0xea: {  	[timem:s3], [sflag:s2] =	dma.local @!p0 [hbm:s0], s1  }
0xeb: {  	s0 =	simm.s32 @!p0 $0x2  }
0xec: {  	_ =	swait.ge @!p0 [sflag:s0], s1  }
0xed: {  	s1 =	ssub.s32 @!p0 $0x0, s1;
	[sflag:s0] =	ssyncset.done @!p0 $0x0  }
0xee: {  	[sflag:s0] =	ssyncadd.s32 @!p0 s1  }
0xef: {  	[bflag:$0x3] =	sbarrier.arrive $0xFFFF  }
0xf0: {  	_ =	shalt  }

</sc_bundles>
